<compile_context>
chip_gen: v7x
topology: tpu7x:2x2x1
jax: 0.10.2.dev20260603
libtpu: 0.0.44.dev20260713+nightly
codegen_flags: <defaults>
</compile_context>

<pallas_src>
import functools

import numpy as np
import jax
import jax.numpy as jnp
from jax import lax
from jax.experimental import pallas as pl
from jax.experimental.pallas import tpu as pltpu
from jax.experimental.pallas import tpu_sc as plsc

F = 26
V = 100000
K = 16
B = 16384
D = 13

NC = 2
NS = 16
NW = NC * NS

ROWS = B * F
PLANE = B * 128 // K
HROWS = 2 * PLANE

FA = 16
FB = F - FA
CH = 1024
NJ = CH // 128

LCH = 1664
LNJ = LCH // 128
LNCH = 8
SPW = B // NW
SPC = LCH // F
LTAB = 784 * 128


def _xpose_body(qf_ref, out_ref):
    x = qf_ref[...]
    for t in range(x.shape[1] // 128):
        out_ref[0, pl.ds(128 * t, 128), :] = x[:, 128 * t:128 * (t + 1)].T


def _lin_body(l_ref, out_ref):
    x = l_ref[0, 0, :]
    out_ref[0, :781, :] = x[:781 * 128].reshape(781, 128)
    out_ref[0, 781, :32] = x[781 * 128:]


def _half_scatter_rows(f_lo: int, f_hi: int) -> np.ndarray:
    n = (f_hi - f_lo) * B
    r = np.arange(n, dtype=np.int64)
    f = r // B + f_lo
    b = r % B
    p = ((f // 8) % 2) * PLANE + b * 8 + (f % 8)
    return p.astype(np.int32).reshape(n // 128, 128)


_SIDX_A = _half_scatter_rows(0, FA)
_SIDX_B = _half_scatter_rows(FA, F)


def _fm_chunks(fidx_v, sidx_v, fm_tab, fm_v, fm_out, sem_f, sem_s, nch, nj):
    def chunk(c, carry):
        gcs = [pltpu.async_copy(fm_tab.at[fidx_v.at[c * nj + j]],
                                fm_v.at[pl.ds(j * 128, 128)], sem_f)
               for j in range(nj)]
        scs = []
        for j in range(nj):
            gcs[j].wait()
            scs.append(pltpu.async_copy(fm_v.at[pl.ds(j * 128, 128)],
                                        fm_out.at[sidx_v.at[c * nj + j]],
                                        sem_s))
        for cp in scs:
            cp.wait()
        return carry

    lax.fori_loop(0, nch, chunk, 0)


@functools.cache
def _make_sc_gather_a():
    rpw = FA * B // NW
    irows = rpw // 128
    lirows = ROWS // NW // 128
    cha = 2048

    @functools.partial(
        pl.kernel,
        mesh=plsc.VectorSubcoreMesh(core_axis_name="c", subcore_axis_name="s"),
        out_type=[
            jax.ShapeDtypeStruct((HROWS, K), jnp.float32),
            jax.ShapeDtypeStruct((B,), jnp.float32),
        ],
        scratch_types=[
            pltpu.VMEM((irows, 128), jnp.int32),
            pltpu.VMEM((irows, 128), jnp.int32),
            pltpu.VMEM((lirows, 128), jnp.int32),
            pltpu.VMEM((cha, K), jnp.float32),
            pltpu.VMEM((LCH,), jnp.float32),
            pltpu.VMEM((SPW,), jnp.float32),
            pltpu.SemaphoreType.DMA,
            pltpu.SemaphoreType.DMA,
            pltpu.SemaphoreType.DMA,
        ],
        compiler_params=pltpu.CompilerParams(use_tc_tiling_on_sc=False),
    )
    def _gather_a(fidx_hbm, sidx_hbm, lidx_hbm, fm_tab, lin_tab,
                  fm_out, lin_out, fidx_v, sidx_v, lidx_v, fm_v, lin_v,
                  ls_v, sem_f, sem_l, sem_s):
        wid = lax.axis_index("s") * NC + lax.axis_index("c")
        pltpu.sync_copy(fidx_hbm.at[pl.ds(wid * irows, irows)], fidx_v)
        pltpu.sync_copy(sidx_hbm.at[pl.ds(wid * irows, irows)], sidx_v)
        pltpu.sync_copy(lidx_hbm.at[pl.ds(wid * lirows, lirows)], lidx_v)
        _fm_chunks(fidx_v, sidx_v, fm_tab, fm_v, fm_out, sem_f, sem_s,
                   rpw // cha, cha // 128)

        def lin_chunk(c, carry):
            gcs = [pltpu.async_copy(lin_tab.at[lidx_v.at[c * LNJ + j]],
                                    lin_v.at[pl.ds(j * 128, 128)], sem_l)
                   for j in range(LNJ)]
            for cp in gcs:
                cp.wait()
            for g in range(SPC // 16):
                acc = jnp.zeros((16,), jnp.float32)
                for f in range(F):
                    acc = acc + lin_v[pl.ds(f * SPC + g * 16, 16)]
                ls_v[pl.ds(c * SPC + g * 16, 16)] = acc
            return carry

        lax.fori_loop(0, LNCH, lin_chunk, 0)
        pltpu.sync_copy(ls_v, lin_out.at[pl.ds(wid * SPW, SPW)])

    return _gather_a


@functools.cache
def _make_sc_gather_b():
    rpw = FB * B // NW
    irows = rpw // 128
    lirows = ROWS // NW // 128

    @functools.partial(
        pl.kernel,
        mesh=plsc.VectorSubcoreMesh(core_axis_name="c", subcore_axis_name="s"),
        out_type=jax.ShapeDtypeStruct((HROWS, K), jnp.float32),
        scratch_types=[
            pltpu.VMEM((irows, 128), jnp.int32),
            pltpu.VMEM((irows, 128), jnp.int32),
            pltpu.VMEM((CH, K), jnp.float32),
            pltpu.SemaphoreType.DMA,
            pltpu.SemaphoreType.DMA,
        ],
        compiler_params=pltpu.CompilerParams(use_tc_tiling_on_sc=False),
    )
    def _gather_b(fidx_hbm, sidx_hbm, fm_tab, fm_out,
                  fidx_v, sidx_v, fm_v, sem_f, sem_s):
        wid = lax.axis_index("s") * NC + lax.axis_index("c")
        pltpu.sync_copy(fidx_hbm.at[pl.ds(wid * irows, irows)], fidx_v)
        pltpu.sync_copy(sidx_hbm.at[pl.ds(wid * irows, irows)], sidx_v)
        _fm_chunks(fidx_v, sidx_v, fm_tab, fm_v, fm_out, sem_f, sem_s,
                   rpw // CH, NJ)

    return _gather_b


def _tc_body(fa_ref, fb_ref, xdt_ref, lin_ref, w0a_ref, w0b_ref, b0_ref,
             w1_ref, b1_ref, wo_ref, wd_ref, bd_ref, s_ref, out_ref):
    ya = fa_ref[...]
    yb = fb_ref[...]
    xdt = xdt_ref[...]
    w0a = w0a_ref[...]
    s_mat = s_ref[...]
    lane = lax.broadcasted_iota(jnp.int32, ya.shape[1:], 1)
    dn = (((0,), (0,)), ((), ()))
    h0 = lax.dot_general(xdt, w0b_ref[...], dimension_numbers=dn,
                         preferred_element_type=jnp.float32)
    sums = jnp.zeros((ya.shape[1], K), jnp.float32)
    sos = jnp.zeros((ya.shape[1], K), jnp.float32)
    planes = [ya[0], ya[1], yb[0], jnp.where(lane < 32, yb[1], 0.0)]
    for ct in range(4):
        x_ct = planes[ct]
        w_ct = w0a[128 * ct:128 * (ct + 1), :]
        s_ct = s_mat[128 * ct:128 * (ct + 1), :]
        h0 = h0 + jnp.dot(x_ct, w_ct, preferred_element_type=jnp.float32)
        sums = sums + jnp.dot(x_ct, s_ct, preferred_element_type=jnp.float32)
        sos = sos + jnp.dot(x_ct * x_ct, s_ct,
                            preferred_element_type=jnp.float32)
    h0 = jnp.maximum(h0 + b0_ref[...], 0.0)
    h1 = jnp.dot(h0, w1_ref[...], preferred_element_type=jnp.float32)
    h1 = jnp.maximum(h1 + b1_ref[...], 0.0)
    dnn = jnp.sum(h1 * wo_ref[...], axis=1, keepdims=True)
    cross = 0.5 * jnp.sum(sums * sums - sos, axis=1, keepdims=True)
    lind = lax.dot_general(xdt, wd_ref[...], dimension_numbers=dn,
                           preferred_element_type=jnp.float32)
    logit = lin_ref[...] + lind + cross + dnn + bd_ref[0, 0]
    out_ref[...] = jax.nn.sigmoid(logit)


def kernel(X_sparse, X_dense, lin_emb, fm_emb, W_dense, b_dense,
           W0, b0, W1, b1, W_out):
    xs = X_sparse.astype(jnp.int32)
    f_arange = np.arange(F, dtype=np.int32)
    qoff = jnp.asarray(((f_arange // 8) % 2) * (8 * V) + (f_arange % 8))
    flat_idx = (xs.T * 8 + qoff[:, None]).reshape(ROWS // 128, 128)
    fidx_a = flat_idx[:FA * B // 128]
    fidx_b = flat_idx[FA * B // 128:]
    loffs = jnp.arange(F, dtype=jnp.int32) * LTAB
    lin_idx = (xs.reshape(NW, LNCH, SPC, F).transpose(0, 1, 3, 2)
               + loffs[None, None, :, None]).reshape(ROWS // 128, 128)

    qf = fm_emb.transpose(0, 2, 1).reshape(F * K, V)
    xp = functools.partial(
        pl.pallas_call, _xpose_body,
        out_shape=jax.ShapeDtypeStruct((2, V, 128), jnp.float32))
    tab_a = xp(grid=(2, 13),
               in_specs=[pl.BlockSpec((128, 8192), lambda q, c: (q, c))],
               out_specs=pl.BlockSpec((1, 8192, 128), lambda q, c: (q, c, 0)),
               )(qf).reshape(2 * V * 8, K)
    tab_b = xp(grid=(2, 13),
               in_specs=[pl.BlockSpec((128, 8192), lambda q, c: (q + 2, c))],
               out_specs=pl.BlockSpec((1, 8192, 128), lambda q, c: (q, c, 0)),
               )(qf).reshape(2 * V * 8, K)
    l3 = lin_emb.transpose(0, 2, 1)
    lin_tab = pl.pallas_call(
        _lin_body,
        grid=(F,),
        in_specs=[pl.BlockSpec((1, 1, V), lambda f: (f, 0, 0))],
        out_specs=pl.BlockSpec((1, 784, 128), lambda f: (f, 0, 0)),
        out_shape=jax.ShapeDtypeStruct((F, 784, 128), jnp.float32),
    )(l3).reshape(F * LTAB)

    planes_a, lin_sum = _make_sc_gather_a()(
        fidx_a, jnp.asarray(_SIDX_A), lin_idx, tab_a, lin_tab)
    planes_b = _make_sc_gather_b()(fidx_b, jnp.asarray(_SIDX_B), tab_b)

    w0a = jnp.pad(W0[:, :F * K].T, ((0, 96), (0, 0)))
    w0b = W0[:, F * K:].T
    w1 = W1.T
    s_mat = jnp.asarray(np.vstack([
        np.tile(np.eye(K, dtype=np.float32), (F, 1)),
        np.zeros((96, K), np.float32)]))

    bB = 2048
    nb = B // bB
    out = pl.pallas_call(
        _tc_body,
        grid=(nb,),
        in_specs=[
            pl.BlockSpec((2, bB, 128), lambda i: (0, i, 0)),
            pl.BlockSpec((2, bB, 128), lambda i: (0, i, 0)),
            pl.BlockSpec((D, bB), lambda i: (0, i)),
            pl.BlockSpec((bB, 1), lambda i: (i, 0)),
            pl.BlockSpec((512, 256), lambda i: (0, 0)),
            pl.BlockSpec((D, 256), lambda i: (0, 0)),
            pl.BlockSpec((1, 256), lambda i: (0, 0)),
            pl.BlockSpec((256, 128), lambda i: (0, 0)),
            pl.BlockSpec((1, 128), lambda i: (0, 0)),
            pl.BlockSpec((1, 128), lambda i: (0, 0)),
            pl.BlockSpec((D, 1), lambda i: (0, 0)),
            pl.BlockSpec((1, 1), lambda i: (0, 0)),
            pl.BlockSpec((512, K), lambda i: (0, 0)),
        ],
        out_specs=pl.BlockSpec((bB, 1), lambda i: (i, 0)),
        out_shape=jax.ShapeDtypeStruct((B, 1), jnp.float32),
    )(planes_a.reshape(2, B, 128), planes_b.reshape(2, B, 128), X_dense.T,
      lin_sum.reshape(B, 1), w0a, w0b, b0.reshape(1, 256), w1,
      b1.reshape(1, 128), W_out, W_dense.T, b_dense.reshape(1, 1), s_mat)
    return out.reshape(B)

# --- scband reference (transcript-rebuilt; emitter-appended) ---
"""Pipeline reference for scband-deep-fm-67534065762719 (READ-ONLY COPY).

The authoritative reference and input builder live on the scoring server;
editing this copy changes nothing except your own understanding.
"""

import jax, jax.numpy as jnp
import numpy as np

F = 26
V = 100000
K = 16
B = 16384
D = 13
H0, H1 = 256, 128

def setup_inputs(seed: int = 0) -> dict:
    key = jax.random.key(seed)
    ks = jax.random.split(key, 10)
    X_sparse = jax.random.randint(ks[0], (B, F), 0, V)
    X_dense = jax.random.normal(ks[1], (B, D), dtype=jnp.float32)
    # stacked embedding tables (all fields share vocab size, so stack on axis 0)
    lin_emb = jax.random.normal(ks[2], (F, V, 1), dtype=jnp.float32) * 0.01
    fm_emb = jax.random.normal(ks[3], (F, V, K), dtype=jnp.float32) * 0.01
    W_dense = jax.random.normal(ks[4], (1, D), dtype=jnp.float32) * 0.01
    b_dense = jnp.zeros((1,), dtype=jnp.float32)
    din = F * K + D
    W0 = jax.random.normal(ks[5], (H0, din), dtype=jnp.float32) * 1e-4
    b0 = jnp.zeros((H0,), dtype=jnp.float32)
    W1 = jax.random.normal(ks[6], (H1, H0), dtype=jnp.float32) * 1e-4
    b1 = jnp.zeros((H1,), dtype=jnp.float32)
    W_out = jax.random.normal(ks[7], (1, H1), dtype=jnp.float32) * 1e-4
    return {"X_sparse": X_sparse, "X_dense": X_dense, "lin_emb": lin_emb,
            "fm_emb": fm_emb, "W_dense": W_dense, "b_dense": b_dense,
            "W0": W0, "b0": b0, "W1": W1, "b1": b1, "W_out": W_out}

def reference(X_sparse, X_dense, lin_emb, fm_emb, W_dense, b_dense, W0, b0, W1, b1, W_out):
    fidx = jnp.arange(F)[None, :]  # [1, F]
    # FM first-order: per-field 1-d embedding gather -> [B, F, 1]
    lin = lin_emb[fidx, X_sparse]
    linear_sparse = jnp.sum(lin, axis=1)  # [B, 1]
    linear_dense = X_dense @ W_dense.T + b_dense  # [B, 1]
    linear_part = linear_sparse + linear_dense
    # FM second-order: per-field K-d embedding gather -> [B, F, K]
    fm = fm_emb[fidx, X_sparse]
    square_of_sum = jnp.sum(fm, axis=1) ** 2  # [B, K]
    sum_of_square = jnp.sum(fm ** 2, axis=1)  # [B, K]
    cross_term = 0.5 * jnp.sum(square_of_sum - sum_of_square, axis=1, keepdims=True)  # [B, 1]
    fm_logit = linear_part + cross_term
    # DNN (dropout=0.0 -> identity)
    x = jnp.concatenate([fm.reshape(fm.shape[0], -1), X_dense], axis=1)
    x = jax.nn.relu(x @ W0.T + b0)
    x = jax.nn.relu(x @ W1.T + b1)
    dnn_logit = x @ W_out.T  # [B, 1]
    out = jax.nn.sigmoid(fm_logit + dnn_logit)
    return out.squeeze(1)

if __name__ == "__main__":
    import jax
    _d = setup_inputs()
    print(jax.jit(kernel)(*tuple(_d.values())))

</pallas_src>

<mosaic_0001>
#map = affine_map<(d0, d1) -> (0, 0)>
module attributes {stable_mosaic.version = 14 : i64} {
  func.func @_gather_b(%arg0: i32, %arg1: i32, %arg2: memref<1280x128xi32, #tpu.memory_space<hbm>>, %arg3: memref<1280x128xi32, #tpu.memory_space<hbm>>, %arg4: memref<1600000x16xf32, #tpu.memory_space<hbm>>, %arg5: memref<262144x16xf32, #tpu.memory_space<hbm>>, %arg6: memref<40x128xi32, #tpu.memory_space<vmem>>, %arg7: memref<40x128xi32, #tpu.memory_space<vmem>>, %arg8: memref<1024x16xf32, #tpu.memory_space<vmem>>, %arg9: memref<!tpu.dma_semaphore, #tpu.memory_space<semaphore_mem>>, %arg10: memref<!tpu.dma_semaphore, #tpu.memory_space<semaphore_mem>>) attributes {dimension_semantics = [#tpu.dimension_semantics<core_parallel>, #tpu.dimension_semantics<subcore_parallel>], iteration_bounds = array<i64: 2, 16>, scalar_prefetch = 0 : i64, scratch_operands = 5 : i64, tpu.core_type = #tpu.core_type<sc_vector_subcore>, window_params = [{transform_indices = #map}, {transform_indices = #map}, {transform_indices = #map}, {transform_indices = #map}]} {
    %mul3A = arith.constant 2 : i32
    %mul3A_0 = arith.muli %arg1, %mul3A : i32
    %add3A = arith.addi %mul3A_0, %arg0 : i32
    %mul3A_1 = arith.constant 40 : i32
    %mul3A_2 = arith.muli %add3A, %mul3A_1 : i32
    "tpu.region"() ({
      %run_scoped3A = tpu.sem_alloc : memref<!tpu.dma_semaphore, #tpu.memory_space<semaphore_mem>>
      %dma_start3A = arith.constant 0 : i32
      %dma_start3A_10 = tpu.memref_slice %arg2[%mul3A_2, %dma_start3A] : memref<1280x128xi32, #tpu.memory_space<hbm>> -> memref<40x128xi32, #tpu.memory_space<hbm>>
      %dma_start3A_11 = arith.constant 0 : i32
      %dma_start3A_12 = tpu.memref_slice %arg2[%mul3A_2, %dma_start3A_11] : memref<1280x128xi32, #tpu.memory_space<hbm>> -> memref<40x128xi32, #tpu.memory_space<hbm>>
      tpu.enqueue_dma source(%dma_start3A_12 : memref<40x128xi32, #tpu.memory_space<hbm>>) target(%arg6 : memref<40x128xi32, #tpu.memory_space<vmem>>) target_semaphore(%run_scoped3A : memref<!tpu.dma_semaphore, #tpu.memory_space<semaphore_mem>>)
      %dma_wait3A = arith.constant 0 : i32
      %dma_wait3A_13 = tpu.memref_slice %arg2[%mul3A_2, %dma_wait3A] : memref<1280x128xi32, #tpu.memory_space<hbm>> -> memref<40x128xi32, #tpu.memory_space<hbm>>
      %dma_wait3A_14 = arith.constant 0 : i32
      %dma_wait3A_15 = tpu.memref_slice %arg2[%mul3A_2, %dma_wait3A_14] : memref<1280x128xi32, #tpu.memory_space<hbm>> -> memref<40x128xi32, #tpu.memory_space<hbm>>
      tpu.wait_dma2 semaphore(%run_scoped3A : memref<!tpu.dma_semaphore, #tpu.memory_space<semaphore_mem>>) src(%dma_wait3A_15 : memref<40x128xi32, #tpu.memory_space<hbm>>) dst(%arg6 : memref<40x128xi32, #tpu.memory_space<vmem>>)
      tpu.yield
    }) : () -> ()
    %mul3A_3 = arith.constant 40 : i32
    %mul3A_4 = arith.muli %add3A, %mul3A_3 : i32
    "tpu.region"() ({
      %run_scoped3A = tpu.sem_alloc : memref<!tpu.dma_semaphore, #tpu.memory_space<semaphore_mem>>
      %dma_start3A = arith.constant 0 : i32
      %dma_start3A_10 = tpu.memref_slice %arg3[%mul3A_4, %dma_start3A] : memref<1280x128xi32, #tpu.memory_space<hbm>> -> memref<40x128xi32, #tpu.memory_space<hbm>>
      %dma_start3A_11 = arith.constant 0 : i32
      %dma_start3A_12 = tpu.memref_slice %arg3[%mul3A_4, %dma_start3A_11] : memref<1280x128xi32, #tpu.memory_space<hbm>> -> memref<40x128xi32, #tpu.memory_space<hbm>>
      tpu.enqueue_dma source(%dma_start3A_12 : memref<40x128xi32, #tpu.memory_space<hbm>>) target(%arg7 : memref<40x128xi32, #tpu.memory_space<vmem>>) target_semaphore(%run_scoped3A : memref<!tpu.dma_semaphore, #tpu.memory_space<semaphore_mem>>)
      %dma_wait3A = arith.constant 0 : i32
      %dma_wait3A_13 = tpu.memref_slice %arg3[%mul3A_4, %dma_wait3A] : memref<1280x128xi32, #tpu.memory_space<hbm>> -> memref<40x128xi32, #tpu.memory_space<hbm>>
      %dma_wait3A_14 = arith.constant 0 : i32
      %dma_wait3A_15 = tpu.memref_slice %arg3[%mul3A_4, %dma_wait3A_14] : memref<1280x128xi32, #tpu.memory_space<hbm>> -> memref<40x128xi32, #tpu.memory_space<hbm>>
      tpu.wait_dma2 semaphore(%run_scoped3A : memref<!tpu.dma_semaphore, #tpu.memory_space<semaphore_mem>>) src(%dma_wait3A_15 : memref<40x128xi32, #tpu.memory_space<hbm>>) dst(%arg7 : memref<40x128xi32, #tpu.memory_space<vmem>>)
      tpu.yield
    }) : () -> ()
    %scan3A = arith.constant 0 : i32
    %scan3A_5 = arith.constant 0 : i32
    %scan3A_6 = arith.constant 5 : i32
    %scan3A_7 = arith.addi %scan3A_5, %scan3A_6 : i32
    %scan3A_8 = arith.constant 1 : i32
    scf.for %scan3A_10 = %scan3A_5 to %scan3A_7 step %scan3A_8  : i32 {
      %mul3A_11 = arith.constant 8 : i32
      %mul3A_12 = arith.muli %scan3A_10, %mul3A_11 : i32
      %add3A_13 = arith.constant 0 : i32
      %add3A_14 = arith.addi %mul3A_12, %add3A_13 : i32
      %dma_start3A = arith.constant 0 : i32
      %dma_start3A_15 = arith.constant 0 : i32
      %dma_start3A_16 = tpu.memref_slice %arg8[%dma_start3A, %dma_start3A_15] : memref<1024x16xf32, #tpu.memory_space<vmem>> -> memref<128x16xf32, #tpu.memory_space<vmem>>
      %dma_start3A_17 = arith.constant 0 : i32
      %dma_start3A_18 = tpu.memref_slice %arg6[%add3A_14, %dma_start3A_17] : memref<40x128xi32, #tpu.memory_space<vmem>> -> memref<1x128xi32, #tpu.memory_space<vmem>>
      %dma_start3A_19 = tpu.memref_squeeze %dma_start3A_18 : memref<1x128xi32, #tpu.memory_space<vmem>> -> memref<128xi32, #tpu.memory_space<vmem>>
      %dma_start3A_20 = arith.constant 0 : i32
      %dma_start3A_21 = arith.constant 0 : i32
      %dma_start3A_22 = tpu.memref_slice %arg4[%dma_start3A_20, %dma_start3A_21] : memref<1600000x16xf32, #tpu.memory_space<hbm>> -> memref<1600000x16xf32, #tpu.memory_space<hbm>>
      tpu.enqueue_indirect_dma source(%dma_start3A_22 : memref<1600000x16xf32, #tpu.memory_space<hbm>>) target(%dma_start3A_16 : memref<128x16xf32, #tpu.memory_space<vmem>>) offsets(%dma_start3A_19 : memref<128xi32, #tpu.memory_space<vmem>>) semaphore(%arg9 : memref<!tpu.dma_semaphore, #tpu.memory_space<semaphore_mem>>)
      %mul3A_23 = arith.constant 8 : i32
      %mul3A_24 = arith.muli %scan3A_10, %mul3A_23 : i32
      %add3A_25 = arith.constant 1 : i32
      %add3A_26 = arith.addi %mul3A_24, %add3A_25 : i32
      %dma_start3A_27 = arith.constant 128 : i32
      %dma_start3A_28 = arith.constant 0 : i32
      %dma_start3A_29 = tpu.memref_slice %arg8[%dma_start3A_27, %dma_start3A_28] : memref<1024x16xf32, #tpu.memory_space<vmem>> -> memref<128x16xf32, #tpu.memory_space<vmem>>
      %dma_start3A_30 = arith.constant 0 : i32
      %dma_start3A_31 = tpu.memref_slice %arg6[%add3A_26, %dma_start3A_30] : memref<40x128xi32, #tpu.memory_space<vmem>> -> memref<1x128xi32, #tpu.memory_space<vmem>>
      %dma_start3A_32 = tpu.memref_squeeze %dma_start3A_31 : memref<1x128xi32, #tpu.memory_space<vmem>> -> memref<128xi32, #tpu.memory_space<vmem>>
      %dma_start3A_33 = arith.constant 0 : i32
      %dma_start3A_34 = arith.constant 0 : i32
      %dma_start3A_35 = tpu.memref_slice %arg4[%dma_start3A_33, %dma_start3A_34] : memref<1600000x16xf32, #tpu.memory_space<hbm>> -> memref<1600000x16xf32, #tpu.memory_space<hbm>>
      tpu.enqueue_indirect_dma source(%dma_start3A_35 : memref<1600000x16xf32, #tpu.memory_space<hbm>>) target(%dma_start3A_29 : memref<128x16xf32, #tpu.memory_space<vmem>>) offsets(%dma_start3A_32 : memref<128xi32, #tpu.memory_space<vmem>>) semaphore(%arg9 : memref<!tpu.dma_semaphore, #tpu.memory_space<semaphore_mem>>)
      %mul3A_36 = arith.constant 8 : i32
      %mul3A_37 = arith.muli %scan3A_10, %mul3A_36 : i32
      %add3A_38 = arith.constant 2 : i32
      %add3A_39 = arith.addi %mul3A_37, %add3A_38 : i32
      %dma_start3A_40 = arith.constant 256 : i32
      %dma_start3A_41 = arith.constant 0 : i32
      %dma_start3A_42 = tpu.memref_slice %arg8[%dma_start3A_40, %dma_start3A_41] : memref<1024x16xf32, #tpu.memory_space<vmem>> -> memref<128x16xf32, #tpu.memory_space<vmem>>
      %dma_start3A_43 = arith.constant 0 : i32
      %dma_start3A_44 = tpu.memref_slice %arg6[%add3A_39, %dma_start3A_43] : memref<40x128xi32, #tpu.memory_space<vmem>> -> memref<1x128xi32, #tpu.memory_space<vmem>>
      %dma_start3A_45 = tpu.memref_squeeze %dma_start3A_44 : memref<1x128xi32, #tpu.memory_space<vmem>> -> memref<128xi32, #tpu.memory_space<vmem>>
      %dma_start3A_46 = arith.constant 0 : i32
      %dma_start3A_47 = arith.constant 0 : i32
      %dma_start3A_48 = tpu.memref_slice %arg4[%dma_start3A_46, %dma_start3A_47] : memref<1600000x16xf32, #tpu.memory_space<hbm>> -> memref<1600000x16xf32, #tpu.memory_space<hbm>>
      tpu.enqueue_indirect_dma source(%dma_start3A_48 : memref<1600000x16xf32, #tpu.memory_space<hbm>>) target(%dma_start3A_42 : memref<128x16xf32, #tpu.memory_space<vmem>>) offsets(%dma_start3A_45 : memref<128xi32, #tpu.memory_space<vmem>>) semaphore(%arg9 : memref<!tpu.dma_semaphore, #tpu.memory_space<semaphore_mem>>)
      %mul3A_49 = arith.constant 8 : i32
      %mul3A_50 = arith.muli %scan3A_10, %mul3A_49 : i32
      %add3A_51 = arith.constant 3 : i32
      %add3A_52 = arith.addi %mul3A_50, %add3A_51 : i32
      %dma_start3A_53 = arith.constant 384 : i32
      %dma_start3A_54 = arith.constant 0 : i32
      %dma_start3A_55 = tpu.memref_slice %arg8[%dma_start3A_53, %dma_start3A_54] : memref<1024x16xf32, #tpu.memory_space<vmem>> -> memref<128x16xf32, #tpu.memory_space<vmem>>
      %dma_start3A_56 = arith.constant 0 : i32
      %dma_start3A_57 = tpu.memref_slice %arg6[%add3A_52, %dma_start3A_56] : memref<40x128xi32, #tpu.memory_space<vmem>> -> memref<1x128xi32, #tpu.memory_space<vmem>>
      %dma_start3A_58 = tpu.memref_squeeze %dma_start3A_57 : memref<1x128xi32, #tpu.memory_space<vmem>> -> memref<128xi32, #tpu.memory_space<vmem>>
      %dma_start3A_59 = arith.constant 0 : i32
      %dma_start3A_60 = arith.constant 0 : i32
      %dma_start3A_61 = tpu.memref_slice %arg4[%dma_start3A_59, %dma_start3A_60] : memref<1600000x16xf32, #tpu.memory_space<hbm>> -> memref<1600000x16xf32, #tpu.memory_space<hbm>>
      tpu.enqueue_indirect_dma source(%dma_start3A_61 : memref<1600000x16xf32, #tpu.memory_space<hbm>>) target(%dma_start3A_55 : memref<128x16xf32, #tpu.memory_space<vmem>>) offsets(%dma_start3A_58 : memref<128xi32, #tpu.memory_space<vmem>>) semaphore(%arg9 : memref<!tpu.dma_semaphore, #tpu.memory_space<semaphore_mem>>)
      %mul3A_62 = arith.constant 8 : i32
      %mul3A_63 = arith.muli %scan3A_10, %mul3A_62 : i32
      %add3A_64 = arith.constant 4 : i32
      %add3A_65 = arith.addi %mul3A_63, %add3A_64 : i32
      %dma_start3A_66 = arith.constant 512 : i32
      %dma_start3A_67 = arith.constant 0 : i32
      %dma_start3A_68 = tpu.memref_slice %arg8[%dma_start3A_66, %dma_start3A_67] : memref<1024x16xf32, #tpu.memory_space<vmem>> -> memref<128x16xf32, #tpu.memory_space<vmem>>
      %dma_start3A_69 = arith.constant 0 : i32
      %dma_start3A_70 = tpu.memref_slice %arg6[%add3A_65, %dma_start3A_69] : memref<40x128xi32, #tpu.memory_space<vmem>> -> memref<1x128xi32, #tpu.memory_space<vmem>>
      %dma_start3A_71 = tpu.memref_squeeze %dma_start3A_70 : memref<1x128xi32, #tpu.memory_space<vmem>> -> memref<128xi32, #tpu.memory_space<vmem>>
      %dma_start3A_72 = arith.constant 0 : i32
      %dma_start3A_73 = arith.constant 0 : i32
      %dma_start3A_74 = tpu.memref_slice %arg4[%dma_start3A_72, %dma_start3A_73] : memref<1600000x16xf32, #tpu.memory_space<hbm>> -> memref<1600000x16xf32, #tpu.memory_space<hbm>>
      tpu.enqueue_indirect_dma source(%dma_start3A_74 : memref<1600000x16xf32, #tpu.memory_space<hbm>>) target(%dma_start3A_68 : memref<128x16xf32, #tpu.memory_space<vmem>>) offsets(%dma_start3A_71 : memref<128xi32, #tpu.memory_space<vmem>>) semaphore(%arg9 : memref<!tpu.dma_semaphore, #tpu.memory_space<semaphore_mem>>)
      %mul3A_75 = arith.constant 8 : i32
      %mul3A_76 = arith.muli %scan3A_10, %mul3A_75 : i32
      %add3A_77 = arith.constant 5 : i32
      %add3A_78 = arith.addi %mul3A_76, %add3A_77 : i32
      %dma_start3A_79 = arith.constant 640 : i32
      %dma_start3A_80 = arith.constant 0 : i32
      %dma_start3A_81 = tpu.memref_slice %arg8[%dma_start3A_79, %dma_start3A_80] : memref<1024x16xf32, #tpu.memory_space<vmem>> -> memref<128x16xf32, #tpu.memory_space<vmem>>
      %dma_start3A_82 = arith.constant 0 : i32
      %dma_start3A_83 = tpu.memref_slice %arg6[%add3A_78, %dma_start3A_82] : memref<40x128xi32, #tpu.memory_space<vmem>> -> memref<1x128xi32, #tpu.memory_space<vmem>>
      %dma_start3A_84 = tpu.memref_squeeze %dma_start3A_83 : memref<1x128xi32, #tpu.memory_space<vmem>> -> memref<128xi32, #tpu.memory_space<vmem>>
      %dma_start3A_85 = arith.constant 0 : i32
      %dma_start3A_86 = arith.constant 0 : i32
      %dma_start3A_87 = tpu.memref_slice %arg4[%dma_start3A_85, %dma_start3A_86] : memref<1600000x16xf32, #tpu.memory_space<hbm>> -> memref<1600000x16xf32, #tpu.memory_space<hbm>>
      tpu.enqueue_indirect_dma source(%dma_start3A_87 : memref<1600000x16xf32, #tpu.memory_space<hbm>>) target(%dma_start3A_81 : memref<128x16xf32, #tpu.memory_space<vmem>>) offsets(%dma_start3A_84 : memref<128xi32, #tpu.memory_space<vmem>>) semaphore(%arg9 : memref<!tpu.dma_semaphore, #tpu.memory_space<semaphore_mem>>)
      %mul3A_88 = arith.constant 8 : i32
      %mul3A_89 = arith.muli %scan3A_10, %mul3A_88 : i32
      %add3A_90 = arith.constant 6 : i32
      %add3A_91 = arith.addi %mul3A_89, %add3A_90 : i32
      %dma_start3A_92 = arith.constant 768 : i32
      %dma_start3A_93 = arith.constant 0 : i32
      %dma_start3A_94 = tpu.memref_slice %arg8[%dma_start3A_92, %dma_start3A_93] : memref<1024x16xf32, #tpu.memory_space<vmem>> -> memref<128x16xf32, #tpu.memory_space<vmem>>
      %dma_start3A_95 = arith.constant 0 : i32
      %dma_start3A_96 = tpu.memref_slice %arg6[%add3A_91, %dma_start3A_95] : memref<40x128xi32, #tpu.memory_space<vmem>> -> memref<1x128xi32, #tpu.memory_space<vmem>>
      %dma_start3A_97 = tpu.memref_squeeze %dma_start3A_96 : memref<1x128xi32, #tpu.memory_space<vmem>> -> memref<128xi32, #tpu.memory_space<vmem>>
      %dma_start3A_98 = arith.constant 0 : i32
      %dma_start3A_99 = arith.constant 0 : i32
      %dma_start3A_100 = tpu.memref_slice %arg4[%dma_start3A_98, %dma_start3A_99] : memref<1600000x16xf32, #tpu.memory_space<hbm>> -> memref<1600000x16xf32, #tpu.memory_space<hbm>>
      tpu.enqueue_indirect_dma source(%dma_start3A_100 : memref<1600000x16xf32, #tpu.memory_space<hbm>>) target(%dma_start3A_94 : memref<128x16xf32, #tpu.memory_space<vmem>>) offsets(%dma_start3A_97 : memref<128xi32, #tpu.memory_space<vmem>>) semaphore(%arg9 : memref<!tpu.dma_semaphore, #tpu.memory_space<semaphore_mem>>)
      %mul3A_101 = arith.constant 8 : i32
      %mul3A_102 = arith.muli %scan3A_10, %mul3A_101 : i32
      %add3A_103 = arith.constant 7 : i32
      %add3A_104 = arith.addi %mul3A_102, %add3A_103 : i32
      %dma_start3A_105 = arith.constant 896 : i32
      %dma_start3A_106 = arith.constant 0 : i32
      %dma_start3A_107 = tpu.memref_slice %arg8[%dma_start3A_105, %dma_start3A_106] : memref<1024x16xf32, #tpu.memory_space<vmem>> -> memref<128x16xf32, #tpu.memory_space<vmem>>
      %dma_start3A_108 = arith.constant 0 : i32
      %dma_start3A_109 = tpu.memref_slice %arg6[%add3A_104, %dma_start3A_108] : memref<40x128xi32, #tpu.memory_space<vmem>> -> memref<1x128xi32, #tpu.memory_space<vmem>>
      %dma_start3A_110 = tpu.memref_squeeze %dma_start3A_109 : memref<1x128xi32, #tpu.memory_space<vmem>> -> memref<128xi32, #tpu.memory_space<vmem>>
      %dma_start3A_111 = arith.constant 0 : i32
      %dma_start3A_112 = arith.constant 0 : i32
      %dma_start3A_113 = tpu.memref_slice %arg4[%dma_start3A_111, %dma_start3A_112] : memref<1600000x16xf32, #tpu.memory_space<hbm>> -> memref<1600000x16xf32, #tpu.memory_space<hbm>>
      tpu.enqueue_indirect_dma source(%dma_start3A_113 : memref<1600000x16xf32, #tpu.memory_space<hbm>>) target(%dma_start3A_107 : memref<128x16xf32, #tpu.memory_space<vmem>>) offsets(%dma_start3A_110 : memref<128xi32, #tpu.memory_space<vmem>>) semaphore(%arg9 : memref<!tpu.dma_semaphore, #tpu.memory_space<semaphore_mem>>)
      %dma_wait3A = arith.constant 0 : i32
      %dma_wait3A_114 = arith.constant 0 : i32
      %dma_wait3A_115 = tpu.memref_slice %arg8[%dma_wait3A, %dma_wait3A_114] : memref<1024x16xf32, #tpu.memory_space<vmem>> -> memref<128x16xf32, #tpu.memory_space<vmem>>
      %dma_wait3A_116 = arith.constant 0 : i32
      %dma_wait3A_117 = tpu.memref_slice %arg6[%add3A_14, %dma_wait3A_116] : memref<40x128xi32, #tpu.memory_space<vmem>> -> memref<1x128xi32, #tpu.memory_space<vmem>>
      %dma_wait3A_118 = tpu.memref_squeeze %dma_wait3A_117 : memref<1x128xi32, #tpu.memory_space<vmem>> -> memref<128xi32, #tpu.memory_space<vmem>>
      %dma_wait3A_119 = arith.constant 0 : i32
      %dma_wait3A_120 = arith.constant 0 : i32
      %dma_wait3A_121 = tpu.memref_slice %arg4[%dma_wait3A_119, %dma_wait3A_120] : memref<1600000x16xf32, #tpu.memory_space<hbm>> -> memref<1600000x16xf32, #tpu.memory_space<hbm>>
      tpu.wait_indirect_dma semaphore(%arg9 : memref<!tpu.dma_semaphore, #tpu.memory_space<semaphore_mem>>) src(%dma_wait3A_121 : memref<1600000x16xf32, #tpu.memory_space<hbm>>) dst(%dma_wait3A_115 : memref<128x16xf32, #tpu.memory_space<vmem>>)
      %mul3A_122 = arith.constant 8 : i32
      %mul3A_123 = arith.muli %scan3A_10, %mul3A_122 : i32
      %add3A_124 = arith.constant 0 : i32
      %add3A_125 = arith.addi %mul3A_123, %add3A_124 : i32
      %dma_start3A_126 = arith.constant 0 : i32
      %dma_start3A_127 = arith.constant 0 : i32
      %dma_start3A_128 = tpu.memref_slice %arg8[%dma_start3A_126, %dma_start3A_127] : memref<1024x16xf32, #tpu.memory_space<vmem>> -> memref<128x16xf32, #tpu.memory_space<vmem>>
      %dma_start3A_129 = arith.constant 0 : i32
      %dma_start3A_130 = tpu.memref_slice %arg7[%add3A_125, %dma_start3A_129] : memref<40x128xi32, #tpu.memory_space<vmem>> -> memref<1x128xi32, #tpu.memory_space<vmem>>
      %dma_start3A_131 = tpu.memref_squeeze %dma_start3A_130 : memref<1x128xi32, #tpu.memory_space<vmem>> -> memref<128xi32, #tpu.memory_space<vmem>>
      %dma_start3A_132 = arith.constant 0 : i32
      %dma_start3A_133 = arith.constant 0 : i32
      %dma_start3A_134 = tpu.memref_slice %arg5[%dma_start3A_132, %dma_start3A_133] : memref<262144x16xf32, #tpu.memory_space<hbm>> -> memref<262144x16xf32, #tpu.memory_space<hbm>>
      tpu.enqueue_indirect_dma source(%dma_start3A_128 : memref<128x16xf32, #tpu.memory_space<vmem>>) target(%dma_start3A_134 : memref<262144x16xf32, #tpu.memory_space<hbm>>) offsets(%dma_start3A_131 : memref<128xi32, #tpu.memory_space<vmem>>) semaphore(%arg10 : memref<!tpu.dma_semaphore, #tpu.memory_space<semaphore_mem>>)
      %dma_wait3A_135 = arith.constant 128 : i32
      %dma_wait3A_136 = arith.constant 0 : i32
      %dma_wait3A_137 = tpu.memref_slice %arg8[%dma_wait3A_135, %dma_wait3A_136] : memref<1024x16xf32, #tpu.memory_space<vmem>> -> memref<128x16xf32, #tpu.memory_space<vmem>>
      %dma_wait3A_138 = arith.constant 0 : i32
      %dma_wait3A_139 = tpu.memref_slice %arg6[%add3A_26, %dma_wait3A_138] : memref<40x128xi32, #tpu.memory_space<vmem>> -> memref<1x128xi32, #tpu.memory_space<vmem>>
      %dma_wait3A_140 = tpu.memref_squeeze %dma_wait3A_139 : memref<1x128xi32, #tpu.memory_space<vmem>> -> memref<128xi32, #tpu.memory_space<vmem>>
      %dma_wait3A_141 = arith.constant 0 : i32
      %dma_wait3A_142 = arith.constant 0 : i32
      %dma_wait3A_143 = tpu.memref_slice %arg4[%dma_wait3A_141, %dma_wait3A_142] : memref<1600000x16xf32, #tpu.memory_space<hbm>> -> memref<1600000x16xf32, #tpu.memory_space<hbm>>
      tpu.wait_indirect_dma semaphore(%arg9 : memref<!tpu.dma_semaphore, #tpu.memory_space<semaphore_mem>>) src(%dma_wait3A_143 : memref<1600000x16xf32, #tpu.memory_space<hbm>>) dst(%dma_wait3A_137 : memref<128x16xf32, #tpu.memory_space<vmem>>)
      %mul3A_144 = arith.constant 8 : i32
      %mul3A_145 = arith.muli %scan3A_10, %mul3A_144 : i32
      %add3A_146 = arith.constant 1 : i32
      %add3A_147 = arith.addi %mul3A_145, %add3A_146 : i32
      %dma_start3A_148 = arith.constant 128 : i32
      %dma_start3A_149 = arith.constant 0 : i32
      %dma_start3A_150 = tpu.memref_slice %arg8[%dma_start3A_148, %dma_start3A_149] : memref<1024x16xf32, #tpu.memory_space<vmem>> -> memref<128x16xf32, #tpu.memory_space<vmem>>
      %dma_start3A_151 = arith.constant 0 : i32
      %dma_start3A_152 = tpu.memref_slice %arg7[%add3A_147, %dma_start3A_151] : memref<40x128xi32, #tpu.memory_space<vmem>> -> memref<1x128xi32, #tpu.memory_space<vmem>>
      %dma_start3A_153 = tpu.memref_squeeze %dma_start3A_152 : memref<1x128xi32, #tpu.memory_space<vmem>> -> memref<128xi32, #tpu.memory_space<vmem>>
      %dma_start3A_154 = arith.constant 0 : i32
      %dma_start3A_155 = arith.constant 0 : i32
      %dma_start3A_156 = tpu.memref_slice %arg5[%dma_start3A_154, %dma_start3A_155] : memref<262144x16xf32, #tpu.memory_space<hbm>> -> memref<262144x16xf32, #tpu.memory_space<hbm>>
      tpu.enqueue_indirect_dma source(%dma_start3A_150 : memref<128x16xf32, #tpu.memory_space<vmem>>) target(%dma_start3A_156 : memref<262144x16xf32, #tpu.memory_space<hbm>>) offsets(%dma_start3A_153 : memref<128xi32, #tpu.memory_space<vmem>>) semaphore(%arg10 : memref<!tpu.dma_semaphore, #tpu.memory_space<semaphore_mem>>)
      %dma_wait3A_157 = arith.constant 256 : i32
      %dma_wait3A_158 = arith.constant 0 : i32
      %dma_wait3A_159 = tpu.memref_slice %arg8[%dma_wait3A_157, %dma_wait3A_158] : memref<1024x16xf32, #tpu.memory_space<vmem>> -> memref<128x16xf32, #tpu.memory_space<vmem>>
      %dma_wait3A_160 = arith.constant 0 : i32
      %dma_wait3A_161 = tpu.memref_slice %arg6[%add3A_39, %dma_wait3A_160] : memref<40x128xi32, #tpu.memory_space<vmem>> -> memref<1x128xi32, #tpu.memory_space<vmem>>
      %dma_wait3A_162 = tpu.memref_squeeze %dma_wait3A_161 : memref<1x128xi32, #tpu.memory_space<vmem>> -> memref<128xi32, #tpu.memory_space<vmem>>
      %dma_wait3A_163 = arith.constant 0 : i32
      %dma_wait3A_164 = arith.constant 0 : i32
      %dma_wait3A_165 = tpu.memref_slice %arg4[%dma_wait3A_163, %dma_wait3A_164] : memref<1600000x16xf32, #tpu.memory_space<hbm>> -> memref<1600000x16xf32, #tpu.memory_space<hbm>>
      tpu.wait_indirect_dma semaphore(%arg9 : memref<!tpu.dma_semaphore, #tpu.memory_space<semaphore_mem>>) src(%dma_wait3A_165 : memref<1600000x16xf32, #tpu.memory_space<hbm>>) dst(%dma_wait3A_159 : memref<128x16xf32, #tpu.memory_space<vmem>>)
      %mul3A_166 = arith.constant 8 : i32
      %mul3A_167 = arith.muli %scan3A_10, %mul3A_166 : i32
      %add3A_168 = arith.constant 2 : i32
      %add3A_169 = arith.addi %mul3A_167, %add3A_168 : i32
      %dma_start3A_170 = arith.constant 256 : i32
      %dma_start3A_171 = arith.constant 0 : i32
      %dma_start3A_172 = tpu.memref_slice %arg8[%dma_start3A_170, %dma_start3A_171] : memref<1024x16xf32, #tpu.memory_space<vmem>> -> memref<128x16xf32, #tpu.memory_space<vmem>>
      %dma_start3A_173 = arith.constant 0 : i32
      %dma_start3A_174 = tpu.memref_slice %arg7[%add3A_169, %dma_start3A_173] : memref<40x128xi32, #tpu.memory_space<vmem>> -> memref<1x128xi32, #tpu.memory_space<vmem>>
      %dma_start3A_175 = tpu.memref_squeeze %dma_start3A_174 : memref<1x128xi32, #tpu.memory_space<vmem>> -> memref<128xi32, #tpu.memory_space<vmem>>
      %dma_start3A_176 = arith.constant 0 : i32
      %dma_start3A_177 = arith.constant 0 : i32
      %dma_start3A_178 = tpu.memref_slice %arg5[%dma_start3A_176, %dma_start3A_177] : memref<262144x16xf32, #tpu.memory_space<hbm>> -> memref<262144x16xf32, #tpu.memory_space<hbm>>
      tpu.enqueue_indirect_dma source(%dma_start3A_172 : memref<128x16xf32, #tpu.memory_space<vmem>>) target(%dma_start3A_178 : memref<262144x16xf32, #tpu.memory_space<hbm>>) offsets(%dma_start3A_175 : memref<128xi32, #tpu.memory_space<vmem>>) semaphore(%arg10 : memref<!tpu.dma_semaphore, #tpu.memory_space<semaphore_mem>>)
      %dma_wait3A_179 = arith.constant 384 : i32
      %dma_wait3A_180 = arith.constant 0 : i32
      %dma_wait3A_181 = tpu.memref_slice %arg8[%dma_wait3A_179, %dma_wait3A_180] : memref<1024x16xf32, #tpu.memory_space<vmem>> -> memref<128x16xf32, #tpu.memory_space<vmem>>
      %dma_wait3A_182 = arith.constant 0 : i32
      %dma_wait3A_183 = tpu.memref_slice %arg6[%add3A_52, %dma_wait3A_182] : memref<40x128xi32, #tpu.memory_space<vmem>> -> memref<1x128xi32, #tpu.memory_space<vmem>>
      %dma_wait3A_184 = tpu.memref_squeeze %dma_wait3A_183 : memref<1x128xi32, #tpu.memory_space<vmem>> -> memref<128xi32, #tpu.memory_space<vmem>>
      %dma_wait3A_185 = arith.constant 0 : i32
      %dma_wait3A_186 = arith.constant 0 : i32
      %dma_wait3A_187 = tpu.memref_slice %arg4[%dma_wait3A_185, %dma_wait3A_186] : memref<1600000x16xf32, #tpu.memory_space<hbm>> -> memref<1600000x16xf32, #tpu.memory_space<hbm>>
      tpu.wait_indirect_dma semaphore(%arg9 : memref<!tpu.dma_semaphore, #tpu.memory_space<semaphore_mem>>) src(%dma_wait3A_187 : memref<1600000x16xf32, #tpu.memory_space<hbm>>) dst(%dma_wait3A_181 : memref<128x16xf32, #tpu.memory_space<vmem>>)
      %mul3A_188 = arith.constant 8 : i32
      %mul3A_189 = arith.muli %scan3A_10, %mul3A_188 : i32
      %add3A_190 = arith.constant 3 : i32
      %add3A_191 = arith.addi %mul3A_189, %add3A_190 : i32
      %dma_start3A_192 = arith.constant 384 : i32
      %dma_start3A_193 = arith.constant 0 : i32
      %dma_start3A_194 = tpu.memref_slice %arg8[%dma_start3A_192, %dma_start3A_193] : memref<1024x16xf32, #tpu.memory_space<vmem>> -> memref<128x16xf32, #tpu.memory_space<vmem>>
      %dma_start3A_195 = arith.constant 0 : i32
      %dma_start3A_196 = tpu.memref_slice %arg7[%add3A_191, %dma_start3A_195] : memref<40x128xi32, #tpu.memory_space<vmem>> -> memref<1x128xi32, #tpu.memory_space<vmem>>
      %dma_start3A_197 = tpu.memref_squeeze %dma_start3A_196 : memref<1x128xi32, #tpu.memory_space<vmem>> -> memref<128xi32, #tpu.memory_space<vmem>>
      %dma_start3A_198 = arith.constant 0 : i32
      %dma_start3A_199 = arith.constant 0 : i32
      %dma_start3A_200 = tpu.memref_slice %arg5[%dma_start3A_198, %dma_start3A_199] : memref<262144x16xf32, #tpu.memory_space<hbm>> -> memref<262144x16xf32, #tpu.memory_space<hbm>>
      tpu.enqueue_indirect_dma source(%dma_start3A_194 : memref<128x16xf32, #tpu.memory_space<vmem>>) target(%dma_start3A_200 : memref<262144x16xf32, #tpu.memory_space<hbm>>) offsets(%dma_start3A_197 : memref<128xi32, #tpu.memory_space<vmem>>) semaphore(%arg10 : memref<!tpu.dma_semaphore, #tpu.memory_space<semaphore_mem>>)
      %dma_wait3A_201 = arith.constant 512 : i32
      %dma_wait3A_202 = arith.constant 0 : i32
      %dma_wait3A_203 = tpu.memref_slice %arg8[%dma_wait3A_201, %dma_wait3A_202] : memref<1024x16xf32, #tpu.memory_space<vmem>> -> memref<128x16xf32, #tpu.memory_space<vmem>>
      %dma_wait3A_204 = arith.constant 0 : i32
      %dma_wait3A_205 = tpu.memref_slice %arg6[%add3A_65, %dma_wait3A_204] : memref<40x128xi32, #tpu.memory_space<vmem>> -> memref<1x128xi32, #tpu.memory_space<vmem>>
      %dma_wait3A_206 = tpu.memref_squeeze %dma_wait3A_205 : memref<1x128xi32, #tpu.memory_space<vmem>> -> memref<128xi32, #tpu.memory_space<vmem>>
      %dma_wait3A_207 = arith.constant 0 : i32
      %dma_wait3A_208 = arith.constant 0 : i32
      %dma_wait3A_209 = tpu.memref_slice %arg4[%dma_wait3A_207, %dma_wait3A_208] : memref<1600000x16xf32, #tpu.memory_space<hbm>> -> memref<1600000x16xf32, #tpu.memory_space<hbm>>
      tpu.wait_indirect_dma semaphore(%arg9 : memref<!tpu.dma_semaphore, #tpu.memory_space<semaphore_mem>>) src(%dma_wait3A_209 : memref<1600000x16xf32, #tpu.memory_space<hbm>>) dst(%dma_wait3A_203 : memref<128x16xf32, #tpu.memory_space<vmem>>)
      %mul3A_210 = arith.constant 8 : i32
      %mul3A_211 = arith.muli %scan3A_10, %mul3A_210 : i32
      %add3A_212 = arith.constant 4 : i32
      %add3A_213 = arith.addi %mul3A_211, %add3A_212 : i32
      %dma_start3A_214 = arith.constant 512 : i32
      %dma_start3A_215 = arith.constant 0 : i32
      %dma_start3A_216 = tpu.memref_slice %arg8[%dma_start3A_214, %dma_start3A_215] : memref<1024x16xf32, #tpu.memory_space<vmem>> -> memref<128x16xf32, #tpu.memory_space<vmem>>
      %dma_start3A_217 = arith.constant 0 : i32
      %dma_start3A_218 = tpu.memref_slice %arg7[%add3A_213, %dma_start3A_217] : memref<40x128xi32, #tpu.memory_space<vmem>> -> memref<1x128xi32, #tpu.memory_space<vmem>>
      %dma_start3A_219 = tpu.memref_squeeze %dma_start3A_218 : memref<1x128xi32, #tpu.memory_space<vmem>> -> memref<128xi32, #tpu.memory_space<vmem>>
      %dma_start3A_220 = arith.constant 0 : i32
      %dma_start3A_221 = arith.constant 0 : i32
      %dma_start3A_222 = tpu.memref_slice %arg5[%dma_start3A_220, %dma_start3A_221] : memref<262144x16xf32, #tpu.memory_space<hbm>> -> memref<262144x16xf32, #tpu.memory_space<hbm>>
      tpu.enqueue_indirect_dma source(%dma_start3A_216 : memref<128x16xf32, #tpu.memory_space<vmem>>) target(%dma_start3A_222 : memref<262144x16xf32, #tpu.memory_space<hbm>>) offsets(%dma_start3A_219 : memref<128xi32, #tpu.memory_space<vmem>>) semaphore(%arg10 : memref<!tpu.dma_semaphore, #tpu.memory_space<semaphore_mem>>)
      %dma_wait3A_223 = arith.constant 640 : i32
      %dma_wait3A_224 = arith.constant 0 : i32
      %dma_wait3A_225 = tpu.memref_slice %arg8[%dma_wait3A_223, %dma_wait3A_224] : memref<1024x16xf32, #tpu.memory_space<vmem>> -> memref<128x16xf32, #tpu.memory_space<vmem>>
      %dma_wait3A_226 = arith.constant 0 : i32
      %dma_wait3A_227 = tpu.memref_slice %arg6[%add3A_78, %dma_wait3A_226] : memref<40x128xi32, #tpu.memory_space<vmem>> -> memref<1x128xi32, #tpu.memory_space<vmem>>
      %dma_wait3A_228 = tpu.memref_squeeze %dma_wait3A_227 : memref<1x128xi32, #tpu.memory_space<vmem>> -> memref<128xi32, #tpu.memory_space<vmem>>
      %dma_wait3A_229 = arith.constant 0 : i32
      %dma_wait3A_230 = arith.constant 0 : i32
      %dma_wait3A_231 = tpu.memref_slice %arg4[%dma_wait3A_229, %dma_wait3A_230] : memref<1600000x16xf32, #tpu.memory_space<hbm>> -> memref<1600000x16xf32, #tpu.memory_space<hbm>>
      tpu.wait_indirect_dma semaphore(%arg9 : memref<!tpu.dma_semaphore, #tpu.memory_space<semaphore_mem>>) src(%dma_wait3A_231 : memref<1600000x16xf32, #tpu.memory_space<hbm>>) dst(%dma_wait3A_225 : memref<128x16xf32, #tpu.memory_space<vmem>>)
      %mul3A_232 = arith.constant 8 : i32
      %mul3A_233 = arith.muli %scan3A_10, %mul3A_232 : i32
      %add3A_234 = arith.constant 5 : i32
      %add3A_235 = arith.addi %mul3A_233, %add3A_234 : i32
      %dma_start3A_236 = arith.constant 640 : i32
      %dma_start3A_237 = arith.constant 0 : i32
      %dma_start3A_238 = tpu.memref_slice %arg8[%dma_start3A_236, %dma_start3A_237] : memref<1024x16xf32, #tpu.memory_space<vmem>> -> memref<128x16xf32, #tpu.memory_space<vmem>>
      %dma_start3A_239 = arith.constant 0 : i32
      %dma_start3A_240 = tpu.memref_slice %arg7[%add3A_235, %dma_start3A_239] : memref<40x128xi32, #tpu.memory_space<vmem>> -> memref<1x128xi32, #tpu.memory_space<vmem>>
      %dma_start3A_241 = tpu.memref_squeeze %dma_start3A_240 : memref<1x128xi32, #tpu.memory_space<vmem>> -> memref<128xi32, #tpu.memory_space<vmem>>
      %dma_start3A_242 = arith.constant 0 : i32
      %dma_start3A_243 = arith.constant 0 : i32
      %dma_start3A_244 = tpu.memref_slice %arg5[%dma_start3A_242, %dma_start3A_243] : memref<262144x16xf32, #tpu.memory_space<hbm>> -> memref<262144x16xf32, #tpu.memory_space<hbm>>
      tpu.enqueue_indirect_dma source(%dma_start3A_238 : memref<128x16xf32, #tpu.memory_space<vmem>>) target(%dma_start3A_244 : memref<262144x16xf32, #tpu.memory_space<hbm>>) offsets(%dma_start3A_241 : memref<128xi32, #tpu.memory_space<vmem>>) semaphore(%arg10 : memref<!tpu.dma_semaphore, #tpu.memory_space<semaphore_mem>>)
      %dma_wait3A_245 = arith.constant 768 : i32
      %dma_wait3A_246 = arith.constant 0 : i32
      %dma_wait3A_247 = tpu.memref_slice %arg8[%dma_wait3A_245, %dma_wait3A_246] : memref<1024x16xf32, #tpu.memory_space<vmem>> -> memref<128x16xf32, #tpu.memory_space<vmem>>
      %dma_wait3A_248 = arith.constant 0 : i32
      %dma_wait3A_249 = tpu.memref_slice %arg6[%add3A_91, %dma_wait3A_248] : memref<40x128xi32, #tpu.memory_space<vmem>> -> memref<1x128xi32, #tpu.memory_space<vmem>>
      %dma_wait3A_250 = tpu.memref_squeeze %dma_wait3A_249 : memref<1x128xi32, #tpu.memory_space<vmem>> -> memref<128xi32, #tpu.memory_space<vmem>>
      %dma_wait3A_251 = arith.constant 0 : i32
      %dma_wait3A_252 = arith.constant 0 : i32
      %dma_wait3A_253 = tpu.memref_slice %arg4[%dma_wait3A_251, %dma_wait3A_252] : memref<1600000x16xf32, #tpu.memory_space<hbm>> -> memref<1600000x16xf32, #tpu.memory_space<hbm>>
      tpu.wait_indirect_dma semaphore(%arg9 : memref<!tpu.dma_semaphore, #tpu.memory_space<semaphore_mem>>) src(%dma_wait3A_253 : memref<1600000x16xf32, #tpu.memory_space<hbm>>) dst(%dma_wait3A_247 : memref<128x16xf32, #tpu.memory_space<vmem>>)
      %mul3A_254 = arith.constant 8 : i32
      %mul3A_255 = arith.muli %scan3A_10, %mul3A_254 : i32
      %add3A_256 = arith.constant 6 : i32
      %add3A_257 = arith.addi %mul3A_255, %add3A_256 : i32
      %dma_start3A_258 = arith.constant 768 : i32
      %dma_start3A_259 = arith.constant 0 : i32
      %dma_start3A_260 = tpu.memref_slice %arg8[%dma_start3A_258, %dma_start3A_259] : memref<1024x16xf32, #tpu.memory_space<vmem>> -> memref<128x16xf32, #tpu.memory_space<vmem>>
      %dma_start3A_261 = arith.constant 0 : i32
      %dma_start3A_262 = tpu.memref_slice %arg7[%add3A_257, %dma_start3A_261] : memref<40x128xi32, #tpu.memory_space<vmem>> -> memref<1x128xi32, #tpu.memory_space<vmem>>
      %dma_start3A_263 = tpu.memref_squeeze %dma_start3A_262 : memref<1x128xi32, #tpu.memory_space<vmem>> -> memref<128xi32, #tpu.memory_space<vmem>>
      %dma_start3A_264 = arith.constant 0 : i32
      %dma_start3A_265 = arith.constant 0 : i32
      %dma_start3A_266 = tpu.memref_slice %arg5[%dma_start3A_264, %dma_start3A_265] : memref<262144x16xf32, #tpu.memory_space<hbm>> -> memref<262144x16xf32, #tpu.memory_space<hbm>>
      tpu.enqueue_indirect_dma source(%dma_start3A_260 : memref<128x16xf32, #tpu.memory_space<vmem>>) target(%dma_start3A_266 : memref<262144x16xf32, #tpu.memory_space<hbm>>) offsets(%dma_start3A_263 : memref<128xi32, #tpu.memory_space<vmem>>) semaphore(%arg10 : memref<!tpu.dma_semaphore, #tpu.memory_space<semaphore_mem>>)
      %dma_wait3A_267 = arith.constant 896 : i32
      %dma_wait3A_268 = arith.constant 0 : i32
      %dma_wait3A_269 = tpu.memref_slice %arg8[%dma_wait3A_267, %dma_wait3A_268] : memref<1024x16xf32, #tpu.memory_space<vmem>> -> memref<128x16xf32, #tpu.memory_space<vmem>>
      %dma_wait3A_270 = arith.constant 0 : i32
      %dma_wait3A_271 = tpu.memref_slice %arg6[%add3A_104, %dma_wait3A_270] : memref<40x128xi32, #tpu.memory_space<vmem>> -> memref<1x128xi32, #tpu.memory_space<vmem>>
      %dma_wait3A_272 = tpu.memref_squeeze %dma_wait3A_271 : memref<1x128xi32, #tpu.memory_space<vmem>> -> memref<128xi32, #tpu.memory_space<vmem>>
      %dma_wait3A_273 = arith.constant 0 : i32
      %dma_wait3A_274 = arith.constant 0 : i32
      %dma_wait3A_275 = tpu.memref_slice %arg4[%dma_wait3A_273, %dma_wait3A_274] : memref<1600000x16xf32, #tpu.memory_space<hbm>> -> memref<1600000x16xf32, #tpu.memory_space<hbm>>
      tpu.wait_indirect_dma semaphore(%arg9 : memref<!tpu.dma_semaphore, #tpu.memory_space<semaphore_mem>>) src(%dma_wait3A_275 : memref<1600000x16xf32, #tpu.memory_space<hbm>>) dst(%dma_wait3A_269 : memref<128x16xf32, #tpu.memory_space<vmem>>)
      %mul3A_276 = arith.constant 8 : i32
      %mul3A_277 = arith.muli %scan3A_10, %mul3A_276 : i32
      %add3A_278 = arith.constant 7 : i32
      %add3A_279 = arith.addi %mul3A_277, %add3A_278 : i32
      %dma_start3A_280 = arith.constant 896 : i32
      %dma_start3A_281 = arith.constant 0 : i32
      %dma_start3A_282 = tpu.memref_slice %arg8[%dma_start3A_280, %dma_start3A_281] : memref<1024x16xf32, #tpu.memory_space<vmem>> -> memref<128x16xf32, #tpu.memory_space<vmem>>
      %dma_start3A_283 = arith.constant 0 : i32
      %dma_start3A_284 = tpu.memref_slice %arg7[%add3A_279, %dma_start3A_283] : memref<40x128xi32, #tpu.memory_space<vmem>> -> memref<1x128xi32, #tpu.memory_space<vmem>>
      %dma_start3A_285 = tpu.memref_squeeze %dma_start3A_284 : memref<1x128xi32, #tpu.memory_space<vmem>> -> memref<128xi32, #tpu.memory_space<vmem>>
      %dma_start3A_286 = arith.constant 0 : i32
      %dma_start3A_287 = arith.constant 0 : i32
      %dma_start3A_288 = tpu.memref_slice %arg5[%dma_start3A_286, %dma_start3A_287] : memref<262144x16xf32, #tpu.memory_space<hbm>> -> memref<262144x16xf32, #tpu.memory_space<hbm>>
      tpu.enqueue_indirect_dma source(%dma_start3A_282 : memref<128x16xf32, #tpu.memory_space<vmem>>) target(%dma_start3A_288 : memref<262144x16xf32, #tpu.memory_space<hbm>>) offsets(%dma_start3A_285 : memref<128xi32, #tpu.memory_space<vmem>>) semaphore(%arg10 : memref<!tpu.dma_semaphore, #tpu.memory_space<semaphore_mem>>)
      %dma_wait3A_289 = arith.constant 0 : i32
      %dma_wait3A_290 = arith.constant 0 : i32
      %dma_wait3A_291 = tpu.memref_slice %arg8[%dma_wait3A_289, %dma_wait3A_290] : memref<1024x16xf32, #tpu.memory_space<vmem>> -> memref<128x16xf32, #tpu.memory_space<vmem>>
      %dma_wait3A_292 = arith.constant 0 : i32
      %dma_wait3A_293 = tpu.memref_slice %arg7[%add3A_125, %dma_wait3A_292] : memref<40x128xi32, #tpu.memory_space<vmem>> -> memref<1x128xi32, #tpu.memory_space<vmem>>
      %dma_wait3A_294 = tpu.memref_squeeze %dma_wait3A_293 : memref<1x128xi32, #tpu.memory_space<vmem>> -> memref<128xi32, #tpu.memory_space<vmem>>
      %dma_wait3A_295 = arith.constant 0 : i32
      %dma_wait3A_296 = arith.constant 0 : i32
      %dma_wait3A_297 = tpu.memref_slice %arg5[%dma_wait3A_295, %dma_wait3A_296] : memref<262144x16xf32, #tpu.memory_space<hbm>> -> memref<262144x16xf32, #tpu.memory_space<hbm>>
      tpu.wait_indirect_dma semaphore(%arg10 : memref<!tpu.dma_semaphore, #tpu.memory_space<semaphore_mem>>) src(%dma_wait3A_291 : memref<128x16xf32, #tpu.memory_space<vmem>>) dst(%dma_wait3A_297 : memref<262144x16xf32, #tpu.memory_space<hbm>>)
      %dma_wait3A_298 = arith.constant 128 : i32
      %dma_wait3A_299 = arith.constant 0 : i32
      %dma_wait3A_300 = tpu.memref_slice %arg8[%dma_wait3A_298, %dma_wait3A_299] : memref<1024x16xf32, #tpu.memory_space<vmem>> -> memref<128x16xf32, #tpu.memory_space<vmem>>
      %dma_wait3A_301 = arith.constant 0 : i32
      %dma_wait3A_302 = tpu.memref_slice %arg7[%add3A_147, %dma_wait3A_301] : memref<40x128xi32, #tpu.memory_space<vmem>> -> memref<1x128xi32, #tpu.memory_space<vmem>>
      %dma_wait3A_303 = tpu.memref_squeeze %dma_wait3A_302 : memref<1x128xi32, #tpu.memory_space<vmem>> -> memref<128xi32, #tpu.memory_space<vmem>>
      %dma_wait3A_304 = arith.constant 0 : i32
      %dma_wait3A_305 = arith.constant 0 : i32
      %dma_wait3A_306 = tpu.memref_slice %arg5[%dma_wait3A_304, %dma_wait3A_305] : memref<262144x16xf32, #tpu.memory_space<hbm>> -> memref<262144x16xf32, #tpu.memory_space<hbm>>
      tpu.wait_indirect_dma semaphore(%arg10 : memref<!tpu.dma_semaphore, #tpu.memory_space<semaphore_mem>>) src(%dma_wait3A_300 : memref<128x16xf32, #tpu.memory_space<vmem>>) dst(%dma_wait3A_306 : memref<262144x16xf32, #tpu.memory_space<hbm>>)
      %dma_wait3A_307 = arith.constant 256 : i32
      %dma_wait3A_308 = arith.constant 0 : i32
      %dma_wait3A_309 = tpu.memref_slice %arg8[%dma_wait3A_307, %dma_wait3A_308] : memref<1024x16xf32, #tpu.memory_space<vmem>> -> memref<128x16xf32, #tpu.memory_space<vmem>>
      %dma_wait3A_310 = arith.constant 0 : i32
      %dma_wait3A_311 = tpu.memref_slice %arg7[%add3A_169, %dma_wait3A_310] : memref<40x128xi32, #tpu.memory_space<vmem>> -> memref<1x128xi32, #tpu.memory_space<vmem>>
      %dma_wait3A_312 = tpu.memref_squeeze %dma_wait3A_311 : memref<1x128xi32, #tpu.memory_space<vmem>> -> memref<128xi32, #tpu.memory_space<vmem>>
      %dma_wait3A_313 = arith.constant 0 : i32
      %dma_wait3A_314 = arith.constant 0 : i32
      %dma_wait3A_315 = tpu.memref_slice %arg5[%dma_wait3A_313, %dma_wait3A_314] : memref<262144x16xf32, #tpu.memory_space<hbm>> -> memref<262144x16xf32, #tpu.memory_space<hbm>>
      tpu.wait_indirect_dma semaphore(%arg10 : memref<!tpu.dma_semaphore, #tpu.memory_space<semaphore_mem>>) src(%dma_wait3A_309 : memref<128x16xf32, #tpu.memory_space<vmem>>) dst(%dma_wait3A_315 : memref<262144x16xf32, #tpu.memory_space<hbm>>)
      %dma_wait3A_316 = arith.constant 384 : i32
      %dma_wait3A_317 = arith.constant 0 : i32
      %dma_wait3A_318 = tpu.memref_slice %arg8[%dma_wait3A_316, %dma_wait3A_317] : memref<1024x16xf32, #tpu.memory_space<vmem>> -> memref<128x16xf32, #tpu.memory_space<vmem>>
      %dma_wait3A_319 = arith.constant 0 : i32
      %dma_wait3A_320 = tpu.memref_slice %arg7[%add3A_191, %dma_wait3A_319] : memref<40x128xi32, #tpu.memory_space<vmem>> -> memref<1x128xi32, #tpu.memory_space<vmem>>
      %dma_wait3A_321 = tpu.memref_squeeze %dma_wait3A_320 : memref<1x128xi32, #tpu.memory_space<vmem>> -> memref<128xi32, #tpu.memory_space<vmem>>
      %dma_wait3A_322 = arith.constant 0 : i32
      %dma_wait3A_323 = arith.constant 0 : i32
      %dma_wait3A_324 = tpu.memref_slice %arg5[%dma_wait3A_322, %dma_wait3A_323] : memref<262144x16xf32, #tpu.memory_space<hbm>> -> memref<262144x16xf32, #tpu.memory_space<hbm>>
      tpu.wait_indirect_dma semaphore(%arg10 : memref<!tpu.dma_semaphore, #tpu.memory_space<semaphore_mem>>) src(%dma_wait3A_318 : memref<128x16xf32, #tpu.memory_space<vmem>>) dst(%dma_wait3A_324 : memref<262144x16xf32, #tpu.memory_space<hbm>>)
      %dma_wait3A_325 = arith.constant 512 : i32
      %dma_wait3A_326 = arith.constant 0 : i32
      %dma_wait3A_327 = tpu.memref_slice %arg8[%dma_wait3A_325, %dma_wait3A_326] : memref<1024x16xf32, #tpu.memory_space<vmem>> -> memref<128x16xf32, #tpu.memory_space<vmem>>
      %dma_wait3A_328 = arith.constant 0 : i32
      %dma_wait3A_329 = tpu.memref_slice %arg7[%add3A_213, %dma_wait3A_328] : memref<40x128xi32, #tpu.memory_space<vmem>> -> memref<1x128xi32, #tpu.memory_space<vmem>>
      %dma_wait3A_330 = tpu.memref_squeeze %dma_wait3A_329 : memref<1x128xi32, #tpu.memory_space<vmem>> -> memref<128xi32, #tpu.memory_space<vmem>>
      %dma_wait3A_331 = arith.constant 0 : i32
      %dma_wait3A_332 = arith.constant 0 : i32
      %dma_wait3A_333 = tpu.memref_slice %arg5[%dma_wait3A_331, %dma_wait3A_332] : memref<262144x16xf32, #tpu.memory_space<hbm>> -> memref<262144x16xf32, #tpu.memory_space<hbm>>
      tpu.wait_indirect_dma semaphore(%arg10 : memref<!tpu.dma_semaphore, #tpu.memory_space<semaphore_mem>>) src(%dma_wait3A_327 : memref<128x16xf32, #tpu.memory_space<vmem>>) dst(%dma_wait3A_333 : memref<262144x16xf32, #tpu.memory_space<hbm>>)
      %dma_wait3A_334 = arith.constant 640 : i32
      %dma_wait3A_335 = arith.constant 0 : i32
      %dma_wait3A_336 = tpu.memref_slice %arg8[%dma_wait3A_334, %dma_wait3A_335] : memref<1024x16xf32, #tpu.memory_space<vmem>> -> memref<128x16xf32, #tpu.memory_space<vmem>>
      %dma_wait3A_337 = arith.constant 0 : i32
      %dma_wait3A_338 = tpu.memref_slice %arg7[%add3A_235, %dma_wait3A_337] : memref<40x128xi32, #tpu.memory_space<vmem>> -> memref<1x128xi32, #tpu.memory_space<vmem>>
      %dma_wait3A_339 = tpu.memref_squeeze %dma_wait3A_338 : memref<1x128xi32, #tpu.memory_space<vmem>> -> memref<128xi32, #tpu.memory_space<vmem>>
      %dma_wait3A_340 = arith.constant 0 : i32
      %dma_wait3A_341 = arith.constant 0 : i32
      %dma_wait3A_342 = tpu.memref_slice %arg5[%dma_wait3A_340, %dma_wait3A_341] : memref<262144x16xf32, #tpu.memory_space<hbm>> -> memref<262144x16xf32, #tpu.memory_space<hbm>>
      tpu.wait_indirect_dma semaphore(%arg10 : memref<!tpu.dma_semaphore, #tpu.memory_space<semaphore_mem>>) src(%dma_wait3A_336 : memref<128x16xf32, #tpu.memory_space<vmem>>) dst(%dma_wait3A_342 : memref<262144x16xf32, #tpu.memory_space<hbm>>)
      %dma_wait3A_343 = arith.constant 768 : i32
      %dma_wait3A_344 = arith.constant 0 : i32
      %dma_wait3A_345 = tpu.memref_slice %arg8[%dma_wait3A_343, %dma_wait3A_344] : memref<1024x16xf32, #tpu.memory_space<vmem>> -> memref<128x16xf32, #tpu.memory_space<vmem>>
      %dma_wait3A_346 = arith.constant 0 : i32
      %dma_wait3A_347 = tpu.memref_slice %arg7[%add3A_257, %dma_wait3A_346] : memref<40x128xi32, #tpu.memory_space<vmem>> -> memref<1x128xi32, #tpu.memory_space<vmem>>
      %dma_wait3A_348 = tpu.memref_squeeze %dma_wait3A_347 : memref<1x128xi32, #tpu.memory_space<vmem>> -> memref<128xi32, #tpu.memory_space<vmem>>
      %dma_wait3A_349 = arith.constant 0 : i32
      %dma_wait3A_350 = arith.constant 0 : i32
      %dma_wait3A_351 = tpu.memref_slice %arg5[%dma_wait3A_349, %dma_wait3A_350] : memref<262144x16xf32, #tpu.memory_space<hbm>> -> memref<262144x16xf32, #tpu.memory_space<hbm>>
      tpu.wait_indirect_dma semaphore(%arg10 : memref<!tpu.dma_semaphore, #tpu.memory_space<semaphore_mem>>) src(%dma_wait3A_345 : memref<128x16xf32, #tpu.memory_space<vmem>>) dst(%dma_wait3A_351 : memref<262144x16xf32, #tpu.memory_space<hbm>>)
      %dma_wait3A_352 = arith.constant 896 : i32
      %dma_wait3A_353 = arith.constant 0 : i32
      %dma_wait3A_354 = tpu.memref_slice %arg8[%dma_wait3A_352, %dma_wait3A_353] : memref<1024x16xf32, #tpu.memory_space<vmem>> -> memref<128x16xf32, #tpu.memory_space<vmem>>
      %dma_wait3A_355 = arith.constant 0 : i32
      %dma_wait3A_356 = tpu.memref_slice %arg7[%add3A_279, %dma_wait3A_355] : memref<40x128xi32, #tpu.memory_space<vmem>> -> memref<1x128xi32, #tpu.memory_space<vmem>>
      %dma_wait3A_357 = tpu.memref_squeeze %dma_wait3A_356 : memref<1x128xi32, #tpu.memory_space<vmem>> -> memref<128xi32, #tpu.memory_space<vmem>>
      %dma_wait3A_358 = arith.constant 0 : i32
      %dma_wait3A_359 = arith.constant 0 : i32
      %dma_wait3A_360 = tpu.memref_slice %arg5[%dma_wait3A_358, %dma_wait3A_359] : memref<262144x16xf32, #tpu.memory_space<hbm>> -> memref<262144x16xf32, #tpu.memory_space<hbm>>
      tpu.wait_indirect_dma semaphore(%arg10 : memref<!tpu.dma_semaphore, #tpu.memory_space<semaphore_mem>>) src(%dma_wait3A_354 : memref<128x16xf32, #tpu.memory_space<vmem>>) dst(%dma_wait3A_360 : memref<262144x16xf32, #tpu.memory_space<hbm>>)
    }
    %scan3A_9 = arith.constant 5 : i32
    return
  }
}

#map = affine_map<(d0, d1) -> (0, 0)>
#map1 = affine_map<(d0, d1) -> (0)>
module attributes {stable_mosaic.version = 14 : i64} {
  func.func @_gather_a(%arg0: i32, %arg1: i32, %arg2: memref<2048x128xi32, #tpu.memory_space<hbm>>, %arg3: memref<2048x128xi32, #tpu.memory_space<hbm>>, %arg4: memref<3328x128xi32, #tpu.memory_space<hbm>>, %arg5: memref<1600000x16xf32, #tpu.memory_space<hbm>>, %arg6: memref<2609152xf32, #tpu.memory_space<hbm>>, %arg7: memref<262144x16xf32, #tpu.memory_space<hbm>>, %arg8: memref<16384xf32, #tpu.memory_space<hbm>>, %arg9: memref<64x128xi32, #tpu.memory_space<vmem>>, %arg10: memref<64x128xi32, #tpu.memory_space<vmem>>, %arg11: memref<104x128xi32, #tpu.memory_space<vmem>>, %arg12: memref<2048x16xf32, #tpu.memory_space<vmem>>, %arg13: memref<1664xf32, #tpu.memory_space<vmem>>, %arg14: memref<512xf32, #tpu.memory_space<vmem>>, %arg15: memref<!tpu.dma_semaphore, #tpu.memory_space<semaphore_mem>>, %arg16: memref<!tpu.dma_semaphore, #tpu.memory_space<semaphore_mem>>, %arg17: memref<!tpu.dma_semaphore, #tpu.memory_space<semaphore_mem>>) attributes {dimension_semantics = [#tpu.dimension_semantics<core_parallel>, #tpu.dimension_semantics<subcore_parallel>], iteration_bounds = array<i64: 2, 16>, scalar_prefetch = 0 : i64, scratch_operands = 9 : i64, tpu.core_type = #tpu.core_type<sc_vector_subcore>, window_params = [{transform_indices = #map}, {transform_indices = #map}, {transform_indices = #map}, {transform_indices = #map}, {transform_indices = #map1}, {transform_indices = #map}, {transform_indices = #map1}]} {
    %mul3A = arith.constant 2 : i32
    %mul3A_0 = arith.muli %arg1, %mul3A : i32
    %add3A = arith.addi %mul3A_0, %arg0 : i32
    %mul3A_1 = arith.constant 64 : i32
    %mul3A_2 = arith.muli %add3A, %mul3A_1 : i32
    "tpu.region"() ({
      %run_scoped3A = tpu.sem_alloc : memref<!tpu.dma_semaphore, #tpu.memory_space<semaphore_mem>>
      %dma_start3A = arith.constant 0 : i32
      %dma_start3A_20 = tpu.memref_slice %arg2[%mul3A_2, %dma_start3A] : memref<2048x128xi32, #tpu.memory_space<hbm>> -> memref<64x128xi32, #tpu.memory_space<hbm>>
      %dma_start3A_21 = arith.constant 0 : i32
      %dma_start3A_22 = tpu.memref_slice %arg2[%mul3A_2, %dma_start3A_21] : memref<2048x128xi32, #tpu.memory_space<hbm>> -> memref<64x128xi32, #tpu.memory_space<hbm>>
      tpu.enqueue_dma source(%dma_start3A_22 : memref<64x128xi32, #tpu.memory_space<hbm>>) target(%arg9 : memref<64x128xi32, #tpu.memory_space<vmem>>) target_semaphore(%run_scoped3A : memref<!tpu.dma_semaphore, #tpu.memory_space<semaphore_mem>>)
      %dma_wait3A = arith.constant 0 : i32
      %dma_wait3A_23 = tpu.memref_slice %arg2[%mul3A_2, %dma_wait3A] : memref<2048x128xi32, #tpu.memory_space<hbm>> -> memref<64x128xi32, #tpu.memory_space<hbm>>
      %dma_wait3A_24 = arith.constant 0 : i32
      %dma_wait3A_25 = tpu.memref_slice %arg2[%mul3A_2, %dma_wait3A_24] : memref<2048x128xi32, #tpu.memory_space<hbm>> -> memref<64x128xi32, #tpu.memory_space<hbm>>
      tpu.wait_dma2 semaphore(%run_scoped3A : memref<!tpu.dma_semaphore, #tpu.memory_space<semaphore_mem>>) src(%dma_wait3A_25 : memref<64x128xi32, #tpu.memory_space<hbm>>) dst(%arg9 : memref<64x128xi32, #tpu.memory_space<vmem>>)
      tpu.yield
    }) : () -> ()
    %mul3A_3 = arith.constant 64 : i32
    %mul3A_4 = arith.muli %add3A, %mul3A_3 : i32
    "tpu.region"() ({
      %run_scoped3A = tpu.sem_alloc : memref<!tpu.dma_semaphore, #tpu.memory_space<semaphore_mem>>
      %dma_start3A = arith.constant 0 : i32
      %dma_start3A_20 = tpu.memref_slice %arg3[%mul3A_4, %dma_start3A] : memref<2048x128xi32, #tpu.memory_space<hbm>> -> memref<64x128xi32, #tpu.memory_space<hbm>>
      %dma_start3A_21 = arith.constant 0 : i32
      %dma_start3A_22 = tpu.memref_slice %arg3[%mul3A_4, %dma_start3A_21] : memref<2048x128xi32, #tpu.memory_space<hbm>> -> memref<64x128xi32, #tpu.memory_space<hbm>>
      tpu.enqueue_dma source(%dma_start3A_22 : memref<64x128xi32, #tpu.memory_space<hbm>>) target(%arg10 : memref<64x128xi32, #tpu.memory_space<vmem>>) target_semaphore(%run_scoped3A : memref<!tpu.dma_semaphore, #tpu.memory_space<semaphore_mem>>)
      %dma_wait3A = arith.constant 0 : i32
      %dma_wait3A_23 = tpu.memref_slice %arg3[%mul3A_4, %dma_wait3A] : memref<2048x128xi32, #tpu.memory_space<hbm>> -> memref<64x128xi32, #tpu.memory_space<hbm>>
      %dma_wait3A_24 = arith.constant 0 : i32
      %dma_wait3A_25 = tpu.memref_slice %arg3[%mul3A_4, %dma_wait3A_24] : memref<2048x128xi32, #tpu.memory_space<hbm>> -> memref<64x128xi32, #tpu.memory_space<hbm>>
      tpu.wait_dma2 semaphore(%run_scoped3A : memref<!tpu.dma_semaphore, #tpu.memory_space<semaphore_mem>>) src(%dma_wait3A_25 : memref<64x128xi32, #tpu.memory_space<hbm>>) dst(%arg10 : memref<64x128xi32, #tpu.memory_space<vmem>>)
      tpu.yield
    }) : () -> ()
    %mul3A_5 = arith.constant 104 : i32
    %mul3A_6 = arith.muli %add3A, %mul3A_5 : i32
    "tpu.region"() ({
      %run_scoped3A = tpu.sem_alloc : memref<!tpu.dma_semaphore, #tpu.memory_space<semaphore_mem>>
      %dma_start3A = arith.constant 0 : i32
      %dma_start3A_20 = tpu.memref_slice %arg4[%mul3A_6, %dma_start3A] : memref<3328x128xi32, #tpu.memory_space<hbm>> -> memref<104x128xi32, #tpu.memory_space<hbm>>
      %dma_start3A_21 = arith.constant 0 : i32
      %dma_start3A_22 = tpu.memref_slice %arg4[%mul3A_6, %dma_start3A_21] : memref<3328x128xi32, #tpu.memory_space<hbm>> -> memref<104x128xi32, #tpu.memory_space<hbm>>
      tpu.enqueue_dma source(%dma_start3A_22 : memref<104x128xi32, #tpu.memory_space<hbm>>) target(%arg11 : memref<104x128xi32, #tpu.memory_space<vmem>>) target_semaphore(%run_scoped3A : memref<!tpu.dma_semaphore, #tpu.memory_space<semaphore_mem>>)
      %dma_wait3A = arith.constant 0 : i32
      %dma_wait3A_23 = tpu.memref_slice %arg4[%mul3A_6, %dma_wait3A] : memref<3328x128xi32, #tpu.memory_space<hbm>> -> memref<104x128xi32, #tpu.memory_space<hbm>>
      %dma_wait3A_24 = arith.constant 0 : i32
      %dma_wait3A_25 = tpu.memref_slice %arg4[%mul3A_6, %dma_wait3A_24] : memref<3328x128xi32, #tpu.memory_space<hbm>> -> memref<104x128xi32, #tpu.memory_space<hbm>>
      tpu.wait_dma2 semaphore(%run_scoped3A : memref<!tpu.dma_semaphore, #tpu.memory_space<semaphore_mem>>) src(%dma_wait3A_25 : memref<104x128xi32, #tpu.memory_space<hbm>>) dst(%arg11 : memref<104x128xi32, #tpu.memory_space<vmem>>)
      tpu.yield
    }) : () -> ()
    %scan3A = arith.constant 0 : i32
    %scan3A_7 = arith.constant 0 : i32
    %scan3A_8 = arith.constant 4 : i32
    %scan3A_9 = arith.addi %scan3A_7, %scan3A_8 : i32
    %scan3A_10 = arith.constant 1 : i32
    scf.for %scan3A_20 = %scan3A_7 to %scan3A_9 step %scan3A_10  : i32 {
      %mul3A_21 = arith.constant 16 : i32
      %mul3A_22 = arith.muli %scan3A_20, %mul3A_21 : i32
      %add3A_23 = arith.constant 0 : i32
      %add3A_24 = arith.addi %mul3A_22, %add3A_23 : i32
      %dma_start3A = arith.constant 0 : i32
      %dma_start3A_25 = arith.constant 0 : i32
      %dma_start3A_26 = tpu.memref_slice %arg12[%dma_start3A, %dma_start3A_25] : memref<2048x16xf32, #tpu.memory_space<vmem>> -> memref<128x16xf32, #tpu.memory_space<vmem>>
      %dma_start3A_27 = arith.constant 0 : i32
      %dma_start3A_28 = tpu.memref_slice %arg9[%add3A_24, %dma_start3A_27] : memref<64x128xi32, #tpu.memory_space<vmem>> -> memref<1x128xi32, #tpu.memory_space<vmem>>
      %dma_start3A_29 = tpu.memref_squeeze %dma_start3A_28 : memref<1x128xi32, #tpu.memory_space<vmem>> -> memref<128xi32, #tpu.memory_space<vmem>>
      %dma_start3A_30 = arith.constant 0 : i32
      %dma_start3A_31 = arith.constant 0 : i32
      %dma_start3A_32 = tpu.memref_slice %arg5[%dma_start3A_30, %dma_start3A_31] : memref<1600000x16xf32, #tpu.memory_space<hbm>> -> memref<1600000x16xf32, #tpu.memory_space<hbm>>
      tpu.enqueue_indirect_dma source(%dma_start3A_32 : memref<1600000x16xf32, #tpu.memory_space<hbm>>) target(%dma_start3A_26 : memref<128x16xf32, #tpu.memory_space<vmem>>) offsets(%dma_start3A_29 : memref<128xi32, #tpu.memory_space<vmem>>) semaphore(%arg15 : memref<!tpu.dma_semaphore, #tpu.memory_space<semaphore_mem>>)
      %mul3A_33 = arith.constant 16 : i32
      %mul3A_34 = arith.muli %scan3A_20, %mul3A_33 : i32
      %add3A_35 = arith.constant 1 : i32
      %add3A_36 = arith.addi %mul3A_34, %add3A_35 : i32
      %dma_start3A_37 = arith.constant 128 : i32
      %dma_start3A_38 = arith.constant 0 : i32
      %dma_start3A_39 = tpu.memref_slice %arg12[%dma_start3A_37, %dma_start3A_38] : memref<2048x16xf32, #tpu.memory_space<vmem>> -> memref<128x16xf32, #tpu.memory_space<vmem>>
      %dma_start3A_40 = arith.constant 0 : i32
      %dma_start3A_41 = tpu.memref_slice %arg9[%add3A_36, %dma_start3A_40] : memref<64x128xi32, #tpu.memory_space<vmem>> -> memref<1x128xi32, #tpu.memory_space<vmem>>
      %dma_start3A_42 = tpu.memref_squeeze %dma_start3A_41 : memref<1x128xi32, #tpu.memory_space<vmem>> -> memref<128xi32, #tpu.memory_space<vmem>>
      %dma_start3A_43 = arith.constant 0 : i32
      %dma_start3A_44 = arith.constant 0 : i32
      %dma_start3A_45 = tpu.memref_slice %arg5[%dma_start3A_43, %dma_start3A_44] : memref<1600000x16xf32, #tpu.memory_space<hbm>> -> memref<1600000x16xf32, #tpu.memory_space<hbm>>
      tpu.enqueue_indirect_dma source(%dma_start3A_45 : memref<1600000x16xf32, #tpu.memory_space<hbm>>) target(%dma_start3A_39 : memref<128x16xf32, #tpu.memory_space<vmem>>) offsets(%dma_start3A_42 : memref<128xi32, #tpu.memory_space<vmem>>) semaphore(%arg15 : memref<!tpu.dma_semaphore, #tpu.memory_space<semaphore_mem>>)
      %mul3A_46 = arith.constant 16 : i32
      %mul3A_47 = arith.muli %scan3A_20, %mul3A_46 : i32
      %add3A_48 = arith.constant 2 : i32
      %add3A_49 = arith.addi %mul3A_47, %add3A_48 : i32
      %dma_start3A_50 = arith.constant 256 : i32
      %dma_start3A_51 = arith.constant 0 : i32
      %dma_start3A_52 = tpu.memref_slice %arg12[%dma_start3A_50, %dma_start3A_51] : memref<2048x16xf32, #tpu.memory_space<vmem>> -> memref<128x16xf32, #tpu.memory_space<vmem>>
      %dma_start3A_53 = arith.constant 0 : i32
      %dma_start3A_54 = tpu.memref_slice %arg9[%add3A_49, %dma_start3A_53] : memref<64x128xi32, #tpu.memory_space<vmem>> -> memref<1x128xi32, #tpu.memory_space<vmem>>
      %dma_start3A_55 = tpu.memref_squeeze %dma_start3A_54 : memref<1x128xi32, #tpu.memory_space<vmem>> -> memref<128xi32, #tpu.memory_space<vmem>>
      %dma_start3A_56 = arith.constant 0 : i32
      %dma_start3A_57 = arith.constant 0 : i32
      %dma_start3A_58 = tpu.memref_slice %arg5[%dma_start3A_56, %dma_start3A_57] : memref<1600000x16xf32, #tpu.memory_space<hbm>> -> memref<1600000x16xf32, #tpu.memory_space<hbm>>
      tpu.enqueue_indirect_dma source(%dma_start3A_58 : memref<1600000x16xf32, #tpu.memory_space<hbm>>) target(%dma_start3A_52 : memref<128x16xf32, #tpu.memory_space<vmem>>) offsets(%dma_start3A_55 : memref<128xi32, #tpu.memory_space<vmem>>) semaphore(%arg15 : memref<!tpu.dma_semaphore, #tpu.memory_space<semaphore_mem>>)
      %mul3A_59 = arith.constant 16 : i32
      %mul3A_60 = arith.muli %scan3A_20, %mul3A_59 : i32
      %add3A_61 = arith.constant 3 : i32
      %add3A_62 = arith.addi %mul3A_60, %add3A_61 : i32
      %dma_start3A_63 = arith.constant 384 : i32
      %dma_start3A_64 = arith.constant 0 : i32
      %dma_start3A_65 = tpu.memref_slice %arg12[%dma_start3A_63, %dma_start3A_64] : memref<2048x16xf32, #tpu.memory_space<vmem>> -> memref<128x16xf32, #tpu.memory_space<vmem>>
      %dma_start3A_66 = arith.constant 0 : i32
      %dma_start3A_67 = tpu.memref_slice %arg9[%add3A_62, %dma_start3A_66] : memref<64x128xi32, #tpu.memory_space<vmem>> -> memref<1x128xi32, #tpu.memory_space<vmem>>
      %dma_start3A_68 = tpu.memref_squeeze %dma_start3A_67 : memref<1x128xi32, #tpu.memory_space<vmem>> -> memref<128xi32, #tpu.memory_space<vmem>>
      %dma_start3A_69 = arith.constant 0 : i32
      %dma_start3A_70 = arith.constant 0 : i32
      %dma_start3A_71 = tpu.memref_slice %arg5[%dma_start3A_69, %dma_start3A_70] : memref<1600000x16xf32, #tpu.memory_space<hbm>> -> memref<1600000x16xf32, #tpu.memory_space<hbm>>
      tpu.enqueue_indirect_dma source(%dma_start3A_71 : memref<1600000x16xf32, #tpu.memory_space<hbm>>) target(%dma_start3A_65 : memref<128x16xf32, #tpu.memory_space<vmem>>) offsets(%dma_start3A_68 : memref<128xi32, #tpu.memory_space<vmem>>) semaphore(%arg15 : memref<!tpu.dma_semaphore, #tpu.memory_space<semaphore_mem>>)
      %mul3A_72 = arith.constant 16 : i32
      %mul3A_73 = arith.muli %scan3A_20, %mul3A_72 : i32
      %add3A_74 = arith.constant 4 : i32
      %add3A_75 = arith.addi %mul3A_73, %add3A_74 : i32
      %dma_start3A_76 = arith.constant 512 : i32
      %dma_start3A_77 = arith.constant 0 : i32
      %dma_start3A_78 = tpu.memref_slice %arg12[%dma_start3A_76, %dma_start3A_77] : memref<2048x16xf32, #tpu.memory_space<vmem>> -> memref<128x16xf32, #tpu.memory_space<vmem>>
      %dma_start3A_79 = arith.constant 0 : i32
      %dma_start3A_80 = tpu.memref_slice %arg9[%add3A_75, %dma_start3A_79] : memref<64x128xi32, #tpu.memory_space<vmem>> -> memref<1x128xi32, #tpu.memory_space<vmem>>
      %dma_start3A_81 = tpu.memref_squeeze %dma_start3A_80 : memref<1x128xi32, #tpu.memory_space<vmem>> -> memref<128xi32, #tpu.memory_space<vmem>>
      %dma_start3A_82 = arith.constant 0 : i32
      %dma_start3A_83 = arith.constant 0 : i32
      %dma_start3A_84 = tpu.memref_slice %arg5[%dma_start3A_82, %dma_start3A_83] : memref<1600000x16xf32, #tpu.memory_space<hbm>> -> memref<1600000x16xf32, #tpu.memory_space<hbm>>
      tpu.enqueue_indirect_dma source(%dma_start3A_84 : memref<1600000x16xf32, #tpu.memory_space<hbm>>) target(%dma_start3A_78 : memref<128x16xf32, #tpu.memory_space<vmem>>) offsets(%dma_start3A_81 : memref<128xi32, #tpu.memory_space<vmem>>) semaphore(%arg15 : memref<!tpu.dma_semaphore, #tpu.memory_space<semaphore_mem>>)
      %mul3A_85 = arith.constant 16 : i32
      %mul3A_86 = arith.muli %scan3A_20, %mul3A_85 : i32
      %add3A_87 = arith.constant 5 : i32
      %add3A_88 = arith.addi %mul3A_86, %add3A_87 : i32
      %dma_start3A_89 = arith.constant 640 : i32
      %dma_start3A_90 = arith.constant 0 : i32
      %dma_start3A_91 = tpu.memref_slice %arg12[%dma_start3A_89, %dma_start3A_90] : memref<2048x16xf32, #tpu.memory_space<vmem>> -> memref<128x16xf32, #tpu.memory_space<vmem>>
      %dma_start3A_92 = arith.constant 0 : i32
      %dma_start3A_93 = tpu.memref_slice %arg9[%add3A_88, %dma_start3A_92] : memref<64x128xi32, #tpu.memory_space<vmem>> -> memref<1x128xi32, #tpu.memory_space<vmem>>
      %dma_start3A_94 = tpu.memref_squeeze %dma_start3A_93 : memref<1x128xi32, #tpu.memory_space<vmem>> -> memref<128xi32, #tpu.memory_space<vmem>>
      %dma_start3A_95 = arith.constant 0 : i32
      %dma_start3A_96 = arith.constant 0 : i32
      %dma_start3A_97 = tpu.memref_slice %arg5[%dma_start3A_95, %dma_start3A_96] : memref<1600000x16xf32, #tpu.memory_space<hbm>> -> memref<1600000x16xf32, #tpu.memory_space<hbm>>
      tpu.enqueue_indirect_dma source(%dma_start3A_97 : memref<1600000x16xf32, #tpu.memory_space<hbm>>) target(%dma_start3A_91 : memref<128x16xf32, #tpu.memory_space<vmem>>) offsets(%dma_start3A_94 : memref<128xi32, #tpu.memory_space<vmem>>) semaphore(%arg15 : memref<!tpu.dma_semaphore, #tpu.memory_space<semaphore_mem>>)
      %mul3A_98 = arith.constant 16 : i32
      %mul3A_99 = arith.muli %scan3A_20, %mul3A_98 : i32
      %add3A_100 = arith.constant 6 : i32
      %add3A_101 = arith.addi %mul3A_99, %add3A_100 : i32
      %dma_start3A_102 = arith.constant 768 : i32
      %dma_start3A_103 = arith.constant 0 : i32
      %dma_start3A_104 = tpu.memref_slice %arg12[%dma_start3A_102, %dma_start3A_103] : memref<2048x16xf32, #tpu.memory_space<vmem>> -> memref<128x16xf32, #tpu.memory_space<vmem>>
      %dma_start3A_105 = arith.constant 0 : i32
      %dma_start3A_106 = tpu.memref_slice %arg9[%add3A_101, %dma_start3A_105] : memref<64x128xi32, #tpu.memory_space<vmem>> -> memref<1x128xi32, #tpu.memory_space<vmem>>
      %dma_start3A_107 = tpu.memref_squeeze %dma_start3A_106 : memref<1x128xi32, #tpu.memory_space<vmem>> -> memref<128xi32, #tpu.memory_space<vmem>>
      %dma_start3A_108 = arith.constant 0 : i32
      %dma_start3A_109 = arith.constant 0 : i32
      %dma_start3A_110 = tpu.memref_slice %arg5[%dma_start3A_108, %dma_start3A_109] : memref<1600000x16xf32, #tpu.memory_space<hbm>> -> memref<1600000x16xf32, #tpu.memory_space<hbm>>
      tpu.enqueue_indirect_dma source(%dma_start3A_110 : memref<1600000x16xf32, #tpu.memory_space<hbm>>) target(%dma_start3A_104 : memref<128x16xf32, #tpu.memory_space<vmem>>) offsets(%dma_start3A_107 : memref<128xi32, #tpu.memory_space<vmem>>) semaphore(%arg15 : memref<!tpu.dma_semaphore, #tpu.memory_space<semaphore_mem>>)
      %mul3A_111 = arith.constant 16 : i32
      %mul3A_112 = arith.muli %scan3A_20, %mul3A_111 : i32
      %add3A_113 = arith.constant 7 : i32
      %add3A_114 = arith.addi %mul3A_112, %add3A_113 : i32
      %dma_start3A_115 = arith.constant 896 : i32
      %dma_start3A_116 = arith.constant 0 : i32
      %dma_start3A_117 = tpu.memref_slice %arg12[%dma_start3A_115, %dma_start3A_116] : memref<2048x16xf32, #tpu.memory_space<vmem>> -> memref<128x16xf32, #tpu.memory_space<vmem>>
      %dma_start3A_118 = arith.constant 0 : i32
      %dma_start3A_119 = tpu.memref_slice %arg9[%add3A_114, %dma_start3A_118] : memref<64x128xi32, #tpu.memory_space<vmem>> -> memref<1x128xi32, #tpu.memory_space<vmem>>
      %dma_start3A_120 = tpu.memref_squeeze %dma_start3A_119 : memref<1x128xi32, #tpu.memory_space<vmem>> -> memref<128xi32, #tpu.memory_space<vmem>>
      %dma_start3A_121 = arith.constant 0 : i32
      %dma_start3A_122 = arith.constant 0 : i32
      %dma_start3A_123 = tpu.memref_slice %arg5[%dma_start3A_121, %dma_start3A_122] : memref<1600000x16xf32, #tpu.memory_space<hbm>> -> memref<1600000x16xf32, #tpu.memory_space<hbm>>
      tpu.enqueue_indirect_dma source(%dma_start3A_123 : memref<1600000x16xf32, #tpu.memory_space<hbm>>) target(%dma_start3A_117 : memref<128x16xf32, #tpu.memory_space<vmem>>) offsets(%dma_start3A_120 : memref<128xi32, #tpu.memory_space<vmem>>) semaphore(%arg15 : memref<!tpu.dma_semaphore, #tpu.memory_space<semaphore_mem>>)
      %mul3A_124 = arith.constant 16 : i32
      %mul3A_125 = arith.muli %scan3A_20, %mul3A_124 : i32
      %add3A_126 = arith.constant 8 : i32
      %add3A_127 = arith.addi %mul3A_125, %add3A_126 : i32
      %dma_start3A_128 = arith.constant 1024 : i32
      %dma_start3A_129 = arith.constant 0 : i32
      %dma_start3A_130 = tpu.memref_slice %arg12[%dma_start3A_128, %dma_start3A_129] : memref<2048x16xf32, #tpu.memory_space<vmem>> -> memref<128x16xf32, #tpu.memory_space<vmem>>
      %dma_start3A_131 = arith.constant 0 : i32
      %dma_start3A_132 = tpu.memref_slice %arg9[%add3A_127, %dma_start3A_131] : memref<64x128xi32, #tpu.memory_space<vmem>> -> memref<1x128xi32, #tpu.memory_space<vmem>>
      %dma_start3A_133 = tpu.memref_squeeze %dma_start3A_132 : memref<1x128xi32, #tpu.memory_space<vmem>> -> memref<128xi32, #tpu.memory_space<vmem>>
      %dma_start3A_134 = arith.constant 0 : i32
      %dma_start3A_135 = arith.constant 0 : i32
      %dma_start3A_136 = tpu.memref_slice %arg5[%dma_start3A_134, %dma_start3A_135] : memref<1600000x16xf32, #tpu.memory_space<hbm>> -> memref<1600000x16xf32, #tpu.memory_space<hbm>>
      tpu.enqueue_indirect_dma source(%dma_start3A_136 : memref<1600000x16xf32, #tpu.memory_space<hbm>>) target(%dma_start3A_130 : memref<128x16xf32, #tpu.memory_space<vmem>>) offsets(%dma_start3A_133 : memref<128xi32, #tpu.memory_space<vmem>>) semaphore(%arg15 : memref<!tpu.dma_semaphore, #tpu.memory_space<semaphore_mem>>)
      %mul3A_137 = arith.constant 16 : i32
      %mul3A_138 = arith.muli %scan3A_20, %mul3A_137 : i32
      %add3A_139 = arith.constant 9 : i32
      %add3A_140 = arith.addi %mul3A_138, %add3A_139 : i32
      %dma_start3A_141 = arith.constant 1152 : i32
      %dma_start3A_142 = arith.constant 0 : i32
      %dma_start3A_143 = tpu.memref_slice %arg12[%dma_start3A_141, %dma_start3A_142] : memref<2048x16xf32, #tpu.memory_space<vmem>> -> memref<128x16xf32, #tpu.memory_space<vmem>>
      %dma_start3A_144 = arith.constant 0 : i32
      %dma_start3A_145 = tpu.memref_slice %arg9[%add3A_140, %dma_start3A_144] : memref<64x128xi32, #tpu.memory_space<vmem>> -> memref<1x128xi32, #tpu.memory_space<vmem>>
      %dma_start3A_146 = tpu.memref_squeeze %dma_start3A_145 : memref<1x128xi32, #tpu.memory_space<vmem>> -> memref<128xi32, #tpu.memory_space<vmem>>
      %dma_start3A_147 = arith.constant 0 : i32
      %dma_start3A_148 = arith.constant 0 : i32
      %dma_start3A_149 = tpu.memref_slice %arg5[%dma_start3A_147, %dma_start3A_148] : memref<1600000x16xf32, #tpu.memory_space<hbm>> -> memref<1600000x16xf32, #tpu.memory_space<hbm>>
      tpu.enqueue_indirect_dma source(%dma_start3A_149 : memref<1600000x16xf32, #tpu.memory_space<hbm>>) target(%dma_start3A_143 : memref<128x16xf32, #tpu.memory_space<vmem>>) offsets(%dma_start3A_146 : memref<128xi32, #tpu.memory_space<vmem>>) semaphore(%arg15 : memref<!tpu.dma_semaphore, #tpu.memory_space<semaphore_mem>>)
      %mul3A_150 = arith.constant 16 : i32
      %mul3A_151 = arith.muli %scan3A_20, %mul3A_150 : i32
      %add3A_152 = arith.constant 10 : i32
      %add3A_153 = arith.addi %mul3A_151, %add3A_152 : i32
      %dma_start3A_154 = arith.constant 1280 : i32
      %dma_start3A_155 = arith.constant 0 : i32
      %dma_start3A_156 = tpu.memref_slice %arg12[%dma_start3A_154, %dma_start3A_155] : memref<2048x16xf32, #tpu.memory_space<vmem>> -> memref<128x16xf32, #tpu.memory_space<vmem>>
      %dma_start3A_157 = arith.constant 0 : i32
      %dma_start3A_158 = tpu.memref_slice %arg9[%add3A_153, %dma_start3A_157] : memref<64x128xi32, #tpu.memory_space<vmem>> -> memref<1x128xi32, #tpu.memory_space<vmem>>
      %dma_start3A_159 = tpu.memref_squeeze %dma_start3A_158 : memref<1x128xi32, #tpu.memory_space<vmem>> -> memref<128xi32, #tpu.memory_space<vmem>>
      %dma_start3A_160 = arith.constant 0 : i32
      %dma_start3A_161 = arith.constant 0 : i32
      %dma_start3A_162 = tpu.memref_slice %arg5[%dma_start3A_160, %dma_start3A_161] : memref<1600000x16xf32, #tpu.memory_space<hbm>> -> memref<1600000x16xf32, #tpu.memory_space<hbm>>
      tpu.enqueue_indirect_dma source(%dma_start3A_162 : memref<1600000x16xf32, #tpu.memory_space<hbm>>) target(%dma_start3A_156 : memref<128x16xf32, #tpu.memory_space<vmem>>) offsets(%dma_start3A_159 : memref<128xi32, #tpu.memory_space<vmem>>) semaphore(%arg15 : memref<!tpu.dma_semaphore, #tpu.memory_space<semaphore_mem>>)
      %mul3A_163 = arith.constant 16 : i32
      %mul3A_164 = arith.muli %scan3A_20, %mul3A_163 : i32
      %add3A_165 = arith.constant 11 : i32
      %add3A_166 = arith.addi %mul3A_164, %add3A_165 : i32
      %dma_start3A_167 = arith.constant 1408 : i32
      %dma_start3A_168 = arith.constant 0 : i32
      %dma_start3A_169 = tpu.memref_slice %arg12[%dma_start3A_167, %dma_start3A_168] : memref<2048x16xf32, #tpu.memory_space<vmem>> -> memref<128x16xf32, #tpu.memory_space<vmem>>
      %dma_start3A_170 = arith.constant 0 : i32
      %dma_start3A_171 = tpu.memref_slice %arg9[%add3A_166, %dma_start3A_170] : memref<64x128xi32, #tpu.memory_space<vmem>> -> memref<1x128xi32, #tpu.memory_space<vmem>>
      %dma_start3A_172 = tpu.memref_squeeze %dma_start3A_171 : memref<1x128xi32, #tpu.memory_space<vmem>> -> memref<128xi32, #tpu.memory_space<vmem>>
      %dma_start3A_173 = arith.constant 0 : i32
      %dma_start3A_174 = arith.constant 0 : i32
      %dma_start3A_175 = tpu.memref_slice %arg5[%dma_start3A_173, %dma_start3A_174] : memref<1600000x16xf32, #tpu.memory_space<hbm>> -> memref<1600000x16xf32, #tpu.memory_space<hbm>>
      tpu.enqueue_indirect_dma source(%dma_start3A_175 : memref<1600000x16xf32, #tpu.memory_space<hbm>>) target(%dma_start3A_169 : memref<128x16xf32, #tpu.memory_space<vmem>>) offsets(%dma_start3A_172 : memref<128xi32, #tpu.memory_space<vmem>>) semaphore(%arg15 : memref<!tpu.dma_semaphore, #tpu.memory_space<semaphore_mem>>)
      %mul3A_176 = arith.constant 16 : i32
      %mul3A_177 = arith.muli %scan3A_20, %mul3A_176 : i32
      %add3A_178 = arith.constant 12 : i32
      %add3A_179 = arith.addi %mul3A_177, %add3A_178 : i32
      %dma_start3A_180 = arith.constant 1536 : i32
      %dma_start3A_181 = arith.constant 0 : i32
      %dma_start3A_182 = tpu.memref_slice %arg12[%dma_start3A_180, %dma_start3A_181] : memref<2048x16xf32, #tpu.memory_space<vmem>> -> memref<128x16xf32, #tpu.memory_space<vmem>>
      %dma_start3A_183 = arith.constant 0 : i32
      %dma_start3A_184 = tpu.memref_slice %arg9[%add3A_179, %dma_start3A_183] : memref<64x128xi32, #tpu.memory_space<vmem>> -> memref<1x128xi32, #tpu.memory_space<vmem>>
      %dma_start3A_185 = tpu.memref_squeeze %dma_start3A_184 : memref<1x128xi32, #tpu.memory_space<vmem>> -> memref<128xi32, #tpu.memory_space<vmem>>
      %dma_start3A_186 = arith.constant 0 : i32
      %dma_start3A_187 = arith.constant 0 : i32
      %dma_start3A_188 = tpu.memref_slice %arg5[%dma_start3A_186, %dma_start3A_187] : memref<1600000x16xf32, #tpu.memory_space<hbm>> -> memref<1600000x16xf32, #tpu.memory_space<hbm>>
      tpu.enqueue_indirect_dma source(%dma_start3A_188 : memref<1600000x16xf32, #tpu.memory_space<hbm>>) target(%dma_start3A_182 : memref<128x16xf32, #tpu.memory_space<vmem>>) offsets(%dma_start3A_185 : memref<128xi32, #tpu.memory_space<vmem>>) semaphore(%arg15 : memref<!tpu.dma_semaphore, #tpu.memory_space<semaphore_mem>>)
      %mul3A_189 = arith.constant 16 : i32
      %mul3A_190 = arith.muli %scan3A_20, %mul3A_189 : i32
      %add3A_191 = arith.constant 13 : i32
      %add3A_192 = arith.addi %mul3A_190, %add3A_191 : i32
      %dma_start3A_193 = arith.constant 1664 : i32
      %dma_start3A_194 = arith.constant 0 : i32
      %dma_start3A_195 = tpu.memref_slice %arg12[%dma_start3A_193, %dma_start3A_194] : memref<2048x16xf32, #tpu.memory_space<vmem>> -> memref<128x16xf32, #tpu.memory_space<vmem>>
      %dma_start3A_196 = arith.constant 0 : i32
      %dma_start3A_197 = tpu.memref_slice %arg9[%add3A_192, %dma_start3A_196] : memref<64x128xi32, #tpu.memory_space<vmem>> -> memref<1x128xi32, #tpu.memory_space<vmem>>
      %dma_start3A_198 = tpu.memref_squeeze %dma_start3A_197 : memref<1x128xi32, #tpu.memory_space<vmem>> -> memref<128xi32, #tpu.memory_space<vmem>>
      %dma_start3A_199 = arith.constant 0 : i32
      %dma_start3A_200 = arith.constant 0 : i32
      %dma_start3A_201 = tpu.memref_slice %arg5[%dma_start3A_199, %dma_start3A_200] : memref<1600000x16xf32, #tpu.memory_space<hbm>> -> memref<1600000x16xf32, #tpu.memory_space<hbm>>
      tpu.enqueue_indirect_dma source(%dma_start3A_201 : memref<1600000x16xf32, #tpu.memory_space<hbm>>) target(%dma_start3A_195 : memref<128x16xf32, #tpu.memory_space<vmem>>) offsets(%dma_start3A_198 : memref<128xi32, #tpu.memory_space<vmem>>) semaphore(%arg15 : memref<!tpu.dma_semaphore, #tpu.memory_space<semaphore_mem>>)
      %mul3A_202 = arith.constant 16 : i32
      %mul3A_203 = arith.muli %scan3A_20, %mul3A_202 : i32
      %add3A_204 = arith.constant 14 : i32
      %add3A_205 = arith.addi %mul3A_203, %add3A_204 : i32
      %dma_start3A_206 = arith.constant 1792 : i32
      %dma_start3A_207 = arith.constant 0 : i32
      %dma_start3A_208 = tpu.memref_slice %arg12[%dma_start3A_206, %dma_start3A_207] : memref<2048x16xf32, #tpu.memory_space<vmem>> -> memref<128x16xf32, #tpu.memory_space<vmem>>
      %dma_start3A_209 = arith.constant 0 : i32
      %dma_start3A_210 = tpu.memref_slice %arg9[%add3A_205, %dma_start3A_209] : memref<64x128xi32, #tpu.memory_space<vmem>> -> memref<1x128xi32, #tpu.memory_space<vmem>>
      %dma_start3A_211 = tpu.memref_squeeze %dma_start3A_210 : memref<1x128xi32, #tpu.memory_space<vmem>> -> memref<128xi32, #tpu.memory_space<vmem>>
      %dma_start3A_212 = arith.constant 0 : i32
      %dma_start3A_213 = arith.constant 0 : i32
      %dma_start3A_214 = tpu.memref_slice %arg5[%dma_start3A_212, %dma_start3A_213] : memref<1600000x16xf32, #tpu.memory_space<hbm>> -> memref<1600000x16xf32, #tpu.memory_space<hbm>>
      tpu.enqueue_indirect_dma source(%dma_start3A_214 : memref<1600000x16xf32, #tpu.memory_space<hbm>>) target(%dma_start3A_208 : memref<128x16xf32, #tpu.memory_space<vmem>>) offsets(%dma_start3A_211 : memref<128xi32, #tpu.memory_space<vmem>>) semaphore(%arg15 : memref<!tpu.dma_semaphore, #tpu.memory_space<semaphore_mem>>)
      %mul3A_215 = arith.constant 16 : i32
      %mul3A_216 = arith.muli %scan3A_20, %mul3A_215 : i32
      %add3A_217 = arith.constant 15 : i32
      %add3A_218 = arith.addi %mul3A_216, %add3A_217 : i32
      %dma_start3A_219 = arith.constant 1920 : i32
      %dma_start3A_220 = arith.constant 0 : i32
      %dma_start3A_221 = tpu.memref_slice %arg12[%dma_start3A_219, %dma_start3A_220] : memref<2048x16xf32, #tpu.memory_space<vmem>> -> memref<128x16xf32, #tpu.memory_space<vmem>>
      %dma_start3A_222 = arith.constant 0 : i32
      %dma_start3A_223 = tpu.memref_slice %arg9[%add3A_218, %dma_start3A_222] : memref<64x128xi32, #tpu.memory_space<vmem>> -> memref<1x128xi32, #tpu.memory_space<vmem>>
      %dma_start3A_224 = tpu.memref_squeeze %dma_start3A_223 : memref<1x128xi32, #tpu.memory_space<vmem>> -> memref<128xi32, #tpu.memory_space<vmem>>
      %dma_start3A_225 = arith.constant 0 : i32
      %dma_start3A_226 = arith.constant 0 : i32
      %dma_start3A_227 = tpu.memref_slice %arg5[%dma_start3A_225, %dma_start3A_226] : memref<1600000x16xf32, #tpu.memory_space<hbm>> -> memref<1600000x16xf32, #tpu.memory_space<hbm>>
      tpu.enqueue_indirect_dma source(%dma_start3A_227 : memref<1600000x16xf32, #tpu.memory_space<hbm>>) target(%dma_start3A_221 : memref<128x16xf32, #tpu.memory_space<vmem>>) offsets(%dma_start3A_224 : memref<128xi32, #tpu.memory_space<vmem>>) semaphore(%arg15 : memref<!tpu.dma_semaphore, #tpu.memory_space<semaphore_mem>>)
      %dma_wait3A = arith.constant 0 : i32
      %dma_wait3A_228 = arith.constant 0 : i32
      %dma_wait3A_229 = tpu.memref_slice %arg12[%dma_wait3A, %dma_wait3A_228] : memref<2048x16xf32, #tpu.memory_space<vmem>> -> memref<128x16xf32, #tpu.memory_space<vmem>>
      %dma_wait3A_230 = arith.constant 0 : i32
      %dma_wait3A_231 = tpu.memref_slice %arg9[%add3A_24, %dma_wait3A_230] : memref<64x128xi32, #tpu.memory_space<vmem>> -> memref<1x128xi32, #tpu.memory_space<vmem>>
      %dma_wait3A_232 = tpu.memref_squeeze %dma_wait3A_231 : memref<1x128xi32, #tpu.memory_space<vmem>> -> memref<128xi32, #tpu.memory_space<vmem>>
      %dma_wait3A_233 = arith.constant 0 : i32
      %dma_wait3A_234 = arith.constant 0 : i32
      %dma_wait3A_235 = tpu.memref_slice %arg5[%dma_wait3A_233, %dma_wait3A_234] : memref<1600000x16xf32, #tpu.memory_space<hbm>> -> memref<1600000x16xf32, #tpu.memory_space<hbm>>
      tpu.wait_indirect_dma semaphore(%arg15 : memref<!tpu.dma_semaphore, #tpu.memory_space<semaphore_mem>>) src(%dma_wait3A_235 : memref<1600000x16xf32, #tpu.memory_space<hbm>>) dst(%dma_wait3A_229 : memref<128x16xf32, #tpu.memory_space<vmem>>)
      %mul3A_236 = arith.constant 16 : i32
      %mul3A_237 = arith.muli %scan3A_20, %mul3A_236 : i32
      %add3A_238 = arith.constant 0 : i32
      %add3A_239 = arith.addi %mul3A_237, %add3A_238 : i32
      %dma_start3A_240 = arith.constant 0 : i32
      %dma_start3A_241 = arith.constant 0 : i32
      %dma_start3A_242 = tpu.memref_slice %arg12[%dma_start3A_240, %dma_start3A_241] : memref<2048x16xf32, #tpu.memory_space<vmem>> -> memref<128x16xf32, #tpu.memory_space<vmem>>
      %dma_start3A_243 = arith.constant 0 : i32
      %dma_start3A_244 = tpu.memref_slice %arg10[%add3A_239, %dma_start3A_243] : memref<64x128xi32, #tpu.memory_space<vmem>> -> memref<1x128xi32, #tpu.memory_space<vmem>>
      %dma_start3A_245 = tpu.memref_squeeze %dma_start3A_244 : memref<1x128xi32, #tpu.memory_space<vmem>> -> memref<128xi32, #tpu.memory_space<vmem>>
      %dma_start3A_246 = arith.constant 0 : i32
      %dma_start3A_247 = arith.constant 0 : i32
      %dma_start3A_248 = tpu.memref_slice %arg7[%dma_start3A_246, %dma_start3A_247] : memref<262144x16xf32, #tpu.memory_space<hbm>> -> memref<262144x16xf32, #tpu.memory_space<hbm>>
      tpu.enqueue_indirect_dma source(%dma_start3A_242 : memref<128x16xf32, #tpu.memory_space<vmem>>) target(%dma_start3A_248 : memref<262144x16xf32, #tpu.memory_space<hbm>>) offsets(%dma_start3A_245 : memref<128xi32, #tpu.memory_space<vmem>>) semaphore(%arg17 : memref<!tpu.dma_semaphore, #tpu.memory_space<semaphore_mem>>)
      %dma_wait3A_249 = arith.constant 128 : i32
      %dma_wait3A_250 = arith.constant 0 : i32
      %dma_wait3A_251 = tpu.memref_slice %arg12[%dma_wait3A_249, %dma_wait3A_250] : memref<2048x16xf32, #tpu.memory_space<vmem>> -> memref<128x16xf32, #tpu.memory_space<vmem>>
      %dma_wait3A_252 = arith.constant 0 : i32
      %dma_wait3A_253 = tpu.memref_slice %arg9[%add3A_36, %dma_wait3A_252] : memref<64x128xi32, #tpu.memory_space<vmem>> -> memref<1x128xi32, #tpu.memory_space<vmem>>
      %dma_wait3A_254 = tpu.memref_squeeze %dma_wait3A_253 : memref<1x128xi32, #tpu.memory_space<vmem>> -> memref<128xi32, #tpu.memory_space<vmem>>
      %dma_wait3A_255 = arith.constant 0 : i32
      %dma_wait3A_256 = arith.constant 0 : i32
      %dma_wait3A_257 = tpu.memref_slice %arg5[%dma_wait3A_255, %dma_wait3A_256] : memref<1600000x16xf32, #tpu.memory_space<hbm>> -> memref<1600000x16xf32, #tpu.memory_space<hbm>>
      tpu.wait_indirect_dma semaphore(%arg15 : memref<!tpu.dma_semaphore, #tpu.memory_space<semaphore_mem>>) src(%dma_wait3A_257 : memref<1600000x16xf32, #tpu.memory_space<hbm>>) dst(%dma_wait3A_251 : memref<128x16xf32, #tpu.memory_space<vmem>>)
      %mul3A_258 = arith.constant 16 : i32
      %mul3A_259 = arith.muli %scan3A_20, %mul3A_258 : i32
      %add3A_260 = arith.constant 1 : i32
      %add3A_261 = arith.addi %mul3A_259, %add3A_260 : i32
      %dma_start3A_262 = arith.constant 128 : i32
      %dma_start3A_263 = arith.constant 0 : i32
      %dma_start3A_264 = tpu.memref_slice %arg12[%dma_start3A_262, %dma_start3A_263] : memref<2048x16xf32, #tpu.memory_space<vmem>> -> memref<128x16xf32, #tpu.memory_space<vmem>>
      %dma_start3A_265 = arith.constant 0 : i32
      %dma_start3A_266 = tpu.memref_slice %arg10[%add3A_261, %dma_start3A_265] : memref<64x128xi32, #tpu.memory_space<vmem>> -> memref<1x128xi32, #tpu.memory_space<vmem>>
      %dma_start3A_267 = tpu.memref_squeeze %dma_start3A_266 : memref<1x128xi32, #tpu.memory_space<vmem>> -> memref<128xi32, #tpu.memory_space<vmem>>
      %dma_start3A_268 = arith.constant 0 : i32
      %dma_start3A_269 = arith.constant 0 : i32
      %dma_start3A_270 = tpu.memref_slice %arg7[%dma_start3A_268, %dma_start3A_269] : memref<262144x16xf32, #tpu.memory_space<hbm>> -> memref<262144x16xf32, #tpu.memory_space<hbm>>
      tpu.enqueue_indirect_dma source(%dma_start3A_264 : memref<128x16xf32, #tpu.memory_space<vmem>>) target(%dma_start3A_270 : memref<262144x16xf32, #tpu.memory_space<hbm>>) offsets(%dma_start3A_267 : memref<128xi32, #tpu.memory_space<vmem>>) semaphore(%arg17 : memref<!tpu.dma_semaphore, #tpu.memory_space<semaphore_mem>>)
      %dma_wait3A_271 = arith.constant 256 : i32
      %dma_wait3A_272 = arith.constant 0 : i32
      %dma_wait3A_273 = tpu.memref_slice %arg12[%dma_wait3A_271, %dma_wait3A_272] : memref<2048x16xf32, #tpu.memory_space<vmem>> -> memref<128x16xf32, #tpu.memory_space<vmem>>
      %dma_wait3A_274 = arith.constant 0 : i32
      %dma_wait3A_275 = tpu.memref_slice %arg9[%add3A_49, %dma_wait3A_274] : memref<64x128xi32, #tpu.memory_space<vmem>> -> memref<1x128xi32, #tpu.memory_space<vmem>>
      %dma_wait3A_276 = tpu.memref_squeeze %dma_wait3A_275 : memref<1x128xi32, #tpu.memory_space<vmem>> -> memref<128xi32, #tpu.memory_space<vmem>>
      %dma_wait3A_277 = arith.constant 0 : i32
      %dma_wait3A_278 = arith.constant 0 : i32
      %dma_wait3A_279 = tpu.memref_slice %arg5[%dma_wait3A_277, %dma_wait3A_278] : memref<1600000x16xf32, #tpu.memory_space<hbm>> -> memref<1600000x16xf32, #tpu.memory_space<hbm>>
      tpu.wait_indirect_dma semaphore(%arg15 : memref<!tpu.dma_semaphore, #tpu.memory_space<semaphore_mem>>) src(%dma_wait3A_279 : memref<1600000x16xf32, #tpu.memory_space<hbm>>) dst(%dma_wait3A_273 : memref<128x16xf32, #tpu.memory_space<vmem>>)
      %mul3A_280 = arith.constant 16 : i32
      %mul3A_281 = arith.muli %scan3A_20, %mul3A_280 : i32
      %add3A_282 = arith.constant 2 : i32
      %add3A_283 = arith.addi %mul3A_281, %add3A_282 : i32
      %dma_start3A_284 = arith.constant 256 : i32
      %dma_start3A_285 = arith.constant 0 : i32
      %dma_start3A_286 = tpu.memref_slice %arg12[%dma_start3A_284, %dma_start3A_285] : memref<2048x16xf32, #tpu.memory_space<vmem>> -> memref<128x16xf32, #tpu.memory_space<vmem>>
      %dma_start3A_287 = arith.constant 0 : i32
      %dma_start3A_288 = tpu.memref_slice %arg10[%add3A_283, %dma_start3A_287] : memref<64x128xi32, #tpu.memory_space<vmem>> -> memref<1x128xi32, #tpu.memory_space<vmem>>
      %dma_start3A_289 = tpu.memref_squeeze %dma_start3A_288 : memref<1x128xi32, #tpu.memory_space<vmem>> -> memref<128xi32, #tpu.memory_space<vmem>>
      %dma_start3A_290 = arith.constant 0 : i32
      %dma_start3A_291 = arith.constant 0 : i32
      %dma_start3A_292 = tpu.memref_slice %arg7[%dma_start3A_290, %dma_start3A_291] : memref<262144x16xf32, #tpu.memory_space<hbm>> -> memref<262144x16xf32, #tpu.memory_space<hbm>>
      tpu.enqueue_indirect_dma source(%dma_start3A_286 : memref<128x16xf32, #tpu.memory_space<vmem>>) target(%dma_start3A_292 : memref<262144x16xf32, #tpu.memory_space<hbm>>) offsets(%dma_start3A_289 : memref<128xi32, #tpu.memory_space<vmem>>) semaphore(%arg17 : memref<!tpu.dma_semaphore, #tpu.memory_space<semaphore_mem>>)
      %dma_wait3A_293 = arith.constant 384 : i32
      %dma_wait3A_294 = arith.constant 0 : i32
      %dma_wait3A_295 = tpu.memref_slice %arg12[%dma_wait3A_293, %dma_wait3A_294] : memref<2048x16xf32, #tpu.memory_space<vmem>> -> memref<128x16xf32, #tpu.memory_space<vmem>>
      %dma_wait3A_296 = arith.constant 0 : i32
      %dma_wait3A_297 = tpu.memref_slice %arg9[%add3A_62, %dma_wait3A_296] : memref<64x128xi32, #tpu.memory_space<vmem>> -> memref<1x128xi32, #tpu.memory_space<vmem>>
      %dma_wait3A_298 = tpu.memref_squeeze %dma_wait3A_297 : memref<1x128xi32, #tpu.memory_space<vmem>> -> memref<128xi32, #tpu.memory_space<vmem>>
      %dma_wait3A_299 = arith.constant 0 : i32
      %dma_wait3A_300 = arith.constant 0 : i32
      %dma_wait3A_301 = tpu.memref_slice %arg5[%dma_wait3A_299, %dma_wait3A_300] : memref<1600000x16xf32, #tpu.memory_space<hbm>> -> memref<1600000x16xf32, #tpu.memory_space<hbm>>
      tpu.wait_indirect_dma semaphore(%arg15 : memref<!tpu.dma_semaphore, #tpu.memory_space<semaphore_mem>>) src(%dma_wait3A_301 : memref<1600000x16xf32, #tpu.memory_space<hbm>>) dst(%dma_wait3A_295 : memref<128x16xf32, #tpu.memory_space<vmem>>)
      %mul3A_302 = arith.constant 16 : i32
      %mul3A_303 = arith.muli %scan3A_20, %mul3A_302 : i32
      %add3A_304 = arith.constant 3 : i32
      %add3A_305 = arith.addi %mul3A_303, %add3A_304 : i32
      %dma_start3A_306 = arith.constant 384 : i32
      %dma_start3A_307 = arith.constant 0 : i32
      %dma_start3A_308 = tpu.memref_slice %arg12[%dma_start3A_306, %dma_start3A_307] : memref<2048x16xf32, #tpu.memory_space<vmem>> -> memref<128x16xf32, #tpu.memory_space<vmem>>
      %dma_start3A_309 = arith.constant 0 : i32
      %dma_start3A_310 = tpu.memref_slice %arg10[%add3A_305, %dma_start3A_309] : memref<64x128xi32, #tpu.memory_space<vmem>> -> memref<1x128xi32, #tpu.memory_space<vmem>>
      %dma_start3A_311 = tpu.memref_squeeze %dma_start3A_310 : memref<1x128xi32, #tpu.memory_space<vmem>> -> memref<128xi32, #tpu.memory_space<vmem>>
      %dma_start3A_312 = arith.constant 0 : i32
      %dma_start3A_313 = arith.constant 0 : i32
      %dma_start3A_314 = tpu.memref_slice %arg7[%dma_start3A_312, %dma_start3A_313] : memref<262144x16xf32, #tpu.memory_space<hbm>> -> memref<262144x16xf32, #tpu.memory_space<hbm>>
      tpu.enqueue_indirect_dma source(%dma_start3A_308 : memref<128x16xf32, #tpu.memory_space<vmem>>) target(%dma_start3A_314 : memref<262144x16xf32, #tpu.memory_space<hbm>>) offsets(%dma_start3A_311 : memref<128xi32, #tpu.memory_space<vmem>>) semaphore(%arg17 : memref<!tpu.dma_semaphore, #tpu.memory_space<semaphore_mem>>)
      %dma_wait3A_315 = arith.constant 512 : i32
      %dma_wait3A_316 = arith.constant 0 : i32
      %dma_wait3A_317 = tpu.memref_slice %arg12[%dma_wait3A_315, %dma_wait3A_316] : memref<2048x16xf32, #tpu.memory_space<vmem>> -> memref<128x16xf32, #tpu.memory_space<vmem>>
      %dma_wait3A_318 = arith.constant 0 : i32
      %dma_wait3A_319 = tpu.memref_slice %arg9[%add3A_75, %dma_wait3A_318] : memref<64x128xi32, #tpu.memory_space<vmem>> -> memref<1x128xi32, #tpu.memory_space<vmem>>
      %dma_wait3A_320 = tpu.memref_squeeze %dma_wait3A_319 : memref<1x128xi32, #tpu.memory_space<vmem>> -> memref<128xi32, #tpu.memory_space<vmem>>
      %dma_wait3A_321 = arith.constant 0 : i32
      %dma_wait3A_322 = arith.constant 0 : i32
      %dma_wait3A_323 = tpu.memref_slice %arg5[%dma_wait3A_321, %dma_wait3A_322] : memref<1600000x16xf32, #tpu.memory_space<hbm>> -> memref<1600000x16xf32, #tpu.memory_space<hbm>>
      tpu.wait_indirect_dma semaphore(%arg15 : memref<!tpu.dma_semaphore, #tpu.memory_space<semaphore_mem>>) src(%dma_wait3A_323 : memref<1600000x16xf32, #tpu.memory_space<hbm>>) dst(%dma_wait3A_317 : memref<128x16xf32, #tpu.memory_space<vmem>>)
      %mul3A_324 = arith.constant 16 : i32
      %mul3A_325 = arith.muli %scan3A_20, %mul3A_324 : i32
      %add3A_326 = arith.constant 4 : i32
      %add3A_327 = arith.addi %mul3A_325, %add3A_326 : i32
      %dma_start3A_328 = arith.constant 512 : i32
      %dma_start3A_329 = arith.constant 0 : i32
      %dma_start3A_330 = tpu.memref_slice %arg12[%dma_start3A_328, %dma_start3A_329] : memref<2048x16xf32, #tpu.memory_space<vmem>> -> memref<128x16xf32, #tpu.memory_space<vmem>>
      %dma_start3A_331 = arith.constant 0 : i32
      %dma_start3A_332 = tpu.memref_slice %arg10[%add3A_327, %dma_start3A_331] : memref<64x128xi32, #tpu.memory_space<vmem>> -> memref<1x128xi32, #tpu.memory_space<vmem>>
      %dma_start3A_333 = tpu.memref_squeeze %dma_start3A_332 : memref<1x128xi32, #tpu.memory_space<vmem>> -> memref<128xi32, #tpu.memory_space<vmem>>
      %dma_start3A_334 = arith.constant 0 : i32
      %dma_start3A_335 = arith.constant 0 : i32
      %dma_start3A_336 = tpu.memref_slice %arg7[%dma_start3A_334, %dma_start3A_335] : memref<262144x16xf32, #tpu.memory_space<hbm>> -> memref<262144x16xf32, #tpu.memory_space<hbm>>
      tpu.enqueue_indirect_dma source(%dma_start3A_330 : memref<128x16xf32, #tpu.memory_space<vmem>>) target(%dma_start3A_336 : memref<262144x16xf32, #tpu.memory_space<hbm>>) offsets(%dma_start3A_333 : memref<128xi32, #tpu.memory_space<vmem>>) semaphore(%arg17 : memref<!tpu.dma_semaphore, #tpu.memory_space<semaphore_mem>>)
      %dma_wait3A_337 = arith.constant 640 : i32
      %dma_wait3A_338 = arith.constant 0 : i32
      %dma_wait3A_339 = tpu.memref_slice %arg12[%dma_wait3A_337, %dma_wait3A_338] : memref<2048x16xf32, #tpu.memory_space<vmem>> -> memref<128x16xf32, #tpu.memory_space<vmem>>
      %dma_wait3A_340 = arith.constant 0 : i32
      %dma_wait3A_341 = tpu.memref_slice %arg9[%add3A_88, %dma_wait3A_340] : memref<64x128xi32, #tpu.memory_space<vmem>> -> memref<1x128xi32, #tpu.memory_space<vmem>>
      %dma_wait3A_342 = tpu.memref_squeeze %dma_wait3A_341 : memref<1x128xi32, #tpu.memory_space<vmem>> -> memref<128xi32, #tpu.memory_space<vmem>>
      %dma_wait3A_343 = arith.constant 0 : i32
      %dma_wait3A_344 = arith.constant 0 : i32
      %dma_wait3A_345 = tpu.memref_slice %arg5[%dma_wait3A_343, %dma_wait3A_344] : memref<1600000x16xf32, #tpu.memory_space<hbm>> -> memref<1600000x16xf32, #tpu.memory_space<hbm>>
      tpu.wait_indirect_dma semaphore(%arg15 : memref<!tpu.dma_semaphore, #tpu.memory_space<semaphore_mem>>) src(%dma_wait3A_345 : memref<1600000x16xf32, #tpu.memory_space<hbm>>) dst(%dma_wait3A_339 : memref<128x16xf32, #tpu.memory_space<vmem>>)
      %mul3A_346 = arith.constant 16 : i32
      %mul3A_347 = arith.muli %scan3A_20, %mul3A_346 : i32
      %add3A_348 = arith.constant 5 : i32
      %add3A_349 = arith.addi %mul3A_347, %add3A_348 : i32
      %dma_start3A_350 = arith.constant 640 : i32
      %dma_start3A_351 = arith.constant 0 : i32
      %dma_start3A_352 = tpu.memref_slice %arg12[%dma_start3A_350, %dma_start3A_351] : memref<2048x16xf32, #tpu.memory_space<vmem>> -> memref<128x16xf32, #tpu.memory_space<vmem>>
      %dma_start3A_353 = arith.constant 0 : i32
      %dma_start3A_354 = tpu.memref_slice %arg10[%add3A_349, %dma_start3A_353] : memref<64x128xi32, #tpu.memory_space<vmem>> -> memref<1x128xi32, #tpu.memory_space<vmem>>
      %dma_start3A_355 = tpu.memref_squeeze %dma_start3A_354 : memref<1x128xi32, #tpu.memory_space<vmem>> -> memref<128xi32, #tpu.memory_space<vmem>>
      %dma_start3A_356 = arith.constant 0 : i32
      %dma_start3A_357 = arith.constant 0 : i32
      %dma_start3A_358 = tpu.memref_slice %arg7[%dma_start3A_356, %dma_start3A_357] : memref<262144x16xf32, #tpu.memory_space<hbm>> -> memref<262144x16xf32, #tpu.memory_space<hbm>>
      tpu.enqueue_indirect_dma source(%dma_start3A_352 : memref<128x16xf32, #tpu.memory_space<vmem>>) target(%dma_start3A_358 : memref<262144x16xf32, #tpu.memory_space<hbm>>) offsets(%dma_start3A_355 : memref<128xi32, #tpu.memory_space<vmem>>) semaphore(%arg17 : memref<!tpu.dma_semaphore, #tpu.memory_space<semaphore_mem>>)
      %dma_wait3A_359 = arith.constant 768 : i32
      %dma_wait3A_360 = arith.constant 0 : i32
      %dma_wait3A_361 = tpu.memref_slice %arg12[%dma_wait3A_359, %dma_wait3A_360] : memref<2048x16xf32, #tpu.memory_space<vmem>> -> memref<128x16xf32, #tpu.memory_space<vmem>>
      %dma_wait3A_362 = arith.constant 0 : i32
      %dma_wait3A_363 = tpu.memref_slice %arg9[%add3A_101, %dma_wait3A_362] : memref<64x128xi32, #tpu.memory_space<vmem>> -> memref<1x128xi32, #tpu.memory_space<vmem>>
      %dma_wait3A_364 = tpu.memref_squeeze %dma_wait3A_363 : memref<1x128xi32, #tpu.memory_space<vmem>> -> memref<128xi32, #tpu.memory_space<vmem>>
      %dma_wait3A_365 = arith.constant 0 : i32
      %dma_wait3A_366 = arith.constant 0 : i32
      %dma_wait3A_367 = tpu.memref_slice %arg5[%dma_wait3A_365, %dma_wait3A_366] : memref<1600000x16xf32, #tpu.memory_space<hbm>> -> memref<1600000x16xf32, #tpu.memory_space<hbm>>
      tpu.wait_indirect_dma semaphore(%arg15 : memref<!tpu.dma_semaphore, #tpu.memory_space<semaphore_mem>>) src(%dma_wait3A_367 : memref<1600000x16xf32, #tpu.memory_space<hbm>>) dst(%dma_wait3A_361 : memref<128x16xf32, #tpu.memory_space<vmem>>)
      %mul3A_368 = arith.constant 16 : i32
      %mul3A_369 = arith.muli %scan3A_20, %mul3A_368 : i32
      %add3A_370 = arith.constant 6 : i32
      %add3A_371 = arith.addi %mul3A_369, %add3A_370 : i32
      %dma_start3A_372 = arith.constant 768 : i32
      %dma_start3A_373 = arith.constant 0 : i32
      %dma_start3A_374 = tpu.memref_slice %arg12[%dma_start3A_372, %dma_start3A_373] : memref<2048x16xf32, #tpu.memory_space<vmem>> -> memref<128x16xf32, #tpu.memory_space<vmem>>
      %dma_start3A_375 = arith.constant 0 : i32
      %dma_start3A_376 = tpu.memref_slice %arg10[%add3A_371, %dma_start3A_375] : memref<64x128xi32, #tpu.memory_space<vmem>> -> memref<1x128xi32, #tpu.memory_space<vmem>>
      %dma_start3A_377 = tpu.memref_squeeze %dma_start3A_376 : memref<1x128xi32, #tpu.memory_space<vmem>> -> memref<128xi32, #tpu.memory_space<vmem>>
      %dma_start3A_378 = arith.constant 0 : i32
      %dma_start3A_379 = arith.constant 0 : i32
      %dma_start3A_380 = tpu.memref_slice %arg7[%dma_start3A_378, %dma_start3A_379] : memref<262144x16xf32, #tpu.memory_space<hbm>> -> memref<262144x16xf32, #tpu.memory_space<hbm>>
      tpu.enqueue_indirect_dma source(%dma_start3A_374 : memref<128x16xf32, #tpu.memory_space<vmem>>) target(%dma_start3A_380 : memref<262144x16xf32, #tpu.memory_space<hbm>>) offsets(%dma_start3A_377 : memref<128xi32, #tpu.memory_space<vmem>>) semaphore(%arg17 : memref<!tpu.dma_semaphore, #tpu.memory_space<semaphore_mem>>)
      %dma_wait3A_381 = arith.constant 896 : i32
      %dma_wait3A_382 = arith.constant 0 : i32
      %dma_wait3A_383 = tpu.memref_slice %arg12[%dma_wait3A_381, %dma_wait3A_382] : memref<2048x16xf32, #tpu.memory_space<vmem>> -> memref<128x16xf32, #tpu.memory_space<vmem>>
      %dma_wait3A_384 = arith.constant 0 : i32
      %dma_wait3A_385 = tpu.memref_slice %arg9[%add3A_114, %dma_wait3A_384] : memref<64x128xi32, #tpu.memory_space<vmem>> -> memref<1x128xi32, #tpu.memory_space<vmem>>
      %dma_wait3A_386 = tpu.memref_squeeze %dma_wait3A_385 : memref<1x128xi32, #tpu.memory_space<vmem>> -> memref<128xi32, #tpu.memory_space<vmem>>
      %dma_wait3A_387 = arith.constant 0 : i32
      %dma_wait3A_388 = arith.constant 0 : i32
      %dma_wait3A_389 = tpu.memref_slice %arg5[%dma_wait3A_387, %dma_wait3A_388] : memref<1600000x16xf32, #tpu.memory_space<hbm>> -> memref<1600000x16xf32, #tpu.memory_space<hbm>>
      tpu.wait_indirect_dma semaphore(%arg15 : memref<!tpu.dma_semaphore, #tpu.memory_space<semaphore_mem>>) src(%dma_wait3A_389 : memref<1600000x16xf32, #tpu.memory_space<hbm>>) dst(%dma_wait3A_383 : memref<128x16xf32, #tpu.memory_space<vmem>>)
      %mul3A_390 = arith.constant 16 : i32
      %mul3A_391 = arith.muli %scan3A_20, %mul3A_390 : i32
      %add3A_392 = arith.constant 7 : i32
      %add3A_393 = arith.addi %mul3A_391, %add3A_392 : i32
      %dma_start3A_394 = arith.constant 896 : i32
      %dma_start3A_395 = arith.constant 0 : i32
      %dma_start3A_396 = tpu.memref_slice %arg12[%dma_start3A_394, %dma_start3A_395] : memref<2048x16xf32, #tpu.memory_space<vmem>> -> memref<128x16xf32, #tpu.memory_space<vmem>>
      %dma_start3A_397 = arith.constant 0 : i32
      %dma_start3A_398 = tpu.memref_slice %arg10[%add3A_393, %dma_start3A_397] : memref<64x128xi32, #tpu.memory_space<vmem>> -> memref<1x128xi32, #tpu.memory_space<vmem>>
      %dma_start3A_399 = tpu.memref_squeeze %dma_start3A_398 : memref<1x128xi32, #tpu.memory_space<vmem>> -> memref<128xi32, #tpu.memory_space<vmem>>
      %dma_start3A_400 = arith.constant 0 : i32
      %dma_start3A_401 = arith.constant 0 : i32
      %dma_start3A_402 = tpu.memref_slice %arg7[%dma_start3A_400, %dma_start3A_401] : memref<262144x16xf32, #tpu.memory_space<hbm>> -> memref<262144x16xf32, #tpu.memory_space<hbm>>
      tpu.enqueue_indirect_dma source(%dma_start3A_396 : memref<128x16xf32, #tpu.memory_space<vmem>>) target(%dma_start3A_402 : memref<262144x16xf32, #tpu.memory_space<hbm>>) offsets(%dma_start3A_399 : memref<128xi32, #tpu.memory_space<vmem>>) semaphore(%arg17 : memref<!tpu.dma_semaphore, #tpu.memory_space<semaphore_mem>>)
      %dma_wait3A_403 = arith.constant 1024 : i32
      %dma_wait3A_404 = arith.constant 0 : i32
      %dma_wait3A_405 = tpu.memref_slice %arg12[%dma_wait3A_403, %dma_wait3A_404] : memref<2048x16xf32, #tpu.memory_space<vmem>> -> memref<128x16xf32, #tpu.memory_space<vmem>>
      %dma_wait3A_406 = arith.constant 0 : i32
      %dma_wait3A_407 = tpu.memref_slice %arg9[%add3A_127, %dma_wait3A_406] : memref<64x128xi32, #tpu.memory_space<vmem>> -> memref<1x128xi32, #tpu.memory_space<vmem>>
      %dma_wait3A_408 = tpu.memref_squeeze %dma_wait3A_407 : memref<1x128xi32, #tpu.memory_space<vmem>> -> memref<128xi32, #tpu.memory_space<vmem>>
      %dma_wait3A_409 = arith.constant 0 : i32
      %dma_wait3A_410 = arith.constant 0 : i32
      %dma_wait3A_411 = tpu.memref_slice %arg5[%dma_wait3A_409, %dma_wait3A_410] : memref<1600000x16xf32, #tpu.memory_space<hbm>> -> memref<1600000x16xf32, #tpu.memory_space<hbm>>
      tpu.wait_indirect_dma semaphore(%arg15 : memref<!tpu.dma_semaphore, #tpu.memory_space<semaphore_mem>>) src(%dma_wait3A_411 : memref<1600000x16xf32, #tpu.memory_space<hbm>>) dst(%dma_wait3A_405 : memref<128x16xf32, #tpu.memory_space<vmem>>)
      %mul3A_412 = arith.constant 16 : i32
      %mul3A_413 = arith.muli %scan3A_20, %mul3A_412 : i32
      %add3A_414 = arith.constant 8 : i32
      %add3A_415 = arith.addi %mul3A_413, %add3A_414 : i32
      %dma_start3A_416 = arith.constant 1024 : i32
      %dma_start3A_417 = arith.constant 0 : i32
      %dma_start3A_418 = tpu.memref_slice %arg12[%dma_start3A_416, %dma_start3A_417] : memref<2048x16xf32, #tpu.memory_space<vmem>> -> memref<128x16xf32, #tpu.memory_space<vmem>>
      %dma_start3A_419 = arith.constant 0 : i32
      %dma_start3A_420 = tpu.memref_slice %arg10[%add3A_415, %dma_start3A_419] : memref<64x128xi32, #tpu.memory_space<vmem>> -> memref<1x128xi32, #tpu.memory_space<vmem>>
      %dma_start3A_421 = tpu.memref_squeeze %dma_start3A_420 : memref<1x128xi32, #tpu.memory_space<vmem>> -> memref<128xi32, #tpu.memory_space<vmem>>
      %dma_start3A_422 = arith.constant 0 : i32
      %dma_start3A_423 = arith.constant 0 : i32
      %dma_start3A_424 = tpu.memref_slice %arg7[%dma_start3A_422, %dma_start3A_423] : memref<262144x16xf32, #tpu.memory_space<hbm>> -> memref<262144x16xf32, #tpu.memory_space<hbm>>
      tpu.enqueue_indirect_dma source(%dma_start3A_418 : memref<128x16xf32, #tpu.memory_space<vmem>>) target(%dma_start3A_424 : memref<262144x16xf32, #tpu.memory_space<hbm>>) offsets(%dma_start3A_421 : memref<128xi32, #tpu.memory_space<vmem>>) semaphore(%arg17 : memref<!tpu.dma_semaphore, #tpu.memory_space<semaphore_mem>>)
      %dma_wait3A_425 = arith.constant 1152 : i32
      %dma_wait3A_426 = arith.constant 0 : i32
      %dma_wait3A_427 = tpu.memref_slice %arg12[%dma_wait3A_425, %dma_wait3A_426] : memref<2048x16xf32, #tpu.memory_space<vmem>> -> memref<128x16xf32, #tpu.memory_space<vmem>>
      %dma_wait3A_428 = arith.constant 0 : i32
      %dma_wait3A_429 = tpu.memref_slice %arg9[%add3A_140, %dma_wait3A_428] : memref<64x128xi32, #tpu.memory_space<vmem>> -> memref<1x128xi32, #tpu.memory_space<vmem>>
      %dma_wait3A_430 = tpu.memref_squeeze %dma_wait3A_429 : memref<1x128xi32, #tpu.memory_space<vmem>> -> memref<128xi32, #tpu.memory_space<vmem>>
      %dma_wait3A_431 = arith.constant 0 : i32
      %dma_wait3A_432 = arith.constant 0 : i32
      %dma_wait3A_433 = tpu.memref_slice %arg5[%dma_wait3A_431, %dma_wait3A_432] : memref<1600000x16xf32, #tpu.memory_space<hbm>> -> memref<1600000x16xf32, #tpu.memory_space<hbm>>
      tpu.wait_indirect_dma semaphore(%arg15 : memref<!tpu.dma_semaphore, #tpu.memory_space<semaphore_mem>>) src(%dma_wait3A_433 : memref<1600000x16xf32, #tpu.memory_space<hbm>>) dst(%dma_wait3A_427 : memref<128x16xf32, #tpu.memory_space<vmem>>)
      %mul3A_434 = arith.constant 16 : i32
      %mul3A_435 = arith.muli %scan3A_20, %mul3A_434 : i32
      %add3A_436 = arith.constant 9 : i32
      %add3A_437 = arith.addi %mul3A_435, %add3A_436 : i32
      %dma_start3A_438 = arith.constant 1152 : i32
      %dma_start3A_439 = arith.constant 0 : i32
      %dma_start3A_440 = tpu.memref_slice %arg12[%dma_start3A_438, %dma_start3A_439] : memref<2048x16xf32, #tpu.memory_space<vmem>> -> memref<128x16xf32, #tpu.memory_space<vmem>>
      %dma_start3A_441 = arith.constant 0 : i32
      %dma_start3A_442 = tpu.memref_slice %arg10[%add3A_437, %dma_start3A_441] : memref<64x128xi32, #tpu.memory_space<vmem>> -> memref<1x128xi32, #tpu.memory_space<vmem>>
      %dma_start3A_443 = tpu.memref_squeeze %dma_start3A_442 : memref<1x128xi32, #tpu.memory_space<vmem>> -> memref<128xi32, #tpu.memory_space<vmem>>
      %dma_start3A_444 = arith.constant 0 : i32
      %dma_start3A_445 = arith.constant 0 : i32
      %dma_start3A_446 = tpu.memref_slice %arg7[%dma_start3A_444, %dma_start3A_445] : memref<262144x16xf32, #tpu.memory_space<hbm>> -> memref<262144x16xf32, #tpu.memory_space<hbm>>
      tpu.enqueue_indirect_dma source(%dma_start3A_440 : memref<128x16xf32, #tpu.memory_space<vmem>>) target(%dma_start3A_446 : memref<262144x16xf32, #tpu.memory_space<hbm>>) offsets(%dma_start3A_443 : memref<128xi32, #tpu.memory_space<vmem>>) semaphore(%arg17 : memref<!tpu.dma_semaphore, #tpu.memory_space<semaphore_mem>>)
      %dma_wait3A_447 = arith.constant 1280 : i32
      %dma_wait3A_448 = arith.constant 0 : i32
      %dma_wait3A_449 = tpu.memref_slice %arg12[%dma_wait3A_447, %dma_wait3A_448] : memref<2048x16xf32, #tpu.memory_space<vmem>> -> memref<128x16xf32, #tpu.memory_space<vmem>>
      %dma_wait3A_450 = arith.constant 0 : i32
      %dma_wait3A_451 = tpu.memref_slice %arg9[%add3A_153, %dma_wait3A_450] : memref<64x128xi32, #tpu.memory_space<vmem>> -> memref<1x128xi32, #tpu.memory_space<vmem>>
      %dma_wait3A_452 = tpu.memref_squeeze %dma_wait3A_451 : memref<1x128xi32, #tpu.memory_space<vmem>> -> memref<128xi32, #tpu.memory_space<vmem>>
      %dma_wait3A_453 = arith.constant 0 : i32
      %dma_wait3A_454 = arith.constant 0 : i32
      %dma_wait3A_455 = tpu.memref_slice %arg5[%dma_wait3A_453, %dma_wait3A_454] : memref<1600000x16xf32, #tpu.memory_space<hbm>> -> memref<1600000x16xf32, #tpu.memory_space<hbm>>
      tpu.wait_indirect_dma semaphore(%arg15 : memref<!tpu.dma_semaphore, #tpu.memory_space<semaphore_mem>>) src(%dma_wait3A_455 : memref<1600000x16xf32, #tpu.memory_space<hbm>>) dst(%dma_wait3A_449 : memref<128x16xf32, #tpu.memory_space<vmem>>)
      %mul3A_456 = arith.constant 16 : i32
      %mul3A_457 = arith.muli %scan3A_20, %mul3A_456 : i32
      %add3A_458 = arith.constant 10 : i32
      %add3A_459 = arith.addi %mul3A_457, %add3A_458 : i32
      %dma_start3A_460 = arith.constant 1280 : i32
      %dma_start3A_461 = arith.constant 0 : i32
      %dma_start3A_462 = tpu.memref_slice %arg12[%dma_start3A_460, %dma_start3A_461] : memref<2048x16xf32, #tpu.memory_space<vmem>> -> memref<128x16xf32, #tpu.memory_space<vmem>>
      %dma_start3A_463 = arith.constant 0 : i32
      %dma_start3A_464 = tpu.memref_slice %arg10[%add3A_459, %dma_start3A_463] : memref<64x128xi32, #tpu.memory_space<vmem>> -> memref<1x128xi32, #tpu.memory_space<vmem>>
      %dma_start3A_465 = tpu.memref_squeeze %dma_start3A_464 : memref<1x128xi32, #tpu.memory_space<vmem>> -> memref<128xi32, #tpu.memory_space<vmem>>
      %dma_start3A_466 = arith.constant 0 : i32
      %dma_start3A_467 = arith.constant 0 : i32
      %dma_start3A_468 = tpu.memref_slice %arg7[%dma_start3A_466, %dma_start3A_467] : memref<262144x16xf32, #tpu.memory_space<hbm>> -> memref<262144x16xf32, #tpu.memory_space<hbm>>
      tpu.enqueue_indirect_dma source(%dma_start3A_462 : memref<128x16xf32, #tpu.memory_space<vmem>>) target(%dma_start3A_468 : memref<262144x16xf32, #tpu.memory_space<hbm>>) offsets(%dma_start3A_465 : memref<128xi32, #tpu.memory_space<vmem>>) semaphore(%arg17 : memref<!tpu.dma_semaphore, #tpu.memory_space<semaphore_mem>>)
      %dma_wait3A_469 = arith.constant 1408 : i32
      %dma_wait3A_470 = arith.constant 0 : i32
      %dma_wait3A_471 = tpu.memref_slice %arg12[%dma_wait3A_469, %dma_wait3A_470] : memref<2048x16xf32, #tpu.memory_space<vmem>> -> memref<128x16xf32, #tpu.memory_space<vmem>>
      %dma_wait3A_472 = arith.constant 0 : i32
      %dma_wait3A_473 = tpu.memref_slice %arg9[%add3A_166, %dma_wait3A_472] : memref<64x128xi32, #tpu.memory_space<vmem>> -> memref<1x128xi32, #tpu.memory_space<vmem>>
      %dma_wait3A_474 = tpu.memref_squeeze %dma_wait3A_473 : memref<1x128xi32, #tpu.memory_space<vmem>> -> memref<128xi32, #tpu.memory_space<vmem>>
      %dma_wait3A_475 = arith.constant 0 : i32
      %dma_wait3A_476 = arith.constant 0 : i32
      %dma_wait3A_477 = tpu.memref_slice %arg5[%dma_wait3A_475, %dma_wait3A_476] : memref<1600000x16xf32, #tpu.memory_space<hbm>> -> memref<1600000x16xf32, #tpu.memory_space<hbm>>
      tpu.wait_indirect_dma semaphore(%arg15 : memref<!tpu.dma_semaphore, #tpu.memory_space<semaphore_mem>>) src(%dma_wait3A_477 : memref<1600000x16xf32, #tpu.memory_space<hbm>>) dst(%dma_wait3A_471 : memref<128x16xf32, #tpu.memory_space<vmem>>)
      %mul3A_478 = arith.constant 16 : i32
      %mul3A_479 = arith.muli %scan3A_20, %mul3A_478 : i32
      %add3A_480 = arith.constant 11 : i32
      %add3A_481 = arith.addi %mul3A_479, %add3A_480 : i32
      %dma_start3A_482 = arith.constant 1408 : i32
      %dma_start3A_483 = arith.constant 0 : i32
      %dma_start3A_484 = tpu.memref_slice %arg12[%dma_start3A_482, %dma_start3A_483] : memref<2048x16xf32, #tpu.memory_space<vmem>> -> memref<128x16xf32, #tpu.memory_space<vmem>>
      %dma_start3A_485 = arith.constant 0 : i32
      %dma_start3A_486 = tpu.memref_slice %arg10[%add3A_481, %dma_start3A_485] : memref<64x128xi32, #tpu.memory_space<vmem>> -> memref<1x128xi32, #tpu.memory_space<vmem>>
      %dma_start3A_487 = tpu.memref_squeeze %dma_start3A_486 : memref<1x128xi32, #tpu.memory_space<vmem>> -> memref<128xi32, #tpu.memory_space<vmem>>
      %dma_start3A_488 = arith.constant 0 : i32
      %dma_start3A_489 = arith.constant 0 : i32
      %dma_start3A_490 = tpu.memref_slice %arg7[%dma_start3A_488, %dma_start3A_489] : memref<262144x16xf32, #tpu.memory_space<hbm>> -> memref<262144x16xf32, #tpu.memory_space<hbm>>
      tpu.enqueue_indirect_dma source(%dma_start3A_484 : memref<128x16xf32, #tpu.memory_space<vmem>>) target(%dma_start3A_490 : memref<262144x16xf32, #tpu.memory_space<hbm>>) offsets(%dma_start3A_487 : memref<128xi32, #tpu.memory_space<vmem>>) semaphore(%arg17 : memref<!tpu.dma_semaphore, #tpu.memory_space<semaphore_mem>>)
      %dma_wait3A_491 = arith.constant 1536 : i32
      %dma_wait3A_492 = arith.constant 0 : i32
      %dma_wait3A_493 = tpu.memref_slice %arg12[%dma_wait3A_491, %dma_wait3A_492] : memref<2048x16xf32, #tpu.memory_space<vmem>> -> memref<128x16xf32, #tpu.memory_space<vmem>>
      %dma_wait3A_494 = arith.constant 0 : i32
      %dma_wait3A_495 = tpu.memref_slice %arg9[%add3A_179, %dma_wait3A_494] : memref<64x128xi32, #tpu.memory_space<vmem>> -> memref<1x128xi32, #tpu.memory_space<vmem>>
      %dma_wait3A_496 = tpu.memref_squeeze %dma_wait3A_495 : memref<1x128xi32, #tpu.memory_space<vmem>> -> memref<128xi32, #tpu.memory_space<vmem>>
      %dma_wait3A_497 = arith.constant 0 : i32
      %dma_wait3A_498 = arith.constant 0 : i32
      %dma_wait3A_499 = tpu.memref_slice %arg5[%dma_wait3A_497, %dma_wait3A_498] : memref<1600000x16xf32, #tpu.memory_space<hbm>> -> memref<1600000x16xf32, #tpu.memory_space<hbm>>
      tpu.wait_indirect_dma semaphore(%arg15 : memref<!tpu.dma_semaphore, #tpu.memory_space<semaphore_mem>>) src(%dma_wait3A_499 : memref<1600000x16xf32, #tpu.memory_space<hbm>>) dst(%dma_wait3A_493 : memref<128x16xf32, #tpu.memory_space<vmem>>)
      %mul3A_500 = arith.constant 16 : i32
      %mul3A_501 = arith.muli %scan3A_20, %mul3A_500 : i32
      %add3A_502 = arith.constant 12 : i32
      %add3A_503 = arith.addi %mul3A_501, %add3A_502 : i32
      %dma_start3A_504 = arith.constant 1536 : i32
      %dma_start3A_505 = arith.constant 0 : i32
      %dma_start3A_506 = tpu.memref_slice %arg12[%dma_start3A_504, %dma_start3A_505] : memref<2048x16xf32, #tpu.memory_space<vmem>> -> memref<128x16xf32, #tpu.memory_space<vmem>>
      %dma_start3A_507 = arith.constant 0 : i32
      %dma_start3A_508 = tpu.memref_slice %arg10[%add3A_503, %dma_start3A_507] : memref<64x128xi32, #tpu.memory_space<vmem>> -> memref<1x128xi32, #tpu.memory_space<vmem>>
      %dma_start3A_509 = tpu.memref_squeeze %dma_start3A_508 : memref<1x128xi32, #tpu.memory_space<vmem>> -> memref<128xi32, #tpu.memory_space<vmem>>
      %dma_start3A_510 = arith.constant 0 : i32
      %dma_start3A_511 = arith.constant 0 : i32
      %dma_start3A_512 = tpu.memref_slice %arg7[%dma_start3A_510, %dma_start3A_511] : memref<262144x16xf32, #tpu.memory_space<hbm>> -> memref<262144x16xf32, #tpu.memory_space<hbm>>
      tpu.enqueue_indirect_dma source(%dma_start3A_506 : memref<128x16xf32, #tpu.memory_space<vmem>>) target(%dma_start3A_512 : memref<262144x16xf32, #tpu.memory_space<hbm>>) offsets(%dma_start3A_509 : memref<128xi32, #tpu.memory_space<vmem>>) semaphore(%arg17 : memref<!tpu.dma_semaphore, #tpu.memory_space<semaphore_mem>>)
      %dma_wait3A_513 = arith.constant 1664 : i32
      %dma_wait3A_514 = arith.constant 0 : i32
      %dma_wait3A_515 = tpu.memref_slice %arg12[%dma_wait3A_513, %dma_wait3A_514] : memref<2048x16xf32, #tpu.memory_space<vmem>> -> memref<128x16xf32, #tpu.memory_space<vmem>>
      %dma_wait3A_516 = arith.constant 0 : i32
      %dma_wait3A_517 = tpu.memref_slice %arg9[%add3A_192, %dma_wait3A_516] : memref<64x128xi32, #tpu.memory_space<vmem>> -> memref<1x128xi32, #tpu.memory_space<vmem>>
      %dma_wait3A_518 = tpu.memref_squeeze %dma_wait3A_517 : memref<1x128xi32, #tpu.memory_space<vmem>> -> memref<128xi32, #tpu.memory_space<vmem>>
      %dma_wait3A_519 = arith.constant 0 : i32
      %dma_wait3A_520 = arith.constant 0 : i32
      %dma_wait3A_521 = tpu.memref_slice %arg5[%dma_wait3A_519, %dma_wait3A_520] : memref<1600000x16xf32, #tpu.memory_space<hbm>> -> memref<1600000x16xf32, #tpu.memory_space<hbm>>
      tpu.wait_indirect_dma semaphore(%arg15 : memref<!tpu.dma_semaphore, #tpu.memory_space<semaphore_mem>>) src(%dma_wait3A_521 : memref<1600000x16xf32, #tpu.memory_space<hbm>>) dst(%dma_wait3A_515 : memref<128x16xf32, #tpu.memory_space<vmem>>)
      %mul3A_522 = arith.constant 16 : i32
      %mul3A_523 = arith.muli %scan3A_20, %mul3A_522 : i32
      %add3A_524 = arith.constant 13 : i32
      %add3A_525 = arith.addi %mul3A_523, %add3A_524 : i32
      %dma_start3A_526 = arith.constant 1664 : i32
      %dma_start3A_527 = arith.constant 0 : i32
      %dma_start3A_528 = tpu.memref_slice %arg12[%dma_start3A_526, %dma_start3A_527] : memref<2048x16xf32, #tpu.memory_space<vmem>> -> memref<128x16xf32, #tpu.memory_space<vmem>>
      %dma_start3A_529 = arith.constant 0 : i32
      %dma_start3A_530 = tpu.memref_slice %arg10[%add3A_525, %dma_start3A_529] : memref<64x128xi32, #tpu.memory_space<vmem>> -> memref<1x128xi32, #tpu.memory_space<vmem>>
      %dma_start3A_531 = tpu.memref_squeeze %dma_start3A_530 : memref<1x128xi32, #tpu.memory_space<vmem>> -> memref<128xi32, #tpu.memory_space<vmem>>
      %dma_start3A_532 = arith.constant 0 : i32
      %dma_start3A_533 = arith.constant 0 : i32
      %dma_start3A_534 = tpu.memref_slice %arg7[%dma_start3A_532, %dma_start3A_533] : memref<262144x16xf32, #tpu.memory_space<hbm>> -> memref<262144x16xf32, #tpu.memory_space<hbm>>
      tpu.enqueue_indirect_dma source(%dma_start3A_528 : memref<128x16xf32, #tpu.memory_space<vmem>>) target(%dma_start3A_534 : memref<262144x16xf32, #tpu.memory_space<hbm>>) offsets(%dma_start3A_531 : memref<128xi32, #tpu.memory_space<vmem>>) semaphore(%arg17 : memref<!tpu.dma_semaphore, #tpu.memory_space<semaphore_mem>>)
      %dma_wait3A_535 = arith.constant 1792 : i32
      %dma_wait3A_536 = arith.constant 0 : i32
      %dma_wait3A_537 = tpu.memref_slice %arg12[%dma_wait3A_535, %dma_wait3A_536] : memref<2048x16xf32, #tpu.memory_space<vmem>> -> memref<128x16xf32, #tpu.memory_space<vmem>>
      %dma_wait3A_538 = arith.constant 0 : i32
      %dma_wait3A_539 = tpu.memref_slice %arg9[%add3A_205, %dma_wait3A_538] : memref<64x128xi32, #tpu.memory_space<vmem>> -> memref<1x128xi32, #tpu.memory_space<vmem>>
      %dma_wait3A_540 = tpu.memref_squeeze %dma_wait3A_539 : memref<1x128xi32, #tpu.memory_space<vmem>> -> memref<128xi32, #tpu.memory_space<vmem>>
      %dma_wait3A_541 = arith.constant 0 : i32
      %dma_wait3A_542 = arith.constant 0 : i32
      %dma_wait3A_543 = tpu.memref_slice %arg5[%dma_wait3A_541, %dma_wait3A_542] : memref<1600000x16xf32, #tpu.memory_space<hbm>> -> memref<1600000x16xf32, #tpu.memory_space<hbm>>
      tpu.wait_indirect_dma semaphore(%arg15 : memref<!tpu.dma_semaphore, #tpu.memory_space<semaphore_mem>>) src(%dma_wait3A_543 : memref<1600000x16xf32, #tpu.memory_space<hbm>>) dst(%dma_wait3A_537 : memref<128x16xf32, #tpu.memory_space<vmem>>)
      %mul3A_544 = arith.constant 16 : i32
      %mul3A_545 = arith.muli %scan3A_20, %mul3A_544 : i32
      %add3A_546 = arith.constant 14 : i32
      %add3A_547 = arith.addi %mul3A_545, %add3A_546 : i32
      %dma_start3A_548 = arith.constant 1792 : i32
      %dma_start3A_549 = arith.constant 0 : i32
      %dma_start3A_550 = tpu.memref_slice %arg12[%dma_start3A_548, %dma_start3A_549] : memref<2048x16xf32, #tpu.memory_space<vmem>> -> memref<128x16xf32, #tpu.memory_space<vmem>>
      %dma_start3A_551 = arith.constant 0 : i32
      %dma_start3A_552 = tpu.memref_slice %arg10[%add3A_547, %dma_start3A_551] : memref<64x128xi32, #tpu.memory_space<vmem>> -> memref<1x128xi32, #tpu.memory_space<vmem>>
      %dma_start3A_553 = tpu.memref_squeeze %dma_start3A_552 : memref<1x128xi32, #tpu.memory_space<vmem>> -> memref<128xi32, #tpu.memory_space<vmem>>
      %dma_start3A_554 = arith.constant 0 : i32
      %dma_start3A_555 = arith.constant 0 : i32
      %dma_start3A_556 = tpu.memref_slice %arg7[%dma_start3A_554, %dma_start3A_555] : memref<262144x16xf32, #tpu.memory_space<hbm>> -> memref<262144x16xf32, #tpu.memory_space<hbm>>
      tpu.enqueue_indirect_dma source(%dma_start3A_550 : memref<128x16xf32, #tpu.memory_space<vmem>>) target(%dma_start3A_556 : memref<262144x16xf32, #tpu.memory_space<hbm>>) offsets(%dma_start3A_553 : memref<128xi32, #tpu.memory_space<vmem>>) semaphore(%arg17 : memref<!tpu.dma_semaphore, #tpu.memory_space<semaphore_mem>>)
      %dma_wait3A_557 = arith.constant 1920 : i32
      %dma_wait3A_558 = arith.constant 0 : i32
      %dma_wait3A_559 = tpu.memref_slice %arg12[%dma_wait3A_557, %dma_wait3A_558] : memref<2048x16xf32, #tpu.memory_space<vmem>> -> memref<128x16xf32, #tpu.memory_space<vmem>>
      %dma_wait3A_560 = arith.constant 0 : i32
      %dma_wait3A_561 = tpu.memref_slice %arg9[%add3A_218, %dma_wait3A_560] : memref<64x128xi32, #tpu.memory_space<vmem>> -> memref<1x128xi32, #tpu.memory_space<vmem>>
      %dma_wait3A_562 = tpu.memref_squeeze %dma_wait3A_561 : memref<1x128xi32, #tpu.memory_space<vmem>> -> memref<128xi32, #tpu.memory_space<vmem>>
      %dma_wait3A_563 = arith.constant 0 : i32
      %dma_wait3A_564 = arith.constant 0 : i32
      %dma_wait3A_565 = tpu.memref_slice %arg5[%dma_wait3A_563, %dma_wait3A_564] : memref<1600000x16xf32, #tpu.memory_space<hbm>> -> memref<1600000x16xf32, #tpu.memory_space<hbm>>
      tpu.wait_indirect_dma semaphore(%arg15 : memref<!tpu.dma_semaphore, #tpu.memory_space<semaphore_mem>>) src(%dma_wait3A_565 : memref<1600000x16xf32, #tpu.memory_space<hbm>>) dst(%dma_wait3A_559 : memref<128x16xf32, #tpu.memory_space<vmem>>)
      %mul3A_566 = arith.constant 16 : i32
      %mul3A_567 = arith.muli %scan3A_20, %mul3A_566 : i32
      %add3A_568 = arith.constant 15 : i32
      %add3A_569 = arith.addi %mul3A_567, %add3A_568 : i32
      %dma_start3A_570 = arith.constant 1920 : i32
      %dma_start3A_571 = arith.constant 0 : i32
      %dma_start3A_572 = tpu.memref_slice %arg12[%dma_start3A_570, %dma_start3A_571] : memref<2048x16xf32, #tpu.memory_space<vmem>> -> memref<128x16xf32, #tpu.memory_space<vmem>>
      %dma_start3A_573 = arith.constant 0 : i32
      %dma_start3A_574 = tpu.memref_slice %arg10[%add3A_569, %dma_start3A_573] : memref<64x128xi32, #tpu.memory_space<vmem>> -> memref<1x128xi32, #tpu.memory_space<vmem>>
      %dma_start3A_575 = tpu.memref_squeeze %dma_start3A_574 : memref<1x128xi32, #tpu.memory_space<vmem>> -> memref<128xi32, #tpu.memory_space<vmem>>
      %dma_start3A_576 = arith.constant 0 : i32
      %dma_start3A_577 = arith.constant 0 : i32
      %dma_start3A_578 = tpu.memref_slice %arg7[%dma_start3A_576, %dma_start3A_577] : memref<262144x16xf32, #tpu.memory_space<hbm>> -> memref<262144x16xf32, #tpu.memory_space<hbm>>
      tpu.enqueue_indirect_dma source(%dma_start3A_572 : memref<128x16xf32, #tpu.memory_space<vmem>>) target(%dma_start3A_578 : memref<262144x16xf32, #tpu.memory_space<hbm>>) offsets(%dma_start3A_575 : memref<128xi32, #tpu.memory_space<vmem>>) semaphore(%arg17 : memref<!tpu.dma_semaphore, #tpu.memory_space<semaphore_mem>>)
      %dma_wait3A_579 = arith.constant 0 : i32
      %dma_wait3A_580 = arith.constant 0 : i32
      %dma_wait3A_581 = tpu.memref_slice %arg12[%dma_wait3A_579, %dma_wait3A_580] : memref<2048x16xf32, #tpu.memory_space<vmem>> -> memref<128x16xf32, #tpu.memory_space<vmem>>
      %dma_wait3A_582 = arith.constant 0 : i32
      %dma_wait3A_583 = tpu.memref_slice %arg10[%add3A_239, %dma_wait3A_582] : memref<64x128xi32, #tpu.memory_space<vmem>> -> memref<1x128xi32, #tpu.memory_space<vmem>>
      %dma_wait3A_584 = tpu.memref_squeeze %dma_wait3A_583 : memref<1x128xi32, #tpu.memory_space<vmem>> -> memref<128xi32, #tpu.memory_space<vmem>>
      %dma_wait3A_585 = arith.constant 0 : i32
      %dma_wait3A_586 = arith.constant 0 : i32
      %dma_wait3A_587 = tpu.memref_slice %arg7[%dma_wait3A_585, %dma_wait3A_586] : memref<262144x16xf32, #tpu.memory_space<hbm>> -> memref<262144x16xf32, #tpu.memory_space<hbm>>
      tpu.wait_indirect_dma semaphore(%arg17 : memref<!tpu.dma_semaphore, #tpu.memory_space<semaphore_mem>>) src(%dma_wait3A_581 : memref<128x16xf32, #tpu.memory_space<vmem>>) dst(%dma_wait3A_587 : memref<262144x16xf32, #tpu.memory_space<hbm>>)
      %dma_wait3A_588 = arith.constant 128 : i32
      %dma_wait3A_589 = arith.constant 0 : i32
      %dma_wait3A_590 = tpu.memref_slice %arg12[%dma_wait3A_588, %dma_wait3A_589] : memref<2048x16xf32, #tpu.memory_space<vmem>> -> memref<128x16xf32, #tpu.memory_space<vmem>>
      %dma_wait3A_591 = arith.constant 0 : i32
      %dma_wait3A_592 = tpu.memref_slice %arg10[%add3A_261, %dma_wait3A_591] : memref<64x128xi32, #tpu.memory_space<vmem>> -> memref<1x128xi32, #tpu.memory_space<vmem>>
      %dma_wait3A_593 = tpu.memref_squeeze %dma_wait3A_592 : memref<1x128xi32, #tpu.memory_space<vmem>> -> memref<128xi32, #tpu.memory_space<vmem>>
      %dma_wait3A_594 = arith.constant 0 : i32
      %dma_wait3A_595 = arith.constant 0 : i32
      %dma_wait3A_596 = tpu.memref_slice %arg7[%dma_wait3A_594, %dma_wait3A_595] : memref<262144x16xf32, #tpu.memory_space<hbm>> -> memref<262144x16xf32, #tpu.memory_space<hbm>>
      tpu.wait_indirect_dma semaphore(%arg17 : memref<!tpu.dma_semaphore, #tpu.memory_space<semaphore_mem>>) src(%dma_wait3A_590 : memref<128x16xf32, #tpu.memory_space<vmem>>) dst(%dma_wait3A_596 : memref<262144x16xf32, #tpu.memory_space<hbm>>)
      %dma_wait3A_597 = arith.constant 256 : i32
      %dma_wait3A_598 = arith.constant 0 : i32
      %dma_wait3A_599 = tpu.memref_slice %arg12[%dma_wait3A_597, %dma_wait3A_598] : memref<2048x16xf32, #tpu.memory_space<vmem>> -> memref<128x16xf32, #tpu.memory_space<vmem>>
      %dma_wait3A_600 = arith.constant 0 : i32
      %dma_wait3A_601 = tpu.memref_slice %arg10[%add3A_283, %dma_wait3A_600] : memref<64x128xi32, #tpu.memory_space<vmem>> -> memref<1x128xi32, #tpu.memory_space<vmem>>
      %dma_wait3A_602 = tpu.memref_squeeze %dma_wait3A_601 : memref<1x128xi32, #tpu.memory_space<vmem>> -> memref<128xi32, #tpu.memory_space<vmem>>
      %dma_wait3A_603 = arith.constant 0 : i32
      %dma_wait3A_604 = arith.constant 0 : i32
      %dma_wait3A_605 = tpu.memref_slice %arg7[%dma_wait3A_603, %dma_wait3A_604] : memref<262144x16xf32, #tpu.memory_space<hbm>> -> memref<262144x16xf32, #tpu.memory_space<hbm>>
      tpu.wait_indirect_dma semaphore(%arg17 : memref<!tpu.dma_semaphore, #tpu.memory_space<semaphore_mem>>) src(%dma_wait3A_599 : memref<128x16xf32, #tpu.memory_space<vmem>>) dst(%dma_wait3A_605 : memref<262144x16xf32, #tpu.memory_space<hbm>>)
      %dma_wait3A_606 = arith.constant 384 : i32
      %dma_wait3A_607 = arith.constant 0 : i32
      %dma_wait3A_608 = tpu.memref_slice %arg12[%dma_wait3A_606, %dma_wait3A_607] : memref<2048x16xf32, #tpu.memory_space<vmem>> -> memref<128x16xf32, #tpu.memory_space<vmem>>
      %dma_wait3A_609 = arith.constant 0 : i32
      %dma_wait3A_610 = tpu.memref_slice %arg10[%add3A_305, %dma_wait3A_609] : memref<64x128xi32, #tpu.memory_space<vmem>> -> memref<1x128xi32, #tpu.memory_space<vmem>>
      %dma_wait3A_611 = tpu.memref_squeeze %dma_wait3A_610 : memref<1x128xi32, #tpu.memory_space<vmem>> -> memref<128xi32, #tpu.memory_space<vmem>>
      %dma_wait3A_612 = arith.constant 0 : i32
      %dma_wait3A_613 = arith.constant 0 : i32
      %dma_wait3A_614 = tpu.memref_slice %arg7[%dma_wait3A_612, %dma_wait3A_613] : memref<262144x16xf32, #tpu.memory_space<hbm>> -> memref<262144x16xf32, #tpu.memory_space<hbm>>
      tpu.wait_indirect_dma semaphore(%arg17 : memref<!tpu.dma_semaphore, #tpu.memory_space<semaphore_mem>>) src(%dma_wait3A_608 : memref<128x16xf32, #tpu.memory_space<vmem>>) dst(%dma_wait3A_614 : memref<262144x16xf32, #tpu.memory_space<hbm>>)
      %dma_wait3A_615 = arith.constant 512 : i32
      %dma_wait3A_616 = arith.constant 0 : i32
      %dma_wait3A_617 = tpu.memref_slice %arg12[%dma_wait3A_615, %dma_wait3A_616] : memref<2048x16xf32, #tpu.memory_space<vmem>> -> memref<128x16xf32, #tpu.memory_space<vmem>>
      %dma_wait3A_618 = arith.constant 0 : i32
      %dma_wait3A_619 = tpu.memref_slice %arg10[%add3A_327, %dma_wait3A_618] : memref<64x128xi32, #tpu.memory_space<vmem>> -> memref<1x128xi32, #tpu.memory_space<vmem>>
      %dma_wait3A_620 = tpu.memref_squeeze %dma_wait3A_619 : memref<1x128xi32, #tpu.memory_space<vmem>> -> memref<128xi32, #tpu.memory_space<vmem>>
      %dma_wait3A_621 = arith.constant 0 : i32
      %dma_wait3A_622 = arith.constant 0 : i32
      %dma_wait3A_623 = tpu.memref_slice %arg7[%dma_wait3A_621, %dma_wait3A_622] : memref<262144x16xf32, #tpu.memory_space<hbm>> -> memref<262144x16xf32, #tpu.memory_space<hbm>>
      tpu.wait_indirect_dma semaphore(%arg17 : memref<!tpu.dma_semaphore, #tpu.memory_space<semaphore_mem>>) src(%dma_wait3A_617 : memref<128x16xf32, #tpu.memory_space<vmem>>) dst(%dma_wait3A_623 : memref<262144x16xf32, #tpu.memory_space<hbm>>)
      %dma_wait3A_624 = arith.constant 640 : i32
      %dma_wait3A_625 = arith.constant 0 : i32
      %dma_wait3A_626 = tpu.memref_slice %arg12[%dma_wait3A_624, %dma_wait3A_625] : memref<2048x16xf32, #tpu.memory_space<vmem>> -> memref<128x16xf32, #tpu.memory_space<vmem>>
      %dma_wait3A_627 = arith.constant 0 : i32
      %dma_wait3A_628 = tpu.memref_slice %arg10[%add3A_349, %dma_wait3A_627] : memref<64x128xi32, #tpu.memory_space<vmem>> -> memref<1x128xi32, #tpu.memory_space<vmem>>
      %dma_wait3A_629 = tpu.memref_squeeze %dma_wait3A_628 : memref<1x128xi32, #tpu.memory_space<vmem>> -> memref<128xi32, #tpu.memory_space<vmem>>
      %dma_wait3A_630 = arith.constant 0 : i32
      %dma_wait3A_631 = arith.constant 0 : i32
      %dma_wait3A_632 = tpu.memref_slice %arg7[%dma_wait3A_630, %dma_wait3A_631] : memref<262144x16xf32, #tpu.memory_space<hbm>> -> memref<262144x16xf32, #tpu.memory_space<hbm>>
      tpu.wait_indirect_dma semaphore(%arg17 : memref<!tpu.dma_semaphore, #tpu.memory_space<semaphore_mem>>) src(%dma_wait3A_626 : memref<128x16xf32, #tpu.memory_space<vmem>>) dst(%dma_wait3A_632 : memref<262144x16xf32, #tpu.memory_space<hbm>>)
      %dma_wait3A_633 = arith.constant 768 : i32
      %dma_wait3A_634 = arith.constant 0 : i32
      %dma_wait3A_635 = tpu.memref_slice %arg12[%dma_wait3A_633, %dma_wait3A_634] : memref<2048x16xf32, #tpu.memory_space<vmem>> -> memref<128x16xf32, #tpu.memory_space<vmem>>
      %dma_wait3A_636 = arith.constant 0 : i32
      %dma_wait3A_637 = tpu.memref_slice %arg10[%add3A_371, %dma_wait3A_636] : memref<64x128xi32, #tpu.memory_space<vmem>> -> memref<1x128xi32, #tpu.memory_space<vmem>>
      %dma_wait3A_638 = tpu.memref_squeeze %dma_wait3A_637 : memref<1x128xi32, #tpu.memory_space<vmem>> -> memref<128xi32, #tpu.memory_space<vmem>>
      %dma_wait3A_639 = arith.constant 0 : i32
      %dma_wait3A_640 = arith.constant 0 : i32
      %dma_wait3A_641 = tpu.memref_slice %arg7[%dma_wait3A_639, %dma_wait3A_640] : memref<262144x16xf32, #tpu.memory_space<hbm>> -> memref<262144x16xf32, #tpu.memory_space<hbm>>
      tpu.wait_indirect_dma semaphore(%arg17 : memref<!tpu.dma_semaphore, #tpu.memory_space<semaphore_mem>>) src(%dma_wait3A_635 : memref<128x16xf32, #tpu.memory_space<vmem>>) dst(%dma_wait3A_641 : memref<262144x16xf32, #tpu.memory_space<hbm>>)
      %dma_wait3A_642 = arith.constant 896 : i32
      %dma_wait3A_643 = arith.constant 0 : i32
      %dma_wait3A_644 = tpu.memref_slice %arg12[%dma_wait3A_642, %dma_wait3A_643] : memref<2048x16xf32, #tpu.memory_space<vmem>> -> memref<128x16xf32, #tpu.memory_space<vmem>>
      %dma_wait3A_645 = arith.constant 0 : i32
      %dma_wait3A_646 = tpu.memref_slice %arg10[%add3A_393, %dma_wait3A_645] : memref<64x128xi32, #tpu.memory_space<vmem>> -> memref<1x128xi32, #tpu.memory_space<vmem>>
      %dma_wait3A_647 = tpu.memref_squeeze %dma_wait3A_646 : memref<1x128xi32, #tpu.memory_space<vmem>> -> memref<128xi32, #tpu.memory_space<vmem>>
      %dma_wait3A_648 = arith.constant 0 : i32
      %dma_wait3A_649 = arith.constant 0 : i32
      %dma_wait3A_650 = tpu.memref_slice %arg7[%dma_wait3A_648, %dma_wait3A_649] : memref<262144x16xf32, #tpu.memory_space<hbm>> -> memref<262144x16xf32, #tpu.memory_space<hbm>>
      tpu.wait_indirect_dma semaphore(%arg17 : memref<!tpu.dma_semaphore, #tpu.memory_space<semaphore_mem>>) src(%dma_wait3A_644 : memref<128x16xf32, #tpu.memory_space<vmem>>) dst(%dma_wait3A_650 : memref<262144x16xf32, #tpu.memory_space<hbm>>)
      %dma_wait3A_651 = arith.constant 1024 : i32
      %dma_wait3A_652 = arith.constant 0 : i32
      %dma_wait3A_653 = tpu.memref_slice %arg12[%dma_wait3A_651, %dma_wait3A_652] : memref<2048x16xf32, #tpu.memory_space<vmem>> -> memref<128x16xf32, #tpu.memory_space<vmem>>
      %dma_wait3A_654 = arith.constant 0 : i32
      %dma_wait3A_655 = tpu.memref_slice %arg10[%add3A_415, %dma_wait3A_654] : memref<64x128xi32, #tpu.memory_space<vmem>> -> memref<1x128xi32, #tpu.memory_space<vmem>>
      %dma_wait3A_656 = tpu.memref_squeeze %dma_wait3A_655 : memref<1x128xi32, #tpu.memory_space<vmem>> -> memref<128xi32, #tpu.memory_space<vmem>>
      %dma_wait3A_657 = arith.constant 0 : i32
      %dma_wait3A_658 = arith.constant 0 : i32
      %dma_wait3A_659 = tpu.memref_slice %arg7[%dma_wait3A_657, %dma_wait3A_658] : memref<262144x16xf32, #tpu.memory_space<hbm>> -> memref<262144x16xf32, #tpu.memory_space<hbm>>
      tpu.wait_indirect_dma semaphore(%arg17 : memref<!tpu.dma_semaphore, #tpu.memory_space<semaphore_mem>>) src(%dma_wait3A_653 : memref<128x16xf32, #tpu.memory_space<vmem>>) dst(%dma_wait3A_659 : memref<262144x16xf32, #tpu.memory_space<hbm>>)
      %dma_wait3A_660 = arith.constant 1152 : i32
      %dma_wait3A_661 = arith.constant 0 : i32
      %dma_wait3A_662 = tpu.memref_slice %arg12[%dma_wait3A_660, %dma_wait3A_661] : memref<2048x16xf32, #tpu.memory_space<vmem>> -> memref<128x16xf32, #tpu.memory_space<vmem>>
      %dma_wait3A_663 = arith.constant 0 : i32
      %dma_wait3A_664 = tpu.memref_slice %arg10[%add3A_437, %dma_wait3A_663] : memref<64x128xi32, #tpu.memory_space<vmem>> -> memref<1x128xi32, #tpu.memory_space<vmem>>
      %dma_wait3A_665 = tpu.memref_squeeze %dma_wait3A_664 : memref<1x128xi32, #tpu.memory_space<vmem>> -> memref<128xi32, #tpu.memory_space<vmem>>
      %dma_wait3A_666 = arith.constant 0 : i32
      %dma_wait3A_667 = arith.constant 0 : i32
      %dma_wait3A_668 = tpu.memref_slice %arg7[%dma_wait3A_666, %dma_wait3A_667] : memref<262144x16xf32, #tpu.memory_space<hbm>> -> memref<262144x16xf32, #tpu.memory_space<hbm>>
      tpu.wait_indirect_dma semaphore(%arg17 : memref<!tpu.dma_semaphore, #tpu.memory_space<semaphore_mem>>) src(%dma_wait3A_662 : memref<128x16xf32, #tpu.memory_space<vmem>>) dst(%dma_wait3A_668 : memref<262144x16xf32, #tpu.memory_space<hbm>>)
      %dma_wait3A_669 = arith.constant 1280 : i32
      %dma_wait3A_670 = arith.constant 0 : i32
      %dma_wait3A_671 = tpu.memref_slice %arg12[%dma_wait3A_669, %dma_wait3A_670] : memref<2048x16xf32, #tpu.memory_space<vmem>> -> memref<128x16xf32, #tpu.memory_space<vmem>>
      %dma_wait3A_672 = arith.constant 0 : i32
      %dma_wait3A_673 = tpu.memref_slice %arg10[%add3A_459, %dma_wait3A_672] : memref<64x128xi32, #tpu.memory_space<vmem>> -> memref<1x128xi32, #tpu.memory_space<vmem>>
      %dma_wait3A_674 = tpu.memref_squeeze %dma_wait3A_673 : memref<1x128xi32, #tpu.memory_space<vmem>> -> memref<128xi32, #tpu.memory_space<vmem>>
      %dma_wait3A_675 = arith.constant 0 : i32
      %dma_wait3A_676 = arith.constant 0 : i32
      %dma_wait3A_677 = tpu.memref_slice %arg7[%dma_wait3A_675, %dma_wait3A_676] : memref<262144x16xf32, #tpu.memory_space<hbm>> -> memref<262144x16xf32, #tpu.memory_space<hbm>>
      tpu.wait_indirect_dma semaphore(%arg17 : memref<!tpu.dma_semaphore, #tpu.memory_space<semaphore_mem>>) src(%dma_wait3A_671 : memref<128x16xf32, #tpu.memory_space<vmem>>) dst(%dma_wait3A_677 : memref<262144x16xf32, #tpu.memory_space<hbm>>)
      %dma_wait3A_678 = arith.constant 1408 : i32
      %dma_wait3A_679 = arith.constant 0 : i32
      %dma_wait3A_680 = tpu.memref_slice %arg12[%dma_wait3A_678, %dma_wait3A_679] : memref<2048x16xf32, #tpu.memory_space<vmem>> -> memref<128x16xf32, #tpu.memory_space<vmem>>
      %dma_wait3A_681 = arith.constant 0 : i32
      %dma_wait3A_682 = tpu.memref_slice %arg10[%add3A_481, %dma_wait3A_681] : memref<64x128xi32, #tpu.memory_space<vmem>> -> memref<1x128xi32, #tpu.memory_space<vmem>>
      %dma_wait3A_683 = tpu.memref_squeeze %dma_wait3A_682 : memref<1x128xi32, #tpu.memory_space<vmem>> -> memref<128xi32, #tpu.memory_space<vmem>>
      %dma_wait3A_684 = arith.constant 0 : i32
      %dma_wait3A_685 = arith.constant 0 : i32
      %dma_wait3A_686 = tpu.memref_slice %arg7[%dma_wait3A_684, %dma_wait3A_685] : memref<262144x16xf32, #tpu.memory_space<hbm>> -> memref<262144x16xf32, #tpu.memory_space<hbm>>
      tpu.wait_indirect_dma semaphore(%arg17 : memref<!tpu.dma_semaphore, #tpu.memory_space<semaphore_mem>>) src(%dma_wait3A_680 : memref<128x16xf32, #tpu.memory_space<vmem>>) dst(%dma_wait3A_686 : memref<262144x16xf32, #tpu.memory_space<hbm>>)
      %dma_wait3A_687 = arith.constant 1536 : i32
      %dma_wait3A_688 = arith.constant 0 : i32
      %dma_wait3A_689 = tpu.memref_slice %arg12[%dma_wait3A_687, %dma_wait3A_688] : memref<2048x16xf32, #tpu.memory_space<vmem>> -> memref<128x16xf32, #tpu.memory_space<vmem>>
      %dma_wait3A_690 = arith.constant 0 : i32
      %dma_wait3A_691 = tpu.memref_slice %arg10[%add3A_503, %dma_wait3A_690] : memref<64x128xi32, #tpu.memory_space<vmem>> -> memref<1x128xi32, #tpu.memory_space<vmem>>
      %dma_wait3A_692 = tpu.memref_squeeze %dma_wait3A_691 : memref<1x128xi32, #tpu.memory_space<vmem>> -> memref<128xi32, #tpu.memory_space<vmem>>
      %dma_wait3A_693 = arith.constant 0 : i32
      %dma_wait3A_694 = arith.constant 0 : i32
      %dma_wait3A_695 = tpu.memref_slice %arg7[%dma_wait3A_693, %dma_wait3A_694] : memref<262144x16xf32, #tpu.memory_space<hbm>> -> memref<262144x16xf32, #tpu.memory_space<hbm>>
      tpu.wait_indirect_dma semaphore(%arg17 : memref<!tpu.dma_semaphore, #tpu.memory_space<semaphore_mem>>) src(%dma_wait3A_689 : memref<128x16xf32, #tpu.memory_space<vmem>>) dst(%dma_wait3A_695 : memref<262144x16xf32, #tpu.memory_space<hbm>>)
      %dma_wait3A_696 = arith.constant 1664 : i32
      %dma_wait3A_697 = arith.constant 0 : i32
      %dma_wait3A_698 = tpu.memref_slice %arg12[%dma_wait3A_696, %dma_wait3A_697] : memref<2048x16xf32, #tpu.memory_space<vmem>> -> memref<128x16xf32, #tpu.memory_space<vmem>>
      %dma_wait3A_699 = arith.constant 0 : i32
      %dma_wait3A_700 = tpu.memref_slice %arg10[%add3A_525, %dma_wait3A_699] : memref<64x128xi32, #tpu.memory_space<vmem>> -> memref<1x128xi32, #tpu.memory_space<vmem>>
      %dma_wait3A_701 = tpu.memref_squeeze %dma_wait3A_700 : memref<1x128xi32, #tpu.memory_space<vmem>> -> memref<128xi32, #tpu.memory_space<vmem>>
      %dma_wait3A_702 = arith.constant 0 : i32
      %dma_wait3A_703 = arith.constant 0 : i32
      %dma_wait3A_704 = tpu.memref_slice %arg7[%dma_wait3A_702, %dma_wait3A_703] : memref<262144x16xf32, #tpu.memory_space<hbm>> -> memref<262144x16xf32, #tpu.memory_space<hbm>>
      tpu.wait_indirect_dma semaphore(%arg17 : memref<!tpu.dma_semaphore, #tpu.memory_space<semaphore_mem>>) src(%dma_wait3A_698 : memref<128x16xf32, #tpu.memory_space<vmem>>) dst(%dma_wait3A_704 : memref<262144x16xf32, #tpu.memory_space<hbm>>)
      %dma_wait3A_705 = arith.constant 1792 : i32
      %dma_wait3A_706 = arith.constant 0 : i32
      %dma_wait3A_707 = tpu.memref_slice %arg12[%dma_wait3A_705, %dma_wait3A_706] : memref<2048x16xf32, #tpu.memory_space<vmem>> -> memref<128x16xf32, #tpu.memory_space<vmem>>
      %dma_wait3A_708 = arith.constant 0 : i32
      %dma_wait3A_709 = tpu.memref_slice %arg10[%add3A_547, %dma_wait3A_708] : memref<64x128xi32, #tpu.memory_space<vmem>> -> memref<1x128xi32, #tpu.memory_space<vmem>>
      %dma_wait3A_710 = tpu.memref_squeeze %dma_wait3A_709 : memref<1x128xi32, #tpu.memory_space<vmem>> -> memref<128xi32, #tpu.memory_space<vmem>>
      %dma_wait3A_711 = arith.constant 0 : i32
      %dma_wait3A_712 = arith.constant 0 : i32
      %dma_wait3A_713 = tpu.memref_slice %arg7[%dma_wait3A_711, %dma_wait3A_712] : memref<262144x16xf32, #tpu.memory_space<hbm>> -> memref<262144x16xf32, #tpu.memory_space<hbm>>
      tpu.wait_indirect_dma semaphore(%arg17 : memref<!tpu.dma_semaphore, #tpu.memory_space<semaphore_mem>>) src(%dma_wait3A_707 : memref<128x16xf32, #tpu.memory_space<vmem>>) dst(%dma_wait3A_713 : memref<262144x16xf32, #tpu.memory_space<hbm>>)
      %dma_wait3A_714 = arith.constant 1920 : i32
      %dma_wait3A_715 = arith.constant 0 : i32
      %dma_wait3A_716 = tpu.memref_slice %arg12[%dma_wait3A_714, %dma_wait3A_715] : memref<2048x16xf32, #tpu.memory_space<vmem>> -> memref<128x16xf32, #tpu.memory_space<vmem>>
      %dma_wait3A_717 = arith.constant 0 : i32
      %dma_wait3A_718 = tpu.memref_slice %arg10[%add3A_569, %dma_wait3A_717] : memref<64x128xi32, #tpu.memory_space<vmem>> -> memref<1x128xi32, #tpu.memory_space<vmem>>
      %dma_wait3A_719 = tpu.memref_squeeze %dma_wait3A_718 : memref<1x128xi32, #tpu.memory_space<vmem>> -> memref<128xi32, #tpu.memory_space<vmem>>
      %dma_wait3A_720 = arith.constant 0 : i32
      %dma_wait3A_721 = arith.constant 0 : i32
      %dma_wait3A_722 = tpu.memref_slice %arg7[%dma_wait3A_720, %dma_wait3A_721] : memref<262144x16xf32, #tpu.memory_space<hbm>> -> memref<262144x16xf32, #tpu.memory_space<hbm>>
      tpu.wait_indirect_dma semaphore(%arg17 : memref<!tpu.dma_semaphore, #tpu.memory_space<semaphore_mem>>) src(%dma_wait3A_716 : memref<128x16xf32, #tpu.memory_space<vmem>>) dst(%dma_wait3A_722 : memref<262144x16xf32, #tpu.memory_space<hbm>>)
    }
    %scan3A_11 = arith.constant 4 : i32
    %scan3A_12 = arith.constant 0 : i32
    %scan3A_13 = arith.constant 0 : i32
    %scan3A_14 = arith.constant 8 : i32
    %scan3A_15 = arith.addi %scan3A_13, %scan3A_14 : i32
    %scan3A_16 = arith.constant 1 : i32
    scf.for %scan3A_20 = %scan3A_13 to %scan3A_15 step %scan3A_16  : i32 {
      %mul3A_21 = arith.constant 13 : i32
      %mul3A_22 = arith.muli %scan3A_20, %mul3A_21 : i32
      %add3A_23 = arith.constant 0 : i32
      %add3A_24 = arith.addi %mul3A_22, %add3A_23 : i32
      %dma_start3A = arith.constant 0 : i32
      %dma_start3A_25 = tpu.memref_slice %arg13[%dma_start3A] : memref<1664xf32, #tpu.memory_space<vmem>> -> memref<128xf32, #tpu.memory_space<vmem>>
      %dma_start3A_26 = arith.constant 0 : i32
      %dma_start3A_27 = tpu.memref_slice %arg11[%add3A_24, %dma_start3A_26] : memref<104x128xi32, #tpu.memory_space<vmem>> -> memref<1x128xi32, #tpu.memory_space<vmem>>
      %dma_start3A_28 = tpu.memref_squeeze %dma_start3A_27 : memref<1x128xi32, #tpu.memory_space<vmem>> -> memref<128xi32, #tpu.memory_space<vmem>>
      %dma_start3A_29 = arith.constant 0 : i32
      %dma_start3A_30 = tpu.memref_slice %arg6[%dma_start3A_29] : memref<2609152xf32, #tpu.memory_space<hbm>> -> memref<2609152xf32, #tpu.memory_space<hbm>>
      tpu.enqueue_indirect_dma source(%dma_start3A_30 : memref<2609152xf32, #tpu.memory_space<hbm>>) target(%dma_start3A_25 : memref<128xf32, #tpu.memory_space<vmem>>) offsets(%dma_start3A_28 : memref<128xi32, #tpu.memory_space<vmem>>) semaphore(%arg16 : memref<!tpu.dma_semaphore, #tpu.memory_space<semaphore_mem>>)
      %mul3A_31 = arith.constant 13 : i32
      %mul3A_32 = arith.muli %scan3A_20, %mul3A_31 : i32
      %add3A_33 = arith.constant 1 : i32
      %add3A_34 = arith.addi %mul3A_32, %add3A_33 : i32
      %dma_start3A_35 = arith.constant 128 : i32
      %dma_start3A_36 = tpu.memref_slice %arg13[%dma_start3A_35] : memref<1664xf32, #tpu.memory_space<vmem>> -> memref<128xf32, #tpu.memory_space<vmem>>
      %dma_start3A_37 = arith.constant 0 : i32
      %dma_start3A_38 = tpu.memref_slice %arg11[%add3A_34, %dma_start3A_37] : memref<104x128xi32, #tpu.memory_space<vmem>> -> memref<1x128xi32, #tpu.memory_space<vmem>>
      %dma_start3A_39 = tpu.memref_squeeze %dma_start3A_38 : memref<1x128xi32, #tpu.memory_space<vmem>> -> memref<128xi32, #tpu.memory_space<vmem>>
      %dma_start3A_40 = arith.constant 0 : i32
      %dma_start3A_41 = tpu.memref_slice %arg6[%dma_start3A_40] : memref<2609152xf32, #tpu.memory_space<hbm>> -> memref<2609152xf32, #tpu.memory_space<hbm>>
      tpu.enqueue_indirect_dma source(%dma_start3A_41 : memref<2609152xf32, #tpu.memory_space<hbm>>) target(%dma_start3A_36 : memref<128xf32, #tpu.memory_space<vmem>>) offsets(%dma_start3A_39 : memref<128xi32, #tpu.memory_space<vmem>>) semaphore(%arg16 : memref<!tpu.dma_semaphore, #tpu.memory_space<semaphore_mem>>)
      %mul3A_42 = arith.constant 13 : i32
      %mul3A_43 = arith.muli %scan3A_20, %mul3A_42 : i32
      %add3A_44 = arith.constant 2 : i32
      %add3A_45 = arith.addi %mul3A_43, %add3A_44 : i32
      %dma_start3A_46 = arith.constant 256 : i32
      %dma_start3A_47 = tpu.memref_slice %arg13[%dma_start3A_46] : memref<1664xf32, #tpu.memory_space<vmem>> -> memref<128xf32, #tpu.memory_space<vmem>>
      %dma_start3A_48 = arith.constant 0 : i32
      %dma_start3A_49 = tpu.memref_slice %arg11[%add3A_45, %dma_start3A_48] : memref<104x128xi32, #tpu.memory_space<vmem>> -> memref<1x128xi32, #tpu.memory_space<vmem>>
      %dma_start3A_50 = tpu.memref_squeeze %dma_start3A_49 : memref<1x128xi32, #tpu.memory_space<vmem>> -> memref<128xi32, #tpu.memory_space<vmem>>
      %dma_start3A_51 = arith.constant 0 : i32
      %dma_start3A_52 = tpu.memref_slice %arg6[%dma_start3A_51] : memref<2609152xf32, #tpu.memory_space<hbm>> -> memref<2609152xf32, #tpu.memory_space<hbm>>
      tpu.enqueue_indirect_dma source(%dma_start3A_52 : memref<2609152xf32, #tpu.memory_space<hbm>>) target(%dma_start3A_47 : memref<128xf32, #tpu.memory_space<vmem>>) offsets(%dma_start3A_50 : memref<128xi32, #tpu.memory_space<vmem>>) semaphore(%arg16 : memref<!tpu.dma_semaphore, #tpu.memory_space<semaphore_mem>>)
      %mul3A_53 = arith.constant 13 : i32
      %mul3A_54 = arith.muli %scan3A_20, %mul3A_53 : i32
      %add3A_55 = arith.constant 3 : i32
      %add3A_56 = arith.addi %mul3A_54, %add3A_55 : i32
      %dma_start3A_57 = arith.constant 384 : i32
      %dma_start3A_58 = tpu.memref_slice %arg13[%dma_start3A_57] : memref<1664xf32, #tpu.memory_space<vmem>> -> memref<128xf32, #tpu.memory_space<vmem>>
      %dma_start3A_59 = arith.constant 0 : i32
      %dma_start3A_60 = tpu.memref_slice %arg11[%add3A_56, %dma_start3A_59] : memref<104x128xi32, #tpu.memory_space<vmem>> -> memref<1x128xi32, #tpu.memory_space<vmem>>
      %dma_start3A_61 = tpu.memref_squeeze %dma_start3A_60 : memref<1x128xi32, #tpu.memory_space<vmem>> -> memref<128xi32, #tpu.memory_space<vmem>>
      %dma_start3A_62 = arith.constant 0 : i32
      %dma_start3A_63 = tpu.memref_slice %arg6[%dma_start3A_62] : memref<2609152xf32, #tpu.memory_space<hbm>> -> memref<2609152xf32, #tpu.memory_space<hbm>>
      tpu.enqueue_indirect_dma source(%dma_start3A_63 : memref<2609152xf32, #tpu.memory_space<hbm>>) target(%dma_start3A_58 : memref<128xf32, #tpu.memory_space<vmem>>) offsets(%dma_start3A_61 : memref<128xi32, #tpu.memory_space<vmem>>) semaphore(%arg16 : memref<!tpu.dma_semaphore, #tpu.memory_space<semaphore_mem>>)
      %mul3A_64 = arith.constant 13 : i32
      %mul3A_65 = arith.muli %scan3A_20, %mul3A_64 : i32
      %add3A_66 = arith.constant 4 : i32
      %add3A_67 = arith.addi %mul3A_65, %add3A_66 : i32
      %dma_start3A_68 = arith.constant 512 : i32
      %dma_start3A_69 = tpu.memref_slice %arg13[%dma_start3A_68] : memref<1664xf32, #tpu.memory_space<vmem>> -> memref<128xf32, #tpu.memory_space<vmem>>
      %dma_start3A_70 = arith.constant 0 : i32
      %dma_start3A_71 = tpu.memref_slice %arg11[%add3A_67, %dma_start3A_70] : memref<104x128xi32, #tpu.memory_space<vmem>> -> memref<1x128xi32, #tpu.memory_space<vmem>>
      %dma_start3A_72 = tpu.memref_squeeze %dma_start3A_71 : memref<1x128xi32, #tpu.memory_space<vmem>> -> memref<128xi32, #tpu.memory_space<vmem>>
      %dma_start3A_73 = arith.constant 0 : i32
      %dma_start3A_74 = tpu.memref_slice %arg6[%dma_start3A_73] : memref<2609152xf32, #tpu.memory_space<hbm>> -> memref<2609152xf32, #tpu.memory_space<hbm>>
      tpu.enqueue_indirect_dma source(%dma_start3A_74 : memref<2609152xf32, #tpu.memory_space<hbm>>) target(%dma_start3A_69 : memref<128xf32, #tpu.memory_space<vmem>>) offsets(%dma_start3A_72 : memref<128xi32, #tpu.memory_space<vmem>>) semaphore(%arg16 : memref<!tpu.dma_semaphore, #tpu.memory_space<semaphore_mem>>)
      %mul3A_75 = arith.constant 13 : i32
      %mul3A_76 = arith.muli %scan3A_20, %mul3A_75 : i32
      %add3A_77 = arith.constant 5 : i32
      %add3A_78 = arith.addi %mul3A_76, %add3A_77 : i32
      %dma_start3A_79 = arith.constant 640 : i32
      %dma_start3A_80 = tpu.memref_slice %arg13[%dma_start3A_79] : memref<1664xf32, #tpu.memory_space<vmem>> -> memref<128xf32, #tpu.memory_space<vmem>>
      %dma_start3A_81 = arith.constant 0 : i32
      %dma_start3A_82 = tpu.memref_slice %arg11[%add3A_78, %dma_start3A_81] : memref<104x128xi32, #tpu.memory_space<vmem>> -> memref<1x128xi32, #tpu.memory_space<vmem>>
      %dma_start3A_83 = tpu.memref_squeeze %dma_start3A_82 : memref<1x128xi32, #tpu.memory_space<vmem>> -> memref<128xi32, #tpu.memory_space<vmem>>
      %dma_start3A_84 = arith.constant 0 : i32
      %dma_start3A_85 = tpu.memref_slice %arg6[%dma_start3A_84] : memref<2609152xf32, #tpu.memory_space<hbm>> -> memref<2609152xf32, #tpu.memory_space<hbm>>
      tpu.enqueue_indirect_dma source(%dma_start3A_85 : memref<2609152xf32, #tpu.memory_space<hbm>>) target(%dma_start3A_80 : memref<128xf32, #tpu.memory_space<vmem>>) offsets(%dma_start3A_83 : memref<128xi32, #tpu.memory_space<vmem>>) semaphore(%arg16 : memref<!tpu.dma_semaphore, #tpu.memory_space<semaphore_mem>>)
      %mul3A_86 = arith.constant 13 : i32
      %mul3A_87 = arith.muli %scan3A_20, %mul3A_86 : i32
      %add3A_88 = arith.constant 6 : i32
      %add3A_89 = arith.addi %mul3A_87, %add3A_88 : i32
      %dma_start3A_90 = arith.constant 768 : i32
      %dma_start3A_91 = tpu.memref_slice %arg13[%dma_start3A_90] : memref<1664xf32, #tpu.memory_space<vmem>> -> memref<128xf32, #tpu.memory_space<vmem>>
      %dma_start3A_92 = arith.constant 0 : i32
      %dma_start3A_93 = tpu.memref_slice %arg11[%add3A_89, %dma_start3A_92] : memref<104x128xi32, #tpu.memory_space<vmem>> -> memref<1x128xi32, #tpu.memory_space<vmem>>
      %dma_start3A_94 = tpu.memref_squeeze %dma_start3A_93 : memref<1x128xi32, #tpu.memory_space<vmem>> -> memref<128xi32, #tpu.memory_space<vmem>>
      %dma_start3A_95 = arith.constant 0 : i32
      %dma_start3A_96 = tpu.memref_slice %arg6[%dma_start3A_95] : memref<2609152xf32, #tpu.memory_space<hbm>> -> memref<2609152xf32, #tpu.memory_space<hbm>>
      tpu.enqueue_indirect_dma source(%dma_start3A_96 : memref<2609152xf32, #tpu.memory_space<hbm>>) target(%dma_start3A_91 : memref<128xf32, #tpu.memory_space<vmem>>) offsets(%dma_start3A_94 : memref<128xi32, #tpu.memory_space<vmem>>) semaphore(%arg16 : memref<!tpu.dma_semaphore, #tpu.memory_space<semaphore_mem>>)
      %mul3A_97 = arith.constant 13 : i32
      %mul3A_98 = arith.muli %scan3A_20, %mul3A_97 : i32
      %add3A_99 = arith.constant 7 : i32
      %add3A_100 = arith.addi %mul3A_98, %add3A_99 : i32
      %dma_start3A_101 = arith.constant 896 : i32
      %dma_start3A_102 = tpu.memref_slice %arg13[%dma_start3A_101] : memref<1664xf32, #tpu.memory_space<vmem>> -> memref<128xf32, #tpu.memory_space<vmem>>
      %dma_start3A_103 = arith.constant 0 : i32
      %dma_start3A_104 = tpu.memref_slice %arg11[%add3A_100, %dma_start3A_103] : memref<104x128xi32, #tpu.memory_space<vmem>> -> memref<1x128xi32, #tpu.memory_space<vmem>>
      %dma_start3A_105 = tpu.memref_squeeze %dma_start3A_104 : memref<1x128xi32, #tpu.memory_space<vmem>> -> memref<128xi32, #tpu.memory_space<vmem>>
      %dma_start3A_106 = arith.constant 0 : i32
      %dma_start3A_107 = tpu.memref_slice %arg6[%dma_start3A_106] : memref<2609152xf32, #tpu.memory_space<hbm>> -> memref<2609152xf32, #tpu.memory_space<hbm>>
      tpu.enqueue_indirect_dma source(%dma_start3A_107 : memref<2609152xf32, #tpu.memory_space<hbm>>) target(%dma_start3A_102 : memref<128xf32, #tpu.memory_space<vmem>>) offsets(%dma_start3A_105 : memref<128xi32, #tpu.memory_space<vmem>>) semaphore(%arg16 : memref<!tpu.dma_semaphore, #tpu.memory_space<semaphore_mem>>)
      %mul3A_108 = arith.constant 13 : i32
      %mul3A_109 = arith.muli %scan3A_20, %mul3A_108 : i32
      %add3A_110 = arith.constant 8 : i32
      %add3A_111 = arith.addi %mul3A_109, %add3A_110 : i32
      %dma_start3A_112 = arith.constant 1024 : i32
      %dma_start3A_113 = tpu.memref_slice %arg13[%dma_start3A_112] : memref<1664xf32, #tpu.memory_space<vmem>> -> memref<128xf32, #tpu.memory_space<vmem>>
      %dma_start3A_114 = arith.constant 0 : i32
      %dma_start3A_115 = tpu.memref_slice %arg11[%add3A_111, %dma_start3A_114] : memref<104x128xi32, #tpu.memory_space<vmem>> -> memref<1x128xi32, #tpu.memory_space<vmem>>
      %dma_start3A_116 = tpu.memref_squeeze %dma_start3A_115 : memref<1x128xi32, #tpu.memory_space<vmem>> -> memref<128xi32, #tpu.memory_space<vmem>>
      %dma_start3A_117 = arith.constant 0 : i32
      %dma_start3A_118 = tpu.memref_slice %arg6[%dma_start3A_117] : memref<2609152xf32, #tpu.memory_space<hbm>> -> memref<2609152xf32, #tpu.memory_space<hbm>>
      tpu.enqueue_indirect_dma source(%dma_start3A_118 : memref<2609152xf32, #tpu.memory_space<hbm>>) target(%dma_start3A_113 : memref<128xf32, #tpu.memory_space<vmem>>) offsets(%dma_start3A_116 : memref<128xi32, #tpu.memory_space<vmem>>) semaphore(%arg16 : memref<!tpu.dma_semaphore, #tpu.memory_space<semaphore_mem>>)
      %mul3A_119 = arith.constant 13 : i32
      %mul3A_120 = arith.muli %scan3A_20, %mul3A_119 : i32
      %add3A_121 = arith.constant 9 : i32
      %add3A_122 = arith.addi %mul3A_120, %add3A_121 : i32
      %dma_start3A_123 = arith.constant 1152 : i32
      %dma_start3A_124 = tpu.memref_slice %arg13[%dma_start3A_123] : memref<1664xf32, #tpu.memory_space<vmem>> -> memref<128xf32, #tpu.memory_space<vmem>>
      %dma_start3A_125 = arith.constant 0 : i32
      %dma_start3A_126 = tpu.memref_slice %arg11[%add3A_122, %dma_start3A_125] : memref<104x128xi32, #tpu.memory_space<vmem>> -> memref<1x128xi32, #tpu.memory_space<vmem>>
      %dma_start3A_127 = tpu.memref_squeeze %dma_start3A_126 : memref<1x128xi32, #tpu.memory_space<vmem>> -> memref<128xi32, #tpu.memory_space<vmem>>
      %dma_start3A_128 = arith.constant 0 : i32
      %dma_start3A_129 = tpu.memref_slice %arg6[%dma_start3A_128] : memref<2609152xf32, #tpu.memory_space<hbm>> -> memref<2609152xf32, #tpu.memory_space<hbm>>
      tpu.enqueue_indirect_dma source(%dma_start3A_129 : memref<2609152xf32, #tpu.memory_space<hbm>>) target(%dma_start3A_124 : memref<128xf32, #tpu.memory_space<vmem>>) offsets(%dma_start3A_127 : memref<128xi32, #tpu.memory_space<vmem>>) semaphore(%arg16 : memref<!tpu.dma_semaphore, #tpu.memory_space<semaphore_mem>>)
      %mul3A_130 = arith.constant 13 : i32
      %mul3A_131 = arith.muli %scan3A_20, %mul3A_130 : i32
      %add3A_132 = arith.constant 10 : i32
      %add3A_133 = arith.addi %mul3A_131, %add3A_132 : i32
      %dma_start3A_134 = arith.constant 1280 : i32
      %dma_start3A_135 = tpu.memref_slice %arg13[%dma_start3A_134] : memref<1664xf32, #tpu.memory_space<vmem>> -> memref<128xf32, #tpu.memory_space<vmem>>
      %dma_start3A_136 = arith.constant 0 : i32
      %dma_start3A_137 = tpu.memref_slice %arg11[%add3A_133, %dma_start3A_136] : memref<104x128xi32, #tpu.memory_space<vmem>> -> memref<1x128xi32, #tpu.memory_space<vmem>>
      %dma_start3A_138 = tpu.memref_squeeze %dma_start3A_137 : memref<1x128xi32, #tpu.memory_space<vmem>> -> memref<128xi32, #tpu.memory_space<vmem>>
      %dma_start3A_139 = arith.constant 0 : i32
      %dma_start3A_140 = tpu.memref_slice %arg6[%dma_start3A_139] : memref<2609152xf32, #tpu.memory_space<hbm>> -> memref<2609152xf32, #tpu.memory_space<hbm>>
      tpu.enqueue_indirect_dma source(%dma_start3A_140 : memref<2609152xf32, #tpu.memory_space<hbm>>) target(%dma_start3A_135 : memref<128xf32, #tpu.memory_space<vmem>>) offsets(%dma_start3A_138 : memref<128xi32, #tpu.memory_space<vmem>>) semaphore(%arg16 : memref<!tpu.dma_semaphore, #tpu.memory_space<semaphore_mem>>)
      %mul3A_141 = arith.constant 13 : i32
      %mul3A_142 = arith.muli %scan3A_20, %mul3A_141 : i32
      %add3A_143 = arith.constant 11 : i32
      %add3A_144 = arith.addi %mul3A_142, %add3A_143 : i32
      %dma_start3A_145 = arith.constant 1408 : i32
      %dma_start3A_146 = tpu.memref_slice %arg13[%dma_start3A_145] : memref<1664xf32, #tpu.memory_space<vmem>> -> memref<128xf32, #tpu.memory_space<vmem>>
      %dma_start3A_147 = arith.constant 0 : i32
      %dma_start3A_148 = tpu.memref_slice %arg11[%add3A_144, %dma_start3A_147] : memref<104x128xi32, #tpu.memory_space<vmem>> -> memref<1x128xi32, #tpu.memory_space<vmem>>
      %dma_start3A_149 = tpu.memref_squeeze %dma_start3A_148 : memref<1x128xi32, #tpu.memory_space<vmem>> -> memref<128xi32, #tpu.memory_space<vmem>>
      %dma_start3A_150 = arith.constant 0 : i32
      %dma_start3A_151 = tpu.memref_slice %arg6[%dma_start3A_150] : memref<2609152xf32, #tpu.memory_space<hbm>> -> memref<2609152xf32, #tpu.memory_space<hbm>>
      tpu.enqueue_indirect_dma source(%dma_start3A_151 : memref<2609152xf32, #tpu.memory_space<hbm>>) target(%dma_start3A_146 : memref<128xf32, #tpu.memory_space<vmem>>) offsets(%dma_start3A_149 : memref<128xi32, #tpu.memory_space<vmem>>) semaphore(%arg16 : memref<!tpu.dma_semaphore, #tpu.memory_space<semaphore_mem>>)
      %mul3A_152 = arith.constant 13 : i32
      %mul3A_153 = arith.muli %scan3A_20, %mul3A_152 : i32
      %add3A_154 = arith.constant 12 : i32
      %add3A_155 = arith.addi %mul3A_153, %add3A_154 : i32
      %dma_start3A_156 = arith.constant 1536 : i32
      %dma_start3A_157 = tpu.memref_slice %arg13[%dma_start3A_156] : memref<1664xf32, #tpu.memory_space<vmem>> -> memref<128xf32, #tpu.memory_space<vmem>>
      %dma_start3A_158 = arith.constant 0 : i32
      %dma_start3A_159 = tpu.memref_slice %arg11[%add3A_155, %dma_start3A_158] : memref<104x128xi32, #tpu.memory_space<vmem>> -> memref<1x128xi32, #tpu.memory_space<vmem>>
      %dma_start3A_160 = tpu.memref_squeeze %dma_start3A_159 : memref<1x128xi32, #tpu.memory_space<vmem>> -> memref<128xi32, #tpu.memory_space<vmem>>
      %dma_start3A_161 = arith.constant 0 : i32
      %dma_start3A_162 = tpu.memref_slice %arg6[%dma_start3A_161] : memref<2609152xf32, #tpu.memory_space<hbm>> -> memref<2609152xf32, #tpu.memory_space<hbm>>
      tpu.enqueue_indirect_dma source(%dma_start3A_162 : memref<2609152xf32, #tpu.memory_space<hbm>>) target(%dma_start3A_157 : memref<128xf32, #tpu.memory_space<vmem>>) offsets(%dma_start3A_160 : memref<128xi32, #tpu.memory_space<vmem>>) semaphore(%arg16 : memref<!tpu.dma_semaphore, #tpu.memory_space<semaphore_mem>>)
      %dma_wait3A = arith.constant 0 : i32
      %dma_wait3A_163 = tpu.memref_slice %arg13[%dma_wait3A] : memref<1664xf32, #tpu.memory_space<vmem>> -> memref<128xf32, #tpu.memory_space<vmem>>
      %dma_wait3A_164 = arith.constant 0 : i32
      %dma_wait3A_165 = tpu.memref_slice %arg11[%add3A_24, %dma_wait3A_164] : memref<104x128xi32, #tpu.memory_space<vmem>> -> memref<1x128xi32, #tpu.memory_space<vmem>>
      %dma_wait3A_166 = tpu.memref_squeeze %dma_wait3A_165 : memref<1x128xi32, #tpu.memory_space<vmem>> -> memref<128xi32, #tpu.memory_space<vmem>>
      %dma_wait3A_167 = arith.constant 0 : i32
      %dma_wait3A_168 = tpu.memref_slice %arg6[%dma_wait3A_167] : memref<2609152xf32, #tpu.memory_space<hbm>> -> memref<2609152xf32, #tpu.memory_space<hbm>>
      tpu.wait_indirect_dma semaphore(%arg16 : memref<!tpu.dma_semaphore, #tpu.memory_space<semaphore_mem>>) src(%dma_wait3A_168 : memref<2609152xf32, #tpu.memory_space<hbm>>) dst(%dma_wait3A_163 : memref<128xf32, #tpu.memory_space<vmem>>)
      %dma_wait3A_169 = arith.constant 128 : i32
      %dma_wait3A_170 = tpu.memref_slice %arg13[%dma_wait3A_169] : memref<1664xf32, #tpu.memory_space<vmem>> -> memref<128xf32, #tpu.memory_space<vmem>>
      %dma_wait3A_171 = arith.constant 0 : i32
      %dma_wait3A_172 = tpu.memref_slice %arg11[%add3A_34, %dma_wait3A_171] : memref<104x128xi32, #tpu.memory_space<vmem>> -> memref<1x128xi32, #tpu.memory_space<vmem>>
      %dma_wait3A_173 = tpu.memref_squeeze %dma_wait3A_172 : memref<1x128xi32, #tpu.memory_space<vmem>> -> memref<128xi32, #tpu.memory_space<vmem>>
      %dma_wait3A_174 = arith.constant 0 : i32
      %dma_wait3A_175 = tpu.memref_slice %arg6[%dma_wait3A_174] : memref<2609152xf32, #tpu.memory_space<hbm>> -> memref<2609152xf32, #tpu.memory_space<hbm>>
      tpu.wait_indirect_dma semaphore(%arg16 : memref<!tpu.dma_semaphore, #tpu.memory_space<semaphore_mem>>) src(%dma_wait3A_175 : memref<2609152xf32, #tpu.memory_space<hbm>>) dst(%dma_wait3A_170 : memref<128xf32, #tpu.memory_space<vmem>>)
      %dma_wait3A_176 = arith.constant 256 : i32
      %dma_wait3A_177 = tpu.memref_slice %arg13[%dma_wait3A_176] : memref<1664xf32, #tpu.memory_space<vmem>> -> memref<128xf32, #tpu.memory_space<vmem>>
      %dma_wait3A_178 = arith.constant 0 : i32
      %dma_wait3A_179 = tpu.memref_slice %arg11[%add3A_45, %dma_wait3A_178] : memref<104x128xi32, #tpu.memory_space<vmem>> -> memref<1x128xi32, #tpu.memory_space<vmem>>
      %dma_wait3A_180 = tpu.memref_squeeze %dma_wait3A_179 : memref<1x128xi32, #tpu.memory_space<vmem>> -> memref<128xi32, #tpu.memory_space<vmem>>
      %dma_wait3A_181 = arith.constant 0 : i32
      %dma_wait3A_182 = tpu.memref_slice %arg6[%dma_wait3A_181] : memref<2609152xf32, #tpu.memory_space<hbm>> -> memref<2609152xf32, #tpu.memory_space<hbm>>
      tpu.wait_indirect_dma semaphore(%arg16 : memref<!tpu.dma_semaphore, #tpu.memory_space<semaphore_mem>>) src(%dma_wait3A_182 : memref<2609152xf32, #tpu.memory_space<hbm>>) dst(%dma_wait3A_177 : memref<128xf32, #tpu.memory_space<vmem>>)
      %dma_wait3A_183 = arith.constant 384 : i32
      %dma_wait3A_184 = tpu.memref_slice %arg13[%dma_wait3A_183] : memref<1664xf32, #tpu.memory_space<vmem>> -> memref<128xf32, #tpu.memory_space<vmem>>
      %dma_wait3A_185 = arith.constant 0 : i32
      %dma_wait3A_186 = tpu.memref_slice %arg11[%add3A_56, %dma_wait3A_185] : memref<104x128xi32, #tpu.memory_space<vmem>> -> memref<1x128xi32, #tpu.memory_space<vmem>>
      %dma_wait3A_187 = tpu.memref_squeeze %dma_wait3A_186 : memref<1x128xi32, #tpu.memory_space<vmem>> -> memref<128xi32, #tpu.memory_space<vmem>>
      %dma_wait3A_188 = arith.constant 0 : i32
      %dma_wait3A_189 = tpu.memref_slice %arg6[%dma_wait3A_188] : memref<2609152xf32, #tpu.memory_space<hbm>> -> memref<2609152xf32, #tpu.memory_space<hbm>>
      tpu.wait_indirect_dma semaphore(%arg16 : memref<!tpu.dma_semaphore, #tpu.memory_space<semaphore_mem>>) src(%dma_wait3A_189 : memref<2609152xf32, #tpu.memory_space<hbm>>) dst(%dma_wait3A_184 : memref<128xf32, #tpu.memory_space<vmem>>)
      %dma_wait3A_190 = arith.constant 512 : i32
      %dma_wait3A_191 = tpu.memref_slice %arg13[%dma_wait3A_190] : memref<1664xf32, #tpu.memory_space<vmem>> -> memref<128xf32, #tpu.memory_space<vmem>>
      %dma_wait3A_192 = arith.constant 0 : i32
      %dma_wait3A_193 = tpu.memref_slice %arg11[%add3A_67, %dma_wait3A_192] : memref<104x128xi32, #tpu.memory_space<vmem>> -> memref<1x128xi32, #tpu.memory_space<vmem>>
      %dma_wait3A_194 = tpu.memref_squeeze %dma_wait3A_193 : memref<1x128xi32, #tpu.memory_space<vmem>> -> memref<128xi32, #tpu.memory_space<vmem>>
      %dma_wait3A_195 = arith.constant 0 : i32
      %dma_wait3A_196 = tpu.memref_slice %arg6[%dma_wait3A_195] : memref<2609152xf32, #tpu.memory_space<hbm>> -> memref<2609152xf32, #tpu.memory_space<hbm>>
      tpu.wait_indirect_dma semaphore(%arg16 : memref<!tpu.dma_semaphore, #tpu.memory_space<semaphore_mem>>) src(%dma_wait3A_196 : memref<2609152xf32, #tpu.memory_space<hbm>>) dst(%dma_wait3A_191 : memref<128xf32, #tpu.memory_space<vmem>>)
      %dma_wait3A_197 = arith.constant 640 : i32
      %dma_wait3A_198 = tpu.memref_slice %arg13[%dma_wait3A_197] : memref<1664xf32, #tpu.memory_space<vmem>> -> memref<128xf32, #tpu.memory_space<vmem>>
      %dma_wait3A_199 = arith.constant 0 : i32
      %dma_wait3A_200 = tpu.memref_slice %arg11[%add3A_78, %dma_wait3A_199] : memref<104x128xi32, #tpu.memory_space<vmem>> -> memref<1x128xi32, #tpu.memory_space<vmem>>
      %dma_wait3A_201 = tpu.memref_squeeze %dma_wait3A_200 : memref<1x128xi32, #tpu.memory_space<vmem>> -> memref<128xi32, #tpu.memory_space<vmem>>
      %dma_wait3A_202 = arith.constant 0 : i32
      %dma_wait3A_203 = tpu.memref_slice %arg6[%dma_wait3A_202] : memref<2609152xf32, #tpu.memory_space<hbm>> -> memref<2609152xf32, #tpu.memory_space<hbm>>
      tpu.wait_indirect_dma semaphore(%arg16 : memref<!tpu.dma_semaphore, #tpu.memory_space<semaphore_mem>>) src(%dma_wait3A_203 : memref<2609152xf32, #tpu.memory_space<hbm>>) dst(%dma_wait3A_198 : memref<128xf32, #tpu.memory_space<vmem>>)
      %dma_wait3A_204 = arith.constant 768 : i32
      %dma_wait3A_205 = tpu.memref_slice %arg13[%dma_wait3A_204] : memref<1664xf32, #tpu.memory_space<vmem>> -> memref<128xf32, #tpu.memory_space<vmem>>
      %dma_wait3A_206 = arith.constant 0 : i32
      %dma_wait3A_207 = tpu.memref_slice %arg11[%add3A_89, %dma_wait3A_206] : memref<104x128xi32, #tpu.memory_space<vmem>> -> memref<1x128xi32, #tpu.memory_space<vmem>>
      %dma_wait3A_208 = tpu.memref_squeeze %dma_wait3A_207 : memref<1x128xi32, #tpu.memory_space<vmem>> -> memref<128xi32, #tpu.memory_space<vmem>>
      %dma_wait3A_209 = arith.constant 0 : i32
      %dma_wait3A_210 = tpu.memref_slice %arg6[%dma_wait3A_209] : memref<2609152xf32, #tpu.memory_space<hbm>> -> memref<2609152xf32, #tpu.memory_space<hbm>>
      tpu.wait_indirect_dma semaphore(%arg16 : memref<!tpu.dma_semaphore, #tpu.memory_space<semaphore_mem>>) src(%dma_wait3A_210 : memref<2609152xf32, #tpu.memory_space<hbm>>) dst(%dma_wait3A_205 : memref<128xf32, #tpu.memory_space<vmem>>)
      %dma_wait3A_211 = arith.constant 896 : i32
      %dma_wait3A_212 = tpu.memref_slice %arg13[%dma_wait3A_211] : memref<1664xf32, #tpu.memory_space<vmem>> -> memref<128xf32, #tpu.memory_space<vmem>>
      %dma_wait3A_213 = arith.constant 0 : i32
      %dma_wait3A_214 = tpu.memref_slice %arg11[%add3A_100, %dma_wait3A_213] : memref<104x128xi32, #tpu.memory_space<vmem>> -> memref<1x128xi32, #tpu.memory_space<vmem>>
      %dma_wait3A_215 = tpu.memref_squeeze %dma_wait3A_214 : memref<1x128xi32, #tpu.memory_space<vmem>> -> memref<128xi32, #tpu.memory_space<vmem>>
      %dma_wait3A_216 = arith.constant 0 : i32
      %dma_wait3A_217 = tpu.memref_slice %arg6[%dma_wait3A_216] : memref<2609152xf32, #tpu.memory_space<hbm>> -> memref<2609152xf32, #tpu.memory_space<hbm>>
      tpu.wait_indirect_dma semaphore(%arg16 : memref<!tpu.dma_semaphore, #tpu.memory_space<semaphore_mem>>) src(%dma_wait3A_217 : memref<2609152xf32, #tpu.memory_space<hbm>>) dst(%dma_wait3A_212 : memref<128xf32, #tpu.memory_space<vmem>>)
      %dma_wait3A_218 = arith.constant 1024 : i32
      %dma_wait3A_219 = tpu.memref_slice %arg13[%dma_wait3A_218] : memref<1664xf32, #tpu.memory_space<vmem>> -> memref<128xf32, #tpu.memory_space<vmem>>
      %dma_wait3A_220 = arith.constant 0 : i32
      %dma_wait3A_221 = tpu.memref_slice %arg11[%add3A_111, %dma_wait3A_220] : memref<104x128xi32, #tpu.memory_space<vmem>> -> memref<1x128xi32, #tpu.memory_space<vmem>>
      %dma_wait3A_222 = tpu.memref_squeeze %dma_wait3A_221 : memref<1x128xi32, #tpu.memory_space<vmem>> -> memref<128xi32, #tpu.memory_space<vmem>>
      %dma_wait3A_223 = arith.constant 0 : i32
      %dma_wait3A_224 = tpu.memref_slice %arg6[%dma_wait3A_223] : memref<2609152xf32, #tpu.memory_space<hbm>> -> memref<2609152xf32, #tpu.memory_space<hbm>>
      tpu.wait_indirect_dma semaphore(%arg16 : memref<!tpu.dma_semaphore, #tpu.memory_space<semaphore_mem>>) src(%dma_wait3A_224 : memref<2609152xf32, #tpu.memory_space<hbm>>) dst(%dma_wait3A_219 : memref<128xf32, #tpu.memory_space<vmem>>)
      %dma_wait3A_225 = arith.constant 1152 : i32
      %dma_wait3A_226 = tpu.memref_slice %arg13[%dma_wait3A_225] : memref<1664xf32, #tpu.memory_space<vmem>> -> memref<128xf32, #tpu.memory_space<vmem>>
      %dma_wait3A_227 = arith.constant 0 : i32
      %dma_wait3A_228 = tpu.memref_slice %arg11[%add3A_122, %dma_wait3A_227] : memref<104x128xi32, #tpu.memory_space<vmem>> -> memref<1x128xi32, #tpu.memory_space<vmem>>
      %dma_wait3A_229 = tpu.memref_squeeze %dma_wait3A_228 : memref<1x128xi32, #tpu.memory_space<vmem>> -> memref<128xi32, #tpu.memory_space<vmem>>
      %dma_wait3A_230 = arith.constant 0 : i32
      %dma_wait3A_231 = tpu.memref_slice %arg6[%dma_wait3A_230] : memref<2609152xf32, #tpu.memory_space<hbm>> -> memref<2609152xf32, #tpu.memory_space<hbm>>
      tpu.wait_indirect_dma semaphore(%arg16 : memref<!tpu.dma_semaphore, #tpu.memory_space<semaphore_mem>>) src(%dma_wait3A_231 : memref<2609152xf32, #tpu.memory_space<hbm>>) dst(%dma_wait3A_226 : memref<128xf32, #tpu.memory_space<vmem>>)
      %dma_wait3A_232 = arith.constant 1280 : i32
      %dma_wait3A_233 = tpu.memref_slice %arg13[%dma_wait3A_232] : memref<1664xf32, #tpu.memory_space<vmem>> -> memref<128xf32, #tpu.memory_space<vmem>>
      %dma_wait3A_234 = arith.constant 0 : i32
      %dma_wait3A_235 = tpu.memref_slice %arg11[%add3A_133, %dma_wait3A_234] : memref<104x128xi32, #tpu.memory_space<vmem>> -> memref<1x128xi32, #tpu.memory_space<vmem>>
      %dma_wait3A_236 = tpu.memref_squeeze %dma_wait3A_235 : memref<1x128xi32, #tpu.memory_space<vmem>> -> memref<128xi32, #tpu.memory_space<vmem>>
      %dma_wait3A_237 = arith.constant 0 : i32
      %dma_wait3A_238 = tpu.memref_slice %arg6[%dma_wait3A_237] : memref<2609152xf32, #tpu.memory_space<hbm>> -> memref<2609152xf32, #tpu.memory_space<hbm>>
      tpu.wait_indirect_dma semaphore(%arg16 : memref<!tpu.dma_semaphore, #tpu.memory_space<semaphore_mem>>) src(%dma_wait3A_238 : memref<2609152xf32, #tpu.memory_space<hbm>>) dst(%dma_wait3A_233 : memref<128xf32, #tpu.memory_space<vmem>>)
      %dma_wait3A_239 = arith.constant 1408 : i32
      %dma_wait3A_240 = tpu.memref_slice %arg13[%dma_wait3A_239] : memref<1664xf32, #tpu.memory_space<vmem>> -> memref<128xf32, #tpu.memory_space<vmem>>
      %dma_wait3A_241 = arith.constant 0 : i32
      %dma_wait3A_242 = tpu.memref_slice %arg11[%add3A_144, %dma_wait3A_241] : memref<104x128xi32, #tpu.memory_space<vmem>> -> memref<1x128xi32, #tpu.memory_space<vmem>>
      %dma_wait3A_243 = tpu.memref_squeeze %dma_wait3A_242 : memref<1x128xi32, #tpu.memory_space<vmem>> -> memref<128xi32, #tpu.memory_space<vmem>>
      %dma_wait3A_244 = arith.constant 0 : i32
      %dma_wait3A_245 = tpu.memref_slice %arg6[%dma_wait3A_244] : memref<2609152xf32, #tpu.memory_space<hbm>> -> memref<2609152xf32, #tpu.memory_space<hbm>>
      tpu.wait_indirect_dma semaphore(%arg16 : memref<!tpu.dma_semaphore, #tpu.memory_space<semaphore_mem>>) src(%dma_wait3A_245 : memref<2609152xf32, #tpu.memory_space<hbm>>) dst(%dma_wait3A_240 : memref<128xf32, #tpu.memory_space<vmem>>)
      %dma_wait3A_246 = arith.constant 1536 : i32
      %dma_wait3A_247 = tpu.memref_slice %arg13[%dma_wait3A_246] : memref<1664xf32, #tpu.memory_space<vmem>> -> memref<128xf32, #tpu.memory_space<vmem>>
      %dma_wait3A_248 = arith.constant 0 : i32
      %dma_wait3A_249 = tpu.memref_slice %arg11[%add3A_155, %dma_wait3A_248] : memref<104x128xi32, #tpu.memory_space<vmem>> -> memref<1x128xi32, #tpu.memory_space<vmem>>
      %dma_wait3A_250 = tpu.memref_squeeze %dma_wait3A_249 : memref<1x128xi32, #tpu.memory_space<vmem>> -> memref<128xi32, #tpu.memory_space<vmem>>
      %dma_wait3A_251 = arith.constant 0 : i32
      %dma_wait3A_252 = tpu.memref_slice %arg6[%dma_wait3A_251] : memref<2609152xf32, #tpu.memory_space<hbm>> -> memref<2609152xf32, #tpu.memory_space<hbm>>
      tpu.wait_indirect_dma semaphore(%arg16 : memref<!tpu.dma_semaphore, #tpu.memory_space<semaphore_mem>>) src(%dma_wait3A_252 : memref<2609152xf32, #tpu.memory_space<hbm>>) dst(%dma_wait3A_247 : memref<128xf32, #tpu.memory_space<vmem>>)
      %broadcast_in_dim3A = arith.constant 0.000000e+00 : f32
      %broadcast_in_dim3A_253 = vector.broadcast %broadcast_in_dim3A : f32 to vector<16xf32>
      %get3A = arith.constant 0 : index
      %get3A_254 = tpu.vector_load %arg13[%get3A] {strides = array<i32>} : memref<1664xf32, #tpu.memory_space<vmem>>, vector<16xf32>,
      %get3A_255 = vector.shape_cast %get3A_254 : vector<16xf32> to vector<16xf32>
      %add3A_256 = arith.addf %broadcast_in_dim3A_253, %get3A_255 : vector<16xf32>
      %get3A_257 = arith.constant 64 : index
      %get3A_258 = tpu.vector_load %arg13[%get3A_257] {strides = array<i32>} : memref<1664xf32, #tpu.memory_space<vmem>>, vector<16xf32>,
      %get3A_259 = vector.shape_cast %get3A_258 : vector<16xf32> to vector<16xf32>
      %add3A_260 = arith.addf %add3A_256, %get3A_259 : vector<16xf32>
      %get3A_261 = arith.constant 128 : index
      %get3A_262 = tpu.vector_load %arg13[%get3A_261] {strides = array<i32>} : memref<1664xf32, #tpu.memory_space<vmem>>, vector<16xf32>,
      %get3A_263 = vector.shape_cast %get3A_262 : vector<16xf32> to vector<16xf32>
      %add3A_264 = arith.addf %add3A_260, %get3A_263 : vector<16xf32>
      %get3A_265 = arith.constant 192 : index
      %get3A_266 = tpu.vector_load %arg13[%get3A_265] {strides = array<i32>} : memref<1664xf32, #tpu.memory_space<vmem>>, vector<16xf32>,
      %get3A_267 = vector.shape_cast %get3A_266 : vector<16xf32> to vector<16xf32>
      %add3A_268 = arith.addf %add3A_264, %get3A_267 : vector<16xf32>
      %get3A_269 = arith.constant 256 : index
      %get3A_270 = tpu.vector_load %arg13[%get3A_269] {strides = array<i32>} : memref<1664xf32, #tpu.memory_space<vmem>>, vector<16xf32>,
      %get3A_271 = vector.shape_cast %get3A_270 : vector<16xf32> to vector<16xf32>
      %add3A_272 = arith.addf %add3A_268, %get3A_271 : vector<16xf32>
      %get3A_273 = arith.constant 320 : index
      %get3A_274 = tpu.vector_load %arg13[%get3A_273] {strides = array<i32>} : memref<1664xf32, #tpu.memory_space<vmem>>, vector<16xf32>,
      %get3A_275 = vector.shape_cast %get3A_274 : vector<16xf32> to vector<16xf32>
      %add3A_276 = arith.addf %add3A_272, %get3A_275 : vector<16xf32>
      %get3A_277 = arith.constant 384 : index
      %get3A_278 = tpu.vector_load %arg13[%get3A_277] {strides = array<i32>} : memref<1664xf32, #tpu.memory_space<vmem>>, vector<16xf32>,
      %get3A_279 = vector.shape_cast %get3A_278 : vector<16xf32> to vector<16xf32>
      %add3A_280 = arith.addf %add3A_276, %get3A_279 : vector<16xf32>
      %get3A_281 = arith.constant 448 : index
      %get3A_282 = tpu.vector_load %arg13[%get3A_281] {strides = array<i32>} : memref<1664xf32, #tpu.memory_space<vmem>>, vector<16xf32>,
      %get3A_283 = vector.shape_cast %get3A_282 : vector<16xf32> to vector<16xf32>
      %add3A_284 = arith.addf %add3A_280, %get3A_283 : vector<16xf32>
      %get3A_285 = arith.constant 512 : index
      %get3A_286 = tpu.vector_load %arg13[%get3A_285] {strides = array<i32>} : memref<1664xf32, #tpu.memory_space<vmem>>, vector<16xf32>,
      %get3A_287 = vector.shape_cast %get3A_286 : vector<16xf32> to vector<16xf32>
      %add3A_288 = arith.addf %add3A_284, %get3A_287 : vector<16xf32>
      %get3A_289 = arith.constant 576 : index
      %get3A_290 = tpu.vector_load %arg13[%get3A_289] {strides = array<i32>} : memref<1664xf32, #tpu.memory_space<vmem>>, vector<16xf32>,
      %get3A_291 = vector.shape_cast %get3A_290 : vector<16xf32> to vector<16xf32>
      %add3A_292 = arith.addf %add3A_288, %get3A_291 : vector<16xf32>
      %get3A_293 = arith.constant 640 : index
      %get3A_294 = tpu.vector_load %arg13[%get3A_293] {strides = array<i32>} : memref<1664xf32, #tpu.memory_space<vmem>>, vector<16xf32>,
      %get3A_295 = vector.shape_cast %get3A_294 : vector<16xf32> to vector<16xf32>
      %add3A_296 = arith.addf %add3A_292, %get3A_295 : vector<16xf32>
      %get3A_297 = arith.constant 704 : index
      %get3A_298 = tpu.vector_load %arg13[%get3A_297] {strides = array<i32>} : memref<1664xf32, #tpu.memory_space<vmem>>, vector<16xf32>,
      %get3A_299 = vector.shape_cast %get3A_298 : vector<16xf32> to vector<16xf32>
      %add3A_300 = arith.addf %add3A_296, %get3A_299 : vector<16xf32>
      %get3A_301 = arith.constant 768 : index
      %get3A_302 = tpu.vector_load %arg13[%get3A_301] {strides = array<i32>} : memref<1664xf32, #tpu.memory_space<vmem>>, vector<16xf32>,
      %get3A_303 = vector.shape_cast %get3A_302 : vector<16xf32> to vector<16xf32>
      %add3A_304 = arith.addf %add3A_300, %get3A_303 : vector<16xf32>
      %get3A_305 = arith.constant 832 : index
      %get3A_306 = tpu.vector_load %arg13[%get3A_305] {strides = array<i32>} : memref<1664xf32, #tpu.memory_space<vmem>>, vector<16xf32>,
      %get3A_307 = vector.shape_cast %get3A_306 : vector<16xf32> to vector<16xf32>
      %add3A_308 = arith.addf %add3A_304, %get3A_307 : vector<16xf32>
      %get3A_309 = arith.constant 896 : index
      %get3A_310 = tpu.vector_load %arg13[%get3A_309] {strides = array<i32>} : memref<1664xf32, #tpu.memory_space<vmem>>, vector<16xf32>,
      %get3A_311 = vector.shape_cast %get3A_310 : vector<16xf32> to vector<16xf32>
      %add3A_312 = arith.addf %add3A_308, %get3A_311 : vector<16xf32>
      %get3A_313 = arith.constant 960 : index
      %get3A_314 = tpu.vector_load %arg13[%get3A_313] {strides = array<i32>} : memref<1664xf32, #tpu.memory_space<vmem>>, vector<16xf32>,
      %get3A_315 = vector.shape_cast %get3A_314 : vector<16xf32> to vector<16xf32>
      %add3A_316 = arith.addf %add3A_312, %get3A_315 : vector<16xf32>
      %get3A_317 = arith.constant 1024 : index
      %get3A_318 = tpu.vector_load %arg13[%get3A_317] {strides = array<i32>} : memref<1664xf32, #tpu.memory_space<vmem>>, vector<16xf32>,
      %get3A_319 = vector.shape_cast %get3A_318 : vector<16xf32> to vector<16xf32>
      %add3A_320 = arith.addf %add3A_316, %get3A_319 : vector<16xf32>
      %get3A_321 = arith.constant 1088 : index
      %get3A_322 = tpu.vector_load %arg13[%get3A_321] {strides = array<i32>} : memref<1664xf32, #tpu.memory_space<vmem>>, vector<16xf32>,
      %get3A_323 = vector.shape_cast %get3A_322 : vector<16xf32> to vector<16xf32>
      %add3A_324 = arith.addf %add3A_320, %get3A_323 : vector<16xf32>
      %get3A_325 = arith.constant 1152 : index
      %get3A_326 = tpu.vector_load %arg13[%get3A_325] {strides = array<i32>} : memref<1664xf32, #tpu.memory_space<vmem>>, vector<16xf32>,
      %get3A_327 = vector.shape_cast %get3A_326 : vector<16xf32> to vector<16xf32>
      %add3A_328 = arith.addf %add3A_324, %get3A_327 : vector<16xf32>
      %get3A_329 = arith.constant 1216 : index
      %get3A_330 = tpu.vector_load %arg13[%get3A_329] {strides = array<i32>} : memref<1664xf32, #tpu.memory_space<vmem>>, vector<16xf32>,
      %get3A_331 = vector.shape_cast %get3A_330 : vector<16xf32> to vector<16xf32>
      %add3A_332 = arith.addf %add3A_328, %get3A_331 : vector<16xf32>
      %get3A_333 = arith.constant 1280 : index
      %get3A_334 = tpu.vector_load %arg13[%get3A_333] {strides = array<i32>} : memref<1664xf32, #tpu.memory_space<vmem>>, vector<16xf32>,
      %get3A_335 = vector.shape_cast %get3A_334 : vector<16xf32> to vector<16xf32>
      %add3A_336 = arith.addf %add3A_332, %get3A_335 : vector<16xf32>
      %get3A_337 = arith.constant 1344 : index
      %get3A_338 = tpu.vector_load %arg13[%get3A_337] {strides = array<i32>} : memref<1664xf32, #tpu.memory_space<vmem>>, vector<16xf32>,
      %get3A_339 = vector.shape_cast %get3A_338 : vector<16xf32> to vector<16xf32>
      %add3A_340 = arith.addf %add3A_336, %get3A_339 : vector<16xf32>
      %get3A_341 = arith.constant 1408 : index
      %get3A_342 = tpu.vector_load %arg13[%get3A_341] {strides = array<i32>} : memref<1664xf32, #tpu.memory_space<vmem>>, vector<16xf32>,
      %get3A_343 = vector.shape_cast %get3A_342 : vector<16xf32> to vector<16xf32>
      %add3A_344 = arith.addf %add3A_340, %get3A_343 : vector<16xf32>
      %get3A_345 = arith.constant 1472 : index
      %get3A_346 = tpu.vector_load %arg13[%get3A_345] {strides = array<i32>} : memref<1664xf32, #tpu.memory_space<vmem>>, vector<16xf32>,
      %get3A_347 = vector.shape_cast %get3A_346 : vector<16xf32> to vector<16xf32>
      %add3A_348 = arith.addf %add3A_344, %get3A_347 : vector<16xf32>
      %get3A_349 = arith.constant 1536 : index
      %get3A_350 = tpu.vector_load %arg13[%get3A_349] {strides = array<i32>} : memref<1664xf32, #tpu.memory_space<vmem>>, vector<16xf32>,
      %get3A_351 = vector.shape_cast %get3A_350 : vector<16xf32> to vector<16xf32>
      %add3A_352 = arith.addf %add3A_348, %get3A_351 : vector<16xf32>
      %get3A_353 = arith.constant 1600 : index
      %get3A_354 = tpu.vector_load %arg13[%get3A_353] {strides = array<i32>} : memref<1664xf32, #tpu.memory_space<vmem>>, vector<16xf32>,
      %get3A_355 = vector.shape_cast %get3A_354 : vector<16xf32> to vector<16xf32>
      %add3A_356 = arith.addf %add3A_352, %get3A_355 : vector<16xf32>
      %mul3A_357 = arith.constant 64 : i32
      %mul3A_358 = arith.muli %scan3A_20, %mul3A_357 : i32
      %add3A_359 = arith.constant 0 : i32
      %add3A_360 = arith.addi %mul3A_358, %add3A_359 : i32
      %swap3A = arith.index_cast %add3A_360 : i32 to index
      %swap3A_361 = tpu.vector_load %arg14[%swap3A] {strides = array<i32>} : memref<512xf32, #tpu.memory_space<vmem>>, vector<16xf32>,
      %swap3A_362 = vector.shape_cast %swap3A_361 : vector<16xf32> to vector<16xf32>
      %swap3A_363 = vector.shape_cast %add3A_356 : vector<16xf32> to vector<16xf32>
      tpu.vector_store %arg14[%swap3A], %swap3A_363 {strides = array<i32>} : memref<512xf32, #tpu.memory_space<vmem>>, vector<16xf32>,
      %broadcast_in_dim3A_364 = arith.constant 0.000000e+00 : f32
      %broadcast_in_dim3A_365 = vector.broadcast %broadcast_in_dim3A_364 : f32 to vector<16xf32>
      %get3A_366 = arith.constant 16 : index
      %get3A_367 = tpu.vector_load %arg13[%get3A_366] {strides = array<i32>} : memref<1664xf32, #tpu.memory_space<vmem>>, vector<16xf32>,
      %get3A_368 = vector.shape_cast %get3A_367 : vector<16xf32> to vector<16xf32>
      %add3A_369 = arith.addf %broadcast_in_dim3A_365, %get3A_368 : vector<16xf32>
      %get3A_370 = arith.constant 80 : index
      %get3A_371 = tpu.vector_load %arg13[%get3A_370] {strides = array<i32>} : memref<1664xf32, #tpu.memory_space<vmem>>, vector<16xf32>,
      %get3A_372 = vector.shape_cast %get3A_371 : vector<16xf32> to vector<16xf32>
      %add3A_373 = arith.addf %add3A_369, %get3A_372 : vector<16xf32>
      %get3A_374 = arith.constant 144 : index
      %get3A_375 = tpu.vector_load %arg13[%get3A_374] {strides = array<i32>} : memref<1664xf32, #tpu.memory_space<vmem>>, vector<16xf32>,
      %get3A_376 = vector.shape_cast %get3A_375 : vector<16xf32> to vector<16xf32>
      %add3A_377 = arith.addf %add3A_373, %get3A_376 : vector<16xf32>
      %get3A_378 = arith.constant 208 : index
      %get3A_379 = tpu.vector_load %arg13[%get3A_378] {strides = array<i32>} : memref<1664xf32, #tpu.memory_space<vmem>>, vector<16xf32>,
      %get3A_380 = vector.shape_cast %get3A_379 : vector<16xf32> to vector<16xf32>
      %add3A_381 = arith.addf %add3A_377, %get3A_380 : vector<16xf32>
      %get3A_382 = arith.constant 272 : index
      %get3A_383 = tpu.vector_load %arg13[%get3A_382] {strides = array<i32>} : memref<1664xf32, #tpu.memory_space<vmem>>, vector<16xf32>,
      %get3A_384 = vector.shape_cast %get3A_383 : vector<16xf32> to vector<16xf32>
      %add3A_385 = arith.addf %add3A_381, %get3A_384 : vector<16xf32>
      %get3A_386 = arith.constant 336 : index
      %get3A_387 = tpu.vector_load %arg13[%get3A_386] {strides = array<i32>} : memref<1664xf32, #tpu.memory_space<vmem>>, vector<16xf32>,
      %get3A_388 = vector.shape_cast %get3A_387 : vector<16xf32> to vector<16xf32>
      %add3A_389 = arith.addf %add3A_385, %get3A_388 : vector<16xf32>
      %get3A_390 = arith.constant 400 : index
      %get3A_391 = tpu.vector_load %arg13[%get3A_390] {strides = array<i32>} : memref<1664xf32, #tpu.memory_space<vmem>>, vector<16xf32>,
      %get3A_392 = vector.shape_cast %get3A_391 : vector<16xf32> to vector<16xf32>
      %add3A_393 = arith.addf %add3A_389, %get3A_392 : vector<16xf32>
      %get3A_394 = arith.constant 464 : index
      %get3A_395 = tpu.vector_load %arg13[%get3A_394] {strides = array<i32>} : memref<1664xf32, #tpu.memory_space<vmem>>, vector<16xf32>,
      %get3A_396 = vector.shape_cast %get3A_395 : vector<16xf32> to vector<16xf32>
      %add3A_397 = arith.addf %add3A_393, %get3A_396 : vector<16xf32>
      %get3A_398 = arith.constant 528 : index
      %get3A_399 = tpu.vector_load %arg13[%get3A_398] {strides = array<i32>} : memref<1664xf32, #tpu.memory_space<vmem>>, vector<16xf32>,
      %get3A_400 = vector.shape_cast %get3A_399 : vector<16xf32> to vector<16xf32>
      %add3A_401 = arith.addf %add3A_397, %get3A_400 : vector<16xf32>
      %get3A_402 = arith.constant 592 : index
      %get3A_403 = tpu.vector_load %arg13[%get3A_402] {strides = array<i32>} : memref<1664xf32, #tpu.memory_space<vmem>>, vector<16xf32>,
      %get3A_404 = vector.shape_cast %get3A_403 : vector<16xf32> to vector<16xf32>
      %add3A_405 = arith.addf %add3A_401, %get3A_404 : vector<16xf32>
      %get3A_406 = arith.constant 656 : index
      %get3A_407 = tpu.vector_load %arg13[%get3A_406] {strides = array<i32>} : memref<1664xf32, #tpu.memory_space<vmem>>, vector<16xf32>,
      %get3A_408 = vector.shape_cast %get3A_407 : vector<16xf32> to vector<16xf32>
      %add3A_409 = arith.addf %add3A_405, %get3A_408 : vector<16xf32>
      %get3A_410 = arith.constant 720 : index
      %get3A_411 = tpu.vector_load %arg13[%get3A_410] {strides = array<i32>} : memref<1664xf32, #tpu.memory_space<vmem>>, vector<16xf32>,
      %get3A_412 = vector.shape_cast %get3A_411 : vector<16xf32> to vector<16xf32>
      %add3A_413 = arith.addf %add3A_409, %get3A_412 : vector<16xf32>
      %get3A_414 = arith.constant 784 : index
      %get3A_415 = tpu.vector_load %arg13[%get3A_414] {strides = array<i32>} : memref<1664xf32, #tpu.memory_space<vmem>>, vector<16xf32>,
      %get3A_416 = vector.shape_cast %get3A_415 : vector<16xf32> to vector<16xf32>
      %add3A_417 = arith.addf %add3A_413, %get3A_416 : vector<16xf32>
      %get3A_418 = arith.constant 848 : index
      %get3A_419 = tpu.vector_load %arg13[%get3A_418] {strides = array<i32>} : memref<1664xf32, #tpu.memory_space<vmem>>, vector<16xf32>,
      %get3A_420 = vector.shape_cast %get3A_419 : vector<16xf32> to vector<16xf32>
      %add3A_421 = arith.addf %add3A_417, %get3A_420 : vector<16xf32>
      %get3A_422 = arith.constant 912 : index
      %get3A_423 = tpu.vector_load %arg13[%get3A_422] {strides = array<i32>} : memref<1664xf32, #tpu.memory_space<vmem>>, vector<16xf32>,
      %get3A_424 = vector.shape_cast %get3A_423 : vector<16xf32> to vector<16xf32>
      %add3A_425 = arith.addf %add3A_421, %get3A_424 : vector<16xf32>
      %get3A_426 = arith.constant 976 : index
      %get3A_427 = tpu.vector_load %arg13[%get3A_426] {strides = array<i32>} : memref<1664xf32, #tpu.memory_space<vmem>>, vector<16xf32>,
      %get3A_428 = vector.shape_cast %get3A_427 : vector<16xf32> to vector<16xf32>
      %add3A_429 = arith.addf %add3A_425, %get3A_428 : vector<16xf32>
      %get3A_430 = arith.constant 1040 : index
      %get3A_431 = tpu.vector_load %arg13[%get3A_430] {strides = array<i32>} : memref<1664xf32, #tpu.memory_space<vmem>>, vector<16xf32>,
      %get3A_432 = vector.shape_cast %get3A_431 : vector<16xf32> to vector<16xf32>
      %add3A_433 = arith.addf %add3A_429, %get3A_432 : vector<16xf32>
      %get3A_434 = arith.constant 1104 : index
      %get3A_435 = tpu.vector_load %arg13[%get3A_434] {strides = array<i32>} : memref<1664xf32, #tpu.memory_space<vmem>>, vector<16xf32>,
      %get3A_436 = vector.shape_cast %get3A_435 : vector<16xf32> to vector<16xf32>
      %add3A_437 = arith.addf %add3A_433, %get3A_436 : vector<16xf32>
      %get3A_438 = arith.constant 1168 : index
      %get3A_439 = tpu.vector_load %arg13[%get3A_438] {strides = array<i32>} : memref<1664xf32, #tpu.memory_space<vmem>>, vector<16xf32>,
      %get3A_440 = vector.shape_cast %get3A_439 : vector<16xf32> to vector<16xf32>
      %add3A_441 = arith.addf %add3A_437, %get3A_440 : vector<16xf32>
      %get3A_442 = arith.constant 1232 : index
      %get3A_443 = tpu.vector_load %arg13[%get3A_442] {strides = array<i32>} : memref<1664xf32, #tpu.memory_space<vmem>>, vector<16xf32>,
      %get3A_444 = vector.shape_cast %get3A_443 : vector<16xf32> to vector<16xf32>
      %add3A_445 = arith.addf %add3A_441, %get3A_444 : vector<16xf32>
      %get3A_446 = arith.constant 1296 : index
      %get3A_447 = tpu.vector_load %arg13[%get3A_446] {strides = array<i32>} : memref<1664xf32, #tpu.memory_space<vmem>>, vector<16xf32>,
      %get3A_448 = vector.shape_cast %get3A_447 : vector<16xf32> to vector<16xf32>
      %add3A_449 = arith.addf %add3A_445, %get3A_448 : vector<16xf32>
      %get3A_450 = arith.constant 1360 : index
      %get3A_451 = tpu.vector_load %arg13[%get3A_450] {strides = array<i32>} : memref<1664xf32, #tpu.memory_space<vmem>>, vector<16xf32>,
      %get3A_452 = vector.shape_cast %get3A_451 : vector<16xf32> to vector<16xf32>
      %add3A_453 = arith.addf %add3A_449, %get3A_452 : vector<16xf32>
      %get3A_454 = arith.constant 1424 : index
      %get3A_455 = tpu.vector_load %arg13[%get3A_454] {strides = array<i32>} : memref<1664xf32, #tpu.memory_space<vmem>>, vector<16xf32>,
      %get3A_456 = vector.shape_cast %get3A_455 : vector<16xf32> to vector<16xf32>
      %add3A_457 = arith.addf %add3A_453, %get3A_456 : vector<16xf32>
      %get3A_458 = arith.constant 1488 : index
      %get3A_459 = tpu.vector_load %arg13[%get3A_458] {strides = array<i32>} : memref<1664xf32, #tpu.memory_space<vmem>>, vector<16xf32>,
      %get3A_460 = vector.shape_cast %get3A_459 : vector<16xf32> to vector<16xf32>
      %add3A_461 = arith.addf %add3A_457, %get3A_460 : vector<16xf32>
      %get3A_462 = arith.constant 1552 : index
      %get3A_463 = tpu.vector_load %arg13[%get3A_462] {strides = array<i32>} : memref<1664xf32, #tpu.memory_space<vmem>>, vector<16xf32>,
      %get3A_464 = vector.shape_cast %get3A_463 : vector<16xf32> to vector<16xf32>
      %add3A_465 = arith.addf %add3A_461, %get3A_464 : vector<16xf32>
      %get3A_466 = arith.constant 1616 : index
      %get3A_467 = tpu.vector_load %arg13[%get3A_466] {strides = array<i32>} : memref<1664xf32, #tpu.memory_space<vmem>>, vector<16xf32>,
      %get3A_468 = vector.shape_cast %get3A_467 : vector<16xf32> to vector<16xf32>
      %add3A_469 = arith.addf %add3A_465, %get3A_468 : vector<16xf32>
      %mul3A_470 = arith.constant 64 : i32
      %mul3A_471 = arith.muli %scan3A_20, %mul3A_470 : i32
      %add3A_472 = arith.constant 16 : i32
      %add3A_473 = arith.addi %mul3A_471, %add3A_472 : i32
      %swap3A_474 = arith.index_cast %add3A_473 : i32 to index
      %swap3A_475 = tpu.vector_load %arg14[%swap3A_474] {strides = array<i32>} : memref<512xf32, #tpu.memory_space<vmem>>, vector<16xf32>,
      %swap3A_476 = vector.shape_cast %swap3A_475 : vector<16xf32> to vector<16xf32>
      %swap3A_477 = vector.shape_cast %add3A_469 : vector<16xf32> to vector<16xf32>
      tpu.vector_store %arg14[%swap3A_474], %swap3A_477 {strides = array<i32>} : memref<512xf32, #tpu.memory_space<vmem>>, vector<16xf32>,
      %broadcast_in_dim3A_478 = arith.constant 0.000000e+00 : f32
      %broadcast_in_dim3A_479 = vector.broadcast %broadcast_in_dim3A_478 : f32 to vector<16xf32>
      %get3A_480 = arith.constant 32 : index
      %get3A_481 = tpu.vector_load %arg13[%get3A_480] {strides = array<i32>} : memref<1664xf32, #tpu.memory_space<vmem>>, vector<16xf32>,
      %get3A_482 = vector.shape_cast %get3A_481 : vector<16xf32> to vector<16xf32>
      %add3A_483 = arith.addf %broadcast_in_dim3A_479, %get3A_482 : vector<16xf32>
      %get3A_484 = arith.constant 96 : index
      %get3A_485 = tpu.vector_load %arg13[%get3A_484] {strides = array<i32>} : memref<1664xf32, #tpu.memory_space<vmem>>, vector<16xf32>,
      %get3A_486 = vector.shape_cast %get3A_485 : vector<16xf32> to vector<16xf32>
      %add3A_487 = arith.addf %add3A_483, %get3A_486 : vector<16xf32>
      %get3A_488 = arith.constant 160 : index
      %get3A_489 = tpu.vector_load %arg13[%get3A_488] {strides = array<i32>} : memref<1664xf32, #tpu.memory_space<vmem>>, vector<16xf32>,
      %get3A_490 = vector.shape_cast %get3A_489 : vector<16xf32> to vector<16xf32>
      %add3A_491 = arith.addf %add3A_487, %get3A_490 : vector<16xf32>
      %get3A_492 = arith.constant 224 : index
      %get3A_493 = tpu.vector_load %arg13[%get3A_492] {strides = array<i32>} : memref<1664xf32, #tpu.memory_space<vmem>>, vector<16xf32>,
      %get3A_494 = vector.shape_cast %get3A_493 : vector<16xf32> to vector<16xf32>
      %add3A_495 = arith.addf %add3A_491, %get3A_494 : vector<16xf32>
      %get3A_496 = arith.constant 288 : index
      %get3A_497 = tpu.vector_load %arg13[%get3A_496] {strides = array<i32>} : memref<1664xf32, #tpu.memory_space<vmem>>, vector<16xf32>,
      %get3A_498 = vector.shape_cast %get3A_497 : vector<16xf32> to vector<16xf32>
      %add3A_499 = arith.addf %add3A_495, %get3A_498 : vector<16xf32>
      %get3A_500 = arith.constant 352 : index
      %get3A_501 = tpu.vector_load %arg13[%get3A_500] {strides = array<i32>} : memref<1664xf32, #tpu.memory_space<vmem>>, vector<16xf32>,
      %get3A_502 = vector.shape_cast %get3A_501 : vector<16xf32> to vector<16xf32>
      %add3A_503 = arith.addf %add3A_499, %get3A_502 : vector<16xf32>
      %get3A_504 = arith.constant 416 : index
      %get3A_505 = tpu.vector_load %arg13[%get3A_504] {strides = array<i32>} : memref<1664xf32, #tpu.memory_space<vmem>>, vector<16xf32>,
      %get3A_506 = vector.shape_cast %get3A_505 : vector<16xf32> to vector<16xf32>
      %add3A_507 = arith.addf %add3A_503, %get3A_506 : vector<16xf32>
      %get3A_508 = arith.constant 480 : index
      %get3A_509 = tpu.vector_load %arg13[%get3A_508] {strides = array<i32>} : memref<1664xf32, #tpu.memory_space<vmem>>, vector<16xf32>,
      %get3A_510 = vector.shape_cast %get3A_509 : vector<16xf32> to vector<16xf32>
      %add3A_511 = arith.addf %add3A_507, %get3A_510 : vector<16xf32>
      %get3A_512 = arith.constant 544 : index
      %get3A_513 = tpu.vector_load %arg13[%get3A_512] {strides = array<i32>} : memref<1664xf32, #tpu.memory_space<vmem>>, vector<16xf32>,
      %get3A_514 = vector.shape_cast %get3A_513 : vector<16xf32> to vector<16xf32>
      %add3A_515 = arith.addf %add3A_511, %get3A_514 : vector<16xf32>
      %get3A_516 = arith.constant 608 : index
      %get3A_517 = tpu.vector_load %arg13[%get3A_516] {strides = array<i32>} : memref<1664xf32, #tpu.memory_space<vmem>>, vector<16xf32>,
      %get3A_518 = vector.shape_cast %get3A_517 : vector<16xf32> to vector<16xf32>
      %add3A_519 = arith.addf %add3A_515, %get3A_518 : vector<16xf32>
      %get3A_520 = arith.constant 672 : index
      %get3A_521 = tpu.vector_load %arg13[%get3A_520] {strides = array<i32>} : memref<1664xf32, #tpu.memory_space<vmem>>, vector<16xf32>,
      %get3A_522 = vector.shape_cast %get3A_521 : vector<16xf32> to vector<16xf32>
      %add3A_523 = arith.addf %add3A_519, %get3A_522 : vector<16xf32>
      %get3A_524 = arith.constant 736 : index
      %get3A_525 = tpu.vector_load %arg13[%get3A_524] {strides = array<i32>} : memref<1664xf32, #tpu.memory_space<vmem>>, vector<16xf32>,
      %get3A_526 = vector.shape_cast %get3A_525 : vector<16xf32> to vector<16xf32>
      %add3A_527 = arith.addf %add3A_523, %get3A_526 : vector<16xf32>
      %get3A_528 = arith.constant 800 : index
      %get3A_529 = tpu.vector_load %arg13[%get3A_528] {strides = array<i32>} : memref<1664xf32, #tpu.memory_space<vmem>>, vector<16xf32>,
      %get3A_530 = vector.shape_cast %get3A_529 : vector<16xf32> to vector<16xf32>
      %add3A_531 = arith.addf %add3A_527, %get3A_530 : vector<16xf32>
      %get3A_532 = arith.constant 864 : index
      %get3A_533 = tpu.vector_load %arg13[%get3A_532] {strides = array<i32>} : memref<1664xf32, #tpu.memory_space<vmem>>, vector<16xf32>,
      %get3A_534 = vector.shape_cast %get3A_533 : vector<16xf32> to vector<16xf32>
      %add3A_535 = arith.addf %add3A_531, %get3A_534 : vector<16xf32>
      %get3A_536 = arith.constant 928 : index
      %get3A_537 = tpu.vector_load %arg13[%get3A_536] {strides = array<i32>} : memref<1664xf32, #tpu.memory_space<vmem>>, vector<16xf32>,
      %get3A_538 = vector.shape_cast %get3A_537 : vector<16xf32> to vector<16xf32>
      %add3A_539 = arith.addf %add3A_535, %get3A_538 : vector<16xf32>
      %get3A_540 = arith.constant 992 : index
      %get3A_541 = tpu.vector_load %arg13[%get3A_540] {strides = array<i32>} : memref<1664xf32, #tpu.memory_space<vmem>>, vector<16xf32>,
      %get3A_542 = vector.shape_cast %get3A_541 : vector<16xf32> to vector<16xf32>
      %add3A_543 = arith.addf %add3A_539, %get3A_542 : vector<16xf32>
      %get3A_544 = arith.constant 1056 : index
      %get3A_545 = tpu.vector_load %arg13[%get3A_544] {strides = array<i32>} : memref<1664xf32, #tpu.memory_space<vmem>>, vector<16xf32>,
      %get3A_546 = vector.shape_cast %get3A_545 : vector<16xf32> to vector<16xf32>
      %add3A_547 = arith.addf %add3A_543, %get3A_546 : vector<16xf32>
      %get3A_548 = arith.constant 1120 : index
      %get3A_549 = tpu.vector_load %arg13[%get3A_548] {strides = array<i32>} : memref<1664xf32, #tpu.memory_space<vmem>>, vector<16xf32>,
      %get3A_550 = vector.shape_cast %get3A_549 : vector<16xf32> to vector<16xf32>
      %add3A_551 = arith.addf %add3A_547, %get3A_550 : vector<16xf32>
      %get3A_552 = arith.constant 1184 : index
      %get3A_553 = tpu.vector_load %arg13[%get3A_552] {strides = array<i32>} : memref<1664xf32, #tpu.memory_space<vmem>>, vector<16xf32>,
      %get3A_554 = vector.shape_cast %get3A_553 : vector<16xf32> to vector<16xf32>
      %add3A_555 = arith.addf %add3A_551, %get3A_554 : vector<16xf32>
      %get3A_556 = arith.constant 1248 : index
      %get3A_557 = tpu.vector_load %arg13[%get3A_556] {strides = array<i32>} : memref<1664xf32, #tpu.memory_space<vmem>>, vector<16xf32>,
      %get3A_558 = vector.shape_cast %get3A_557 : vector<16xf32> to vector<16xf32>
      %add3A_559 = arith.addf %add3A_555, %get3A_558 : vector<16xf32>
      %get3A_560 = arith.constant 1312 : index
      %get3A_561 = tpu.vector_load %arg13[%get3A_560] {strides = array<i32>} : memref<1664xf32, #tpu.memory_space<vmem>>, vector<16xf32>,
      %get3A_562 = vector.shape_cast %get3A_561 : vector<16xf32> to vector<16xf32>
      %add3A_563 = arith.addf %add3A_559, %get3A_562 : vector<16xf32>
      %get3A_564 = arith.constant 1376 : index
      %get3A_565 = tpu.vector_load %arg13[%get3A_564] {strides = array<i32>} : memref<1664xf32, #tpu.memory_space<vmem>>, vector<16xf32>,
      %get3A_566 = vector.shape_cast %get3A_565 : vector<16xf32> to vector<16xf32>
      %add3A_567 = arith.addf %add3A_563, %get3A_566 : vector<16xf32>
      %get3A_568 = arith.constant 1440 : index
      %get3A_569 = tpu.vector_load %arg13[%get3A_568] {strides = array<i32>} : memref<1664xf32, #tpu.memory_space<vmem>>, vector<16xf32>,
      %get3A_570 = vector.shape_cast %get3A_569 : vector<16xf32> to vector<16xf32>
      %add3A_571 = arith.addf %add3A_567, %get3A_570 : vector<16xf32>
      %get3A_572 = arith.constant 1504 : index
      %get3A_573 = tpu.vector_load %arg13[%get3A_572] {strides = array<i32>} : memref<1664xf32, #tpu.memory_space<vmem>>, vector<16xf32>,
      %get3A_574 = vector.shape_cast %get3A_573 : vector<16xf32> to vector<16xf32>
      %add3A_575 = arith.addf %add3A_571, %get3A_574 : vector<16xf32>
      %get3A_576 = arith.constant 1568 : index
      %get3A_577 = tpu.vector_load %arg13[%get3A_576] {strides = array<i32>} : memref<1664xf32, #tpu.memory_space<vmem>>, vector<16xf32>,
      %get3A_578 = vector.shape_cast %get3A_577 : vector<16xf32> to vector<16xf32>
      %add3A_579 = arith.addf %add3A_575, %get3A_578 : vector<16xf32>
      %get3A_580 = arith.constant 1632 : index
      %get3A_581 = tpu.vector_load %arg13[%get3A_580] {strides = array<i32>} : memref<1664xf32, #tpu.memory_space<vmem>>, vector<16xf32>,
      %get3A_582 = vector.shape_cast %get3A_581 : vector<16xf32> to vector<16xf32>
      %add3A_583 = arith.addf %add3A_579, %get3A_582 : vector<16xf32>
      %mul3A_584 = arith.constant 64 : i32
      %mul3A_585 = arith.muli %scan3A_20, %mul3A_584 : i32
      %add3A_586 = arith.constant 32 : i32
      %add3A_587 = arith.addi %mul3A_585, %add3A_586 : i32
      %swap3A_588 = arith.index_cast %add3A_587 : i32 to index
      %swap3A_589 = tpu.vector_load %arg14[%swap3A_588] {strides = array<i32>} : memref<512xf32, #tpu.memory_space<vmem>>, vector<16xf32>,
      %swap3A_590 = vector.shape_cast %swap3A_589 : vector<16xf32> to vector<16xf32>
      %swap3A_591 = vector.shape_cast %add3A_583 : vector<16xf32> to vector<16xf32>
      tpu.vector_store %arg14[%swap3A_588], %swap3A_591 {strides = array<i32>} : memref<512xf32, #tpu.memory_space<vmem>>, vector<16xf32>,
      %broadcast_in_dim3A_592 = arith.constant 0.000000e+00 : f32
      %broadcast_in_dim3A_593 = vector.broadcast %broadcast_in_dim3A_592 : f32 to vector<16xf32>
      %get3A_594 = arith.constant 48 : index
      %get3A_595 = tpu.vector_load %arg13[%get3A_594] {strides = array<i32>} : memref<1664xf32, #tpu.memory_space<vmem>>, vector<16xf32>,
      %get3A_596 = vector.shape_cast %get3A_595 : vector<16xf32> to vector<16xf32>
      %add3A_597 = arith.addf %broadcast_in_dim3A_593, %get3A_596 : vector<16xf32>
      %get3A_598 = arith.constant 112 : index
      %get3A_599 = tpu.vector_load %arg13[%get3A_598] {strides = array<i32>} : memref<1664xf32, #tpu.memory_space<vmem>>, vector<16xf32>,
      %get3A_600 = vector.shape_cast %get3A_599 : vector<16xf32> to vector<16xf32>
      %add3A_601 = arith.addf %add3A_597, %get3A_600 : vector<16xf32>
      %get3A_602 = arith.constant 176 : index
      %get3A_603 = tpu.vector_load %arg13[%get3A_602] {strides = array<i32>} : memref<1664xf32, #tpu.memory_space<vmem>>, vector<16xf32>,
      %get3A_604 = vector.shape_cast %get3A_603 : vector<16xf32> to vector<16xf32>
      %add3A_605 = arith.addf %add3A_601, %get3A_604 : vector<16xf32>
      %get3A_606 = arith.constant 240 : index
      %get3A_607 = tpu.vector_load %arg13[%get3A_606] {strides = array<i32>} : memref<1664xf32, #tpu.memory_space<vmem>>, vector<16xf32>,
      %get3A_608 = vector.shape_cast %get3A_607 : vector<16xf32> to vector<16xf32>
      %add3A_609 = arith.addf %add3A_605, %get3A_608 : vector<16xf32>
      %get3A_610 = arith.constant 304 : index
      %get3A_611 = tpu.vector_load %arg13[%get3A_610] {strides = array<i32>} : memref<1664xf32, #tpu.memory_space<vmem>>, vector<16xf32>,
      %get3A_612 = vector.shape_cast %get3A_611 : vector<16xf32> to vector<16xf32>
      %add3A_613 = arith.addf %add3A_609, %get3A_612 : vector<16xf32>
      %get3A_614 = arith.constant 368 : index
      %get3A_615 = tpu.vector_load %arg13[%get3A_614] {strides = array<i32>} : memref<1664xf32, #tpu.memory_space<vmem>>, vector<16xf32>,
      %get3A_616 = vector.shape_cast %get3A_615 : vector<16xf32> to vector<16xf32>
      %add3A_617 = arith.addf %add3A_613, %get3A_616 : vector<16xf32>
      %get3A_618 = arith.constant 432 : index
      %get3A_619 = tpu.vector_load %arg13[%get3A_618] {strides = array<i32>} : memref<1664xf32, #tpu.memory_space<vmem>>, vector<16xf32>,
      %get3A_620 = vector.shape_cast %get3A_619 : vector<16xf32> to vector<16xf32>
      %add3A_621 = arith.addf %add3A_617, %get3A_620 : vector<16xf32>
      %get3A_622 = arith.constant 496 : index
      %get3A_623 = tpu.vector_load %arg13[%get3A_622] {strides = array<i32>} : memref<1664xf32, #tpu.memory_space<vmem>>, vector<16xf32>,
      %get3A_624 = vector.shape_cast %get3A_623 : vector<16xf32> to vector<16xf32>
      %add3A_625 = arith.addf %add3A_621, %get3A_624 : vector<16xf32>
      %get3A_626 = arith.constant 560 : index
      %get3A_627 = tpu.vector_load %arg13[%get3A_626] {strides = array<i32>} : memref<1664xf32, #tpu.memory_space<vmem>>, vector<16xf32>,
      %get3A_628 = vector.shape_cast %get3A_627 : vector<16xf32> to vector<16xf32>
      %add3A_629 = arith.addf %add3A_625, %get3A_628 : vector<16xf32>
      %get3A_630 = arith.constant 624 : index
      %get3A_631 = tpu.vector_load %arg13[%get3A_630] {strides = array<i32>} : memref<1664xf32, #tpu.memory_space<vmem>>, vector<16xf32>,
      %get3A_632 = vector.shape_cast %get3A_631 : vector<16xf32> to vector<16xf32>
      %add3A_633 = arith.addf %add3A_629, %get3A_632 : vector<16xf32>
      %get3A_634 = arith.constant 688 : index
      %get3A_635 = tpu.vector_load %arg13[%get3A_634] {strides = array<i32>} : memref<1664xf32, #tpu.memory_space<vmem>>, vector<16xf32>,
      %get3A_636 = vector.shape_cast %get3A_635 : vector<16xf32> to vector<16xf32>
      %add3A_637 = arith.addf %add3A_633, %get3A_636 : vector<16xf32>
      %get3A_638 = arith.constant 752 : index
      %get3A_639 = tpu.vector_load %arg13[%get3A_638] {strides = array<i32>} : memref<1664xf32, #tpu.memory_space<vmem>>, vector<16xf32>,
      %get3A_640 = vector.shape_cast %get3A_639 : vector<16xf32> to vector<16xf32>
      %add3A_641 = arith.addf %add3A_637, %get3A_640 : vector<16xf32>
      %get3A_642 = arith.constant 816 : index
      %get3A_643 = tpu.vector_load %arg13[%get3A_642] {strides = array<i32>} : memref<1664xf32, #tpu.memory_space<vmem>>, vector<16xf32>,
      %get3A_644 = vector.shape_cast %get3A_643 : vector<16xf32> to vector<16xf32>
      %add3A_645 = arith.addf %add3A_641, %get3A_644 : vector<16xf32>
      %get3A_646 = arith.constant 880 : index
      %get3A_647 = tpu.vector_load %arg13[%get3A_646] {strides = array<i32>} : memref<1664xf32, #tpu.memory_space<vmem>>, vector<16xf32>,
      %get3A_648 = vector.shape_cast %get3A_647 : vector<16xf32> to vector<16xf32>
      %add3A_649 = arith.addf %add3A_645, %get3A_648 : vector<16xf32>
      %get3A_650 = arith.constant 944 : index
      %get3A_651 = tpu.vector_load %arg13[%get3A_650] {strides = array<i32>} : memref<1664xf32, #tpu.memory_space<vmem>>, vector<16xf32>,
      %get3A_652 = vector.shape_cast %get3A_651 : vector<16xf32> to vector<16xf32>
      %add3A_653 = arith.addf %add3A_649, %get3A_652 : vector<16xf32>
      %get3A_654 = arith.constant 1008 : index
      %get3A_655 = tpu.vector_load %arg13[%get3A_654] {strides = array<i32>} : memref<1664xf32, #tpu.memory_space<vmem>>, vector<16xf32>,
      %get3A_656 = vector.shape_cast %get3A_655 : vector<16xf32> to vector<16xf32>
      %add3A_657 = arith.addf %add3A_653, %get3A_656 : vector<16xf32>
      %get3A_658 = arith.constant 1072 : index
      %get3A_659 = tpu.vector_load %arg13[%get3A_658] {strides = array<i32>} : memref<1664xf32, #tpu.memory_space<vmem>>, vector<16xf32>,
      %get3A_660 = vector.shape_cast %get3A_659 : vector<16xf32> to vector<16xf32>
      %add3A_661 = arith.addf %add3A_657, %get3A_660 : vector<16xf32>
      %get3A_662 = arith.constant 1136 : index
      %get3A_663 = tpu.vector_load %arg13[%get3A_662] {strides = array<i32>} : memref<1664xf32, #tpu.memory_space<vmem>>, vector<16xf32>,
      %get3A_664 = vector.shape_cast %get3A_663 : vector<16xf32> to vector<16xf32>
      %add3A_665 = arith.addf %add3A_661, %get3A_664 : vector<16xf32>
      %get3A_666 = arith.constant 1200 : index
      %get3A_667 = tpu.vector_load %arg13[%get3A_666] {strides = array<i32>} : memref<1664xf32, #tpu.memory_space<vmem>>, vector<16xf32>,
      %get3A_668 = vector.shape_cast %get3A_667 : vector<16xf32> to vector<16xf32>
      %add3A_669 = arith.addf %add3A_665, %get3A_668 : vector<16xf32>
      %get3A_670 = arith.constant 1264 : index
      %get3A_671 = tpu.vector_load %arg13[%get3A_670] {strides = array<i32>} : memref<1664xf32, #tpu.memory_space<vmem>>, vector<16xf32>,
      %get3A_672 = vector.shape_cast %get3A_671 : vector<16xf32> to vector<16xf32>
      %add3A_673 = arith.addf %add3A_669, %get3A_672 : vector<16xf32>
      %get3A_674 = arith.constant 1328 : index
      %get3A_675 = tpu.vector_load %arg13[%get3A_674] {strides = array<i32>} : memref<1664xf32, #tpu.memory_space<vmem>>, vector<16xf32>,
      %get3A_676 = vector.shape_cast %get3A_675 : vector<16xf32> to vector<16xf32>
      %add3A_677 = arith.addf %add3A_673, %get3A_676 : vector<16xf32>
      %get3A_678 = arith.constant 1392 : index
      %get3A_679 = tpu.vector_load %arg13[%get3A_678] {strides = array<i32>} : memref<1664xf32, #tpu.memory_space<vmem>>, vector<16xf32>,
      %get3A_680 = vector.shape_cast %get3A_679 : vector<16xf32> to vector<16xf32>
      %add3A_681 = arith.addf %add3A_677, %get3A_680 : vector<16xf32>
      %get3A_682 = arith.constant 1456 : index
      %get3A_683 = tpu.vector_load %arg13[%get3A_682] {strides = array<i32>} : memref<1664xf32, #tpu.memory_space<vmem>>, vector<16xf32>,
      %get3A_684 = vector.shape_cast %get3A_683 : vector<16xf32> to vector<16xf32>
      %add3A_685 = arith.addf %add3A_681, %get3A_684 : vector<16xf32>
      %get3A_686 = arith.constant 1520 : index
      %get3A_687 = tpu.vector_load %arg13[%get3A_686] {strides = array<i32>} : memref<1664xf32, #tpu.memory_space<vmem>>, vector<16xf32>,
      %get3A_688 = vector.shape_cast %get3A_687 : vector<16xf32> to vector<16xf32>
      %add3A_689 = arith.addf %add3A_685, %get3A_688 : vector<16xf32>
      %get3A_690 = arith.constant 1584 : index
      %get3A_691 = tpu.vector_load %arg13[%get3A_690] {strides = array<i32>} : memref<1664xf32, #tpu.memory_space<vmem>>, vector<16xf32>,
      %get3A_692 = vector.shape_cast %get3A_691 : vector<16xf32> to vector<16xf32>
      %add3A_693 = arith.addf %add3A_689, %get3A_692 : vector<16xf32>
      %get3A_694 = arith.constant 1648 : index
      %get3A_695 = tpu.vector_load %arg13[%get3A_694] {strides = array<i32>} : memref<1664xf32, #tpu.memory_space<vmem>>, vector<16xf32>,
      %get3A_696 = vector.shape_cast %get3A_695 : vector<16xf32> to vector<16xf32>
      %add3A_697 = arith.addf %add3A_693, %get3A_696 : vector<16xf32>
      %mul3A_698 = arith.constant 64 : i32
      %mul3A_699 = arith.muli %scan3A_20, %mul3A_698 : i32
      %add3A_700 = arith.constant 48 : i32
      %add3A_701 = arith.addi %mul3A_699, %add3A_700 : i32
      %swap3A_702 = arith.index_cast %add3A_701 : i32 to index
      %swap3A_703 = tpu.vector_load %arg14[%swap3A_702] {strides = array<i32>} : memref<512xf32, #tpu.memory_space<vmem>>, vector<16xf32>,
      %swap3A_704 = vector.shape_cast %swap3A_703 : vector<16xf32> to vector<16xf32>
      %swap3A_705 = vector.shape_cast %add3A_697 : vector<16xf32> to vector<16xf32>
      tpu.vector_store %arg14[%swap3A_702], %swap3A_705 {strides = array<i32>} : memref<512xf32, #tpu.memory_space<vmem>>, vector<16xf32>,
    }
    %scan3A_17 = arith.constant 8 : i32
    %mul3A_18 = arith.constant 512 : i32
    %mul3A_19 = arith.muli %add3A, %mul3A_18 : i32
    "tpu.region"() ({
      %run_scoped3A = tpu.sem_alloc : memref<!tpu.dma_semaphore, #tpu.memory_space<semaphore_mem>>
      %dma_start3A = tpu.memref_slice %arg8[%mul3A_19] : memref<16384xf32, #tpu.memory_space<hbm>> -> memref<512xf32, #tpu.memory_space<hbm>>
      %dma_start3A_20 = tpu.memref_slice %arg8[%mul3A_19] : memref<16384xf32, #tpu.memory_space<hbm>> -> memref<512xf32, #tpu.memory_space<hbm>>
      tpu.enqueue_dma source(%arg14 : memref<512xf32, #tpu.memory_space<vmem>>) target(%dma_start3A_20 : memref<512xf32, #tpu.memory_space<hbm>>) target_semaphore(%run_scoped3A : memref<!tpu.dma_semaphore, #tpu.memory_space<semaphore_mem>>)
      %dma_wait3A = tpu.memref_slice %arg8[%mul3A_19] : memref<16384xf32, #tpu.memory_space<hbm>> -> memref<512xf32, #tpu.memory_space<hbm>>
      %dma_wait3A_21 = tpu.memref_slice %arg8[%mul3A_19] : memref<16384xf32, #tpu.memory_space<hbm>> -> memref<512xf32, #tpu.memory_space<hbm>>
      tpu.wait_dma2 semaphore(%run_scoped3A : memref<!tpu.dma_semaphore, #tpu.memory_space<semaphore_mem>>) src(%arg14 : memref<512xf32, #tpu.memory_space<vmem>>) dst(%dma_wait3A_21 : memref<512xf32, #tpu.memory_space<hbm>>)
      tpu.yield
    }) : () -> ()
    return
  }
}

module attributes {stable_mosaic.version = 14 : i64} {
  func.func @_xpose_body(%arg0: i32, %arg1: i32, %arg2: memref<128x8192xf32, #tpu.memory_space<vmem>>, %arg3: memref<1x8192x128xf32, #tpu.memory_space<vmem>>) attributes {dimension_semantics = [#tpu.dimension_semantics<arbitrary>, #tpu.dimension_semantics<arbitrary>], iteration_bounds = array<i64: 2, 13>, scalar_prefetch = 0 : i64, scratch_operands = 0 : i64, tpu.core_type = #tpu.core_type<tc>, window_params = [{transform_indices = @transform_0, window_bounds = array<i64: 128, 8192>}, {transform_indices = @transform_1, window_bounds = array<i64: 1, 8192, 128>}]} {
    %get3A = arith.constant 0 : index
    %get3A_0 = arith.constant 0 : index
    %get3A_1 = vector.load %arg2[%get3A, %get3A_0] : memref<128x8192xf32, #tpu.memory_space<vmem>>, vector<128x8192xf32>
    %slice3A = vector.extract_strided_slice %get3A_1 {offsets = [0, 0], sizes = [128, 128], strides = [1, 1]} : vector<128x8192xf32> to vector<128x128xf32>
    %transpose3A = tpu.transpose %slice3A, [1, 0] : vector<128x128xf32> -> vector<128x128xf32>
    %swap3A = arith.constant 0 : index
    %swap3A_2 = arith.constant 0 : index
    %swap3A_3 = arith.constant 0 : index
    %swap3A_4 = vector.load %arg3[%swap3A, %swap3A_2, %swap3A_3] : memref<1x8192x128xf32, #tpu.memory_space<vmem>>, vector<1x128x128xf32>
    %swap3A_5 = vector.shape_cast %swap3A_4 : vector<1x128x128xf32> to vector<128x128xf32>
    %swap3A_6 = vector.shape_cast %transpose3A : vector<128x128xf32> to vector<1x128x128xf32>
    tpu.vector_store %arg3[%swap3A, %swap3A_2, %swap3A_3], %swap3A_6 {strides = array<i32>} : memref<1x8192x128xf32, #tpu.memory_space<vmem>>, vector<1x128x128xf32>,
    %slice3A_7 = vector.extract_strided_slice %get3A_1 {offsets = [0, 128], sizes = [128, 128], strides = [1, 1]} : vector<128x8192xf32> to vector<128x128xf32>
    %transpose3A_8 = tpu.transpose %slice3A_7, [1, 0] : vector<128x128xf32> -> vector<128x128xf32>
    %swap3A_9 = arith.constant 0 : index
    %swap3A_10 = arith.constant 128 : index
    %swap3A_11 = arith.constant 0 : index
    %swap3A_12 = vector.load %arg3[%swap3A_9, %swap3A_10, %swap3A_11] : memref<1x8192x128xf32, #tpu.memory_space<vmem>>, vector<1x128x128xf32>
    %swap3A_13 = vector.shape_cast %swap3A_12 : vector<1x128x128xf32> to vector<128x128xf32>
    %swap3A_14 = vector.shape_cast %transpose3A_8 : vector<128x128xf32> to vector<1x128x128xf32>
    tpu.vector_store %arg3[%swap3A_9, %swap3A_10, %swap3A_11], %swap3A_14 {strides = array<i32>} : memref<1x8192x128xf32, #tpu.memory_space<vmem>>, vector<1x128x128xf32>,
    %slice3A_15 = vector.extract_strided_slice %get3A_1 {offsets = [0, 256], sizes = [128, 128], strides = [1, 1]} : vector<128x8192xf32> to vector<128x128xf32>
    %transpose3A_16 = tpu.transpose %slice3A_15, [1, 0] : vector<128x128xf32> -> vector<128x128xf32>
    %swap3A_17 = arith.constant 0 : index
    %swap3A_18 = arith.constant 256 : index
    %swap3A_19 = arith.constant 0 : index
    %swap3A_20 = vector.load %arg3[%swap3A_17, %swap3A_18, %swap3A_19] : memref<1x8192x128xf32, #tpu.memory_space<vmem>>, vector<1x128x128xf32>
    %swap3A_21 = vector.shape_cast %swap3A_20 : vector<1x128x128xf32> to vector<128x128xf32>
    %swap3A_22 = vector.shape_cast %transpose3A_16 : vector<128x128xf32> to vector<1x128x128xf32>
    tpu.vector_store %arg3[%swap3A_17, %swap3A_18, %swap3A_19], %swap3A_22 {strides = array<i32>} : memref<1x8192x128xf32, #tpu.memory_space<vmem>>, vector<1x128x128xf32>,
    %slice3A_23 = vector.extract_strided_slice %get3A_1 {offsets = [0, 384], sizes = [128, 128], strides = [1, 1]} : vector<128x8192xf32> to vector<128x128xf32>
    %transpose3A_24 = tpu.transpose %slice3A_23, [1, 0] : vector<128x128xf32> -> vector<128x128xf32>
    %swap3A_25 = arith.constant 0 : index
    %swap3A_26 = arith.constant 384 : index
    %swap3A_27 = arith.constant 0 : index
    %swap3A_28 = vector.load %arg3[%swap3A_25, %swap3A_26, %swap3A_27] : memref<1x8192x128xf32, #tpu.memory_space<vmem>>, vector<1x128x128xf32>
    %swap3A_29 = vector.shape_cast %swap3A_28 : vector<1x128x128xf32> to vector<128x128xf32>
    %swap3A_30 = vector.shape_cast %transpose3A_24 : vector<128x128xf32> to vector<1x128x128xf32>
    tpu.vector_store %arg3[%swap3A_25, %swap3A_26, %swap3A_27], %swap3A_30 {strides = array<i32>} : memref<1x8192x128xf32, #tpu.memory_space<vmem>>, vector<1x128x128xf32>,
    %slice3A_31 = vector.extract_strided_slice %get3A_1 {offsets = [0, 512], sizes = [128, 128], strides = [1, 1]} : vector<128x8192xf32> to vector<128x128xf32>
    %transpose3A_32 = tpu.transpose %slice3A_31, [1, 0] : vector<128x128xf32> -> vector<128x128xf32>
    %swap3A_33 = arith.constant 0 : index
    %swap3A_34 = arith.constant 512 : index
    %swap3A_35 = arith.constant 0 : index
    %swap3A_36 = vector.load %arg3[%swap3A_33, %swap3A_34, %swap3A_35] : memref<1x8192x128xf32, #tpu.memory_space<vmem>>, vector<1x128x128xf32>
    %swap3A_37 = vector.shape_cast %swap3A_36 : vector<1x128x128xf32> to vector<128x128xf32>
    %swap3A_38 = vector.shape_cast %transpose3A_32 : vector<128x128xf32> to vector<1x128x128xf32>
    tpu.vector_store %arg3[%swap3A_33, %swap3A_34, %swap3A_35], %swap3A_38 {strides = array<i32>} : memref<1x8192x128xf32, #tpu.memory_space<vmem>>, vector<1x128x128xf32>,
    %slice3A_39 = vector.extract_strided_slice %get3A_1 {offsets = [0, 640], sizes = [128, 128], strides = [1, 1]} : vector<128x8192xf32> to vector<128x128xf32>
    %transpose3A_40 = tpu.transpose %slice3A_39, [1, 0] : vector<128x128xf32> -> vector<128x128xf32>
    %swap3A_41 = arith.constant 0 : index
    %swap3A_42 = arith.constant 640 : index
    %swap3A_43 = arith.constant 0 : index
    %swap3A_44 = vector.load %arg3[%swap3A_41, %swap3A_42, %swap3A_43] : memref<1x8192x128xf32, #tpu.memory_space<vmem>>, vector<1x128x128xf32>
    %swap3A_45 = vector.shape_cast %swap3A_44 : vector<1x128x128xf32> to vector<128x128xf32>
    %swap3A_46 = vector.shape_cast %transpose3A_40 : vector<128x128xf32> to vector<1x128x128xf32>
    tpu.vector_store %arg3[%swap3A_41, %swap3A_42, %swap3A_43], %swap3A_46 {strides = array<i32>} : memref<1x8192x128xf32, #tpu.memory_space<vmem>>, vector<1x128x128xf32>,
    %slice3A_47 = vector.extract_strided_slice %get3A_1 {offsets = [0, 768], sizes = [128, 128], strides = [1, 1]} : vector<128x8192xf32> to vector<128x128xf32>
    %transpose3A_48 = tpu.transpose %slice3A_47, [1, 0] : vector<128x128xf32> -> vector<128x128xf32>
    %swap3A_49 = arith.constant 0 : index
    %swap3A_50 = arith.constant 768 : index
    %swap3A_51 = arith.constant 0 : index
    %swap3A_52 = vector.load %arg3[%swap3A_49, %swap3A_50, %swap3A_51] : memref<1x8192x128xf32, #tpu.memory_space<vmem>>, vector<1x128x128xf32>
    %swap3A_53 = vector.shape_cast %swap3A_52 : vector<1x128x128xf32> to vector<128x128xf32>
    %swap3A_54 = vector.shape_cast %transpose3A_48 : vector<128x128xf32> to vector<1x128x128xf32>
    tpu.vector_store %arg3[%swap3A_49, %swap3A_50, %swap3A_51], %swap3A_54 {strides = array<i32>} : memref<1x8192x128xf32, #tpu.memory_space<vmem>>, vector<1x128x128xf32>,
    %slice3A_55 = vector.extract_strided_slice %get3A_1 {offsets = [0, 896], sizes = [128, 128], strides = [1, 1]} : vector<128x8192xf32> to vector<128x128xf32>
    %transpose3A_56 = tpu.transpose %slice3A_55, [1, 0] : vector<128x128xf32> -> vector<128x128xf32>
    %swap3A_57 = arith.constant 0 : index
    %swap3A_58 = arith.constant 896 : index
    %swap3A_59 = arith.constant 0 : index
    %swap3A_60 = vector.load %arg3[%swap3A_57, %swap3A_58, %swap3A_59] : memref<1x8192x128xf32, #tpu.memory_space<vmem>>, vector<1x128x128xf32>
    %swap3A_61 = vector.shape_cast %swap3A_60 : vector<1x128x128xf32> to vector<128x128xf32>
    %swap3A_62 = vector.shape_cast %transpose3A_56 : vector<128x128xf32> to vector<1x128x128xf32>
    tpu.vector_store %arg3[%swap3A_57, %swap3A_58, %swap3A_59], %swap3A_62 {strides = array<i32>} : memref<1x8192x128xf32, #tpu.memory_space<vmem>>, vector<1x128x128xf32>,
    %slice3A_63 = vector.extract_strided_slice %get3A_1 {offsets = [0, 1024], sizes = [128, 128], strides = [1, 1]} : vector<128x8192xf32> to vector<128x128xf32>
    %transpose3A_64 = tpu.transpose %slice3A_63, [1, 0] : vector<128x128xf32> -> vector<128x128xf32>
    %swap3A_65 = arith.constant 0 : index
    %swap3A_66 = arith.constant 1024 : index
    %swap3A_67 = arith.constant 0 : index
    %swap3A_68 = vector.load %arg3[%swap3A_65, %swap3A_66, %swap3A_67] : memref<1x8192x128xf32, #tpu.memory_space<vmem>>, vector<1x128x128xf32>
    %swap3A_69 = vector.shape_cast %swap3A_68 : vector<1x128x128xf32> to vector<128x128xf32>
    %swap3A_70 = vector.shape_cast %transpose3A_64 : vector<128x128xf32> to vector<1x128x128xf32>
    tpu.vector_store %arg3[%swap3A_65, %swap3A_66, %swap3A_67], %swap3A_70 {strides = array<i32>} : memref<1x8192x128xf32, #tpu.memory_space<vmem>>, vector<1x128x128xf32>,
    %slice3A_71 = vector.extract_strided_slice %get3A_1 {offsets = [0, 1152], sizes = [128, 128], strides = [1, 1]} : vector<128x8192xf32> to vector<128x128xf32>
    %transpose3A_72 = tpu.transpose %slice3A_71, [1, 0] : vector<128x128xf32> -> vector<128x128xf32>
    %swap3A_73 = arith.constant 0 : index
    %swap3A_74 = arith.constant 1152 : index
    %swap3A_75 = arith.constant 0 : index
    %swap3A_76 = vector.load %arg3[%swap3A_73, %swap3A_74, %swap3A_75] : memref<1x8192x128xf32, #tpu.memory_space<vmem>>, vector<1x128x128xf32>
    %swap3A_77 = vector.shape_cast %swap3A_76 : vector<1x128x128xf32> to vector<128x128xf32>
    %swap3A_78 = vector.shape_cast %transpose3A_72 : vector<128x128xf32> to vector<1x128x128xf32>
    tpu.vector_store %arg3[%swap3A_73, %swap3A_74, %swap3A_75], %swap3A_78 {strides = array<i32>} : memref<1x8192x128xf32, #tpu.memory_space<vmem>>, vector<1x128x128xf32>,
    %slice3A_79 = vector.extract_strided_slice %get3A_1 {offsets = [0, 1280], sizes = [128, 128], strides = [1, 1]} : vector<128x8192xf32> to vector<128x128xf32>
    %transpose3A_80 = tpu.transpose %slice3A_79, [1, 0] : vector<128x128xf32> -> vector<128x128xf32>
    %swap3A_81 = arith.constant 0 : index
    %swap3A_82 = arith.constant 1280 : index
    %swap3A_83 = arith.constant 0 : index
    %swap3A_84 = vector.load %arg3[%swap3A_81, %swap3A_82, %swap3A_83] : memref<1x8192x128xf32, #tpu.memory_space<vmem>>, vector<1x128x128xf32>
    %swap3A_85 = vector.shape_cast %swap3A_84 : vector<1x128x128xf32> to vector<128x128xf32>
    %swap3A_86 = vector.shape_cast %transpose3A_80 : vector<128x128xf32> to vector<1x128x128xf32>
    tpu.vector_store %arg3[%swap3A_81, %swap3A_82, %swap3A_83], %swap3A_86 {strides = array<i32>} : memref<1x8192x128xf32, #tpu.memory_space<vmem>>, vector<1x128x128xf32>,
    %slice3A_87 = vector.extract_strided_slice %get3A_1 {offsets = [0, 1408], sizes = [128, 128], strides = [1, 1]} : vector<128x8192xf32> to vector<128x128xf32>
    %transpose3A_88 = tpu.transpose %slice3A_87, [1, 0] : vector<128x128xf32> -> vector<128x128xf32>
    %swap3A_89 = arith.constant 0 : index
    %swap3A_90 = arith.constant 1408 : index
    %swap3A_91 = arith.constant 0 : index
    %swap3A_92 = vector.load %arg3[%swap3A_89, %swap3A_90, %swap3A_91] : memref<1x8192x128xf32, #tpu.memory_space<vmem>>, vector<1x128x128xf32>
    %swap3A_93 = vector.shape_cast %swap3A_92 : vector<1x128x128xf32> to vector<128x128xf32>
    %swap3A_94 = vector.shape_cast %transpose3A_88 : vector<128x128xf32> to vector<1x128x128xf32>
    tpu.vector_store %arg3[%swap3A_89, %swap3A_90, %swap3A_91], %swap3A_94 {strides = array<i32>} : memref<1x8192x128xf32, #tpu.memory_space<vmem>>, vector<1x128x128xf32>,
    %slice3A_95 = vector.extract_strided_slice %get3A_1 {offsets = [0, 1536], sizes = [128, 128], strides = [1, 1]} : vector<128x8192xf32> to vector<128x128xf32>
    %transpose3A_96 = tpu.transpose %slice3A_95, [1, 0] : vector<128x128xf32> -> vector<128x128xf32>
    %swap3A_97 = arith.constant 0 : index
    %swap3A_98 = arith.constant 1536 : index
    %swap3A_99 = arith.constant 0 : index
    %swap3A_100 = vector.load %arg3[%swap3A_97, %swap3A_98, %swap3A_99] : memref<1x8192x128xf32, #tpu.memory_space<vmem>>, vector<1x128x128xf32>
    %swap3A_101 = vector.shape_cast %swap3A_100 : vector<1x128x128xf32> to vector<128x128xf32>
    %swap3A_102 = vector.shape_cast %transpose3A_96 : vector<128x128xf32> to vector<1x128x128xf32>
    tpu.vector_store %arg3[%swap3A_97, %swap3A_98, %swap3A_99], %swap3A_102 {strides = array<i32>} : memref<1x8192x128xf32, #tpu.memory_space<vmem>>, vector<1x128x128xf32>,
    %slice3A_103 = vector.extract_strided_slice %get3A_1 {offsets = [0, 1664], sizes = [128, 128], strides = [1, 1]} : vector<128x8192xf32> to vector<128x128xf32>
    %transpose3A_104 = tpu.transpose %slice3A_103, [1, 0] : vector<128x128xf32> -> vector<128x128xf32>
    %swap3A_105 = arith.constant 0 : index
    %swap3A_106 = arith.constant 1664 : index
    %swap3A_107 = arith.constant 0 : index
    %swap3A_108 = vector.load %arg3[%swap3A_105, %swap3A_106, %swap3A_107] : memref<1x8192x128xf32, #tpu.memory_space<vmem>>, vector<1x128x128xf32>
    %swap3A_109 = vector.shape_cast %swap3A_108 : vector<1x128x128xf32> to vector<128x128xf32>
    %swap3A_110 = vector.shape_cast %transpose3A_104 : vector<128x128xf32> to vector<1x128x128xf32>
    tpu.vector_store %arg3[%swap3A_105, %swap3A_106, %swap3A_107], %swap3A_110 {strides = array<i32>} : memref<1x8192x128xf32, #tpu.memory_space<vmem>>, vector<1x128x128xf32>,
    %slice3A_111 = vector.extract_strided_slice %get3A_1 {offsets = [0, 1792], sizes = [128, 128], strides = [1, 1]} : vector<128x8192xf32> to vector<128x128xf32>
    %transpose3A_112 = tpu.transpose %slice3A_111, [1, 0] : vector<128x128xf32> -> vector<128x128xf32>
    %swap3A_113 = arith.constant 0 : index
    %swap3A_114 = arith.constant 1792 : index
    %swap3A_115 = arith.constant 0 : index
    %swap3A_116 = vector.load %arg3[%swap3A_113, %swap3A_114, %swap3A_115] : memref<1x8192x128xf32, #tpu.memory_space<vmem>>, vector<1x128x128xf32>
    %swap3A_117 = vector.shape_cast %swap3A_116 : vector<1x128x128xf32> to vector<128x128xf32>
    %swap3A_118 = vector.shape_cast %transpose3A_112 : vector<128x128xf32> to vector<1x128x128xf32>
    tpu.vector_store %arg3[%swap3A_113, %swap3A_114, %swap3A_115], %swap3A_118 {strides = array<i32>} : memref<1x8192x128xf32, #tpu.memory_space<vmem>>, vector<1x128x128xf32>,
    %slice3A_119 = vector.extract_strided_slice %get3A_1 {offsets = [0, 1920], sizes = [128, 128], strides = [1, 1]} : vector<128x8192xf32> to vector<128x128xf32>
    %transpose3A_120 = tpu.transpose %slice3A_119, [1, 0] : vector<128x128xf32> -> vector<128x128xf32>
    %swap3A_121 = arith.constant 0 : index
    %swap3A_122 = arith.constant 1920 : index
    %swap3A_123 = arith.constant 0 : index
    %swap3A_124 = vector.load %arg3[%swap3A_121, %swap3A_122, %swap3A_123] : memref<1x8192x128xf32, #tpu.memory_space<vmem>>, vector<1x128x128xf32>
    %swap3A_125 = vector.shape_cast %swap3A_124 : vector<1x128x128xf32> to vector<128x128xf32>
    %swap3A_126 = vector.shape_cast %transpose3A_120 : vector<128x128xf32> to vector<1x128x128xf32>
    tpu.vector_store %arg3[%swap3A_121, %swap3A_122, %swap3A_123], %swap3A_126 {strides = array<i32>} : memref<1x8192x128xf32, #tpu.memory_space<vmem>>, vector<1x128x128xf32>,
    %slice3A_127 = vector.extract_strided_slice %get3A_1 {offsets = [0, 2048], sizes = [128, 128], strides = [1, 1]} : vector<128x8192xf32> to vector<128x128xf32>
    %transpose3A_128 = tpu.transpose %slice3A_127, [1, 0] : vector<128x128xf32> -> vector<128x128xf32>
    %swap3A_129 = arith.constant 0 : index
    %swap3A_130 = arith.constant 2048 : index
    %swap3A_131 = arith.constant 0 : index
    %swap3A_132 = vector.load %arg3[%swap3A_129, %swap3A_130, %swap3A_131] : memref<1x8192x128xf32, #tpu.memory_space<vmem>>, vector<1x128x128xf32>
    %swap3A_133 = vector.shape_cast %swap3A_132 : vector<1x128x128xf32> to vector<128x128xf32>
    %swap3A_134 = vector.shape_cast %transpose3A_128 : vector<128x128xf32> to vector<1x128x128xf32>
    tpu.vector_store %arg3[%swap3A_129, %swap3A_130, %swap3A_131], %swap3A_134 {strides = array<i32>} : memref<1x8192x128xf32, #tpu.memory_space<vmem>>, vector<1x128x128xf32>,
    %slice3A_135 = vector.extract_strided_slice %get3A_1 {offsets = [0, 2176], sizes = [128, 128], strides = [1, 1]} : vector<128x8192xf32> to vector<128x128xf32>
    %transpose3A_136 = tpu.transpose %slice3A_135, [1, 0] : vector<128x128xf32> -> vector<128x128xf32>
    %swap3A_137 = arith.constant 0 : index
    %swap3A_138 = arith.constant 2176 : index
    %swap3A_139 = arith.constant 0 : index
    %swap3A_140 = vector.load %arg3[%swap3A_137, %swap3A_138, %swap3A_139] : memref<1x8192x128xf32, #tpu.memory_space<vmem>>, vector<1x128x128xf32>
    %swap3A_141 = vector.shape_cast %swap3A_140 : vector<1x128x128xf32> to vector<128x128xf32>
    %swap3A_142 = vector.shape_cast %transpose3A_136 : vector<128x128xf32> to vector<1x128x128xf32>
    tpu.vector_store %arg3[%swap3A_137, %swap3A_138, %swap3A_139], %swap3A_142 {strides = array<i32>} : memref<1x8192x128xf32, #tpu.memory_space<vmem>>, vector<1x128x128xf32>,
    %slice3A_143 = vector.extract_strided_slice %get3A_1 {offsets = [0, 2304], sizes = [128, 128], strides = [1, 1]} : vector<128x8192xf32> to vector<128x128xf32>
    %transpose3A_144 = tpu.transpose %slice3A_143, [1, 0] : vector<128x128xf32> -> vector<128x128xf32>
    %swap3A_145 = arith.constant 0 : index
    %swap3A_146 = arith.constant 2304 : index
    %swap3A_147 = arith.constant 0 : index
    %swap3A_148 = vector.load %arg3[%swap3A_145, %swap3A_146, %swap3A_147] : memref<1x8192x128xf32, #tpu.memory_space<vmem>>, vector<1x128x128xf32>
    %swap3A_149 = vector.shape_cast %swap3A_148 : vector<1x128x128xf32> to vector<128x128xf32>
    %swap3A_150 = vector.shape_cast %transpose3A_144 : vector<128x128xf32> to vector<1x128x128xf32>
    tpu.vector_store %arg3[%swap3A_145, %swap3A_146, %swap3A_147], %swap3A_150 {strides = array<i32>} : memref<1x8192x128xf32, #tpu.memory_space<vmem>>, vector<1x128x128xf32>,
    %slice3A_151 = vector.extract_strided_slice %get3A_1 {offsets = [0, 2432], sizes = [128, 128], strides = [1, 1]} : vector<128x8192xf32> to vector<128x128xf32>
    %transpose3A_152 = tpu.transpose %slice3A_151, [1, 0] : vector<128x128xf32> -> vector<128x128xf32>
    %swap3A_153 = arith.constant 0 : index
    %swap3A_154 = arith.constant 2432 : index
    %swap3A_155 = arith.constant 0 : index
    %swap3A_156 = vector.load %arg3[%swap3A_153, %swap3A_154, %swap3A_155] : memref<1x8192x128xf32, #tpu.memory_space<vmem>>, vector<1x128x128xf32>
    %swap3A_157 = vector.shape_cast %swap3A_156 : vector<1x128x128xf32> to vector<128x128xf32>
    %swap3A_158 = vector.shape_cast %transpose3A_152 : vector<128x128xf32> to vector<1x128x128xf32>
    tpu.vector_store %arg3[%swap3A_153, %swap3A_154, %swap3A_155], %swap3A_158 {strides = array<i32>} : memref<1x8192x128xf32, #tpu.memory_space<vmem>>, vector<1x128x128xf32>,
    %slice3A_159 = vector.extract_strided_slice %get3A_1 {offsets = [0, 2560], sizes = [128, 128], strides = [1, 1]} : vector<128x8192xf32> to vector<128x128xf32>
    %transpose3A_160 = tpu.transpose %slice3A_159, [1, 0] : vector<128x128xf32> -> vector<128x128xf32>
    %swap3A_161 = arith.constant 0 : index
    %swap3A_162 = arith.constant 2560 : index
    %swap3A_163 = arith.constant 0 : index
    %swap3A_164 = vector.load %arg3[%swap3A_161, %swap3A_162, %swap3A_163] : memref<1x8192x128xf32, #tpu.memory_space<vmem>>, vector<1x128x128xf32>
    %swap3A_165 = vector.shape_cast %swap3A_164 : vector<1x128x128xf32> to vector<128x128xf32>
    %swap3A_166 = vector.shape_cast %transpose3A_160 : vector<128x128xf32> to vector<1x128x128xf32>
    tpu.vector_store %arg3[%swap3A_161, %swap3A_162, %swap3A_163], %swap3A_166 {strides = array<i32>} : memref<1x8192x128xf32, #tpu.memory_space<vmem>>, vector<1x128x128xf32>,
    %slice3A_167 = vector.extract_strided_slice %get3A_1 {offsets = [0, 2688], sizes = [128, 128], strides = [1, 1]} : vector<128x8192xf32> to vector<128x128xf32>
    %transpose3A_168 = tpu.transpose %slice3A_167, [1, 0] : vector<128x128xf32> -> vector<128x128xf32>
    %swap3A_169 = arith.constant 0 : index
    %swap3A_170 = arith.constant 2688 : index
    %swap3A_171 = arith.constant 0 : index
    %swap3A_172 = vector.load %arg3[%swap3A_169, %swap3A_170, %swap3A_171] : memref<1x8192x128xf32, #tpu.memory_space<vmem>>, vector<1x128x128xf32>
    %swap3A_173 = vector.shape_cast %swap3A_172 : vector<1x128x128xf32> to vector<128x128xf32>
    %swap3A_174 = vector.shape_cast %transpose3A_168 : vector<128x128xf32> to vector<1x128x128xf32>
    tpu.vector_store %arg3[%swap3A_169, %swap3A_170, %swap3A_171], %swap3A_174 {strides = array<i32>} : memref<1x8192x128xf32, #tpu.memory_space<vmem>>, vector<1x128x128xf32>,
    %slice3A_175 = vector.extract_strided_slice %get3A_1 {offsets = [0, 2816], sizes = [128, 128], strides = [1, 1]} : vector<128x8192xf32> to vector<128x128xf32>
    %transpose3A_176 = tpu.transpose %slice3A_175, [1, 0] : vector<128x128xf32> -> vector<128x128xf32>
    %swap3A_177 = arith.constant 0 : index
    %swap3A_178 = arith.constant 2816 : index
    %swap3A_179 = arith.constant 0 : index
    %swap3A_180 = vector.load %arg3[%swap3A_177, %swap3A_178, %swap3A_179] : memref<1x8192x128xf32, #tpu.memory_space<vmem>>, vector<1x128x128xf32>
    %swap3A_181 = vector.shape_cast %swap3A_180 : vector<1x128x128xf32> to vector<128x128xf32>
    %swap3A_182 = vector.shape_cast %transpose3A_176 : vector<128x128xf32> to vector<1x128x128xf32>
    tpu.vector_store %arg3[%swap3A_177, %swap3A_178, %swap3A_179], %swap3A_182 {strides = array<i32>} : memref<1x8192x128xf32, #tpu.memory_space<vmem>>, vector<1x128x128xf32>,
    %slice3A_183 = vector.extract_strided_slice %get3A_1 {offsets = [0, 2944], sizes = [128, 128], strides = [1, 1]} : vector<128x8192xf32> to vector<128x128xf32>
    %transpose3A_184 = tpu.transpose %slice3A_183, [1, 0] : vector<128x128xf32> -> vector<128x128xf32>
    %swap3A_185 = arith.constant 0 : index
    %swap3A_186 = arith.constant 2944 : index
    %swap3A_187 = arith.constant 0 : index
    %swap3A_188 = vector.load %arg3[%swap3A_185, %swap3A_186, %swap3A_187] : memref<1x8192x128xf32, #tpu.memory_space<vmem>>, vector<1x128x128xf32>
    %swap3A_189 = vector.shape_cast %swap3A_188 : vector<1x128x128xf32> to vector<128x128xf32>
    %swap3A_190 = vector.shape_cast %transpose3A_184 : vector<128x128xf32> to vector<1x128x128xf32>
    tpu.vector_store %arg3[%swap3A_185, %swap3A_186, %swap3A_187], %swap3A_190 {strides = array<i32>} : memref<1x8192x128xf32, #tpu.memory_space<vmem>>, vector<1x128x128xf32>,
    %slice3A_191 = vector.extract_strided_slice %get3A_1 {offsets = [0, 3072], sizes = [128, 128], strides = [1, 1]} : vector<128x8192xf32> to vector<128x128xf32>
    %transpose3A_192 = tpu.transpose %slice3A_191, [1, 0] : vector<128x128xf32> -> vector<128x128xf32>
    %swap3A_193 = arith.constant 0 : index
    %swap3A_194 = arith.constant 3072 : index
    %swap3A_195 = arith.constant 0 : index
    %swap3A_196 = vector.load %arg3[%swap3A_193, %swap3A_194, %swap3A_195] : memref<1x8192x128xf32, #tpu.memory_space<vmem>>, vector<1x128x128xf32>
    %swap3A_197 = vector.shape_cast %swap3A_196 : vector<1x128x128xf32> to vector<128x128xf32>
    %swap3A_198 = vector.shape_cast %transpose3A_192 : vector<128x128xf32> to vector<1x128x128xf32>
    tpu.vector_store %arg3[%swap3A_193, %swap3A_194, %swap3A_195], %swap3A_198 {strides = array<i32>} : memref<1x8192x128xf32, #tpu.memory_space<vmem>>, vector<1x128x128xf32>,
    %slice3A_199 = vector.extract_strided_slice %get3A_1 {offsets = [0, 3200], sizes = [128, 128], strides = [1, 1]} : vector<128x8192xf32> to vector<128x128xf32>
    %transpose3A_200 = tpu.transpose %slice3A_199, [1, 0] : vector<128x128xf32> -> vector<128x128xf32>
    %swap3A_201 = arith.constant 0 : index
    %swap3A_202 = arith.constant 3200 : index
    %swap3A_203 = arith.constant 0 : index
    %swap3A_204 = vector.load %arg3[%swap3A_201, %swap3A_202, %swap3A_203] : memref<1x8192x128xf32, #tpu.memory_space<vmem>>, vector<1x128x128xf32>
    %swap3A_205 = vector.shape_cast %swap3A_204 : vector<1x128x128xf32> to vector<128x128xf32>
    %swap3A_206 = vector.shape_cast %transpose3A_200 : vector<128x128xf32> to vector<1x128x128xf32>
    tpu.vector_store %arg3[%swap3A_201, %swap3A_202, %swap3A_203], %swap3A_206 {strides = array<i32>} : memref<1x8192x128xf32, #tpu.memory_space<vmem>>, vector<1x128x128xf32>,
    %slice3A_207 = vector.extract_strided_slice %get3A_1 {offsets = [0, 3328], sizes = [128, 128], strides = [1, 1]} : vector<128x8192xf32> to vector<128x128xf32>
    %transpose3A_208 = tpu.transpose %slice3A_207, [1, 0] : vector<128x128xf32> -> vector<128x128xf32>
    %swap3A_209 = arith.constant 0 : index
    %swap3A_210 = arith.constant 3328 : index
    %swap3A_211 = arith.constant 0 : index
    %swap3A_212 = vector.load %arg3[%swap3A_209, %swap3A_210, %swap3A_211] : memref<1x8192x128xf32, #tpu.memory_space<vmem>>, vector<1x128x128xf32>
    %swap3A_213 = vector.shape_cast %swap3A_212 : vector<1x128x128xf32> to vector<128x128xf32>
    %swap3A_214 = vector.shape_cast %transpose3A_208 : vector<128x128xf32> to vector<1x128x128xf32>
    tpu.vector_store %arg3[%swap3A_209, %swap3A_210, %swap3A_211], %swap3A_214 {strides = array<i32>} : memref<1x8192x128xf32, #tpu.memory_space<vmem>>, vector<1x128x128xf32>,
    %slice3A_215 = vector.extract_strided_slice %get3A_1 {offsets = [0, 3456], sizes = [128, 128], strides = [1, 1]} : vector<128x8192xf32> to vector<128x128xf32>
    %transpose3A_216 = tpu.transpose %slice3A_215, [1, 0] : vector<128x128xf32> -> vector<128x128xf32>
    %swap3A_217 = arith.constant 0 : index
    %swap3A_218 = arith.constant 3456 : index
    %swap3A_219 = arith.constant 0 : index
    %swap3A_220 = vector.load %arg3[%swap3A_217, %swap3A_218, %swap3A_219] : memref<1x8192x128xf32, #tpu.memory_space<vmem>>, vector<1x128x128xf32>
    %swap3A_221 = vector.shape_cast %swap3A_220 : vector<1x128x128xf32> to vector<128x128xf32>
    %swap3A_222 = vector.shape_cast %transpose3A_216 : vector<128x128xf32> to vector<1x128x128xf32>
    tpu.vector_store %arg3[%swap3A_217, %swap3A_218, %swap3A_219], %swap3A_222 {strides = array<i32>} : memref<1x8192x128xf32, #tpu.memory_space<vmem>>, vector<1x128x128xf32>,
    %slice3A_223 = vector.extract_strided_slice %get3A_1 {offsets = [0, 3584], sizes = [128, 128], strides = [1, 1]} : vector<128x8192xf32> to vector<128x128xf32>
    %transpose3A_224 = tpu.transpose %slice3A_223, [1, 0] : vector<128x128xf32> -> vector<128x128xf32>
    %swap3A_225 = arith.constant 0 : index
    %swap3A_226 = arith.constant 3584 : index
    %swap3A_227 = arith.constant 0 : index
    %swap3A_228 = vector.load %arg3[%swap3A_225, %swap3A_226, %swap3A_227] : memref<1x8192x128xf32, #tpu.memory_space<vmem>>, vector<1x128x128xf32>
    %swap3A_229 = vector.shape_cast %swap3A_228 : vector<1x128x128xf32> to vector<128x128xf32>
    %swap3A_230 = vector.shape_cast %transpose3A_224 : vector<128x128xf32> to vector<1x128x128xf32>
    tpu.vector_store %arg3[%swap3A_225, %swap3A_226, %swap3A_227], %swap3A_230 {strides = array<i32>} : memref<1x8192x128xf32, #tpu.memory_space<vmem>>, vector<1x128x128xf32>,
    %slice3A_231 = vector.extract_strided_slice %get3A_1 {offsets = [0, 3712], sizes = [128, 128], strides = [1, 1]} : vector<128x8192xf32> to vector<128x128xf32>
    %transpose3A_232 = tpu.transpose %slice3A_231, [1, 0] : vector<128x128xf32> -> vector<128x128xf32>
    %swap3A_233 = arith.constant 0 : index
    %swap3A_234 = arith.constant 3712 : index
    %swap3A_235 = arith.constant 0 : index
    %swap3A_236 = vector.load %arg3[%swap3A_233, %swap3A_234, %swap3A_235] : memref<1x8192x128xf32, #tpu.memory_space<vmem>>, vector<1x128x128xf32>
    %swap3A_237 = vector.shape_cast %swap3A_236 : vector<1x128x128xf32> to vector<128x128xf32>
    %swap3A_238 = vector.shape_cast %transpose3A_232 : vector<128x128xf32> to vector<1x128x128xf32>
    tpu.vector_store %arg3[%swap3A_233, %swap3A_234, %swap3A_235], %swap3A_238 {strides = array<i32>} : memref<1x8192x128xf32, #tpu.memory_space<vmem>>, vector<1x128x128xf32>,
    %slice3A_239 = vector.extract_strided_slice %get3A_1 {offsets = [0, 3840], sizes = [128, 128], strides = [1, 1]} : vector<128x8192xf32> to vector<128x128xf32>
    %transpose3A_240 = tpu.transpose %slice3A_239, [1, 0] : vector<128x128xf32> -> vector<128x128xf32>
    %swap3A_241 = arith.constant 0 : index
    %swap3A_242 = arith.constant 3840 : index
    %swap3A_243 = arith.constant 0 : index
    %swap3A_244 = vector.load %arg3[%swap3A_241, %swap3A_242, %swap3A_243] : memref<1x8192x128xf32, #tpu.memory_space<vmem>>, vector<1x128x128xf32>
    %swap3A_245 = vector.shape_cast %swap3A_244 : vector<1x128x128xf32> to vector<128x128xf32>
    %swap3A_246 = vector.shape_cast %transpose3A_240 : vector<128x128xf32> to vector<1x128x128xf32>
    tpu.vector_store %arg3[%swap3A_241, %swap3A_242, %swap3A_243], %swap3A_246 {strides = array<i32>} : memref<1x8192x128xf32, #tpu.memory_space<vmem>>, vector<1x128x128xf32>,
    %slice3A_247 = vector.extract_strided_slice %get3A_1 {offsets = [0, 3968], sizes = [128, 128], strides = [1, 1]} : vector<128x8192xf32> to vector<128x128xf32>
    %transpose3A_248 = tpu.transpose %slice3A_247, [1, 0] : vector<128x128xf32> -> vector<128x128xf32>
    %swap3A_249 = arith.constant 0 : index
    %swap3A_250 = arith.constant 3968 : index
    %swap3A_251 = arith.constant 0 : index
    %swap3A_252 = vector.load %arg3[%swap3A_249, %swap3A_250, %swap3A_251] : memref<1x8192x128xf32, #tpu.memory_space<vmem>>, vector<1x128x128xf32>
    %swap3A_253 = vector.shape_cast %swap3A_252 : vector<1x128x128xf32> to vector<128x128xf32>
    %swap3A_254 = vector.shape_cast %transpose3A_248 : vector<128x128xf32> to vector<1x128x128xf32>
    tpu.vector_store %arg3[%swap3A_249, %swap3A_250, %swap3A_251], %swap3A_254 {strides = array<i32>} : memref<1x8192x128xf32, #tpu.memory_space<vmem>>, vector<1x128x128xf32>,
    %slice3A_255 = vector.extract_strided_slice %get3A_1 {offsets = [0, 4096], sizes = [128, 128], strides = [1, 1]} : vector<128x8192xf32> to vector<128x128xf32>
    %transpose3A_256 = tpu.transpose %slice3A_255, [1, 0] : vector<128x128xf32> -> vector<128x128xf32>
    %swap3A_257 = arith.constant 0 : index
    %swap3A_258 = arith.constant 4096 : index
    %swap3A_259 = arith.constant 0 : index
    %swap3A_260 = vector.load %arg3[%swap3A_257, %swap3A_258, %swap3A_259] : memref<1x8192x128xf32, #tpu.memory_space<vmem>>, vector<1x128x128xf32>
    %swap3A_261 = vector.shape_cast %swap3A_260 : vector<1x128x128xf32> to vector<128x128xf32>
    %swap3A_262 = vector.shape_cast %transpose3A_256 : vector<128x128xf32> to vector<1x128x128xf32>
    tpu.vector_store %arg3[%swap3A_257, %swap3A_258, %swap3A_259], %swap3A_262 {strides = array<i32>} : memref<1x8192x128xf32, #tpu.memory_space<vmem>>, vector<1x128x128xf32>,
    %slice3A_263 = vector.extract_strided_slice %get3A_1 {offsets = [0, 4224], sizes = [128, 128], strides = [1, 1]} : vector<128x8192xf32> to vector<128x128xf32>
    %transpose3A_264 = tpu.transpose %slice3A_263, [1, 0] : vector<128x128xf32> -> vector<128x128xf32>
    %swap3A_265 = arith.constant 0 : index
    %swap3A_266 = arith.constant 4224 : index
    %swap3A_267 = arith.constant 0 : index
    %swap3A_268 = vector.load %arg3[%swap3A_265, %swap3A_266, %swap3A_267] : memref<1x8192x128xf32, #tpu.memory_space<vmem>>, vector<1x128x128xf32>
    %swap3A_269 = vector.shape_cast %swap3A_268 : vector<1x128x128xf32> to vector<128x128xf32>
    %swap3A_270 = vector.shape_cast %transpose3A_264 : vector<128x128xf32> to vector<1x128x128xf32>
    tpu.vector_store %arg3[%swap3A_265, %swap3A_266, %swap3A_267], %swap3A_270 {strides = array<i32>} : memref<1x8192x128xf32, #tpu.memory_space<vmem>>, vector<1x128x128xf32>,
    %slice3A_271 = vector.extract_strided_slice %get3A_1 {offsets = [0, 4352], sizes = [128, 128], strides = [1, 1]} : vector<128x8192xf32> to vector<128x128xf32>
    %transpose3A_272 = tpu.transpose %slice3A_271, [1, 0] : vector<128x128xf32> -> vector<128x128xf32>
    %swap3A_273 = arith.constant 0 : index
    %swap3A_274 = arith.constant 4352 : index
    %swap3A_275 = arith.constant 0 : index
    %swap3A_276 = vector.load %arg3[%swap3A_273, %swap3A_274, %swap3A_275] : memref<1x8192x128xf32, #tpu.memory_space<vmem>>, vector<1x128x128xf32>
    %swap3A_277 = vector.shape_cast %swap3A_276 : vector<1x128x128xf32> to vector<128x128xf32>
    %swap3A_278 = vector.shape_cast %transpose3A_272 : vector<128x128xf32> to vector<1x128x128xf32>
    tpu.vector_store %arg3[%swap3A_273, %swap3A_274, %swap3A_275], %swap3A_278 {strides = array<i32>} : memref<1x8192x128xf32, #tpu.memory_space<vmem>>, vector<1x128x128xf32>,
    %slice3A_279 = vector.extract_strided_slice %get3A_1 {offsets = [0, 4480], sizes = [128, 128], strides = [1, 1]} : vector<128x8192xf32> to vector<128x128xf32>
    %transpose3A_280 = tpu.transpose %slice3A_279, [1, 0] : vector<128x128xf32> -> vector<128x128xf32>
    %swap3A_281 = arith.constant 0 : index
    %swap3A_282 = arith.constant 4480 : index
    %swap3A_283 = arith.constant 0 : index
    %swap3A_284 = vector.load %arg3[%swap3A_281, %swap3A_282, %swap3A_283] : memref<1x8192x128xf32, #tpu.memory_space<vmem>>, vector<1x128x128xf32>
    %swap3A_285 = vector.shape_cast %swap3A_284 : vector<1x128x128xf32> to vector<128x128xf32>
    %swap3A_286 = vector.shape_cast %transpose3A_280 : vector<128x128xf32> to vector<1x128x128xf32>
    tpu.vector_store %arg3[%swap3A_281, %swap3A_282, %swap3A_283], %swap3A_286 {strides = array<i32>} : memref<1x8192x128xf32, #tpu.memory_space<vmem>>, vector<1x128x128xf32>,
    %slice3A_287 = vector.extract_strided_slice %get3A_1 {offsets = [0, 4608], sizes = [128, 128], strides = [1, 1]} : vector<128x8192xf32> to vector<128x128xf32>
    %transpose3A_288 = tpu.transpose %slice3A_287, [1, 0] : vector<128x128xf32> -> vector<128x128xf32>
    %swap3A_289 = arith.constant 0 : index
    %swap3A_290 = arith.constant 4608 : index
    %swap3A_291 = arith.constant 0 : index
    %swap3A_292 = vector.load %arg3[%swap3A_289, %swap3A_290, %swap3A_291] : memref<1x8192x128xf32, #tpu.memory_space<vmem>>, vector<1x128x128xf32>
    %swap3A_293 = vector.shape_cast %swap3A_292 : vector<1x128x128xf32> to vector<128x128xf32>
    %swap3A_294 = vector.shape_cast %transpose3A_288 : vector<128x128xf32> to vector<1x128x128xf32>
    tpu.vector_store %arg3[%swap3A_289, %swap3A_290, %swap3A_291], %swap3A_294 {strides = array<i32>} : memref<1x8192x128xf32, #tpu.memory_space<vmem>>, vector<1x128x128xf32>,
    %slice3A_295 = vector.extract_strided_slice %get3A_1 {offsets = [0, 4736], sizes = [128, 128], strides = [1, 1]} : vector<128x8192xf32> to vector<128x128xf32>
    %transpose3A_296 = tpu.transpose %slice3A_295, [1, 0] : vector<128x128xf32> -> vector<128x128xf32>
    %swap3A_297 = arith.constant 0 : index
    %swap3A_298 = arith.constant 4736 : index
    %swap3A_299 = arith.constant 0 : index
    %swap3A_300 = vector.load %arg3[%swap3A_297, %swap3A_298, %swap3A_299] : memref<1x8192x128xf32, #tpu.memory_space<vmem>>, vector<1x128x128xf32>
    %swap3A_301 = vector.shape_cast %swap3A_300 : vector<1x128x128xf32> to vector<128x128xf32>
    %swap3A_302 = vector.shape_cast %transpose3A_296 : vector<128x128xf32> to vector<1x128x128xf32>
    tpu.vector_store %arg3[%swap3A_297, %swap3A_298, %swap3A_299], %swap3A_302 {strides = array<i32>} : memref<1x8192x128xf32, #tpu.memory_space<vmem>>, vector<1x128x128xf32>,
    %slice3A_303 = vector.extract_strided_slice %get3A_1 {offsets = [0, 4864], sizes = [128, 128], strides = [1, 1]} : vector<128x8192xf32> to vector<128x128xf32>
    %transpose3A_304 = tpu.transpose %slice3A_303, [1, 0] : vector<128x128xf32> -> vector<128x128xf32>
    %swap3A_305 = arith.constant 0 : index
    %swap3A_306 = arith.constant 4864 : index
    %swap3A_307 = arith.constant 0 : index
    %swap3A_308 = vector.load %arg3[%swap3A_305, %swap3A_306, %swap3A_307] : memref<1x8192x128xf32, #tpu.memory_space<vmem>>, vector<1x128x128xf32>
    %swap3A_309 = vector.shape_cast %swap3A_308 : vector<1x128x128xf32> to vector<128x128xf32>
    %swap3A_310 = vector.shape_cast %transpose3A_304 : vector<128x128xf32> to vector<1x128x128xf32>
    tpu.vector_store %arg3[%swap3A_305, %swap3A_306, %swap3A_307], %swap3A_310 {strides = array<i32>} : memref<1x8192x128xf32, #tpu.memory_space<vmem>>, vector<1x128x128xf32>,
    %slice3A_311 = vector.extract_strided_slice %get3A_1 {offsets = [0, 4992], sizes = [128, 128], strides = [1, 1]} : vector<128x8192xf32> to vector<128x128xf32>
    %transpose3A_312 = tpu.transpose %slice3A_311, [1, 0] : vector<128x128xf32> -> vector<128x128xf32>
    %swap3A_313 = arith.constant 0 : index
    %swap3A_314 = arith.constant 4992 : index
    %swap3A_315 = arith.constant 0 : index
    %swap3A_316 = vector.load %arg3[%swap3A_313, %swap3A_314, %swap3A_315] : memref<1x8192x128xf32, #tpu.memory_space<vmem>>, vector<1x128x128xf32>
    %swap3A_317 = vector.shape_cast %swap3A_316 : vector<1x128x128xf32> to vector<128x128xf32>
    %swap3A_318 = vector.shape_cast %transpose3A_312 : vector<128x128xf32> to vector<1x128x128xf32>
    tpu.vector_store %arg3[%swap3A_313, %swap3A_314, %swap3A_315], %swap3A_318 {strides = array<i32>} : memref<1x8192x128xf32, #tpu.memory_space<vmem>>, vector<1x128x128xf32>,
    %slice3A_319 = vector.extract_strided_slice %get3A_1 {offsets = [0, 5120], sizes = [128, 128], strides = [1, 1]} : vector<128x8192xf32> to vector<128x128xf32>
    %transpose3A_320 = tpu.transpose %slice3A_319, [1, 0] : vector<128x128xf32> -> vector<128x128xf32>
    %swap3A_321 = arith.constant 0 : index
    %swap3A_322 = arith.constant 5120 : index
    %swap3A_323 = arith.constant 0 : index
    %swap3A_324 = vector.load %arg3[%swap3A_321, %swap3A_322, %swap3A_323] : memref<1x8192x128xf32, #tpu.memory_space<vmem>>, vector<1x128x128xf32>
    %swap3A_325 = vector.shape_cast %swap3A_324 : vector<1x128x128xf32> to vector<128x128xf32>
    %swap3A_326 = vector.shape_cast %transpose3A_320 : vector<128x128xf32> to vector<1x128x128xf32>
    tpu.vector_store %arg3[%swap3A_321, %swap3A_322, %swap3A_323], %swap3A_326 {strides = array<i32>} : memref<1x8192x128xf32, #tpu.memory_space<vmem>>, vector<1x128x128xf32>,
    %slice3A_327 = vector.extract_strided_slice %get3A_1 {offsets = [0, 5248], sizes = [128, 128], strides = [1, 1]} : vector<128x8192xf32> to vector<128x128xf32>
    %transpose3A_328 = tpu.transpose %slice3A_327, [1, 0] : vector<128x128xf32> -> vector<128x128xf32>
    %swap3A_329 = arith.constant 0 : index
    %swap3A_330 = arith.constant 5248 : index
    %swap3A_331 = arith.constant 0 : index
    %swap3A_332 = vector.load %arg3[%swap3A_329, %swap3A_330, %swap3A_331] : memref<1x8192x128xf32, #tpu.memory_space<vmem>>, vector<1x128x128xf32>
    %swap3A_333 = vector.shape_cast %swap3A_332 : vector<1x128x128xf32> to vector<128x128xf32>
    %swap3A_334 = vector.shape_cast %transpose3A_328 : vector<128x128xf32> to vector<1x128x128xf32>
    tpu.vector_store %arg3[%swap3A_329, %swap3A_330, %swap3A_331], %swap3A_334 {strides = array<i32>} : memref<1x8192x128xf32, #tpu.memory_space<vmem>>, vector<1x128x128xf32>,
    %slice3A_335 = vector.extract_strided_slice %get3A_1 {offsets = [0, 5376], sizes = [128, 128], strides = [1, 1]} : vector<128x8192xf32> to vector<128x128xf32>
    %transpose3A_336 = tpu.transpose %slice3A_335, [1, 0] : vector<128x128xf32> -> vector<128x128xf32>
    %swap3A_337 = arith.constant 0 : index
    %swap3A_338 = arith.constant 5376 : index
    %swap3A_339 = arith.constant 0 : index
    %swap3A_340 = vector.load %arg3[%swap3A_337, %swap3A_338, %swap3A_339] : memref<1x8192x128xf32, #tpu.memory_space<vmem>>, vector<1x128x128xf32>
    %swap3A_341 = vector.shape_cast %swap3A_340 : vector<1x128x128xf32> to vector<128x128xf32>
    %swap3A_342 = vector.shape_cast %transpose3A_336 : vector<128x128xf32> to vector<1x128x128xf32>
    tpu.vector_store %arg3[%swap3A_337, %swap3A_338, %swap3A_339], %swap3A_342 {strides = array<i32>} : memref<1x8192x128xf32, #tpu.memory_space<vmem>>, vector<1x128x128xf32>,
    %slice3A_343 = vector.extract_strided_slice %get3A_1 {offsets = [0, 5504], sizes = [128, 128], strides = [1, 1]} : vector<128x8192xf32> to vector<128x128xf32>
    %transpose3A_344 = tpu.transpose %slice3A_343, [1, 0] : vector<128x128xf32> -> vector<128x128xf32>
    %swap3A_345 = arith.constant 0 : index
    %swap3A_346 = arith.constant 5504 : index
    %swap3A_347 = arith.constant 0 : index
    %swap3A_348 = vector.load %arg3[%swap3A_345, %swap3A_346, %swap3A_347] : memref<1x8192x128xf32, #tpu.memory_space<vmem>>, vector<1x128x128xf32>
    %swap3A_349 = vector.shape_cast %swap3A_348 : vector<1x128x128xf32> to vector<128x128xf32>
    %swap3A_350 = vector.shape_cast %transpose3A_344 : vector<128x128xf32> to vector<1x128x128xf32>
    tpu.vector_store %arg3[%swap3A_345, %swap3A_346, %swap3A_347], %swap3A_350 {strides = array<i32>} : memref<1x8192x128xf32, #tpu.memory_space<vmem>>, vector<1x128x128xf32>,
    %slice3A_351 = vector.extract_strided_slice %get3A_1 {offsets = [0, 5632], sizes = [128, 128], strides = [1, 1]} : vector<128x8192xf32> to vector<128x128xf32>
    %transpose3A_352 = tpu.transpose %slice3A_351, [1, 0] : vector<128x128xf32> -> vector<128x128xf32>
    %swap3A_353 = arith.constant 0 : index
    %swap3A_354 = arith.constant 5632 : index
    %swap3A_355 = arith.constant 0 : index
    %swap3A_356 = vector.load %arg3[%swap3A_353, %swap3A_354, %swap3A_355] : memref<1x8192x128xf32, #tpu.memory_space<vmem>>, vector<1x128x128xf32>
    %swap3A_357 = vector.shape_cast %swap3A_356 : vector<1x128x128xf32> to vector<128x128xf32>
    %swap3A_358 = vector.shape_cast %transpose3A_352 : vector<128x128xf32> to vector<1x128x128xf32>
    tpu.vector_store %arg3[%swap3A_353, %swap3A_354, %swap3A_355], %swap3A_358 {strides = array<i32>} : memref<1x8192x128xf32, #tpu.memory_space<vmem>>, vector<1x128x128xf32>,
    %slice3A_359 = vector.extract_strided_slice %get3A_1 {offsets = [0, 5760], sizes = [128, 128], strides = [1, 1]} : vector<128x8192xf32> to vector<128x128xf32>
    %transpose3A_360 = tpu.transpose %slice3A_359, [1, 0] : vector<128x128xf32> -> vector<128x128xf32>
    %swap3A_361 = arith.constant 0 : index
    %swap3A_362 = arith.constant 5760 : index
    %swap3A_363 = arith.constant 0 : index
    %swap3A_364 = vector.load %arg3[%swap3A_361, %swap3A_362, %swap3A_363] : memref<1x8192x128xf32, #tpu.memory_space<vmem>>, vector<1x128x128xf32>
    %swap3A_365 = vector.shape_cast %swap3A_364 : vector<1x128x128xf32> to vector<128x128xf32>
    %swap3A_366 = vector.shape_cast %transpose3A_360 : vector<128x128xf32> to vector<1x128x128xf32>
    tpu.vector_store %arg3[%swap3A_361, %swap3A_362, %swap3A_363], %swap3A_366 {strides = array<i32>} : memref<1x8192x128xf32, #tpu.memory_space<vmem>>, vector<1x128x128xf32>,
    %slice3A_367 = vector.extract_strided_slice %get3A_1 {offsets = [0, 5888], sizes = [128, 128], strides = [1, 1]} : vector<128x8192xf32> to vector<128x128xf32>
    %transpose3A_368 = tpu.transpose %slice3A_367, [1, 0] : vector<128x128xf32> -> vector<128x128xf32>
    %swap3A_369 = arith.constant 0 : index
    %swap3A_370 = arith.constant 5888 : index
    %swap3A_371 = arith.constant 0 : index
    %swap3A_372 = vector.load %arg3[%swap3A_369, %swap3A_370, %swap3A_371] : memref<1x8192x128xf32, #tpu.memory_space<vmem>>, vector<1x128x128xf32>
    %swap3A_373 = vector.shape_cast %swap3A_372 : vector<1x128x128xf32> to vector<128x128xf32>
    %swap3A_374 = vector.shape_cast %transpose3A_368 : vector<128x128xf32> to vector<1x128x128xf32>
    tpu.vector_store %arg3[%swap3A_369, %swap3A_370, %swap3A_371], %swap3A_374 {strides = array<i32>} : memref<1x8192x128xf32, #tpu.memory_space<vmem>>, vector<1x128x128xf32>,
    %slice3A_375 = vector.extract_strided_slice %get3A_1 {offsets = [0, 6016], sizes = [128, 128], strides = [1, 1]} : vector<128x8192xf32> to vector<128x128xf32>
    %transpose3A_376 = tpu.transpose %slice3A_375, [1, 0] : vector<128x128xf32> -> vector<128x128xf32>
    %swap3A_377 = arith.constant 0 : index
    %swap3A_378 = arith.constant 6016 : index
    %swap3A_379 = arith.constant 0 : index
    %swap3A_380 = vector.load %arg3[%swap3A_377, %swap3A_378, %swap3A_379] : memref<1x8192x128xf32, #tpu.memory_space<vmem>>, vector<1x128x128xf32>
    %swap3A_381 = vector.shape_cast %swap3A_380 : vector<1x128x128xf32> to vector<128x128xf32>
    %swap3A_382 = vector.shape_cast %transpose3A_376 : vector<128x128xf32> to vector<1x128x128xf32>
    tpu.vector_store %arg3[%swap3A_377, %swap3A_378, %swap3A_379], %swap3A_382 {strides = array<i32>} : memref<1x8192x128xf32, #tpu.memory_space<vmem>>, vector<1x128x128xf32>,
    %slice3A_383 = vector.extract_strided_slice %get3A_1 {offsets = [0, 6144], sizes = [128, 128], strides = [1, 1]} : vector<128x8192xf32> to vector<128x128xf32>
    %transpose3A_384 = tpu.transpose %slice3A_383, [1, 0] : vector<128x128xf32> -> vector<128x128xf32>
    %swap3A_385 = arith.constant 0 : index
    %swap3A_386 = arith.constant 6144 : index
    %swap3A_387 = arith.constant 0 : index
    %swap3A_388 = vector.load %arg3[%swap3A_385, %swap3A_386, %swap3A_387] : memref<1x8192x128xf32, #tpu.memory_space<vmem>>, vector<1x128x128xf32>
    %swap3A_389 = vector.shape_cast %swap3A_388 : vector<1x128x128xf32> to vector<128x128xf32>
    %swap3A_390 = vector.shape_cast %transpose3A_384 : vector<128x128xf32> to vector<1x128x128xf32>
    tpu.vector_store %arg3[%swap3A_385, %swap3A_386, %swap3A_387], %swap3A_390 {strides = array<i32>} : memref<1x8192x128xf32, #tpu.memory_space<vmem>>, vector<1x128x128xf32>,
    %slice3A_391 = vector.extract_strided_slice %get3A_1 {offsets = [0, 6272], sizes = [128, 128], strides = [1, 1]} : vector<128x8192xf32> to vector<128x128xf32>
    %transpose3A_392 = tpu.transpose %slice3A_391, [1, 0] : vector<128x128xf32> -> vector<128x128xf32>
    %swap3A_393 = arith.constant 0 : index
    %swap3A_394 = arith.constant 6272 : index
    %swap3A_395 = arith.constant 0 : index
    %swap3A_396 = vector.load %arg3[%swap3A_393, %swap3A_394, %swap3A_395] : memref<1x8192x128xf32, #tpu.memory_space<vmem>>, vector<1x128x128xf32>
    %swap3A_397 = vector.shape_cast %swap3A_396 : vector<1x128x128xf32> to vector<128x128xf32>
    %swap3A_398 = vector.shape_cast %transpose3A_392 : vector<128x128xf32> to vector<1x128x128xf32>
    tpu.vector_store %arg3[%swap3A_393, %swap3A_394, %swap3A_395], %swap3A_398 {strides = array<i32>} : memref<1x8192x128xf32, #tpu.memory_space<vmem>>, vector<1x128x128xf32>,
    %slice3A_399 = vector.extract_strided_slice %get3A_1 {offsets = [0, 6400], sizes = [128, 128], strides = [1, 1]} : vector<128x8192xf32> to vector<128x128xf32>
    %transpose3A_400 = tpu.transpose %slice3A_399, [1, 0] : vector<128x128xf32> -> vector<128x128xf32>
    %swap3A_401 = arith.constant 0 : index
    %swap3A_402 = arith.constant 6400 : index
    %swap3A_403 = arith.constant 0 : index
    %swap3A_404 = vector.load %arg3[%swap3A_401, %swap3A_402, %swap3A_403] : memref<1x8192x128xf32, #tpu.memory_space<vmem>>, vector<1x128x128xf32>
    %swap3A_405 = vector.shape_cast %swap3A_404 : vector<1x128x128xf32> to vector<128x128xf32>
    %swap3A_406 = vector.shape_cast %transpose3A_400 : vector<128x128xf32> to vector<1x128x128xf32>
    tpu.vector_store %arg3[%swap3A_401, %swap3A_402, %swap3A_403], %swap3A_406 {strides = array<i32>} : memref<1x8192x128xf32, #tpu.memory_space<vmem>>, vector<1x128x128xf32>,
    %slice3A_407 = vector.extract_strided_slice %get3A_1 {offsets = [0, 6528], sizes = [128, 128], strides = [1, 1]} : vector<128x8192xf32> to vector<128x128xf32>
    %transpose3A_408 = tpu.transpose %slice3A_407, [1, 0] : vector<128x128xf32> -> vector<128x128xf32>
    %swap3A_409 = arith.constant 0 : index
    %swap3A_410 = arith.constant 6528 : index
    %swap3A_411 = arith.constant 0 : index
    %swap3A_412 = vector.load %arg3[%swap3A_409, %swap3A_410, %swap3A_411] : memref<1x8192x128xf32, #tpu.memory_space<vmem>>, vector<1x128x128xf32>
    %swap3A_413 = vector.shape_cast %swap3A_412 : vector<1x128x128xf32> to vector<128x128xf32>
    %swap3A_414 = vector.shape_cast %transpose3A_408 : vector<128x128xf32> to vector<1x128x128xf32>
    tpu.vector_store %arg3[%swap3A_409, %swap3A_410, %swap3A_411], %swap3A_414 {strides = array<i32>} : memref<1x8192x128xf32, #tpu.memory_space<vmem>>, vector<1x128x128xf32>,
    %slice3A_415 = vector.extract_strided_slice %get3A_1 {offsets = [0, 6656], sizes = [128, 128], strides = [1, 1]} : vector<128x8192xf32> to vector<128x128xf32>
    %transpose3A_416 = tpu.transpose %slice3A_415, [1, 0] : vector<128x128xf32> -> vector<128x128xf32>
    %swap3A_417 = arith.constant 0 : index
    %swap3A_418 = arith.constant 6656 : index
    %swap3A_419 = arith.constant 0 : index
    %swap3A_420 = vector.load %arg3[%swap3A_417, %swap3A_418, %swap3A_419] : memref<1x8192x128xf32, #tpu.memory_space<vmem>>, vector<1x128x128xf32>
    %swap3A_421 = vector.shape_cast %swap3A_420 : vector<1x128x128xf32> to vector<128x128xf32>
    %swap3A_422 = vector.shape_cast %transpose3A_416 : vector<128x128xf32> to vector<1x128x128xf32>
    tpu.vector_store %arg3[%swap3A_417, %swap3A_418, %swap3A_419], %swap3A_422 {strides = array<i32>} : memref<1x8192x128xf32, #tpu.memory_space<vmem>>, vector<1x128x128xf32>,
    %slice3A_423 = vector.extract_strided_slice %get3A_1 {offsets = [0, 6784], sizes = [128, 128], strides = [1, 1]} : vector<128x8192xf32> to vector<128x128xf32>
    %transpose3A_424 = tpu.transpose %slice3A_423, [1, 0] : vector<128x128xf32> -> vector<128x128xf32>
    %swap3A_425 = arith.constant 0 : index
    %swap3A_426 = arith.constant 6784 : index
    %swap3A_427 = arith.constant 0 : index
    %swap3A_428 = vector.load %arg3[%swap3A_425, %swap3A_426, %swap3A_427] : memref<1x8192x128xf32, #tpu.memory_space<vmem>>, vector<1x128x128xf32>
    %swap3A_429 = vector.shape_cast %swap3A_428 : vector<1x128x128xf32> to vector<128x128xf32>
    %swap3A_430 = vector.shape_cast %transpose3A_424 : vector<128x128xf32> to vector<1x128x128xf32>
    tpu.vector_store %arg3[%swap3A_425, %swap3A_426, %swap3A_427], %swap3A_430 {strides = array<i32>} : memref<1x8192x128xf32, #tpu.memory_space<vmem>>, vector<1x128x128xf32>,
    %slice3A_431 = vector.extract_strided_slice %get3A_1 {offsets = [0, 6912], sizes = [128, 128], strides = [1, 1]} : vector<128x8192xf32> to vector<128x128xf32>
    %transpose3A_432 = tpu.transpose %slice3A_431, [1, 0] : vector<128x128xf32> -> vector<128x128xf32>
    %swap3A_433 = arith.constant 0 : index
    %swap3A_434 = arith.constant 6912 : index
    %swap3A_435 = arith.constant 0 : index
    %swap3A_436 = vector.load %arg3[%swap3A_433, %swap3A_434, %swap3A_435] : memref<1x8192x128xf32, #tpu.memory_space<vmem>>, vector<1x128x128xf32>
    %swap3A_437 = vector.shape_cast %swap3A_436 : vector<1x128x128xf32> to vector<128x128xf32>
    %swap3A_438 = vector.shape_cast %transpose3A_432 : vector<128x128xf32> to vector<1x128x128xf32>
    tpu.vector_store %arg3[%swap3A_433, %swap3A_434, %swap3A_435], %swap3A_438 {strides = array<i32>} : memref<1x8192x128xf32, #tpu.memory_space<vmem>>, vector<1x128x128xf32>,
    %slice3A_439 = vector.extract_strided_slice %get3A_1 {offsets = [0, 7040], sizes = [128, 128], strides = [1, 1]} : vector<128x8192xf32> to vector<128x128xf32>
    %transpose3A_440 = tpu.transpose %slice3A_439, [1, 0] : vector<128x128xf32> -> vector<128x128xf32>
    %swap3A_441 = arith.constant 0 : index
    %swap3A_442 = arith.constant 7040 : index
    %swap3A_443 = arith.constant 0 : index
    %swap3A_444 = vector.load %arg3[%swap3A_441, %swap3A_442, %swap3A_443] : memref<1x8192x128xf32, #tpu.memory_space<vmem>>, vector<1x128x128xf32>
    %swap3A_445 = vector.shape_cast %swap3A_444 : vector<1x128x128xf32> to vector<128x128xf32>
    %swap3A_446 = vector.shape_cast %transpose3A_440 : vector<128x128xf32> to vector<1x128x128xf32>
    tpu.vector_store %arg3[%swap3A_441, %swap3A_442, %swap3A_443], %swap3A_446 {strides = array<i32>} : memref<1x8192x128xf32, #tpu.memory_space<vmem>>, vector<1x128x128xf32>,
    %slice3A_447 = vector.extract_strided_slice %get3A_1 {offsets = [0, 7168], sizes = [128, 128], strides = [1, 1]} : vector<128x8192xf32> to vector<128x128xf32>
    %transpose3A_448 = tpu.transpose %slice3A_447, [1, 0] : vector<128x128xf32> -> vector<128x128xf32>
    %swap3A_449 = arith.constant 0 : index
    %swap3A_450 = arith.constant 7168 : index
    %swap3A_451 = arith.constant 0 : index
    %swap3A_452 = vector.load %arg3[%swap3A_449, %swap3A_450, %swap3A_451] : memref<1x8192x128xf32, #tpu.memory_space<vmem>>, vector<1x128x128xf32>
    %swap3A_453 = vector.shape_cast %swap3A_452 : vector<1x128x128xf32> to vector<128x128xf32>
    %swap3A_454 = vector.shape_cast %transpose3A_448 : vector<128x128xf32> to vector<1x128x128xf32>
    tpu.vector_store %arg3[%swap3A_449, %swap3A_450, %swap3A_451], %swap3A_454 {strides = array<i32>} : memref<1x8192x128xf32, #tpu.memory_space<vmem>>, vector<1x128x128xf32>,
    %slice3A_455 = vector.extract_strided_slice %get3A_1 {offsets = [0, 7296], sizes = [128, 128], strides = [1, 1]} : vector<128x8192xf32> to vector<128x128xf32>
    %transpose3A_456 = tpu.transpose %slice3A_455, [1, 0] : vector<128x128xf32> -> vector<128x128xf32>
    %swap3A_457 = arith.constant 0 : index
    %swap3A_458 = arith.constant 7296 : index
    %swap3A_459 = arith.constant 0 : index
    %swap3A_460 = vector.load %arg3[%swap3A_457, %swap3A_458, %swap3A_459] : memref<1x8192x128xf32, #tpu.memory_space<vmem>>, vector<1x128x128xf32>
    %swap3A_461 = vector.shape_cast %swap3A_460 : vector<1x128x128xf32> to vector<128x128xf32>
    %swap3A_462 = vector.shape_cast %transpose3A_456 : vector<128x128xf32> to vector<1x128x128xf32>
    tpu.vector_store %arg3[%swap3A_457, %swap3A_458, %swap3A_459], %swap3A_462 {strides = array<i32>} : memref<1x8192x128xf32, #tpu.memory_space<vmem>>, vector<1x128x128xf32>,
    %slice3A_463 = vector.extract_strided_slice %get3A_1 {offsets = [0, 7424], sizes = [128, 128], strides = [1, 1]} : vector<128x8192xf32> to vector<128x128xf32>
    %transpose3A_464 = tpu.transpose %slice3A_463, [1, 0] : vector<128x128xf32> -> vector<128x128xf32>
    %swap3A_465 = arith.constant 0 : index
    %swap3A_466 = arith.constant 7424 : index
    %swap3A_467 = arith.constant 0 : index
    %swap3A_468 = vector.load %arg3[%swap3A_465, %swap3A_466, %swap3A_467] : memref<1x8192x128xf32, #tpu.memory_space<vmem>>, vector<1x128x128xf32>
    %swap3A_469 = vector.shape_cast %swap3A_468 : vector<1x128x128xf32> to vector<128x128xf32>
    %swap3A_470 = vector.shape_cast %transpose3A_464 : vector<128x128xf32> to vector<1x128x128xf32>
    tpu.vector_store %arg3[%swap3A_465, %swap3A_466, %swap3A_467], %swap3A_470 {strides = array<i32>} : memref<1x8192x128xf32, #tpu.memory_space<vmem>>, vector<1x128x128xf32>,
    %slice3A_471 = vector.extract_strided_slice %get3A_1 {offsets = [0, 7552], sizes = [128, 128], strides = [1, 1]} : vector<128x8192xf32> to vector<128x128xf32>
    %transpose3A_472 = tpu.transpose %slice3A_471, [1, 0] : vector<128x128xf32> -> vector<128x128xf32>
    %swap3A_473 = arith.constant 0 : index
    %swap3A_474 = arith.constant 7552 : index
    %swap3A_475 = arith.constant 0 : index
    %swap3A_476 = vector.load %arg3[%swap3A_473, %swap3A_474, %swap3A_475] : memref<1x8192x128xf32, #tpu.memory_space<vmem>>, vector<1x128x128xf32>
    %swap3A_477 = vector.shape_cast %swap3A_476 : vector<1x128x128xf32> to vector<128x128xf32>
    %swap3A_478 = vector.shape_cast %transpose3A_472 : vector<128x128xf32> to vector<1x128x128xf32>
    tpu.vector_store %arg3[%swap3A_473, %swap3A_474, %swap3A_475], %swap3A_478 {strides = array<i32>} : memref<1x8192x128xf32, #tpu.memory_space<vmem>>, vector<1x128x128xf32>,
    %slice3A_479 = vector.extract_strided_slice %get3A_1 {offsets = [0, 7680], sizes = [128, 128], strides = [1, 1]} : vector<128x8192xf32> to vector<128x128xf32>
    %transpose3A_480 = tpu.transpose %slice3A_479, [1, 0] : vector<128x128xf32> -> vector<128x128xf32>
    %swap3A_481 = arith.constant 0 : index
    %swap3A_482 = arith.constant 7680 : index
    %swap3A_483 = arith.constant 0 : index
    %swap3A_484 = vector.load %arg3[%swap3A_481, %swap3A_482, %swap3A_483] : memref<1x8192x128xf32, #tpu.memory_space<vmem>>, vector<1x128x128xf32>
    %swap3A_485 = vector.shape_cast %swap3A_484 : vector<1x128x128xf32> to vector<128x128xf32>
    %swap3A_486 = vector.shape_cast %transpose3A_480 : vector<128x128xf32> to vector<1x128x128xf32>
    tpu.vector_store %arg3[%swap3A_481, %swap3A_482, %swap3A_483], %swap3A_486 {strides = array<i32>} : memref<1x8192x128xf32, #tpu.memory_space<vmem>>, vector<1x128x128xf32>,
    %slice3A_487 = vector.extract_strided_slice %get3A_1 {offsets = [0, 7808], sizes = [128, 128], strides = [1, 1]} : vector<128x8192xf32> to vector<128x128xf32>
    %transpose3A_488 = tpu.transpose %slice3A_487, [1, 0] : vector<128x128xf32> -> vector<128x128xf32>
    %swap3A_489 = arith.constant 0 : index
    %swap3A_490 = arith.constant 7808 : index
    %swap3A_491 = arith.constant 0 : index
    %swap3A_492 = vector.load %arg3[%swap3A_489, %swap3A_490, %swap3A_491] : memref<1x8192x128xf32, #tpu.memory_space<vmem>>, vector<1x128x128xf32>
    %swap3A_493 = vector.shape_cast %swap3A_492 : vector<1x128x128xf32> to vector<128x128xf32>
    %swap3A_494 = vector.shape_cast %transpose3A_488 : vector<128x128xf32> to vector<1x128x128xf32>
    tpu.vector_store %arg3[%swap3A_489, %swap3A_490, %swap3A_491], %swap3A_494 {strides = array<i32>} : memref<1x8192x128xf32, #tpu.memory_space<vmem>>, vector<1x128x128xf32>,
    %slice3A_495 = vector.extract_strided_slice %get3A_1 {offsets = [0, 7936], sizes = [128, 128], strides = [1, 1]} : vector<128x8192xf32> to vector<128x128xf32>
    %transpose3A_496 = tpu.transpose %slice3A_495, [1, 0] : vector<128x128xf32> -> vector<128x128xf32>
    %swap3A_497 = arith.constant 0 : index
    %swap3A_498 = arith.constant 7936 : index
    %swap3A_499 = arith.constant 0 : index
    %swap3A_500 = vector.load %arg3[%swap3A_497, %swap3A_498, %swap3A_499] : memref<1x8192x128xf32, #tpu.memory_space<vmem>>, vector<1x128x128xf32>
    %swap3A_501 = vector.shape_cast %swap3A_500 : vector<1x128x128xf32> to vector<128x128xf32>
    %swap3A_502 = vector.shape_cast %transpose3A_496 : vector<128x128xf32> to vector<1x128x128xf32>
    tpu.vector_store %arg3[%swap3A_497, %swap3A_498, %swap3A_499], %swap3A_502 {strides = array<i32>} : memref<1x8192x128xf32, #tpu.memory_space<vmem>>, vector<1x128x128xf32>,
    %slice3A_503 = vector.extract_strided_slice %get3A_1 {offsets = [0, 8064], sizes = [128, 128], strides = [1, 1]} : vector<128x8192xf32> to vector<128x128xf32>
    %transpose3A_504 = tpu.transpose %slice3A_503, [1, 0] : vector<128x128xf32> -> vector<128x128xf32>
    %swap3A_505 = arith.constant 0 : index
    %swap3A_506 = arith.constant 8064 : index
    %swap3A_507 = arith.constant 0 : index
    %swap3A_508 = vector.load %arg3[%swap3A_505, %swap3A_506, %swap3A_507] : memref<1x8192x128xf32, #tpu.memory_space<vmem>>, vector<1x128x128xf32>
    %swap3A_509 = vector.shape_cast %swap3A_508 : vector<1x128x128xf32> to vector<128x128xf32>
    %swap3A_510 = vector.shape_cast %transpose3A_504 : vector<128x128xf32> to vector<1x128x128xf32>
    tpu.vector_store %arg3[%swap3A_505, %swap3A_506, %swap3A_507], %swap3A_510 {strides = array<i32>} : memref<1x8192x128xf32, #tpu.memory_space<vmem>>, vector<1x128x128xf32>,
    return
  }
  func.func @transform_0(%arg0: i32, %arg1: i32) -> (i32, i32) {
    %c0_i32 = arith.constant 0 : i32
    return %arg0, %arg1 : i32, i32
  }
  func.func @transform_1(%arg0: i32, %arg1: i32) -> (i32, i32, i32) {
    %c0_i32 = arith.constant 0 : i32
    %c0_i32_0 = arith.constant 0 : i32
    return %arg0, %arg1, %c0_i32 : i32, i32, i32
  }
}

module attributes {stable_mosaic.version = 14 : i64} {
  func.func @_lin_body(%arg0: i32, %arg1: memref<1x1x100000xf32, #tpu.memory_space<vmem>>, %arg2: memref<1x784x128xf32, #tpu.memory_space<vmem>>) attributes {dimension_semantics = [#tpu.dimension_semantics<arbitrary>], iteration_bounds = array<i64: 26>, scalar_prefetch = 0 : i64, scratch_operands = 0 : i64, tpu.core_type = #tpu.core_type<tc>, window_params = [{transform_indices = @transform_0, window_bounds = array<i64: 1, 1, 100000>}, {transform_indices = @transform_1, window_bounds = array<i64: 1, 784, 128>}]} {
    %get3A = arith.constant 0 : index
    %get3A_0 = arith.constant 0 : index
    %get3A_1 = arith.constant 0 : index
    %get3A_2 = vector.load %arg1[%get3A, %get3A_0, %get3A_1] : memref<1x1x100000xf32, #tpu.memory_space<vmem>>, vector<1x1x100000xf32>
    %get3A_3 = vector.shape_cast %get3A_2 : vector<1x1x100000xf32> to vector<100000xf32>
    %slice3A = vector.extract_strided_slice %get3A_3 {offsets = [0], sizes = [99968], strides = [1]} : vector<100000xf32> to vector<99968xf32>
    %reshape3A = vector.shape_cast %slice3A : vector<99968xf32> to vector<781x128xf32>
    %swap3A = arith.constant 0 : index
    %swap3A_4 = arith.constant 0 : index
    %swap3A_5 = arith.constant 0 : index
    %swap3A_6 = vector.load %arg2[%swap3A, %swap3A_4, %swap3A_5] : memref<1x784x128xf32, #tpu.memory_space<vmem>>, vector<1x781x128xf32>
    %swap3A_7 = vector.shape_cast %swap3A_6 : vector<1x781x128xf32> to vector<781x128xf32>
    %swap3A_8 = vector.shape_cast %reshape3A : vector<781x128xf32> to vector<1x781x128xf32>
    tpu.vector_store %arg2[%swap3A, %swap3A_4, %swap3A_5], %swap3A_8 {strides = array<i32>} : memref<1x784x128xf32, #tpu.memory_space<vmem>>, vector<1x781x128xf32>,
    %slice3A_9 = vector.extract_strided_slice %get3A_3 {offsets = [99968], sizes = [32], strides = [1]} : vector<100000xf32> to vector<32xf32>
    %swap3A_10 = arith.constant 0 : index
    %swap3A_11 = arith.constant 781 : index
    %swap3A_12 = arith.constant 0 : index
    %swap3A_13 = vector.load %arg2[%swap3A_10, %swap3A_11, %swap3A_12] : memref<1x784x128xf32, #tpu.memory_space<vmem>>, vector<1x1x32xf32>
    %swap3A_14 = vector.shape_cast %swap3A_13 : vector<1x1x32xf32> to vector<32xf32>
    %swap3A_15 = vector.shape_cast %slice3A_9 : vector<32xf32> to vector<1x1x32xf32>
    tpu.vector_store %arg2[%swap3A_10, %swap3A_11, %swap3A_12], %swap3A_15 {strides = array<i32>} : memref<1x784x128xf32, #tpu.memory_space<vmem>>, vector<1x1x32xf32>,
    return
  }
  func.func @transform_0(%arg0: i32) -> (i32, i32, i32) {
    %c0_i32 = arith.constant 0 : i32
    %c0_i32_0 = arith.constant 0 : i32
    %c0_i32_1 = arith.constant 0 : i32
    return %arg0, %c0_i32, %c0_i32_0 : i32, i32, i32
  }
  func.func @transform_1(%arg0: i32) -> (i32, i32, i32) {
    %c0_i32 = arith.constant 0 : i32
    %c0_i32_0 = arith.constant 0 : i32
    %c0_i32_1 = arith.constant 0 : i32
    return %arg0, %c0_i32, %c0_i32_0 : i32, i32, i32
  }
}

module attributes {stable_mosaic.version = 14 : i64} {
  func.func @_xpose_body(%arg0: i32, %arg1: i32, %arg2: memref<128x8192xf32, #tpu.memory_space<vmem>>, %arg3: memref<1x8192x128xf32, #tpu.memory_space<vmem>>) attributes {dimension_semantics = [#tpu.dimension_semantics<arbitrary>, #tpu.dimension_semantics<arbitrary>], iteration_bounds = array<i64: 2, 13>, scalar_prefetch = 0 : i64, scratch_operands = 0 : i64, tpu.core_type = #tpu.core_type<tc>, window_params = [{transform_indices = @transform_0, window_bounds = array<i64: 128, 8192>}, {transform_indices = @transform_1, window_bounds = array<i64: 1, 8192, 128>}]} {
    %get3A = arith.constant 0 : index
    %get3A_0 = arith.constant 0 : index
    %get3A_1 = vector.load %arg2[%get3A, %get3A_0] : memref<128x8192xf32, #tpu.memory_space<vmem>>, vector<128x8192xf32>
    %slice3A = vector.extract_strided_slice %get3A_1 {offsets = [0, 0], sizes = [128, 128], strides = [1, 1]} : vector<128x8192xf32> to vector<128x128xf32>
    %transpose3A = tpu.transpose %slice3A, [1, 0] : vector<128x128xf32> -> vector<128x128xf32>
    %swap3A = arith.constant 0 : index
    %swap3A_2 = arith.constant 0 : index
    %swap3A_3 = arith.constant 0 : index
    %swap3A_4 = vector.load %arg3[%swap3A, %swap3A_2, %swap3A_3] : memref<1x8192x128xf32, #tpu.memory_space<vmem>>, vector<1x128x128xf32>
    %swap3A_5 = vector.shape_cast %swap3A_4 : vector<1x128x128xf32> to vector<128x128xf32>
    %swap3A_6 = vector.shape_cast %transpose3A : vector<128x128xf32> to vector<1x128x128xf32>
    tpu.vector_store %arg3[%swap3A, %swap3A_2, %swap3A_3], %swap3A_6 {strides = array<i32>} : memref<1x8192x128xf32, #tpu.memory_space<vmem>>, vector<1x128x128xf32>,
    %slice3A_7 = vector.extract_strided_slice %get3A_1 {offsets = [0, 128], sizes = [128, 128], strides = [1, 1]} : vector<128x8192xf32> to vector<128x128xf32>
    %transpose3A_8 = tpu.transpose %slice3A_7, [1, 0] : vector<128x128xf32> -> vector<128x128xf32>
    %swap3A_9 = arith.constant 0 : index
    %swap3A_10 = arith.constant 128 : index
    %swap3A_11 = arith.constant 0 : index
    %swap3A_12 = vector.load %arg3[%swap3A_9, %swap3A_10, %swap3A_11] : memref<1x8192x128xf32, #tpu.memory_space<vmem>>, vector<1x128x128xf32>
    %swap3A_13 = vector.shape_cast %swap3A_12 : vector<1x128x128xf32> to vector<128x128xf32>
    %swap3A_14 = vector.shape_cast %transpose3A_8 : vector<128x128xf32> to vector<1x128x128xf32>
    tpu.vector_store %arg3[%swap3A_9, %swap3A_10, %swap3A_11], %swap3A_14 {strides = array<i32>} : memref<1x8192x128xf32, #tpu.memory_space<vmem>>, vector<1x128x128xf32>,
    %slice3A_15 = vector.extract_strided_slice %get3A_1 {offsets = [0, 256], sizes = [128, 128], strides = [1, 1]} : vector<128x8192xf32> to vector<128x128xf32>
    %transpose3A_16 = tpu.transpose %slice3A_15, [1, 0] : vector<128x128xf32> -> vector<128x128xf32>
    %swap3A_17 = arith.constant 0 : index
    %swap3A_18 = arith.constant 256 : index
    %swap3A_19 = arith.constant 0 : index
    %swap3A_20 = vector.load %arg3[%swap3A_17, %swap3A_18, %swap3A_19] : memref<1x8192x128xf32, #tpu.memory_space<vmem>>, vector<1x128x128xf32>
    %swap3A_21 = vector.shape_cast %swap3A_20 : vector<1x128x128xf32> to vector<128x128xf32>
    %swap3A_22 = vector.shape_cast %transpose3A_16 : vector<128x128xf32> to vector<1x128x128xf32>
    tpu.vector_store %arg3[%swap3A_17, %swap3A_18, %swap3A_19], %swap3A_22 {strides = array<i32>} : memref<1x8192x128xf32, #tpu.memory_space<vmem>>, vector<1x128x128xf32>,
    %slice3A_23 = vector.extract_strided_slice %get3A_1 {offsets = [0, 384], sizes = [128, 128], strides = [1, 1]} : vector<128x8192xf32> to vector<128x128xf32>
    %transpose3A_24 = tpu.transpose %slice3A_23, [1, 0] : vector<128x128xf32> -> vector<128x128xf32>
    %swap3A_25 = arith.constant 0 : index
    %swap3A_26 = arith.constant 384 : index
    %swap3A_27 = arith.constant 0 : index
    %swap3A_28 = vector.load %arg3[%swap3A_25, %swap3A_26, %swap3A_27] : memref<1x8192x128xf32, #tpu.memory_space<vmem>>, vector<1x128x128xf32>
    %swap3A_29 = vector.shape_cast %swap3A_28 : vector<1x128x128xf32> to vector<128x128xf32>
    %swap3A_30 = vector.shape_cast %transpose3A_24 : vector<128x128xf32> to vector<1x128x128xf32>
    tpu.vector_store %arg3[%swap3A_25, %swap3A_26, %swap3A_27], %swap3A_30 {strides = array<i32>} : memref<1x8192x128xf32, #tpu.memory_space<vmem>>, vector<1x128x128xf32>,
    %slice3A_31 = vector.extract_strided_slice %get3A_1 {offsets = [0, 512], sizes = [128, 128], strides = [1, 1]} : vector<128x8192xf32> to vector<128x128xf32>
    %transpose3A_32 = tpu.transpose %slice3A_31, [1, 0] : vector<128x128xf32> -> vector<128x128xf32>
    %swap3A_33 = arith.constant 0 : index
    %swap3A_34 = arith.constant 512 : index
    %swap3A_35 = arith.constant 0 : index
    %swap3A_36 = vector.load %arg3[%swap3A_33, %swap3A_34, %swap3A_35] : memref<1x8192x128xf32, #tpu.memory_space<vmem>>, vector<1x128x128xf32>
    %swap3A_37 = vector.shape_cast %swap3A_36 : vector<1x128x128xf32> to vector<128x128xf32>
    %swap3A_38 = vector.shape_cast %transpose3A_32 : vector<128x128xf32> to vector<1x128x128xf32>
    tpu.vector_store %arg3[%swap3A_33, %swap3A_34, %swap3A_35], %swap3A_38 {strides = array<i32>} : memref<1x8192x128xf32, #tpu.memory_space<vmem>>, vector<1x128x128xf32>,
    %slice3A_39 = vector.extract_strided_slice %get3A_1 {offsets = [0, 640], sizes = [128, 128], strides = [1, 1]} : vector<128x8192xf32> to vector<128x128xf32>
    %transpose3A_40 = tpu.transpose %slice3A_39, [1, 0] : vector<128x128xf32> -> vector<128x128xf32>
    %swap3A_41 = arith.constant 0 : index
    %swap3A_42 = arith.constant 640 : index
    %swap3A_43 = arith.constant 0 : index
    %swap3A_44 = vector.load %arg3[%swap3A_41, %swap3A_42, %swap3A_43] : memref<1x8192x128xf32, #tpu.memory_space<vmem>>, vector<1x128x128xf32>
    %swap3A_45 = vector.shape_cast %swap3A_44 : vector<1x128x128xf32> to vector<128x128xf32>
    %swap3A_46 = vector.shape_cast %transpose3A_40 : vector<128x128xf32> to vector<1x128x128xf32>
    tpu.vector_store %arg3[%swap3A_41, %swap3A_42, %swap3A_43], %swap3A_46 {strides = array<i32>} : memref<1x8192x128xf32, #tpu.memory_space<vmem>>, vector<1x128x128xf32>,
    %slice3A_47 = vector.extract_strided_slice %get3A_1 {offsets = [0, 768], sizes = [128, 128], strides = [1, 1]} : vector<128x8192xf32> to vector<128x128xf32>
    %transpose3A_48 = tpu.transpose %slice3A_47, [1, 0] : vector<128x128xf32> -> vector<128x128xf32>
    %swap3A_49 = arith.constant 0 : index
    %swap3A_50 = arith.constant 768 : index
    %swap3A_51 = arith.constant 0 : index
    %swap3A_52 = vector.load %arg3[%swap3A_49, %swap3A_50, %swap3A_51] : memref<1x8192x128xf32, #tpu.memory_space<vmem>>, vector<1x128x128xf32>
    %swap3A_53 = vector.shape_cast %swap3A_52 : vector<1x128x128xf32> to vector<128x128xf32>
    %swap3A_54 = vector.shape_cast %transpose3A_48 : vector<128x128xf32> to vector<1x128x128xf32>
    tpu.vector_store %arg3[%swap3A_49, %swap3A_50, %swap3A_51], %swap3A_54 {strides = array<i32>} : memref<1x8192x128xf32, #tpu.memory_space<vmem>>, vector<1x128x128xf32>,
    %slice3A_55 = vector.extract_strided_slice %get3A_1 {offsets = [0, 896], sizes = [128, 128], strides = [1, 1]} : vector<128x8192xf32> to vector<128x128xf32>
    %transpose3A_56 = tpu.transpose %slice3A_55, [1, 0] : vector<128x128xf32> -> vector<128x128xf32>
    %swap3A_57 = arith.constant 0 : index
    %swap3A_58 = arith.constant 896 : index
    %swap3A_59 = arith.constant 0 : index
    %swap3A_60 = vector.load %arg3[%swap3A_57, %swap3A_58, %swap3A_59] : memref<1x8192x128xf32, #tpu.memory_space<vmem>>, vector<1x128x128xf32>
    %swap3A_61 = vector.shape_cast %swap3A_60 : vector<1x128x128xf32> to vector<128x128xf32>
    %swap3A_62 = vector.shape_cast %transpose3A_56 : vector<128x128xf32> to vector<1x128x128xf32>
    tpu.vector_store %arg3[%swap3A_57, %swap3A_58, %swap3A_59], %swap3A_62 {strides = array<i32>} : memref<1x8192x128xf32, #tpu.memory_space<vmem>>, vector<1x128x128xf32>,
    %slice3A_63 = vector.extract_strided_slice %get3A_1 {offsets = [0, 1024], sizes = [128, 128], strides = [1, 1]} : vector<128x8192xf32> to vector<128x128xf32>
    %transpose3A_64 = tpu.transpose %slice3A_63, [1, 0] : vector<128x128xf32> -> vector<128x128xf32>
    %swap3A_65 = arith.constant 0 : index
    %swap3A_66 = arith.constant 1024 : index
    %swap3A_67 = arith.constant 0 : index
    %swap3A_68 = vector.load %arg3[%swap3A_65, %swap3A_66, %swap3A_67] : memref<1x8192x128xf32, #tpu.memory_space<vmem>>, vector<1x128x128xf32>
    %swap3A_69 = vector.shape_cast %swap3A_68 : vector<1x128x128xf32> to vector<128x128xf32>
    %swap3A_70 = vector.shape_cast %transpose3A_64 : vector<128x128xf32> to vector<1x128x128xf32>
    tpu.vector_store %arg3[%swap3A_65, %swap3A_66, %swap3A_67], %swap3A_70 {strides = array<i32>} : memref<1x8192x128xf32, #tpu.memory_space<vmem>>, vector<1x128x128xf32>,
    %slice3A_71 = vector.extract_strided_slice %get3A_1 {offsets = [0, 1152], sizes = [128, 128], strides = [1, 1]} : vector<128x8192xf32> to vector<128x128xf32>
    %transpose3A_72 = tpu.transpose %slice3A_71, [1, 0] : vector<128x128xf32> -> vector<128x128xf32>
    %swap3A_73 = arith.constant 0 : index
    %swap3A_74 = arith.constant 1152 : index
    %swap3A_75 = arith.constant 0 : index
    %swap3A_76 = vector.load %arg3[%swap3A_73, %swap3A_74, %swap3A_75] : memref<1x8192x128xf32, #tpu.memory_space<vmem>>, vector<1x128x128xf32>
    %swap3A_77 = vector.shape_cast %swap3A_76 : vector<1x128x128xf32> to vector<128x128xf32>
    %swap3A_78 = vector.shape_cast %transpose3A_72 : vector<128x128xf32> to vector<1x128x128xf32>
    tpu.vector_store %arg3[%swap3A_73, %swap3A_74, %swap3A_75], %swap3A_78 {strides = array<i32>} : memref<1x8192x128xf32, #tpu.memory_space<vmem>>, vector<1x128x128xf32>,
    %slice3A_79 = vector.extract_strided_slice %get3A_1 {offsets = [0, 1280], sizes = [128, 128], strides = [1, 1]} : vector<128x8192xf32> to vector<128x128xf32>
    %transpose3A_80 = tpu.transpose %slice3A_79, [1, 0] : vector<128x128xf32> -> vector<128x128xf32>
    %swap3A_81 = arith.constant 0 : index
    %swap3A_82 = arith.constant 1280 : index
    %swap3A_83 = arith.constant 0 : index
    %swap3A_84 = vector.load %arg3[%swap3A_81, %swap3A_82, %swap3A_83] : memref<1x8192x128xf32, #tpu.memory_space<vmem>>, vector<1x128x128xf32>
    %swap3A_85 = vector.shape_cast %swap3A_84 : vector<1x128x128xf32> to vector<128x128xf32>
    %swap3A_86 = vector.shape_cast %transpose3A_80 : vector<128x128xf32> to vector<1x128x128xf32>
    tpu.vector_store %arg3[%swap3A_81, %swap3A_82, %swap3A_83], %swap3A_86 {strides = array<i32>} : memref<1x8192x128xf32, #tpu.memory_space<vmem>>, vector<1x128x128xf32>,
    %slice3A_87 = vector.extract_strided_slice %get3A_1 {offsets = [0, 1408], sizes = [128, 128], strides = [1, 1]} : vector<128x8192xf32> to vector<128x128xf32>
    %transpose3A_88 = tpu.transpose %slice3A_87, [1, 0] : vector<128x128xf32> -> vector<128x128xf32>
    %swap3A_89 = arith.constant 0 : index
    %swap3A_90 = arith.constant 1408 : index
    %swap3A_91 = arith.constant 0 : index
    %swap3A_92 = vector.load %arg3[%swap3A_89, %swap3A_90, %swap3A_91] : memref<1x8192x128xf32, #tpu.memory_space<vmem>>, vector<1x128x128xf32>
    %swap3A_93 = vector.shape_cast %swap3A_92 : vector<1x128x128xf32> to vector<128x128xf32>
    %swap3A_94 = vector.shape_cast %transpose3A_88 : vector<128x128xf32> to vector<1x128x128xf32>
    tpu.vector_store %arg3[%swap3A_89, %swap3A_90, %swap3A_91], %swap3A_94 {strides = array<i32>} : memref<1x8192x128xf32, #tpu.memory_space<vmem>>, vector<1x128x128xf32>,
    %slice3A_95 = vector.extract_strided_slice %get3A_1 {offsets = [0, 1536], sizes = [128, 128], strides = [1, 1]} : vector<128x8192xf32> to vector<128x128xf32>
    %transpose3A_96 = tpu.transpose %slice3A_95, [1, 0] : vector<128x128xf32> -> vector<128x128xf32>
    %swap3A_97 = arith.constant 0 : index
    %swap3A_98 = arith.constant 1536 : index
    %swap3A_99 = arith.constant 0 : index
    %swap3A_100 = vector.load %arg3[%swap3A_97, %swap3A_98, %swap3A_99] : memref<1x8192x128xf32, #tpu.memory_space<vmem>>, vector<1x128x128xf32>
    %swap3A_101 = vector.shape_cast %swap3A_100 : vector<1x128x128xf32> to vector<128x128xf32>
    %swap3A_102 = vector.shape_cast %transpose3A_96 : vector<128x128xf32> to vector<1x128x128xf32>
    tpu.vector_store %arg3[%swap3A_97, %swap3A_98, %swap3A_99], %swap3A_102 {strides = array<i32>} : memref<1x8192x128xf32, #tpu.memory_space<vmem>>, vector<1x128x128xf32>,
    %slice3A_103 = vector.extract_strided_slice %get3A_1 {offsets = [0, 1664], sizes = [128, 128], strides = [1, 1]} : vector<128x8192xf32> to vector<128x128xf32>
    %transpose3A_104 = tpu.transpose %slice3A_103, [1, 0] : vector<128x128xf32> -> vector<128x128xf32>
    %swap3A_105 = arith.constant 0 : index
    %swap3A_106 = arith.constant 1664 : index
    %swap3A_107 = arith.constant 0 : index
    %swap3A_108 = vector.load %arg3[%swap3A_105, %swap3A_106, %swap3A_107] : memref<1x8192x128xf32, #tpu.memory_space<vmem>>, vector<1x128x128xf32>
    %swap3A_109 = vector.shape_cast %swap3A_108 : vector<1x128x128xf32> to vector<128x128xf32>
    %swap3A_110 = vector.shape_cast %transpose3A_104 : vector<128x128xf32> to vector<1x128x128xf32>
    tpu.vector_store %arg3[%swap3A_105, %swap3A_106, %swap3A_107], %swap3A_110 {strides = array<i32>} : memref<1x8192x128xf32, #tpu.memory_space<vmem>>, vector<1x128x128xf32>,
    %slice3A_111 = vector.extract_strided_slice %get3A_1 {offsets = [0, 1792], sizes = [128, 128], strides = [1, 1]} : vector<128x8192xf32> to vector<128x128xf32>
    %transpose3A_112 = tpu.transpose %slice3A_111, [1, 0] : vector<128x128xf32> -> vector<128x128xf32>
    %swap3A_113 = arith.constant 0 : index
    %swap3A_114 = arith.constant 1792 : index
    %swap3A_115 = arith.constant 0 : index
    %swap3A_116 = vector.load %arg3[%swap3A_113, %swap3A_114, %swap3A_115] : memref<1x8192x128xf32, #tpu.memory_space<vmem>>, vector<1x128x128xf32>
    %swap3A_117 = vector.shape_cast %swap3A_116 : vector<1x128x128xf32> to vector<128x128xf32>
    %swap3A_118 = vector.shape_cast %transpose3A_112 : vector<128x128xf32> to vector<1x128x128xf32>
    tpu.vector_store %arg3[%swap3A_113, %swap3A_114, %swap3A_115], %swap3A_118 {strides = array<i32>} : memref<1x8192x128xf32, #tpu.memory_space<vmem>>, vector<1x128x128xf32>,
    %slice3A_119 = vector.extract_strided_slice %get3A_1 {offsets = [0, 1920], sizes = [128, 128], strides = [1, 1]} : vector<128x8192xf32> to vector<128x128xf32>
    %transpose3A_120 = tpu.transpose %slice3A_119, [1, 0] : vector<128x128xf32> -> vector<128x128xf32>
    %swap3A_121 = arith.constant 0 : index
    %swap3A_122 = arith.constant 1920 : index
    %swap3A_123 = arith.constant 0 : index
    %swap3A_124 = vector.load %arg3[%swap3A_121, %swap3A_122, %swap3A_123] : memref<1x8192x128xf32, #tpu.memory_space<vmem>>, vector<1x128x128xf32>
    %swap3A_125 = vector.shape_cast %swap3A_124 : vector<1x128x128xf32> to vector<128x128xf32>
    %swap3A_126 = vector.shape_cast %transpose3A_120 : vector<128x128xf32> to vector<1x128x128xf32>
    tpu.vector_store %arg3[%swap3A_121, %swap3A_122, %swap3A_123], %swap3A_126 {strides = array<i32>} : memref<1x8192x128xf32, #tpu.memory_space<vmem>>, vector<1x128x128xf32>,
    %slice3A_127 = vector.extract_strided_slice %get3A_1 {offsets = [0, 2048], sizes = [128, 128], strides = [1, 1]} : vector<128x8192xf32> to vector<128x128xf32>
    %transpose3A_128 = tpu.transpose %slice3A_127, [1, 0] : vector<128x128xf32> -> vector<128x128xf32>
    %swap3A_129 = arith.constant 0 : index
    %swap3A_130 = arith.constant 2048 : index
    %swap3A_131 = arith.constant 0 : index
    %swap3A_132 = vector.load %arg3[%swap3A_129, %swap3A_130, %swap3A_131] : memref<1x8192x128xf32, #tpu.memory_space<vmem>>, vector<1x128x128xf32>
    %swap3A_133 = vector.shape_cast %swap3A_132 : vector<1x128x128xf32> to vector<128x128xf32>
    %swap3A_134 = vector.shape_cast %transpose3A_128 : vector<128x128xf32> to vector<1x128x128xf32>
    tpu.vector_store %arg3[%swap3A_129, %swap3A_130, %swap3A_131], %swap3A_134 {strides = array<i32>} : memref<1x8192x128xf32, #tpu.memory_space<vmem>>, vector<1x128x128xf32>,
    %slice3A_135 = vector.extract_strided_slice %get3A_1 {offsets = [0, 2176], sizes = [128, 128], strides = [1, 1]} : vector<128x8192xf32> to vector<128x128xf32>
    %transpose3A_136 = tpu.transpose %slice3A_135, [1, 0] : vector<128x128xf32> -> vector<128x128xf32>
    %swap3A_137 = arith.constant 0 : index
    %swap3A_138 = arith.constant 2176 : index
    %swap3A_139 = arith.constant 0 : index
    %swap3A_140 = vector.load %arg3[%swap3A_137, %swap3A_138, %swap3A_139] : memref<1x8192x128xf32, #tpu.memory_space<vmem>>, vector<1x128x128xf32>
    %swap3A_141 = vector.shape_cast %swap3A_140 : vector<1x128x128xf32> to vector<128x128xf32>
    %swap3A_142 = vector.shape_cast %transpose3A_136 : vector<128x128xf32> to vector<1x128x128xf32>
    tpu.vector_store %arg3[%swap3A_137, %swap3A_138, %swap3A_139], %swap3A_142 {strides = array<i32>} : memref<1x8192x128xf32, #tpu.memory_space<vmem>>, vector<1x128x128xf32>,
    %slice3A_143 = vector.extract_strided_slice %get3A_1 {offsets = [0, 2304], sizes = [128, 128], strides = [1, 1]} : vector<128x8192xf32> to vector<128x128xf32>
    %transpose3A_144 = tpu.transpose %slice3A_143, [1, 0] : vector<128x128xf32> -> vector<128x128xf32>
    %swap3A_145 = arith.constant 0 : index
    %swap3A_146 = arith.constant 2304 : index
    %swap3A_147 = arith.constant 0 : index
    %swap3A_148 = vector.load %arg3[%swap3A_145, %swap3A_146, %swap3A_147] : memref<1x8192x128xf32, #tpu.memory_space<vmem>>, vector<1x128x128xf32>
    %swap3A_149 = vector.shape_cast %swap3A_148 : vector<1x128x128xf32> to vector<128x128xf32>
    %swap3A_150 = vector.shape_cast %transpose3A_144 : vector<128x128xf32> to vector<1x128x128xf32>
    tpu.vector_store %arg3[%swap3A_145, %swap3A_146, %swap3A_147], %swap3A_150 {strides = array<i32>} : memref<1x8192x128xf32, #tpu.memory_space<vmem>>, vector<1x128x128xf32>,
    %slice3A_151 = vector.extract_strided_slice %get3A_1 {offsets = [0, 2432], sizes = [128, 128], strides = [1, 1]} : vector<128x8192xf32> to vector<128x128xf32>
    %transpose3A_152 = tpu.transpose %slice3A_151, [1, 0] : vector<128x128xf32> -> vector<128x128xf32>
    %swap3A_153 = arith.constant 0 : index
    %swap3A_154 = arith.constant 2432 : index
    %swap3A_155 = arith.constant 0 : index
    %swap3A_156 = vector.load %arg3[%swap3A_153, %swap3A_154, %swap3A_155] : memref<1x8192x128xf32, #tpu.memory_space<vmem>>, vector<1x128x128xf32>
    %swap3A_157 = vector.shape_cast %swap3A_156 : vector<1x128x128xf32> to vector<128x128xf32>
    %swap3A_158 = vector.shape_cast %transpose3A_152 : vector<128x128xf32> to vector<1x128x128xf32>
    tpu.vector_store %arg3[%swap3A_153, %swap3A_154, %swap3A_155], %swap3A_158 {strides = array<i32>} : memref<1x8192x128xf32, #tpu.memory_space<vmem>>, vector<1x128x128xf32>,
    %slice3A_159 = vector.extract_strided_slice %get3A_1 {offsets = [0, 2560], sizes = [128, 128], strides = [1, 1]} : vector<128x8192xf32> to vector<128x128xf32>
    %transpose3A_160 = tpu.transpose %slice3A_159, [1, 0] : vector<128x128xf32> -> vector<128x128xf32>
    %swap3A_161 = arith.constant 0 : index
    %swap3A_162 = arith.constant 2560 : index
    %swap3A_163 = arith.constant 0 : index
    %swap3A_164 = vector.load %arg3[%swap3A_161, %swap3A_162, %swap3A_163] : memref<1x8192x128xf32, #tpu.memory_space<vmem>>, vector<1x128x128xf32>
    %swap3A_165 = vector.shape_cast %swap3A_164 : vector<1x128x128xf32> to vector<128x128xf32>
    %swap3A_166 = vector.shape_cast %transpose3A_160 : vector<128x128xf32> to vector<1x128x128xf32>
    tpu.vector_store %arg3[%swap3A_161, %swap3A_162, %swap3A_163], %swap3A_166 {strides = array<i32>} : memref<1x8192x128xf32, #tpu.memory_space<vmem>>, vector<1x128x128xf32>,
    %slice3A_167 = vector.extract_strided_slice %get3A_1 {offsets = [0, 2688], sizes = [128, 128], strides = [1, 1]} : vector<128x8192xf32> to vector<128x128xf32>
    %transpose3A_168 = tpu.transpose %slice3A_167, [1, 0] : vector<128x128xf32> -> vector<128x128xf32>
    %swap3A_169 = arith.constant 0 : index
    %swap3A_170 = arith.constant 2688 : index
    %swap3A_171 = arith.constant 0 : index
    %swap3A_172 = vector.load %arg3[%swap3A_169, %swap3A_170, %swap3A_171] : memref<1x8192x128xf32, #tpu.memory_space<vmem>>, vector<1x128x128xf32>
    %swap3A_173 = vector.shape_cast %swap3A_172 : vector<1x128x128xf32> to vector<128x128xf32>
    %swap3A_174 = vector.shape_cast %transpose3A_168 : vector<128x128xf32> to vector<1x128x128xf32>
    tpu.vector_store %arg3[%swap3A_169, %swap3A_170, %swap3A_171], %swap3A_174 {strides = array<i32>} : memref<1x8192x128xf32, #tpu.memory_space<vmem>>, vector<1x128x128xf32>,
    %slice3A_175 = vector.extract_strided_slice %get3A_1 {offsets = [0, 2816], sizes = [128, 128], strides = [1, 1]} : vector<128x8192xf32> to vector<128x128xf32>
    %transpose3A_176 = tpu.transpose %slice3A_175, [1, 0] : vector<128x128xf32> -> vector<128x128xf32>
    %swap3A_177 = arith.constant 0 : index
    %swap3A_178 = arith.constant 2816 : index
    %swap3A_179 = arith.constant 0 : index
    %swap3A_180 = vector.load %arg3[%swap3A_177, %swap3A_178, %swap3A_179] : memref<1x8192x128xf32, #tpu.memory_space<vmem>>, vector<1x128x128xf32>
    %swap3A_181 = vector.shape_cast %swap3A_180 : vector<1x128x128xf32> to vector<128x128xf32>
    %swap3A_182 = vector.shape_cast %transpose3A_176 : vector<128x128xf32> to vector<1x128x128xf32>
    tpu.vector_store %arg3[%swap3A_177, %swap3A_178, %swap3A_179], %swap3A_182 {strides = array<i32>} : memref<1x8192x128xf32, #tpu.memory_space<vmem>>, vector<1x128x128xf32>,
    %slice3A_183 = vector.extract_strided_slice %get3A_1 {offsets = [0, 2944], sizes = [128, 128], strides = [1, 1]} : vector<128x8192xf32> to vector<128x128xf32>
    %transpose3A_184 = tpu.transpose %slice3A_183, [1, 0] : vector<128x128xf32> -> vector<128x128xf32>
    %swap3A_185 = arith.constant 0 : index
    %swap3A_186 = arith.constant 2944 : index
    %swap3A_187 = arith.constant 0 : index
    %swap3A_188 = vector.load %arg3[%swap3A_185, %swap3A_186, %swap3A_187] : memref<1x8192x128xf32, #tpu.memory_space<vmem>>, vector<1x128x128xf32>
    %swap3A_189 = vector.shape_cast %swap3A_188 : vector<1x128x128xf32> to vector<128x128xf32>
    %swap3A_190 = vector.shape_cast %transpose3A_184 : vector<128x128xf32> to vector<1x128x128xf32>
    tpu.vector_store %arg3[%swap3A_185, %swap3A_186, %swap3A_187], %swap3A_190 {strides = array<i32>} : memref<1x8192x128xf32, #tpu.memory_space<vmem>>, vector<1x128x128xf32>,
    %slice3A_191 = vector.extract_strided_slice %get3A_1 {offsets = [0, 3072], sizes = [128, 128], strides = [1, 1]} : vector<128x8192xf32> to vector<128x128xf32>
    %transpose3A_192 = tpu.transpose %slice3A_191, [1, 0] : vector<128x128xf32> -> vector<128x128xf32>
    %swap3A_193 = arith.constant 0 : index
    %swap3A_194 = arith.constant 3072 : index
    %swap3A_195 = arith.constant 0 : index
    %swap3A_196 = vector.load %arg3[%swap3A_193, %swap3A_194, %swap3A_195] : memref<1x8192x128xf32, #tpu.memory_space<vmem>>, vector<1x128x128xf32>
    %swap3A_197 = vector.shape_cast %swap3A_196 : vector<1x128x128xf32> to vector<128x128xf32>
    %swap3A_198 = vector.shape_cast %transpose3A_192 : vector<128x128xf32> to vector<1x128x128xf32>
    tpu.vector_store %arg3[%swap3A_193, %swap3A_194, %swap3A_195], %swap3A_198 {strides = array<i32>} : memref<1x8192x128xf32, #tpu.memory_space<vmem>>, vector<1x128x128xf32>,
    %slice3A_199 = vector.extract_strided_slice %get3A_1 {offsets = [0, 3200], sizes = [128, 128], strides = [1, 1]} : vector<128x8192xf32> to vector<128x128xf32>
    %transpose3A_200 = tpu.transpose %slice3A_199, [1, 0] : vector<128x128xf32> -> vector<128x128xf32>
    %swap3A_201 = arith.constant 0 : index
    %swap3A_202 = arith.constant 3200 : index
    %swap3A_203 = arith.constant 0 : index
    %swap3A_204 = vector.load %arg3[%swap3A_201, %swap3A_202, %swap3A_203] : memref<1x8192x128xf32, #tpu.memory_space<vmem>>, vector<1x128x128xf32>
    %swap3A_205 = vector.shape_cast %swap3A_204 : vector<1x128x128xf32> to vector<128x128xf32>
    %swap3A_206 = vector.shape_cast %transpose3A_200 : vector<128x128xf32> to vector<1x128x128xf32>
    tpu.vector_store %arg3[%swap3A_201, %swap3A_202, %swap3A_203], %swap3A_206 {strides = array<i32>} : memref<1x8192x128xf32, #tpu.memory_space<vmem>>, vector<1x128x128xf32>,
    %slice3A_207 = vector.extract_strided_slice %get3A_1 {offsets = [0, 3328], sizes = [128, 128], strides = [1, 1]} : vector<128x8192xf32> to vector<128x128xf32>
    %transpose3A_208 = tpu.transpose %slice3A_207, [1, 0] : vector<128x128xf32> -> vector<128x128xf32>
    %swap3A_209 = arith.constant 0 : index
    %swap3A_210 = arith.constant 3328 : index
    %swap3A_211 = arith.constant 0 : index
    %swap3A_212 = vector.load %arg3[%swap3A_209, %swap3A_210, %swap3A_211] : memref<1x8192x128xf32, #tpu.memory_space<vmem>>, vector<1x128x128xf32>
    %swap3A_213 = vector.shape_cast %swap3A_212 : vector<1x128x128xf32> to vector<128x128xf32>
    %swap3A_214 = vector.shape_cast %transpose3A_208 : vector<128x128xf32> to vector<1x128x128xf32>
    tpu.vector_store %arg3[%swap3A_209, %swap3A_210, %swap3A_211], %swap3A_214 {strides = array<i32>} : memref<1x8192x128xf32, #tpu.memory_space<vmem>>, vector<1x128x128xf32>,
    %slice3A_215 = vector.extract_strided_slice %get3A_1 {offsets = [0, 3456], sizes = [128, 128], strides = [1, 1]} : vector<128x8192xf32> to vector<128x128xf32>
    %transpose3A_216 = tpu.transpose %slice3A_215, [1, 0] : vector<128x128xf32> -> vector<128x128xf32>
    %swap3A_217 = arith.constant 0 : index
    %swap3A_218 = arith.constant 3456 : index
    %swap3A_219 = arith.constant 0 : index
    %swap3A_220 = vector.load %arg3[%swap3A_217, %swap3A_218, %swap3A_219] : memref<1x8192x128xf32, #tpu.memory_space<vmem>>, vector<1x128x128xf32>
    %swap3A_221 = vector.shape_cast %swap3A_220 : vector<1x128x128xf32> to vector<128x128xf32>
    %swap3A_222 = vector.shape_cast %transpose3A_216 : vector<128x128xf32> to vector<1x128x128xf32>
    tpu.vector_store %arg3[%swap3A_217, %swap3A_218, %swap3A_219], %swap3A_222 {strides = array<i32>} : memref<1x8192x128xf32, #tpu.memory_space<vmem>>, vector<1x128x128xf32>,
    %slice3A_223 = vector.extract_strided_slice %get3A_1 {offsets = [0, 3584], sizes = [128, 128], strides = [1, 1]} : vector<128x8192xf32> to vector<128x128xf32>
    %transpose3A_224 = tpu.transpose %slice3A_223, [1, 0] : vector<128x128xf32> -> vector<128x128xf32>
    %swap3A_225 = arith.constant 0 : index
    %swap3A_226 = arith.constant 3584 : index
    %swap3A_227 = arith.constant 0 : index
    %swap3A_228 = vector.load %arg3[%swap3A_225, %swap3A_226, %swap3A_227] : memref<1x8192x128xf32, #tpu.memory_space<vmem>>, vector<1x128x128xf32>
    %swap3A_229 = vector.shape_cast %swap3A_228 : vector<1x128x128xf32> to vector<128x128xf32>
    %swap3A_230 = vector.shape_cast %transpose3A_224 : vector<128x128xf32> to vector<1x128x128xf32>
    tpu.vector_store %arg3[%swap3A_225, %swap3A_226, %swap3A_227], %swap3A_230 {strides = array<i32>} : memref<1x8192x128xf32, #tpu.memory_space<vmem>>, vector<1x128x128xf32>,
    %slice3A_231 = vector.extract_strided_slice %get3A_1 {offsets = [0, 3712], sizes = [128, 128], strides = [1, 1]} : vector<128x8192xf32> to vector<128x128xf32>
    %transpose3A_232 = tpu.transpose %slice3A_231, [1, 0] : vector<128x128xf32> -> vector<128x128xf32>
    %swap3A_233 = arith.constant 0 : index
    %swap3A_234 = arith.constant 3712 : index
    %swap3A_235 = arith.constant 0 : index
    %swap3A_236 = vector.load %arg3[%swap3A_233, %swap3A_234, %swap3A_235] : memref<1x8192x128xf32, #tpu.memory_space<vmem>>, vector<1x128x128xf32>
    %swap3A_237 = vector.shape_cast %swap3A_236 : vector<1x128x128xf32> to vector<128x128xf32>
    %swap3A_238 = vector.shape_cast %transpose3A_232 : vector<128x128xf32> to vector<1x128x128xf32>
    tpu.vector_store %arg3[%swap3A_233, %swap3A_234, %swap3A_235], %swap3A_238 {strides = array<i32>} : memref<1x8192x128xf32, #tpu.memory_space<vmem>>, vector<1x128x128xf32>,
    %slice3A_239 = vector.extract_strided_slice %get3A_1 {offsets = [0, 3840], sizes = [128, 128], strides = [1, 1]} : vector<128x8192xf32> to vector<128x128xf32>
    %transpose3A_240 = tpu.transpose %slice3A_239, [1, 0] : vector<128x128xf32> -> vector<128x128xf32>
    %swap3A_241 = arith.constant 0 : index
    %swap3A_242 = arith.constant 3840 : index
    %swap3A_243 = arith.constant 0 : index
    %swap3A_244 = vector.load %arg3[%swap3A_241, %swap3A_242, %swap3A_243] : memref<1x8192x128xf32, #tpu.memory_space<vmem>>, vector<1x128x128xf32>
    %swap3A_245 = vector.shape_cast %swap3A_244 : vector<1x128x128xf32> to vector<128x128xf32>
    %swap3A_246 = vector.shape_cast %transpose3A_240 : vector<128x128xf32> to vector<1x128x128xf32>
    tpu.vector_store %arg3[%swap3A_241, %swap3A_242, %swap3A_243], %swap3A_246 {strides = array<i32>} : memref<1x8192x128xf32, #tpu.memory_space<vmem>>, vector<1x128x128xf32>,
    %slice3A_247 = vector.extract_strided_slice %get3A_1 {offsets = [0, 3968], sizes = [128, 128], strides = [1, 1]} : vector<128x8192xf32> to vector<128x128xf32>
    %transpose3A_248 = tpu.transpose %slice3A_247, [1, 0] : vector<128x128xf32> -> vector<128x128xf32>
    %swap3A_249 = arith.constant 0 : index
    %swap3A_250 = arith.constant 3968 : index
    %swap3A_251 = arith.constant 0 : index
    %swap3A_252 = vector.load %arg3[%swap3A_249, %swap3A_250, %swap3A_251] : memref<1x8192x128xf32, #tpu.memory_space<vmem>>, vector<1x128x128xf32>
    %swap3A_253 = vector.shape_cast %swap3A_252 : vector<1x128x128xf32> to vector<128x128xf32>
    %swap3A_254 = vector.shape_cast %transpose3A_248 : vector<128x128xf32> to vector<1x128x128xf32>
    tpu.vector_store %arg3[%swap3A_249, %swap3A_250, %swap3A_251], %swap3A_254 {strides = array<i32>} : memref<1x8192x128xf32, #tpu.memory_space<vmem>>, vector<1x128x128xf32>,
    %slice3A_255 = vector.extract_strided_slice %get3A_1 {offsets = [0, 4096], sizes = [128, 128], strides = [1, 1]} : vector<128x8192xf32> to vector<128x128xf32>
    %transpose3A_256 = tpu.transpose %slice3A_255, [1, 0] : vector<128x128xf32> -> vector<128x128xf32>
    %swap3A_257 = arith.constant 0 : index
    %swap3A_258 = arith.constant 4096 : index
    %swap3A_259 = arith.constant 0 : index
    %swap3A_260 = vector.load %arg3[%swap3A_257, %swap3A_258, %swap3A_259] : memref<1x8192x128xf32, #tpu.memory_space<vmem>>, vector<1x128x128xf32>
    %swap3A_261 = vector.shape_cast %swap3A_260 : vector<1x128x128xf32> to vector<128x128xf32>
    %swap3A_262 = vector.shape_cast %transpose3A_256 : vector<128x128xf32> to vector<1x128x128xf32>
    tpu.vector_store %arg3[%swap3A_257, %swap3A_258, %swap3A_259], %swap3A_262 {strides = array<i32>} : memref<1x8192x128xf32, #tpu.memory_space<vmem>>, vector<1x128x128xf32>,
    %slice3A_263 = vector.extract_strided_slice %get3A_1 {offsets = [0, 4224], sizes = [128, 128], strides = [1, 1]} : vector<128x8192xf32> to vector<128x128xf32>
    %transpose3A_264 = tpu.transpose %slice3A_263, [1, 0] : vector<128x128xf32> -> vector<128x128xf32>
    %swap3A_265 = arith.constant 0 : index
    %swap3A_266 = arith.constant 4224 : index
    %swap3A_267 = arith.constant 0 : index
    %swap3A_268 = vector.load %arg3[%swap3A_265, %swap3A_266, %swap3A_267] : memref<1x8192x128xf32, #tpu.memory_space<vmem>>, vector<1x128x128xf32>
    %swap3A_269 = vector.shape_cast %swap3A_268 : vector<1x128x128xf32> to vector<128x128xf32>
    %swap3A_270 = vector.shape_cast %transpose3A_264 : vector<128x128xf32> to vector<1x128x128xf32>
    tpu.vector_store %arg3[%swap3A_265, %swap3A_266, %swap3A_267], %swap3A_270 {strides = array<i32>} : memref<1x8192x128xf32, #tpu.memory_space<vmem>>, vector<1x128x128xf32>,
    %slice3A_271 = vector.extract_strided_slice %get3A_1 {offsets = [0, 4352], sizes = [128, 128], strides = [1, 1]} : vector<128x8192xf32> to vector<128x128xf32>
    %transpose3A_272 = tpu.transpose %slice3A_271, [1, 0] : vector<128x128xf32> -> vector<128x128xf32>
    %swap3A_273 = arith.constant 0 : index
    %swap3A_274 = arith.constant 4352 : index
    %swap3A_275 = arith.constant 0 : index
    %swap3A_276 = vector.load %arg3[%swap3A_273, %swap3A_274, %swap3A_275] : memref<1x8192x128xf32, #tpu.memory_space<vmem>>, vector<1x128x128xf32>
    %swap3A_277 = vector.shape_cast %swap3A_276 : vector<1x128x128xf32> to vector<128x128xf32>
    %swap3A_278 = vector.shape_cast %transpose3A_272 : vector<128x128xf32> to vector<1x128x128xf32>
    tpu.vector_store %arg3[%swap3A_273, %swap3A_274, %swap3A_275], %swap3A_278 {strides = array<i32>} : memref<1x8192x128xf32, #tpu.memory_space<vmem>>, vector<1x128x128xf32>,
    %slice3A_279 = vector.extract_strided_slice %get3A_1 {offsets = [0, 4480], sizes = [128, 128], strides = [1, 1]} : vector<128x8192xf32> to vector<128x128xf32>
    %transpose3A_280 = tpu.transpose %slice3A_279, [1, 0] : vector<128x128xf32> -> vector<128x128xf32>
    %swap3A_281 = arith.constant 0 : index
    %swap3A_282 = arith.constant 4480 : index
    %swap3A_283 = arith.constant 0 : index
    %swap3A_284 = vector.load %arg3[%swap3A_281, %swap3A_282, %swap3A_283] : memref<1x8192x128xf32, #tpu.memory_space<vmem>>, vector<1x128x128xf32>
    %swap3A_285 = vector.shape_cast %swap3A_284 : vector<1x128x128xf32> to vector<128x128xf32>
    %swap3A_286 = vector.shape_cast %transpose3A_280 : vector<128x128xf32> to vector<1x128x128xf32>
    tpu.vector_store %arg3[%swap3A_281, %swap3A_282, %swap3A_283], %swap3A_286 {strides = array<i32>} : memref<1x8192x128xf32, #tpu.memory_space<vmem>>, vector<1x128x128xf32>,
    %slice3A_287 = vector.extract_strided_slice %get3A_1 {offsets = [0, 4608], sizes = [128, 128], strides = [1, 1]} : vector<128x8192xf32> to vector<128x128xf32>
    %transpose3A_288 = tpu.transpose %slice3A_287, [1, 0] : vector<128x128xf32> -> vector<128x128xf32>
    %swap3A_289 = arith.constant 0 : index
    %swap3A_290 = arith.constant 4608 : index
    %swap3A_291 = arith.constant 0 : index
    %swap3A_292 = vector.load %arg3[%swap3A_289, %swap3A_290, %swap3A_291] : memref<1x8192x128xf32, #tpu.memory_space<vmem>>, vector<1x128x128xf32>
    %swap3A_293 = vector.shape_cast %swap3A_292 : vector<1x128x128xf32> to vector<128x128xf32>
    %swap3A_294 = vector.shape_cast %transpose3A_288 : vector<128x128xf32> to vector<1x128x128xf32>
    tpu.vector_store %arg3[%swap3A_289, %swap3A_290, %swap3A_291], %swap3A_294 {strides = array<i32>} : memref<1x8192x128xf32, #tpu.memory_space<vmem>>, vector<1x128x128xf32>,
    %slice3A_295 = vector.extract_strided_slice %get3A_1 {offsets = [0, 4736], sizes = [128, 128], strides = [1, 1]} : vector<128x8192xf32> to vector<128x128xf32>
    %transpose3A_296 = tpu.transpose %slice3A_295, [1, 0] : vector<128x128xf32> -> vector<128x128xf32>
    %swap3A_297 = arith.constant 0 : index
    %swap3A_298 = arith.constant 4736 : index
    %swap3A_299 = arith.constant 0 : index
    %swap3A_300 = vector.load %arg3[%swap3A_297, %swap3A_298, %swap3A_299] : memref<1x8192x128xf32, #tpu.memory_space<vmem>>, vector<1x128x128xf32>
    %swap3A_301 = vector.shape_cast %swap3A_300 : vector<1x128x128xf32> to vector<128x128xf32>
    %swap3A_302 = vector.shape_cast %transpose3A_296 : vector<128x128xf32> to vector<1x128x128xf32>
    tpu.vector_store %arg3[%swap3A_297, %swap3A_298, %swap3A_299], %swap3A_302 {strides = array<i32>} : memref<1x8192x128xf32, #tpu.memory_space<vmem>>, vector<1x128x128xf32>,
    %slice3A_303 = vector.extract_strided_slice %get3A_1 {offsets = [0, 4864], sizes = [128, 128], strides = [1, 1]} : vector<128x8192xf32> to vector<128x128xf32>
    %transpose3A_304 = tpu.transpose %slice3A_303, [1, 0] : vector<128x128xf32> -> vector<128x128xf32>
    %swap3A_305 = arith.constant 0 : index
    %swap3A_306 = arith.constant 4864 : index
    %swap3A_307 = arith.constant 0 : index
    %swap3A_308 = vector.load %arg3[%swap3A_305, %swap3A_306, %swap3A_307] : memref<1x8192x128xf32, #tpu.memory_space<vmem>>, vector<1x128x128xf32>
    %swap3A_309 = vector.shape_cast %swap3A_308 : vector<1x128x128xf32> to vector<128x128xf32>
    %swap3A_310 = vector.shape_cast %transpose3A_304 : vector<128x128xf32> to vector<1x128x128xf32>
    tpu.vector_store %arg3[%swap3A_305, %swap3A_306, %swap3A_307], %swap3A_310 {strides = array<i32>} : memref<1x8192x128xf32, #tpu.memory_space<vmem>>, vector<1x128x128xf32>,
    %slice3A_311 = vector.extract_strided_slice %get3A_1 {offsets = [0, 4992], sizes = [128, 128], strides = [1, 1]} : vector<128x8192xf32> to vector<128x128xf32>
    %transpose3A_312 = tpu.transpose %slice3A_311, [1, 0] : vector<128x128xf32> -> vector<128x128xf32>
    %swap3A_313 = arith.constant 0 : index
    %swap3A_314 = arith.constant 4992 : index
    %swap3A_315 = arith.constant 0 : index
    %swap3A_316 = vector.load %arg3[%swap3A_313, %swap3A_314, %swap3A_315] : memref<1x8192x128xf32, #tpu.memory_space<vmem>>, vector<1x128x128xf32>
    %swap3A_317 = vector.shape_cast %swap3A_316 : vector<1x128x128xf32> to vector<128x128xf32>
    %swap3A_318 = vector.shape_cast %transpose3A_312 : vector<128x128xf32> to vector<1x128x128xf32>
    tpu.vector_store %arg3[%swap3A_313, %swap3A_314, %swap3A_315], %swap3A_318 {strides = array<i32>} : memref<1x8192x128xf32, #tpu.memory_space<vmem>>, vector<1x128x128xf32>,
    %slice3A_319 = vector.extract_strided_slice %get3A_1 {offsets = [0, 5120], sizes = [128, 128], strides = [1, 1]} : vector<128x8192xf32> to vector<128x128xf32>
    %transpose3A_320 = tpu.transpose %slice3A_319, [1, 0] : vector<128x128xf32> -> vector<128x128xf32>
    %swap3A_321 = arith.constant 0 : index
    %swap3A_322 = arith.constant 5120 : index
    %swap3A_323 = arith.constant 0 : index
    %swap3A_324 = vector.load %arg3[%swap3A_321, %swap3A_322, %swap3A_323] : memref<1x8192x128xf32, #tpu.memory_space<vmem>>, vector<1x128x128xf32>
    %swap3A_325 = vector.shape_cast %swap3A_324 : vector<1x128x128xf32> to vector<128x128xf32>
    %swap3A_326 = vector.shape_cast %transpose3A_320 : vector<128x128xf32> to vector<1x128x128xf32>
    tpu.vector_store %arg3[%swap3A_321, %swap3A_322, %swap3A_323], %swap3A_326 {strides = array<i32>} : memref<1x8192x128xf32, #tpu.memory_space<vmem>>, vector<1x128x128xf32>,
    %slice3A_327 = vector.extract_strided_slice %get3A_1 {offsets = [0, 5248], sizes = [128, 128], strides = [1, 1]} : vector<128x8192xf32> to vector<128x128xf32>
    %transpose3A_328 = tpu.transpose %slice3A_327, [1, 0] : vector<128x128xf32> -> vector<128x128xf32>
    %swap3A_329 = arith.constant 0 : index
    %swap3A_330 = arith.constant 5248 : index
    %swap3A_331 = arith.constant 0 : index
    %swap3A_332 = vector.load %arg3[%swap3A_329, %swap3A_330, %swap3A_331] : memref<1x8192x128xf32, #tpu.memory_space<vmem>>, vector<1x128x128xf32>
    %swap3A_333 = vector.shape_cast %swap3A_332 : vector<1x128x128xf32> to vector<128x128xf32>
    %swap3A_334 = vector.shape_cast %transpose3A_328 : vector<128x128xf32> to vector<1x128x128xf32>
    tpu.vector_store %arg3[%swap3A_329, %swap3A_330, %swap3A_331], %swap3A_334 {strides = array<i32>} : memref<1x8192x128xf32, #tpu.memory_space<vmem>>, vector<1x128x128xf32>,
    %slice3A_335 = vector.extract_strided_slice %get3A_1 {offsets = [0, 5376], sizes = [128, 128], strides = [1, 1]} : vector<128x8192xf32> to vector<128x128xf32>
    %transpose3A_336 = tpu.transpose %slice3A_335, [1, 0] : vector<128x128xf32> -> vector<128x128xf32>
    %swap3A_337 = arith.constant 0 : index
    %swap3A_338 = arith.constant 5376 : index
    %swap3A_339 = arith.constant 0 : index
    %swap3A_340 = vector.load %arg3[%swap3A_337, %swap3A_338, %swap3A_339] : memref<1x8192x128xf32, #tpu.memory_space<vmem>>, vector<1x128x128xf32>
    %swap3A_341 = vector.shape_cast %swap3A_340 : vector<1x128x128xf32> to vector<128x128xf32>
    %swap3A_342 = vector.shape_cast %transpose3A_336 : vector<128x128xf32> to vector<1x128x128xf32>
    tpu.vector_store %arg3[%swap3A_337, %swap3A_338, %swap3A_339], %swap3A_342 {strides = array<i32>} : memref<1x8192x128xf32, #tpu.memory_space<vmem>>, vector<1x128x128xf32>,
    %slice3A_343 = vector.extract_strided_slice %get3A_1 {offsets = [0, 5504], sizes = [128, 128], strides = [1, 1]} : vector<128x8192xf32> to vector<128x128xf32>
    %transpose3A_344 = tpu.transpose %slice3A_343, [1, 0] : vector<128x128xf32> -> vector<128x128xf32>
    %swap3A_345 = arith.constant 0 : index
    %swap3A_346 = arith.constant 5504 : index
    %swap3A_347 = arith.constant 0 : index
    %swap3A_348 = vector.load %arg3[%swap3A_345, %swap3A_346, %swap3A_347] : memref<1x8192x128xf32, #tpu.memory_space<vmem>>, vector<1x128x128xf32>
    %swap3A_349 = vector.shape_cast %swap3A_348 : vector<1x128x128xf32> to vector<128x128xf32>
    %swap3A_350 = vector.shape_cast %transpose3A_344 : vector<128x128xf32> to vector<1x128x128xf32>
    tpu.vector_store %arg3[%swap3A_345, %swap3A_346, %swap3A_347], %swap3A_350 {strides = array<i32>} : memref<1x8192x128xf32, #tpu.memory_space<vmem>>, vector<1x128x128xf32>,
    %slice3A_351 = vector.extract_strided_slice %get3A_1 {offsets = [0, 5632], sizes = [128, 128], strides = [1, 1]} : vector<128x8192xf32> to vector<128x128xf32>
    %transpose3A_352 = tpu.transpose %slice3A_351, [1, 0] : vector<128x128xf32> -> vector<128x128xf32>
    %swap3A_353 = arith.constant 0 : index
    %swap3A_354 = arith.constant 5632 : index
    %swap3A_355 = arith.constant 0 : index
    %swap3A_356 = vector.load %arg3[%swap3A_353, %swap3A_354, %swap3A_355] : memref<1x8192x128xf32, #tpu.memory_space<vmem>>, vector<1x128x128xf32>
    %swap3A_357 = vector.shape_cast %swap3A_356 : vector<1x128x128xf32> to vector<128x128xf32>
    %swap3A_358 = vector.shape_cast %transpose3A_352 : vector<128x128xf32> to vector<1x128x128xf32>
    tpu.vector_store %arg3[%swap3A_353, %swap3A_354, %swap3A_355], %swap3A_358 {strides = array<i32>} : memref<1x8192x128xf32, #tpu.memory_space<vmem>>, vector<1x128x128xf32>,
    %slice3A_359 = vector.extract_strided_slice %get3A_1 {offsets = [0, 5760], sizes = [128, 128], strides = [1, 1]} : vector<128x8192xf32> to vector<128x128xf32>
    %transpose3A_360 = tpu.transpose %slice3A_359, [1, 0] : vector<128x128xf32> -> vector<128x128xf32>
    %swap3A_361 = arith.constant 0 : index
    %swap3A_362 = arith.constant 5760 : index
    %swap3A_363 = arith.constant 0 : index
    %swap3A_364 = vector.load %arg3[%swap3A_361, %swap3A_362, %swap3A_363] : memref<1x8192x128xf32, #tpu.memory_space<vmem>>, vector<1x128x128xf32>
    %swap3A_365 = vector.shape_cast %swap3A_364 : vector<1x128x128xf32> to vector<128x128xf32>
    %swap3A_366 = vector.shape_cast %transpose3A_360 : vector<128x128xf32> to vector<1x128x128xf32>
    tpu.vector_store %arg3[%swap3A_361, %swap3A_362, %swap3A_363], %swap3A_366 {strides = array<i32>} : memref<1x8192x128xf32, #tpu.memory_space<vmem>>, vector<1x128x128xf32>,
    %slice3A_367 = vector.extract_strided_slice %get3A_1 {offsets = [0, 5888], sizes = [128, 128], strides = [1, 1]} : vector<128x8192xf32> to vector<128x128xf32>
    %transpose3A_368 = tpu.transpose %slice3A_367, [1, 0] : vector<128x128xf32> -> vector<128x128xf32>
    %swap3A_369 = arith.constant 0 : index
    %swap3A_370 = arith.constant 5888 : index
    %swap3A_371 = arith.constant 0 : index
    %swap3A_372 = vector.load %arg3[%swap3A_369, %swap3A_370, %swap3A_371] : memref<1x8192x128xf32, #tpu.memory_space<vmem>>, vector<1x128x128xf32>
    %swap3A_373 = vector.shape_cast %swap3A_372 : vector<1x128x128xf32> to vector<128x128xf32>
    %swap3A_374 = vector.shape_cast %transpose3A_368 : vector<128x128xf32> to vector<1x128x128xf32>
    tpu.vector_store %arg3[%swap3A_369, %swap3A_370, %swap3A_371], %swap3A_374 {strides = array<i32>} : memref<1x8192x128xf32, #tpu.memory_space<vmem>>, vector<1x128x128xf32>,
    %slice3A_375 = vector.extract_strided_slice %get3A_1 {offsets = [0, 6016], sizes = [128, 128], strides = [1, 1]} : vector<128x8192xf32> to vector<128x128xf32>
    %transpose3A_376 = tpu.transpose %slice3A_375, [1, 0] : vector<128x128xf32> -> vector<128x128xf32>
    %swap3A_377 = arith.constant 0 : index
    %swap3A_378 = arith.constant 6016 : index
    %swap3A_379 = arith.constant 0 : index
    %swap3A_380 = vector.load %arg3[%swap3A_377, %swap3A_378, %swap3A_379] : memref<1x8192x128xf32, #tpu.memory_space<vmem>>, vector<1x128x128xf32>
    %swap3A_381 = vector.shape_cast %swap3A_380 : vector<1x128x128xf32> to vector<128x128xf32>
    %swap3A_382 = vector.shape_cast %transpose3A_376 : vector<128x128xf32> to vector<1x128x128xf32>
    tpu.vector_store %arg3[%swap3A_377, %swap3A_378, %swap3A_379], %swap3A_382 {strides = array<i32>} : memref<1x8192x128xf32, #tpu.memory_space<vmem>>, vector<1x128x128xf32>,
    %slice3A_383 = vector.extract_strided_slice %get3A_1 {offsets = [0, 6144], sizes = [128, 128], strides = [1, 1]} : vector<128x8192xf32> to vector<128x128xf32>
    %transpose3A_384 = tpu.transpose %slice3A_383, [1, 0] : vector<128x128xf32> -> vector<128x128xf32>
    %swap3A_385 = arith.constant 0 : index
    %swap3A_386 = arith.constant 6144 : index
    %swap3A_387 = arith.constant 0 : index
    %swap3A_388 = vector.load %arg3[%swap3A_385, %swap3A_386, %swap3A_387] : memref<1x8192x128xf32, #tpu.memory_space<vmem>>, vector<1x128x128xf32>
    %swap3A_389 = vector.shape_cast %swap3A_388 : vector<1x128x128xf32> to vector<128x128xf32>
    %swap3A_390 = vector.shape_cast %transpose3A_384 : vector<128x128xf32> to vector<1x128x128xf32>
    tpu.vector_store %arg3[%swap3A_385, %swap3A_386, %swap3A_387], %swap3A_390 {strides = array<i32>} : memref<1x8192x128xf32, #tpu.memory_space<vmem>>, vector<1x128x128xf32>,
    %slice3A_391 = vector.extract_strided_slice %get3A_1 {offsets = [0, 6272], sizes = [128, 128], strides = [1, 1]} : vector<128x8192xf32> to vector<128x128xf32>
    %transpose3A_392 = tpu.transpose %slice3A_391, [1, 0] : vector<128x128xf32> -> vector<128x128xf32>
    %swap3A_393 = arith.constant 0 : index
    %swap3A_394 = arith.constant 6272 : index
    %swap3A_395 = arith.constant 0 : index
    %swap3A_396 = vector.load %arg3[%swap3A_393, %swap3A_394, %swap3A_395] : memref<1x8192x128xf32, #tpu.memory_space<vmem>>, vector<1x128x128xf32>
    %swap3A_397 = vector.shape_cast %swap3A_396 : vector<1x128x128xf32> to vector<128x128xf32>
    %swap3A_398 = vector.shape_cast %transpose3A_392 : vector<128x128xf32> to vector<1x128x128xf32>
    tpu.vector_store %arg3[%swap3A_393, %swap3A_394, %swap3A_395], %swap3A_398 {strides = array<i32>} : memref<1x8192x128xf32, #tpu.memory_space<vmem>>, vector<1x128x128xf32>,
    %slice3A_399 = vector.extract_strided_slice %get3A_1 {offsets = [0, 6400], sizes = [128, 128], strides = [1, 1]} : vector<128x8192xf32> to vector<128x128xf32>
    %transpose3A_400 = tpu.transpose %slice3A_399, [1, 0] : vector<128x128xf32> -> vector<128x128xf32>
    %swap3A_401 = arith.constant 0 : index
    %swap3A_402 = arith.constant 6400 : index
    %swap3A_403 = arith.constant 0 : index
    %swap3A_404 = vector.load %arg3[%swap3A_401, %swap3A_402, %swap3A_403] : memref<1x8192x128xf32, #tpu.memory_space<vmem>>, vector<1x128x128xf32>
    %swap3A_405 = vector.shape_cast %swap3A_404 : vector<1x128x128xf32> to vector<128x128xf32>
    %swap3A_406 = vector.shape_cast %transpose3A_400 : vector<128x128xf32> to vector<1x128x128xf32>
    tpu.vector_store %arg3[%swap3A_401, %swap3A_402, %swap3A_403], %swap3A_406 {strides = array<i32>} : memref<1x8192x128xf32, #tpu.memory_space<vmem>>, vector<1x128x128xf32>,
    %slice3A_407 = vector.extract_strided_slice %get3A_1 {offsets = [0, 6528], sizes = [128, 128], strides = [1, 1]} : vector<128x8192xf32> to vector<128x128xf32>
    %transpose3A_408 = tpu.transpose %slice3A_407, [1, 0] : vector<128x128xf32> -> vector<128x128xf32>
    %swap3A_409 = arith.constant 0 : index
    %swap3A_410 = arith.constant 6528 : index
    %swap3A_411 = arith.constant 0 : index
    %swap3A_412 = vector.load %arg3[%swap3A_409, %swap3A_410, %swap3A_411] : memref<1x8192x128xf32, #tpu.memory_space<vmem>>, vector<1x128x128xf32>
    %swap3A_413 = vector.shape_cast %swap3A_412 : vector<1x128x128xf32> to vector<128x128xf32>
    %swap3A_414 = vector.shape_cast %transpose3A_408 : vector<128x128xf32> to vector<1x128x128xf32>
    tpu.vector_store %arg3[%swap3A_409, %swap3A_410, %swap3A_411], %swap3A_414 {strides = array<i32>} : memref<1x8192x128xf32, #tpu.memory_space<vmem>>, vector<1x128x128xf32>,
    %slice3A_415 = vector.extract_strided_slice %get3A_1 {offsets = [0, 6656], sizes = [128, 128], strides = [1, 1]} : vector<128x8192xf32> to vector<128x128xf32>
    %transpose3A_416 = tpu.transpose %slice3A_415, [1, 0] : vector<128x128xf32> -> vector<128x128xf32>
    %swap3A_417 = arith.constant 0 : index
    %swap3A_418 = arith.constant 6656 : index
    %swap3A_419 = arith.constant 0 : index
    %swap3A_420 = vector.load %arg3[%swap3A_417, %swap3A_418, %swap3A_419] : memref<1x8192x128xf32, #tpu.memory_space<vmem>>, vector<1x128x128xf32>
    %swap3A_421 = vector.shape_cast %swap3A_420 : vector<1x128x128xf32> to vector<128x128xf32>
    %swap3A_422 = vector.shape_cast %transpose3A_416 : vector<128x128xf32> to vector<1x128x128xf32>
    tpu.vector_store %arg3[%swap3A_417, %swap3A_418, %swap3A_419], %swap3A_422 {strides = array<i32>} : memref<1x8192x128xf32, #tpu.memory_space<vmem>>, vector<1x128x128xf32>,
    %slice3A_423 = vector.extract_strided_slice %get3A_1 {offsets = [0, 6784], sizes = [128, 128], strides = [1, 1]} : vector<128x8192xf32> to vector<128x128xf32>
    %transpose3A_424 = tpu.transpose %slice3A_423, [1, 0] : vector<128x128xf32> -> vector<128x128xf32>
    %swap3A_425 = arith.constant 0 : index
    %swap3A_426 = arith.constant 6784 : index
    %swap3A_427 = arith.constant 0 : index
    %swap3A_428 = vector.load %arg3[%swap3A_425, %swap3A_426, %swap3A_427] : memref<1x8192x128xf32, #tpu.memory_space<vmem>>, vector<1x128x128xf32>
    %swap3A_429 = vector.shape_cast %swap3A_428 : vector<1x128x128xf32> to vector<128x128xf32>
    %swap3A_430 = vector.shape_cast %transpose3A_424 : vector<128x128xf32> to vector<1x128x128xf32>
    tpu.vector_store %arg3[%swap3A_425, %swap3A_426, %swap3A_427], %swap3A_430 {strides = array<i32>} : memref<1x8192x128xf32, #tpu.memory_space<vmem>>, vector<1x128x128xf32>,
    %slice3A_431 = vector.extract_strided_slice %get3A_1 {offsets = [0, 6912], sizes = [128, 128], strides = [1, 1]} : vector<128x8192xf32> to vector<128x128xf32>
    %transpose3A_432 = tpu.transpose %slice3A_431, [1, 0] : vector<128x128xf32> -> vector<128x128xf32>
    %swap3A_433 = arith.constant 0 : index
    %swap3A_434 = arith.constant 6912 : index
    %swap3A_435 = arith.constant 0 : index
    %swap3A_436 = vector.load %arg3[%swap3A_433, %swap3A_434, %swap3A_435] : memref<1x8192x128xf32, #tpu.memory_space<vmem>>, vector<1x128x128xf32>
    %swap3A_437 = vector.shape_cast %swap3A_436 : vector<1x128x128xf32> to vector<128x128xf32>
    %swap3A_438 = vector.shape_cast %transpose3A_432 : vector<128x128xf32> to vector<1x128x128xf32>
    tpu.vector_store %arg3[%swap3A_433, %swap3A_434, %swap3A_435], %swap3A_438 {strides = array<i32>} : memref<1x8192x128xf32, #tpu.memory_space<vmem>>, vector<1x128x128xf32>,
    %slice3A_439 = vector.extract_strided_slice %get3A_1 {offsets = [0, 7040], sizes = [128, 128], strides = [1, 1]} : vector<128x8192xf32> to vector<128x128xf32>
    %transpose3A_440 = tpu.transpose %slice3A_439, [1, 0] : vector<128x128xf32> -> vector<128x128xf32>
    %swap3A_441 = arith.constant 0 : index
    %swap3A_442 = arith.constant 7040 : index
    %swap3A_443 = arith.constant 0 : index
    %swap3A_444 = vector.load %arg3[%swap3A_441, %swap3A_442, %swap3A_443] : memref<1x8192x128xf32, #tpu.memory_space<vmem>>, vector<1x128x128xf32>
    %swap3A_445 = vector.shape_cast %swap3A_444 : vector<1x128x128xf32> to vector<128x128xf32>
    %swap3A_446 = vector.shape_cast %transpose3A_440 : vector<128x128xf32> to vector<1x128x128xf32>
    tpu.vector_store %arg3[%swap3A_441, %swap3A_442, %swap3A_443], %swap3A_446 {strides = array<i32>} : memref<1x8192x128xf32, #tpu.memory_space<vmem>>, vector<1x128x128xf32>,
    %slice3A_447 = vector.extract_strided_slice %get3A_1 {offsets = [0, 7168], sizes = [128, 128], strides = [1, 1]} : vector<128x8192xf32> to vector<128x128xf32>
    %transpose3A_448 = tpu.transpose %slice3A_447, [1, 0] : vector<128x128xf32> -> vector<128x128xf32>
    %swap3A_449 = arith.constant 0 : index
    %swap3A_450 = arith.constant 7168 : index
    %swap3A_451 = arith.constant 0 : index
    %swap3A_452 = vector.load %arg3[%swap3A_449, %swap3A_450, %swap3A_451] : memref<1x8192x128xf32, #tpu.memory_space<vmem>>, vector<1x128x128xf32>
    %swap3A_453 = vector.shape_cast %swap3A_452 : vector<1x128x128xf32> to vector<128x128xf32>
    %swap3A_454 = vector.shape_cast %transpose3A_448 : vector<128x128xf32> to vector<1x128x128xf32>
    tpu.vector_store %arg3[%swap3A_449, %swap3A_450, %swap3A_451], %swap3A_454 {strides = array<i32>} : memref<1x8192x128xf32, #tpu.memory_space<vmem>>, vector<1x128x128xf32>,
    %slice3A_455 = vector.extract_strided_slice %get3A_1 {offsets = [0, 7296], sizes = [128, 128], strides = [1, 1]} : vector<128x8192xf32> to vector<128x128xf32>
    %transpose3A_456 = tpu.transpose %slice3A_455, [1, 0] : vector<128x128xf32> -> vector<128x128xf32>
    %swap3A_457 = arith.constant 0 : index
    %swap3A_458 = arith.constant 7296 : index
    %swap3A_459 = arith.constant 0 : index
    %swap3A_460 = vector.load %arg3[%swap3A_457, %swap3A_458, %swap3A_459] : memref<1x8192x128xf32, #tpu.memory_space<vmem>>, vector<1x128x128xf32>
    %swap3A_461 = vector.shape_cast %swap3A_460 : vector<1x128x128xf32> to vector<128x128xf32>
    %swap3A_462 = vector.shape_cast %transpose3A_456 : vector<128x128xf32> to vector<1x128x128xf32>
    tpu.vector_store %arg3[%swap3A_457, %swap3A_458, %swap3A_459], %swap3A_462 {strides = array<i32>} : memref<1x8192x128xf32, #tpu.memory_space<vmem>>, vector<1x128x128xf32>,
    %slice3A_463 = vector.extract_strided_slice %get3A_1 {offsets = [0, 7424], sizes = [128, 128], strides = [1, 1]} : vector<128x8192xf32> to vector<128x128xf32>
    %transpose3A_464 = tpu.transpose %slice3A_463, [1, 0] : vector<128x128xf32> -> vector<128x128xf32>
    %swap3A_465 = arith.constant 0 : index
    %swap3A_466 = arith.constant 7424 : index
    %swap3A_467 = arith.constant 0 : index
    %swap3A_468 = vector.load %arg3[%swap3A_465, %swap3A_466, %swap3A_467] : memref<1x8192x128xf32, #tpu.memory_space<vmem>>, vector<1x128x128xf32>
    %swap3A_469 = vector.shape_cast %swap3A_468 : vector<1x128x128xf32> to vector<128x128xf32>
    %swap3A_470 = vector.shape_cast %transpose3A_464 : vector<128x128xf32> to vector<1x128x128xf32>
    tpu.vector_store %arg3[%swap3A_465, %swap3A_466, %swap3A_467], %swap3A_470 {strides = array<i32>} : memref<1x8192x128xf32, #tpu.memory_space<vmem>>, vector<1x128x128xf32>,
    %slice3A_471 = vector.extract_strided_slice %get3A_1 {offsets = [0, 7552], sizes = [128, 128], strides = [1, 1]} : vector<128x8192xf32> to vector<128x128xf32>
    %transpose3A_472 = tpu.transpose %slice3A_471, [1, 0] : vector<128x128xf32> -> vector<128x128xf32>
    %swap3A_473 = arith.constant 0 : index
    %swap3A_474 = arith.constant 7552 : index
    %swap3A_475 = arith.constant 0 : index
    %swap3A_476 = vector.load %arg3[%swap3A_473, %swap3A_474, %swap3A_475] : memref<1x8192x128xf32, #tpu.memory_space<vmem>>, vector<1x128x128xf32>
    %swap3A_477 = vector.shape_cast %swap3A_476 : vector<1x128x128xf32> to vector<128x128xf32>
    %swap3A_478 = vector.shape_cast %transpose3A_472 : vector<128x128xf32> to vector<1x128x128xf32>
    tpu.vector_store %arg3[%swap3A_473, %swap3A_474, %swap3A_475], %swap3A_478 {strides = array<i32>} : memref<1x8192x128xf32, #tpu.memory_space<vmem>>, vector<1x128x128xf32>,
    %slice3A_479 = vector.extract_strided_slice %get3A_1 {offsets = [0, 7680], sizes = [128, 128], strides = [1, 1]} : vector<128x8192xf32> to vector<128x128xf32>
    %transpose3A_480 = tpu.transpose %slice3A_479, [1, 0] : vector<128x128xf32> -> vector<128x128xf32>
    %swap3A_481 = arith.constant 0 : index
    %swap3A_482 = arith.constant 7680 : index
    %swap3A_483 = arith.constant 0 : index
    %swap3A_484 = vector.load %arg3[%swap3A_481, %swap3A_482, %swap3A_483] : memref<1x8192x128xf32, #tpu.memory_space<vmem>>, vector<1x128x128xf32>
    %swap3A_485 = vector.shape_cast %swap3A_484 : vector<1x128x128xf32> to vector<128x128xf32>
    %swap3A_486 = vector.shape_cast %transpose3A_480 : vector<128x128xf32> to vector<1x128x128xf32>
    tpu.vector_store %arg3[%swap3A_481, %swap3A_482, %swap3A_483], %swap3A_486 {strides = array<i32>} : memref<1x8192x128xf32, #tpu.memory_space<vmem>>, vector<1x128x128xf32>,
    %slice3A_487 = vector.extract_strided_slice %get3A_1 {offsets = [0, 7808], sizes = [128, 128], strides = [1, 1]} : vector<128x8192xf32> to vector<128x128xf32>
    %transpose3A_488 = tpu.transpose %slice3A_487, [1, 0] : vector<128x128xf32> -> vector<128x128xf32>
    %swap3A_489 = arith.constant 0 : index
    %swap3A_490 = arith.constant 7808 : index
    %swap3A_491 = arith.constant 0 : index
    %swap3A_492 = vector.load %arg3[%swap3A_489, %swap3A_490, %swap3A_491] : memref<1x8192x128xf32, #tpu.memory_space<vmem>>, vector<1x128x128xf32>
    %swap3A_493 = vector.shape_cast %swap3A_492 : vector<1x128x128xf32> to vector<128x128xf32>
    %swap3A_494 = vector.shape_cast %transpose3A_488 : vector<128x128xf32> to vector<1x128x128xf32>
    tpu.vector_store %arg3[%swap3A_489, %swap3A_490, %swap3A_491], %swap3A_494 {strides = array<i32>} : memref<1x8192x128xf32, #tpu.memory_space<vmem>>, vector<1x128x128xf32>,
    %slice3A_495 = vector.extract_strided_slice %get3A_1 {offsets = [0, 7936], sizes = [128, 128], strides = [1, 1]} : vector<128x8192xf32> to vector<128x128xf32>
    %transpose3A_496 = tpu.transpose %slice3A_495, [1, 0] : vector<128x128xf32> -> vector<128x128xf32>
    %swap3A_497 = arith.constant 0 : index
    %swap3A_498 = arith.constant 7936 : index
    %swap3A_499 = arith.constant 0 : index
    %swap3A_500 = vector.load %arg3[%swap3A_497, %swap3A_498, %swap3A_499] : memref<1x8192x128xf32, #tpu.memory_space<vmem>>, vector<1x128x128xf32>
    %swap3A_501 = vector.shape_cast %swap3A_500 : vector<1x128x128xf32> to vector<128x128xf32>
    %swap3A_502 = vector.shape_cast %transpose3A_496 : vector<128x128xf32> to vector<1x128x128xf32>
    tpu.vector_store %arg3[%swap3A_497, %swap3A_498, %swap3A_499], %swap3A_502 {strides = array<i32>} : memref<1x8192x128xf32, #tpu.memory_space<vmem>>, vector<1x128x128xf32>,
    %slice3A_503 = vector.extract_strided_slice %get3A_1 {offsets = [0, 8064], sizes = [128, 128], strides = [1, 1]} : vector<128x8192xf32> to vector<128x128xf32>
    %transpose3A_504 = tpu.transpose %slice3A_503, [1, 0] : vector<128x128xf32> -> vector<128x128xf32>
    %swap3A_505 = arith.constant 0 : index
    %swap3A_506 = arith.constant 8064 : index
    %swap3A_507 = arith.constant 0 : index
    %swap3A_508 = vector.load %arg3[%swap3A_505, %swap3A_506, %swap3A_507] : memref<1x8192x128xf32, #tpu.memory_space<vmem>>, vector<1x128x128xf32>
    %swap3A_509 = vector.shape_cast %swap3A_508 : vector<1x128x128xf32> to vector<128x128xf32>
    %swap3A_510 = vector.shape_cast %transpose3A_504 : vector<128x128xf32> to vector<1x128x128xf32>
    tpu.vector_store %arg3[%swap3A_505, %swap3A_506, %swap3A_507], %swap3A_510 {strides = array<i32>} : memref<1x8192x128xf32, #tpu.memory_space<vmem>>, vector<1x128x128xf32>,
    return
  }
  func.func @transform_0(%arg0: i32, %arg1: i32) -> (i32, i32) {
    %add3A = arith.constant 2 : i32
    %add3A_0 = arith.addi %arg0, %add3A : i32
    %c0_i32 = arith.constant 0 : i32
    return %add3A_0, %arg1 : i32, i32
  }
  func.func @transform_1(%arg0: i32, %arg1: i32) -> (i32, i32, i32) {
    %c0_i32 = arith.constant 0 : i32
    %c0_i32_0 = arith.constant 0 : i32
    return %arg0, %arg1, %c0_i32 : i32, i32, i32
  }
}

module attributes {stable_mosaic.version = 14 : i64} {
  func.func @_tc_body(%arg0: i32, %arg1: memref<2x2048x128xf32, #tpu.memory_space<vmem>>, %arg2: memref<2x2048x128xf32, #tpu.memory_space<vmem>>, %arg3: memref<13x2048xf32, #tpu.memory_space<vmem>>, %arg4: memref<2048x1xf32, #tpu.memory_space<vmem>>, %arg5: memref<512x256xf32, #tpu.memory_space<vmem>>, %arg6: memref<13x256xf32, #tpu.memory_space<vmem>>, %arg7: memref<1x256xf32, #tpu.memory_space<vmem>>, %arg8: memref<256x128xf32, #tpu.memory_space<vmem>>, %arg9: memref<1x128xf32, #tpu.memory_space<vmem>>, %arg10: memref<1x128xf32, #tpu.memory_space<vmem>>, %arg11: memref<13x1xf32, #tpu.memory_space<vmem>>, %arg12: memref<1x1xf32, #tpu.memory_space<vmem>>, %arg13: memref<512x16xf32, #tpu.memory_space<vmem>>, %arg14: memref<2048x1xf32, #tpu.memory_space<vmem>>) attributes {dimension_semantics = [#tpu.dimension_semantics<arbitrary>], iteration_bounds = array<i64: 8>, scalar_prefetch = 0 : i64, scratch_operands = 0 : i64, tpu.core_type = #tpu.core_type<tc>, window_params = [{transform_indices = @transform_0, window_bounds = array<i64: 2, 2048, 128>}, {transform_indices = @transform_1, window_bounds = array<i64: 2, 2048, 128>}, {transform_indices = @transform_2, window_bounds = array<i64: 13, 2048>}, {transform_indices = @transform_3, window_bounds = array<i64: 2048, 1>}, {pipeline_mode = #tpu.pipeline_mode<synchronous>, transform_indices = @transform_4, window_bounds = array<i64: 512, 256>}, {pipeline_mode = #tpu.pipeline_mode<synchronous>, transform_indices = @transform_5, window_bounds = array<i64: 13, 256>}, {pipeline_mode = #tpu.pipeline_mode<synchronous>, transform_indices = @transform_6, window_bounds = array<i64: 1, 256>}, {pipeline_mode = #tpu.pipeline_mode<synchronous>, transform_indices = @transform_7, window_bounds = array<i64: 256, 128>}, {pipeline_mode = #tpu.pipeline_mode<synchronous>, transform_indices = @transform_8, window_bounds = array<i64: 1, 128>}, {pipeline_mode = #tpu.pipeline_mode<synchronous>, transform_indices = @transform_9, window_bounds = array<i64: 1, 128>}, {pipeline_mode = #tpu.pipeline_mode<synchronous>, transform_indices = @transform_10, window_bounds = array<i64: 13, 1>}, {pipeline_mode = #tpu.pipeline_mode<synchronous>, transform_indices = @transform_11, window_bounds = array<i64: 1, 1>}, {pipeline_mode = #tpu.pipeline_mode<synchronous>, transform_indices = @transform_12, window_bounds = array<i64: 512, 16>}, {transform_indices = @transform_13, window_bounds = array<i64: 2048, 1>}]} {
    %get3A = arith.constant 0 : index
    %get3A_0 = arith.constant 0 : index
    %get3A_1 = arith.constant 0 : index
    %get3A_2 = vector.load %arg1[%get3A, %get3A_0, %get3A_1] : memref<2x2048x128xf32, #tpu.memory_space<vmem>>, vector<2x2048x128xf32>
    %get3A_3 = arith.constant 0 : index
    %get3A_4 = arith.constant 0 : index
    %get3A_5 = arith.constant 0 : index
    %get3A_6 = vector.load %arg2[%get3A_3, %get3A_4, %get3A_5] : memref<2x2048x128xf32, #tpu.memory_space<vmem>>, vector<2x2048x128xf32>
    %get3A_7 = arith.constant 0 : index
    %get3A_8 = arith.constant 0 : index
    %get3A_9 = vector.load %arg3[%get3A_7, %get3A_8] : memref<13x2048xf32, #tpu.memory_space<vmem>>, vector<13x2048xf32>
    %get3A_10 = arith.constant 0 : index
    %get3A_11 = arith.constant 0 : index
    %get3A_12 = vector.load %arg5[%get3A_10, %get3A_11] : memref<512x256xf32, #tpu.memory_space<vmem>>, vector<512x256xf32>
    %get3A_13 = arith.constant 0 : index
    %get3A_14 = arith.constant 0 : index
    %get3A_15 = vector.load %arg13[%get3A_13, %get3A_14] : memref<512x16xf32, #tpu.memory_space<vmem>>, vector<512x16xf32>
    %iota3A = tpu.iota {dimensions = array<i32: 1>} : vector<2048x128xi32>
    %get3A_16 = arith.constant 0 : index
    %get3A_17 = arith.constant 0 : index
    %get3A_18 = vector.load %arg6[%get3A_16, %get3A_17] : memref<13x256xf32, #tpu.memory_space<vmem>>, vector<13x256xf32>
    %dot_general3A = arith.constant dense<0.000000e+00> : vector<2048x256xf32>
    %dot_general3A_19 = tpu.matmul %get3A_9, %get3A_18, %dot_general3A {dimension_numbers = #tpu.dot_dimension_numbers<[0], [0], [1], [1], [0, 1, 1, 1], [], []>, transpose_lhs_hint = false} : vector<13x2048xf32>, vector<13x256xf32>, vector<2048x256xf32> -> vector<2048x256xf32>
    %broadcast_in_dim3A = arith.constant 0.000000e+00 : f32
    %broadcast_in_dim3A_20 = vector.broadcast %broadcast_in_dim3A : f32 to vector<2048x16xf32>
    %broadcast_in_dim3A_21 = arith.constant 0.000000e+00 : f32
    %broadcast_in_dim3A_22 = vector.broadcast %broadcast_in_dim3A_21 : f32 to vector<2048x16xf32>
    %slice3A = vector.extract_strided_slice %get3A_2 {offsets = [0, 0, 0], sizes = [1, 2048, 128], strides = [1, 1, 1]} : vector<2x2048x128xf32> to vector<1x2048x128xf32>
    %squeeze3A = vector.shape_cast %slice3A : vector<1x2048x128xf32> to vector<2048x128xf32>
    %slice3A_23 = vector.extract_strided_slice %get3A_2 {offsets = [1, 0, 0], sizes = [1, 2048, 128], strides = [1, 1, 1]} : vector<2x2048x128xf32> to vector<1x2048x128xf32>
    %squeeze3A_24 = vector.shape_cast %slice3A_23 : vector<1x2048x128xf32> to vector<2048x128xf32>
    %slice3A_25 = vector.extract_strided_slice %get3A_6 {offsets = [0, 0, 0], sizes = [1, 2048, 128], strides = [1, 1, 1]} : vector<2x2048x128xf32> to vector<1x2048x128xf32>
    %squeeze3A_26 = vector.shape_cast %slice3A_25 : vector<1x2048x128xf32> to vector<2048x128xf32>
    %lt3A = arith.constant 32 : i32
    %lt3A_27 = vector.broadcast %lt3A : i32 to vector<2048x128xi32>
    %lt3A_28 = arith.cmpi slt, %iota3A, %lt3A_27 : vector<2048x128xi32>
    %slice3A_29 = vector.extract_strided_slice %get3A_6 {offsets = [1, 0, 0], sizes = [1, 2048, 128], strides = [1, 1, 1]} : vector<2x2048x128xf32> to vector<1x2048x128xf32>
    %squeeze3A_30 = vector.shape_cast %slice3A_29 : vector<1x2048x128xf32> to vector<2048x128xf32>
    %jit3A = arith.constant 0.000000e+00 : f32
    %broadcast_in_dim3A_31 = vector.broadcast %jit3A : f32 to vector<2048x128xf32>
    %select_n3A = arith.select %lt3A_28, %squeeze3A_30, %broadcast_in_dim3A_31 : vector<2048x128xi1>, vector<2048x128xf32>
    %slice3A_32 = vector.extract_strided_slice %get3A_12 {offsets = [0, 0], sizes = [128, 256], strides = [1, 1]} : vector<512x256xf32> to vector<128x256xf32>
    %slice3A_33 = vector.extract_strided_slice %get3A_15 {offsets = [0, 0], sizes = [128, 16], strides = [1, 1]} : vector<512x16xf32> to vector<128x16xf32>
    %dot_general3A_34 = arith.constant dense<0.000000e+00> : vector<2048x256xf32>
    %dot_general3A_35 = tpu.matmul %squeeze3A, %slice3A_32, %dot_general3A_34 {dimension_numbers = #tpu.dot_dimension_numbers<[1], [0], [0], [1], [0, 0, 1, 1], [], []>, transpose_lhs_hint = false} : vector<2048x128xf32>, vector<128x256xf32>, vector<2048x256xf32> -> vector<2048x256xf32>
    %add3A = arith.addf %dot_general3A_19, %dot_general3A_35 : vector<2048x256xf32>
    %dot_general3A_36 = arith.constant dense<0.000000e+00> : vector<2048x16xf32>
    %dot_general3A_37 = tpu.matmul %squeeze3A, %slice3A_33, %dot_general3A_36 {dimension_numbers = #tpu.dot_dimension_numbers<[1], [0], [0], [1], [0, 0, 1, 1], [], []>, transpose_lhs_hint = false} : vector<2048x128xf32>, vector<128x16xf32>, vector<2048x16xf32> -> vector<2048x16xf32>
    %add3A_38 = arith.addf %broadcast_in_dim3A_20, %dot_general3A_37 : vector<2048x16xf32>
    %mul3A = arith.mulf %squeeze3A, %squeeze3A : vector<2048x128xf32>
    %dot_general3A_39 = arith.constant dense<0.000000e+00> : vector<2048x16xf32>
    %dot_general3A_40 = tpu.matmul %mul3A, %slice3A_33, %dot_general3A_39 {dimension_numbers = #tpu.dot_dimension_numbers<[1], [0], [0], [1], [0, 0, 1, 1], [], []>, transpose_lhs_hint = false} : vector<2048x128xf32>, vector<128x16xf32>, vector<2048x16xf32> -> vector<2048x16xf32>
    %add3A_41 = arith.addf %broadcast_in_dim3A_22, %dot_general3A_40 : vector<2048x16xf32>
    %slice3A_42 = vector.extract_strided_slice %get3A_12 {offsets = [128, 0], sizes = [128, 256], strides = [1, 1]} : vector<512x256xf32> to vector<128x256xf32>
    %slice3A_43 = vector.extract_strided_slice %get3A_15 {offsets = [128, 0], sizes = [128, 16], strides = [1, 1]} : vector<512x16xf32> to vector<128x16xf32>
    %dot_general3A_44 = arith.constant dense<0.000000e+00> : vector<2048x256xf32>
    %dot_general3A_45 = tpu.matmul %squeeze3A_24, %slice3A_42, %dot_general3A_44 {dimension_numbers = #tpu.dot_dimension_numbers<[1], [0], [0], [1], [0, 0, 1, 1], [], []>, transpose_lhs_hint = false} : vector<2048x128xf32>, vector<128x256xf32>, vector<2048x256xf32> -> vector<2048x256xf32>
    %add3A_46 = arith.addf %add3A, %dot_general3A_45 : vector<2048x256xf32>
    %dot_general3A_47 = arith.constant dense<0.000000e+00> : vector<2048x16xf32>
    %dot_general3A_48 = tpu.matmul %squeeze3A_24, %slice3A_43, %dot_general3A_47 {dimension_numbers = #tpu.dot_dimension_numbers<[1], [0], [0], [1], [0, 0, 1, 1], [], []>, transpose_lhs_hint = false} : vector<2048x128xf32>, vector<128x16xf32>, vector<2048x16xf32> -> vector<2048x16xf32>
    %add3A_49 = arith.addf %add3A_38, %dot_general3A_48 : vector<2048x16xf32>
    %mul3A_50 = arith.mulf %squeeze3A_24, %squeeze3A_24 : vector<2048x128xf32>
    %dot_general3A_51 = arith.constant dense<0.000000e+00> : vector<2048x16xf32>
    %dot_general3A_52 = tpu.matmul %mul3A_50, %slice3A_43, %dot_general3A_51 {dimension_numbers = #tpu.dot_dimension_numbers<[1], [0], [0], [1], [0, 0, 1, 1], [], []>, transpose_lhs_hint = false} : vector<2048x128xf32>, vector<128x16xf32>, vector<2048x16xf32> -> vector<2048x16xf32>
    %add3A_53 = arith.addf %add3A_41, %dot_general3A_52 : vector<2048x16xf32>
    %slice3A_54 = vector.extract_strided_slice %get3A_12 {offsets = [256, 0], sizes = [128, 256], strides = [1, 1]} : vector<512x256xf32> to vector<128x256xf32>
    %slice3A_55 = vector.extract_strided_slice %get3A_15 {offsets = [256, 0], sizes = [128, 16], strides = [1, 1]} : vector<512x16xf32> to vector<128x16xf32>
    %dot_general3A_56 = arith.constant dense<0.000000e+00> : vector<2048x256xf32>
    %dot_general3A_57 = tpu.matmul %squeeze3A_26, %slice3A_54, %dot_general3A_56 {dimension_numbers = #tpu.dot_dimension_numbers<[1], [0], [0], [1], [0, 0, 1, 1], [], []>, transpose_lhs_hint = false} : vector<2048x128xf32>, vector<128x256xf32>, vector<2048x256xf32> -> vector<2048x256xf32>
    %add3A_58 = arith.addf %add3A_46, %dot_general3A_57 : vector<2048x256xf32>
    %dot_general3A_59 = arith.constant dense<0.000000e+00> : vector<2048x16xf32>
    %dot_general3A_60 = tpu.matmul %squeeze3A_26, %slice3A_55, %dot_general3A_59 {dimension_numbers = #tpu.dot_dimension_numbers<[1], [0], [0], [1], [0, 0, 1, 1], [], []>, transpose_lhs_hint = false} : vector<2048x128xf32>, vector<128x16xf32>, vector<2048x16xf32> -> vector<2048x16xf32>
    %add3A_61 = arith.addf %add3A_49, %dot_general3A_60 : vector<2048x16xf32>
    %mul3A_62 = arith.mulf %squeeze3A_26, %squeeze3A_26 : vector<2048x128xf32>
    %dot_general3A_63 = arith.constant dense<0.000000e+00> : vector<2048x16xf32>
    %dot_general3A_64 = tpu.matmul %mul3A_62, %slice3A_55, %dot_general3A_63 {dimension_numbers = #tpu.dot_dimension_numbers<[1], [0], [0], [1], [0, 0, 1, 1], [], []>, transpose_lhs_hint = false} : vector<2048x128xf32>, vector<128x16xf32>, vector<2048x16xf32> -> vector<2048x16xf32>
    %add3A_65 = arith.addf %add3A_53, %dot_general3A_64 : vector<2048x16xf32>
    %slice3A_66 = vector.extract_strided_slice %get3A_12 {offsets = [384, 0], sizes = [128, 256], strides = [1, 1]} : vector<512x256xf32> to vector<128x256xf32>
    %slice3A_67 = vector.extract_strided_slice %get3A_15 {offsets = [384, 0], sizes = [128, 16], strides = [1, 1]} : vector<512x16xf32> to vector<128x16xf32>
    %dot_general3A_68 = arith.constant dense<0.000000e+00> : vector<2048x256xf32>
    %dot_general3A_69 = tpu.matmul %select_n3A, %slice3A_66, %dot_general3A_68 {dimension_numbers = #tpu.dot_dimension_numbers<[1], [0], [0], [1], [0, 0, 1, 1], [], []>, transpose_lhs_hint = false} : vector<2048x128xf32>, vector<128x256xf32>, vector<2048x256xf32> -> vector<2048x256xf32>
    %add3A_70 = arith.addf %add3A_58, %dot_general3A_69 : vector<2048x256xf32>
    %dot_general3A_71 = arith.constant dense<0.000000e+00> : vector<2048x16xf32>
    %dot_general3A_72 = tpu.matmul %select_n3A, %slice3A_67, %dot_general3A_71 {dimension_numbers = #tpu.dot_dimension_numbers<[1], [0], [0], [1], [0, 0, 1, 1], [], []>, transpose_lhs_hint = false} : vector<2048x128xf32>, vector<128x16xf32>, vector<2048x16xf32> -> vector<2048x16xf32>
    %add3A_73 = arith.addf %add3A_61, %dot_general3A_72 : vector<2048x16xf32>
    %mul3A_74 = arith.mulf %select_n3A, %select_n3A : vector<2048x128xf32>
    %dot_general3A_75 = arith.constant dense<0.000000e+00> : vector<2048x16xf32>
    %dot_general3A_76 = tpu.matmul %mul3A_74, %slice3A_67, %dot_general3A_75 {dimension_numbers = #tpu.dot_dimension_numbers<[1], [0], [0], [1], [0, 0, 1, 1], [], []>, transpose_lhs_hint = false} : vector<2048x128xf32>, vector<128x16xf32>, vector<2048x16xf32> -> vector<2048x16xf32>
    %add3A_77 = arith.addf %add3A_65, %dot_general3A_76 : vector<2048x16xf32>
    %get3A_78 = arith.constant 0 : index
    %get3A_79 = arith.constant 0 : index
    %get3A_80 = vector.load %arg7[%get3A_78, %get3A_79] : memref<1x256xf32, #tpu.memory_space<vmem>>, vector<1x256xf32>
    %add3A_81 = vector.broadcast %get3A_80 : vector<1x256xf32> to vector<2048x256xf32>
    %add3A_82 = arith.addf %add3A_70, %add3A_81 : vector<2048x256xf32>
    %max3A = arith.constant 0.000000e+00 : f32
    %max3A_83 = vector.broadcast %max3A : f32 to vector<2048x256xf32>
    %max3A_84 = arith.maximumf %add3A_82, %max3A_83 : vector<2048x256xf32>
    %get3A_85 = arith.constant 0 : index
    %get3A_86 = arith.constant 0 : index
    %get3A_87 = vector.load %arg8[%get3A_85, %get3A_86] : memref<256x128xf32, #tpu.memory_space<vmem>>, vector<256x128xf32>
    %dot_general3A_88 = arith.constant dense<0.000000e+00> : vector<2048x128xf32>
    %dot_general3A_89 = tpu.matmul %max3A_84, %get3A_87, %dot_general3A_88 {dimension_numbers = #tpu.dot_dimension_numbers<[1], [0], [0], [1], [0, 0, 1, 1], [], []>, transpose_lhs_hint = false} : vector<2048x256xf32>, vector<256x128xf32>, vector<2048x128xf32> -> vector<2048x128xf32>
    %get3A_90 = arith.constant 0 : index
    %get3A_91 = arith.constant 0 : index
    %get3A_92 = vector.load %arg9[%get3A_90, %get3A_91] : memref<1x128xf32, #tpu.memory_space<vmem>>, vector<1x128xf32>
    %add3A_93 = vector.broadcast %get3A_92 : vector<1x128xf32> to vector<2048x128xf32>
    %add3A_94 = arith.addf %dot_general3A_89, %add3A_93 : vector<2048x128xf32>
    %max3A_95 = arith.constant 0.000000e+00 : f32
    %max3A_96 = vector.broadcast %max3A_95 : f32 to vector<2048x128xf32>
    %max3A_97 = arith.maximumf %add3A_94, %max3A_96 : vector<2048x128xf32>
    %get3A_98 = arith.constant 0 : index
    %get3A_99 = arith.constant 0 : index
    %get3A_100 = vector.load %arg10[%get3A_98, %get3A_99] : memref<1x128xf32, #tpu.memory_space<vmem>>, vector<1x128xf32>
    %mul3A_101 = vector.broadcast %get3A_100 : vector<1x128xf32> to vector<2048x128xf32>
    %mul3A_102 = arith.mulf %max3A_97, %mul3A_101 : vector<2048x128xf32>
    %reduce_sum3A = arith.constant dense<0.000000e+00> : vector<2048xf32>
    %reduce_sum3A_103 = vector.multi_reduction <add>, %mul3A_102, %reduce_sum3A [1] : vector<2048x128xf32> to vector<2048xf32>
    %broadcast_in_dim3A_104 = vector.shape_cast %reduce_sum3A_103 : vector<2048xf32> to vector<2048x1xf32>
    %mul3A_105 = arith.mulf %add3A_73, %add3A_73 : vector<2048x16xf32>
    %sub3A = arith.subf %mul3A_105, %add3A_77 : vector<2048x16xf32>
    %reduce_sum3A_106 = arith.constant dense<0.000000e+00> : vector<2048xf32>
    %reduce_sum3A_107 = vector.multi_reduction <add>, %sub3A, %reduce_sum3A_106 [1] : vector<2048x16xf32> to vector<2048xf32>
    %broadcast_in_dim3A_108 = vector.shape_cast %reduce_sum3A_107 : vector<2048xf32> to vector<2048x1xf32>
    %mul3A_109 = arith.constant 5.000000e-01 : f32
    %mul3A_110 = vector.broadcast %mul3A_109 : f32 to vector<2048x1xf32>
    %mul3A_111 = arith.mulf %mul3A_110, %broadcast_in_dim3A_108 : vector<2048x1xf32>
    %get3A_112 = arith.constant 0 : index
    %get3A_113 = arith.constant 0 : index
    %get3A_114 = vector.load %arg11[%get3A_112, %get3A_113] : memref<13x1xf32, #tpu.memory_space<vmem>>, vector<13x1xf32>
    %dot_general3A_115 = arith.constant dense<0.000000e+00> : vector<2048x1xf32>
    %dot_general3A_116 = tpu.matmul %get3A_9, %get3A_114, %dot_general3A_115 {dimension_numbers = #tpu.dot_dimension_numbers<[0], [0], [1], [1], [0, 1, 1, 1], [], []>, transpose_lhs_hint = false} : vector<13x2048xf32>, vector<13x1xf32>, vector<2048x1xf32> -> vector<2048x1xf32>
    %get3A_117 = arith.constant 0 : index
    %get3A_118 = arith.constant 0 : index
    %get3A_119 = vector.load %arg4[%get3A_117, %get3A_118] : memref<2048x1xf32, #tpu.memory_space<vmem>>, vector<2048x1xf32>
    %add3A_120 = arith.addf %get3A_119, %dot_general3A_116 : vector<2048x1xf32>
    %add3A_121 = arith.addf %add3A_120, %mul3A_111 : vector<2048x1xf32>
    %add3A_122 = arith.addf %add3A_121, %broadcast_in_dim3A_104 : vector<2048x1xf32>
    %get3A_123 = arith.constant 0 : index
    %get3A_124 = arith.constant 0 : index
    %get3A_125 = vector.load %arg12[%get3A_123, %get3A_124] : memref<1x1xf32, #tpu.memory_space<vmem>>, vector<1x1xf32>
    %get3A_126 = vector.extract %get3A_125[0, 0] : f32 from vector<1x1xf32>
    %add3A_127 = vector.broadcast %get3A_126 : f32 to vector<2048x1xf32>
    %add3A_128 = arith.addf %add3A_122, %add3A_127 : vector<2048x1xf32>
    %logistic3A = arith.negf %add3A_128 : vector<2048x1xf32>
    %logistic3A_129 = math.exp %logistic3A : vector<2048x1xf32>
    %logistic3A_130 = arith.constant 1.000000e+00 : f32
    %logistic3A_131 = vector.broadcast %logistic3A_130 : f32 to vector<2048x1xf32>
    %logistic3A_132 = arith.addf %logistic3A_131, %logistic3A_129 : vector<2048x1xf32>
    %logistic3A_133 = arith.divf %logistic3A_131, %logistic3A_132 : vector<2048x1xf32>
    %swap3A = arith.constant 0 : index
    %swap3A_134 = arith.constant 0 : index
    %swap3A_135 = vector.load %arg14[%swap3A, %swap3A_134] : memref<2048x1xf32, #tpu.memory_space<vmem>>, vector<2048x1xf32>
    tpu.vector_store %arg14[%swap3A, %swap3A_134], %logistic3A_133 {strides = array<i32>} : memref<2048x1xf32, #tpu.memory_space<vmem>>, vector<2048x1xf32>,
    return
  }
  func.func @transform_0(%arg0: i32) -> (i32, i32, i32) {
    %c0_i32 = arith.constant 0 : i32
    %c0_i32_0 = arith.constant 0 : i32
    %c0_i32_1 = arith.constant 0 : i32
    return %c0_i32, %arg0, %c0_i32_0 : i32, i32, i32
  }
  func.func @transform_1(%arg0: i32) -> (i32, i32, i32) {
    %c0_i32 = arith.constant 0 : i32
    %c0_i32_0 = arith.constant 0 : i32
    %c0_i32_1 = arith.constant 0 : i32
    return %c0_i32, %arg0, %c0_i32_0 : i32, i32, i32
  }
  func.func @transform_2(%arg0: i32) -> (i32, i32) {
    %c0_i32 = arith.constant 0 : i32
    %c0_i32_0 = arith.constant 0 : i32
    return %c0_i32, %arg0 : i32, i32
  }
  func.func @transform_3(%arg0: i32) -> (i32, i32) {
    %c0_i32 = arith.constant 0 : i32
    %c0_i32_0 = arith.constant 0 : i32
    return %arg0, %c0_i32 : i32, i32
  }
  func.func @transform_4(%arg0: i32) -> (i32, i32) {
    %c0_i32 = arith.constant 0 : i32
    %c0_i32_0 = arith.constant 0 : i32
    %c0_i32_1 = arith.constant 0 : i32
    return %c0_i32, %c0_i32_0 : i32, i32
  }
  func.func @transform_5(%arg0: i32) -> (i32, i32) {
    %c0_i32 = arith.constant 0 : i32
    %c0_i32_0 = arith.constant 0 : i32
    %c0_i32_1 = arith.constant 0 : i32
    return %c0_i32, %c0_i32_0 : i32, i32
  }
  func.func @transform_6(%arg0: i32) -> (i32, i32) {
    %c0_i32 = arith.constant 0 : i32
    %c0_i32_0 = arith.constant 0 : i32
    %c0_i32_1 = arith.constant 0 : i32
    return %c0_i32, %c0_i32_0 : i32, i32
  }
  func.func @transform_7(%arg0: i32) -> (i32, i32) {
    %c0_i32 = arith.constant 0 : i32
    %c0_i32_0 = arith.constant 0 : i32
    %c0_i32_1 = arith.constant 0 : i32
    return %c0_i32, %c0_i32_0 : i32, i32
  }
  func.func @transform_8(%arg0: i32) -> (i32, i32) {
    %c0_i32 = arith.constant 0 : i32
    %c0_i32_0 = arith.constant 0 : i32
    %c0_i32_1 = arith.constant 0 : i32
    return %c0_i32, %c0_i32_0 : i32, i32
  }
  func.func @transform_9(%arg0: i32) -> (i32, i32) {
    %c0_i32 = arith.constant 0 : i32
    %c0_i32_0 = arith.constant 0 : i32
    %c0_i32_1 = arith.constant 0 : i32
    return %c0_i32, %c0_i32_0 : i32, i32
  }
  func.func @transform_10(%arg0: i32) -> (i32, i32) {
    %c0_i32 = arith.constant 0 : i32
    %c0_i32_0 = arith.constant 0 : i32
    %c0_i32_1 = arith.constant 0 : i32
    return %c0_i32, %c0_i32_0 : i32, i32
  }
  func.func @transform_11(%arg0: i32) -> (i32, i32) {
    %c0_i32 = arith.constant 0 : i32
    %c0_i32_0 = arith.constant 0 : i32
    %c0_i32_1 = arith.constant 0 : i32
    return %c0_i32, %c0_i32_0 : i32, i32
  }
  func.func @transform_12(%arg0: i32) -> (i32, i32) {
    %c0_i32 = arith.constant 0 : i32
    %c0_i32_0 = arith.constant 0 : i32
    %c0_i32_1 = arith.constant 0 : i32
    return %c0_i32, %c0_i32_0 : i32, i32
  }
  func.func @transform_13(%arg0: i32) -> (i32, i32) {
    %c0_i32 = arith.constant 0 : i32
    %c0_i32_0 = arith.constant 0 : i32
    return %arg0, %c0_i32 : i32, i32
  }
}

</mosaic_0001>

<sc_bundles>
// kernel: kernel.11.cloned.1.call-start
scs
__scs_entry_jumppad:
0x0: {  	(pc) =	sbr.rel $0x88, $3  }
0x1: {  	(tag) =	ssettag $0x0;
	lr =	simm.s32 $0x1  }
0x2: {  	[smem:$0x3F96] =	sst lr;
	_ =	strace $0xD0000000  }
0x3: {  	_ = 	snop  }
0x4: {  	_ = 	snop  }
0x5: {  	_ = 	snop  }
0x6: {  	_ = 	snop  }
0x7: {  	_ = 	snop  }
__scs_overlays_trampoline_lowered:
0x8: {  	[smem:$0x3FA5] =	sst s0  }
0x9: {  	[smem:$0x3FA6] =	sst s1  }
0xa: {  	[smem:$0x3FA7] =	sst s2  }
0xb: {  	[smem:$0x3FA8] =	sst s3  }
0xc: {  	[smem:$0x3FA9] =	sst s4  }
0xd: {  	[smem:$0x3FAA] =	sst s5  }
0xe: {  	[smem:$0x3FAB] =	sst s6  }
0xf: {  	[smem:$0x3FAC] =	sst s7  }
0x10: {  	[smem:$0x3FAD] =	sst s8  }
0x11: {  	[smem:$0x3FAE] =	sst s9;
	s0 =	simm.s32 @!p0 $0x0  }
0x12: {  	s1 =	sld [smem:$0x3F94];
	s0 =	simm.s32 @p0 $0x1  }
0x13: {  	[smem:$0x3FAF] =	sst s0;
	s0 =	simm.s32 @!p1 $0x0  }
0x14: {  	s2 =	sld [smem:$0x3F93];
	s0 =	simm.s32 @p1 $0x1  }
0x15: {  	[smem:$0x3FB0] =	sst s0;
	s0 =	simm.s32 @!p2 $0x0  }
0x16: {  	s3 =	sld [smem:$0x3FDB];
	s0 =	simm.s32 @p2 $0x1  }
0x17: {  	s4 =	simm.s32 $0x1BF5;
	[smem:$0x3FB2] =	sst s0  }
0x18: {  	s0 =	sld [smem:$0x3F95];
	_ =	swait.ge [sflag:s4], $0x0  }
0x19: {  	s7 =	sld [smem:$0x3F96]  }
0x1a: {  	s8 =	sadd.s32 $0xFFFFE003, lr  }
0x1b: {  	s9 =	sadd.s32 $0xFFFFFEF7, lr;
	s5 =	simm.s32 $0xFFFFFFFF;
	p2 =	slt.u32 s8, $0xFFFFF086  }
0x1c: {  	p1 =	slt.u32 s9, $0xF7A;
	s5 =	simm.s32 @!p2 $0x0  }
0x1d: {  	s5 =	simm.s32 @p1 $0x1;
	p0 =	seq.s32 s7, s2  }
0x1e: {  	s7 =	smul.u32 @!p0 $0xF7A, s2;
	p2 =	seq.s32 @!p0 s5, $0x0  }
0x1f: {  	s9 =	smul.u32 $0xF7A, s1;
	s8 =	simm.s32 @!p0 $0x1BF5;
	p2 =	por !p2, p0  }
0x20: {  	[sflag:s8] =	ssyncset.s32 @!p0 $0xFFFFF086;
	s6 =	sadd.s32 @!p0 s3, s7;
	s7 =	simm.s32 @!p0 $0x108  }
0x21: {  	s3 =	sadd.s32 s3, s9;
	s6 =	sadd.s32 @!p0 $0x88, s6;
	s7 =	simm.s32 @p2 $0x1082  }
0x22: {  	[simem:s7], [sflag:s8] =	dma.local @!p0 [hbm:s6], $0xF7A  }
0x23: {  	s9 =	sor.u32 $0xD0000000, s2;
	s6 =	simm.s32 $0x108;
	_ =	swait.ge @!p0 [sflag:s8], $0x0  }
0x24: {  	s3 =	sadd.s32 $0x88, s3;
	s6 =	simm.s32 @!p1 $0x1082;
	[sflag:s4] =	ssyncset.s32 $0xFFFFF086  }
0x25: {  	[simem:s6], [sflag:s4] =	dma.local [hbm:s3], $0xF7A  }
0x26: {  	[smem:$0x3F96] =	sst s1;
	(tag) =	ssettag s2;
	_ =	strace s9  }
0x27: {  	s1 =	sld [smem:$0x3FA6]  }
0x28: {  	s2 =	sld [smem:$0x3FA7]  }
0x29: {  	s4 =	sld [smem:$0x3FA9]  }
0x2a: {  	p0 =	seq.s32 s5, $0x0;
	s5 =	sld [smem:$0x3FAA]  }
0x2b: {  	s6 =	sld [smem:$0x3FAB]  }
0x2c: {  	s7 =	sld [smem:$0x3FAC]  }
0x2d: {  	s3 =	simm.s32 $0x108;
	s8 =	sld [smem:$0x3FAD]  }
0x2e: {  	s3 =	simm.s32 @!p0 $0x1082;
	s9 =	sld [smem:$0x3FAE]  }
0x2f: {  	lr =	sadd.s32 s0, s3;
	s0 =	sld [smem:$0x3FA5]  }
0x30: {  	s3 =	sld [smem:$0x3FA8]  }
0x31: {  	[smem:$0x3FB1] =	sst s10  }
0x32: {  	s10 =	sld [smem:$0x3FAF];
	_ =	sdelay $0x3  }
0x33: {  	p0 =	seq.s32 s10, $0x1;
	s10 =	sld [smem:$0x3FB1];
	_ =	sdelay $0x3  }
0x34: {  	[smem:$0x3FB1] =	sst s10  }
0x35: {  	s10 =	sld [smem:$0x3FB0];
	_ =	sdelay $0x3  }
0x36: {  	p1 =	seq.s32 s10, $0x1;
	s10 =	sld [smem:$0x3FB1];
	_ =	sdelay $0x3  }
0x37: {  	[smem:$0x3FB1] =	sst s10  }
0x38: {  	s10 =	sld [smem:$0x3FB2]  }
0x39: {  	_ = 	snop;
	(pc) =	sbr.ind lr, $3  }
0x3a: {  	_ = 	snop  }
0x3b: {  	_ = 	snop  }
0x3c: {  	p2 =	seq.s32 s10, $0x1;
	s10 =	sld [smem:$0x3FB1]  }
0x3d: {  	_ =	shalt  }
0x3e: {  	_ =	shalt  }
0x3f: {  	_ =	shalt  }
0x40: {  	_ =	shalt  }
0x41: {  	_ =	shalt  }
0x42: {  	_ =	shalt  }
0x43: {  	_ =	shalt  }
0x44: {  	_ =	shalt  }
0x45: {  	_ =	shalt  }
0x46: {  	_ =	shalt  }
0x47: {  	_ =	shalt  }
0x48: {  	_ =	shalt  }
0x49: {  	_ =	shalt  }
0x4a: {  	_ =	shalt  }
0x4b: {  	_ =	shalt  }
0x4c: {  	_ =	shalt  }
0x4d: {  	_ =	shalt  }
0x4e: {  	_ =	shalt  }
0x4f: {  	_ =	shalt  }
0x50: {  	_ =	shalt  }
0x51: {  	_ =	shalt  }
0x52: {  	_ =	shalt  }
0x53: {  	_ =	shalt  }
0x54: {  	_ =	shalt  }
0x55: {  	_ =	shalt  }
0x56: {  	_ =	shalt  }
0x57: {  	_ =	shalt  }
0x58: {  	_ =	shalt  }
0x59: {  	_ =	shalt  }
0x5a: {  	_ =	shalt  }
0x5b: {  	_ =	shalt  }
0x5c: {  	_ =	shalt  }
0x5d: {  	_ =	shalt  }
0x5e: {  	_ =	shalt  }
0x5f: {  	_ =	shalt  }
0x60: {  	_ =	shalt  }
0x61: {  	_ =	shalt  }
0x62: {  	_ =	shalt  }
0x63: {  	_ =	shalt  }
0x64: {  	_ =	shalt  }
0x65: {  	_ =	shalt  }
0x66: {  	_ =	shalt  }
0x67: {  	_ =	shalt  }
0x68: {  	_ =	shalt  }
0x69: {  	_ =	shalt  }
0x6a: {  	_ =	shalt  }
0x6b: {  	_ =	shalt  }
0x6c: {  	_ =	shalt  }
0x6d: {  	_ =	shalt  }
0x6e: {  	_ =	shalt  }
0x6f: {  	_ =	shalt  }
0x70: {  	_ =	shalt  }
0x71: {  	_ =	shalt  }
0x72: {  	_ =	shalt  }
0x73: {  	_ =	shalt  }
0x74: {  	_ =	shalt  }
0x75: {  	_ =	shalt  }
0x76: {  	_ =	shalt  }
0x77: {  	_ =	shalt  }
0x78: {  	_ =	shalt  }
0x79: {  	_ =	shalt  }
0x7a: {  	_ =	shalt  }
0x7b: {  	_ =	shalt  }
0x7c: {  	_ =	shalt  }
0x7d: {  	_ =	shalt  }
0x7e: {  	_ =	shalt  }
0x7f: {  	_ =	shalt  }
0x80: {  	_ =	shalt  }
0x81: {  	_ =	shalt  }
0x82: {  	_ =	shalt  }
0x83: {  	_ =	shalt  }
0x84: {  	_ =	shalt  }
0x85: {  	_ =	shalt  }
0x86: {  	_ =	shalt  }
0x87: {  	_ =	shalt  }
.Lfunc_end0:
.L_simem_size_0:
called_computation.1_lowered:
.L_overlay_start_0:
0x88: {  	s2 =	sld [smem:$0x3FD9]  }
0x89: {  	s3 =	sld [smem:$0x3FFE];
	_ =	sdelay $0x1  }
0x8a: {  	s1 =	srdreg.scid  }
0x8b: {  	s0 =	sand.u32 $0x1, s1  }
0x8c: {  	s17 =	sshll.u32 s0, $0xA;
	s2 =	sadd.s32 s3, s2  }
0x8d: {  	s2 =	sadd.s32 s2, s17  }
0x8e: {  	[smem:$0x3FBD] =	sst s2  }
0x8f: {  	_ = 	snop  }
0x90: {  	(tm) =	ssettm $0x1  }
0x91: {  	s18 =	sld [smem:$0x3FFB];
	_ =	sdelay $0x3  }
0x92: {  	_ =	strace s18  }
0x93: {  	s2 =	sld [smem:$0x3FFC];
	_ =	sdelay $0x3  }
0x94: {  	_ =	strace s2  }
0x95: {  	s2 =	sld [smem:$0x3FFD];
	_ =	sdelay $0x3  }
0x96: {  	_ =	strace s2  }
0x97: {  	_ =	strace $0x8FFFFFFF  }
0x98: {  	s19 =	sld [smem:$0x3FDB];
	_ =	sdelay $0x1  }
0x99: {  	s20 =	simm.s32 $_scs_section_size  }
0x9a: {  	s4 =	simm.s32 $_size__tile_overlayer_lowered;
	s5 =	simm.s32 $_tile_overlayer_lowered  }
0x9b: {  	s6 =	simm.s32 $0x1BFF;
	s21 =	sshll.u32 s5, $0x1;
	s3 =	sadd.s32 s20, s19  }
0x9c: {  	s22 =	simm.s32 $0x0;
	s4 =	sshll.u32 s4, $0x1;
	s5 =	sadd.s32 s21, s3  }
0x9d: {  	[timem:s22], [sflag:s6] =	dma.local [hbm:s5], s4  }
0x9e: {  	_ =	swait.ge [sflag:s6], s4  }
0x9f: {  	s4 =	ssub.s32 $0x0, s4;
	[sflag:s6] =	ssyncset.done $0x0  }
0xa0: {  	[sflag:s6] =	ssyncadd.s32 s4;
	_ =	sdelay $0x1  }
0xa1: {  	s23 =	simm.s32 $0x1B8B  }
0xa2: {  	_ =	swait.ge [sflag:s23], $0x1  }
0xa3: {  	[sflag:s23] =	ssyncset.done $0x0  }
0xa4: {  	[sflag:s23] =	ssyncadd.s32 $0xFFFFFFFF  }
0xa5: {  	s4 =	sld [smem:$0x0]  }
0xa6: {  	s5 =	sand.u32 $0xFFFFFFFE, s1  }
0xa7: {  	p0 =	sne.s32 s1, s5  }
0xa8: {  	s5 =	sshll.u32 @p0 s5, $0xE  }
0xa9: {  	s5 =	sadd.s32 @p0 $0x11B8D, s5;
	s6 =	sshll.u32 @p0 s4, $0x11  }
0xaa: {  	s5 =	sor.u32 @p0 s6, s5  }
0xab: {  	[sflag:s5] =	ssyncadd.remote.s32 @p0 $0x1;
	_ =	sdelay $0x1  }
0xac: {  	s5 =	simm.s32 @p0 $0x1B8D  }
0xad: {  	_ =	swait.eq @p0 [sflag:s5], $0x1  }
0xae: {  	[sflag:s5] =	ssyncadd.s32 @p0 $0xFFFFFFFF  }
0xaf: {  	s6 =	sshll.u32 @!p0 s1, $0xE  }
0xb0: {  	s6 =	sor.u32 @!p0 $0x4000, s6;
	s5 =	simm.s32 @!p0 $0x1B8D  }
0xb1: {  	s4 =	sshll.u32 @!p0 s4, $0x11;
	s6 =	sadd.s32 @!p0 $0x11B8D, s6;
	_ =	swait.eq @!p0 [sflag:s5], $0x1  }
0xb2: {  	s4 =	sor.u32 @!p0 s4, s6;
	[sflag:s5] =	ssyncadd.s32 @!p0 $0xFFFFFFFF  }
0xb3: {  	s25 =	simm.s32 $0x1B8E;
	s24 =	sld [smem:$0x3FFE];
	[sflag:s4] =	ssyncadd.remote.s32 @!p0 $0x1  }
0xb4: {  	s26 =	simm.s32 $execute0_lowered;
	[smem:$0x3FD2] =	sst s25  }
0xb5: {  	s5 =	sshll.u32 s26, $0x1;
	_ =	strace $0x80000049;
	[dreg:$0x1] =	wrdreg $0xFFFFFFFF  }
0xb6: {  	s28 =	simm.s32 $_size_execute0_lowered;
	s3 =	sadd.s32 s3, s5;
	[dreg:$0x0] =	wrdreg $0x0  }
0xb7: {  	s5 =	sshll.u32 s28, $0x1;
	[dreg:$0x2] =	wrdreg s3  }
0xb8: {  	[dreg:$0x3] =	wrdreg s5  }
0xb9: {  	[dreg:$0x4] =	wrdreg $0xC0  }
0xba: {  	_ =	task [dreg:s22], $0x5FFFF  }
0xbb: {  	[dreg:$0x1] =	wrdreg $0xFFFFFFFF  }
0xbc: {  	[dreg:$0x0] =	wrdreg $0x60  }
0xbd: {  	[dreg:$0x2] =	wrdreg s24  }
0xbe: {  	[dreg:$0x3] =	wrdreg $0xA  }
0xbf: {  	_ =	task.clear_ibuf [dreg:s22], $0x4FFFF;
	_ =	strace $0x90000049  }
0xc0: {  	s29 =	simm.s32 $0xA;
	_ =	strace $0x8000004B  }
0xc1: {  	_ =	swait.ge [sflag:s29], $0x1  }
0xc2: {  	[sflag:s29] =	ssyncadd.s32 $0xFFFFFFFF  }
0xc3: {  	_ =	strace $0x9000004B  }
0xc4: {  	_ =	sfence  }
0xc5: {  	s30 =	sld [smem:$0x0];
	_ =	sdelay $0x2  }
0xc6: {  	s31 =	sshll.u32 s1, $0xD;
	s1 =	sshrl.u32 s1, $0x2  }
0xc7: {  	s4 =	sand.u32 $0x4000, s31;
	s1 =	sadd.s32 s1, s30  }
0xc8: {  	s0 =	sor.u32 s4, s0;
	s1 =	sshll.u32 s1, $0x11  }
0xc9: {  	s0 =	sor.u32 s1, s0  }
0xca: {  	s0 =	sadd.s32 $0x8F2B, s0  }
0xcb: {  	[sflag:s0] =	ssyncadd.remote.s32 $0x1  }
0xcc: {  	_ =	sfence.sel $0xFFFF  }
0xcd: {  	[dreg:$0x0] =	wrdreg $0xFFFFFFFF;
	(pc) =	sbr.abs _section_cstart, $3  }
0xce: {  	[dreg:$0x1] =	wrdreg $0xFFFFFFFF  }
0xcf: {  	_ =	task.clear_ibuf [dreg:s22], $0x2FFFF;
	_ =	strace $0x9FFFFFFF  }
0xd0: {  	(tm) =	ssettm $0x7FFFFFFF  }
0xd1: {  	_ =	shalt  }
tec
execute0_lowered:
.L_overlay_start_1:
0x0: {  	(tag) =	ssettag $0x1  }
0x1: {  	s1 =	srdreg.scid  }
0x2: {  	s0 =	stileid.u32;
	s4 =	rddreg [dreg:$0x0];
	s2 =	simm.s32 $0x0  }
0x3: {  	s8 =	simm.s32 $0x3;
	s9 =	simm.s32 $0x1400;
	s10 =	simm.s32 $0x80  }
0x4: {  	s11 =	simm.s32 $0x2800;
	s12 =	simm.s32 $0x3000;
	s13 =	simm.s32 $0x3800  }
0x5: {  	s14 =	simm.s32 $0x4000;
	s15 =	simm.s32 $0x4800;
	s16 =	simm.s32 $0x5000  }
0x6: {  	s17 =	simm.s32 $0x5800;
	s18 =	simm.s32 $0x6000;
	s19 =	simm.s32 $0x1  }
0x7: {  	s20 =	simm.s32 $0x2;
	s3 =	sand.u32 $0x1, s1;
	s30 =	sshll.u32 s0, $0x1  }
0x8: {  	s21 =	simm.s32 $0x0;
	s1 =	rddreg [dreg:$0x1];
	s5 =	sor.u32 s3, s30  }
0x9: {  	[smem:$0x7FF] =	sst s2;
	s31 =	ssub.s32 $0x2, s3;
	s5 =	smul.u32 $0x280, s5  }
0xa: {  	_ =	strace $0x8000004A;
	s3 =	sadd.s32 $0x40D000, s4;
	s7 =	sshrl.u32 s31, $0x1  }
0xb: {  	s7 =	ssub.s32 s31, s7;
	s6 =	sadd.s32 s5, s4;
	s4 =	sadd.s32 $0x71A400, s4  }
0xc: {  	s7 =	smax.u32 s7, $0x1;
	s5 =	sadd.s32 $0x3200, s6;
	s6 =	sadd.s32 $0x8200, s6  }
.LBB2_1:
0xd: {  	[tilespmem:s2], [sflag:$0x3] =	stream.linear.gather [hbm4b:s5+s2], $0x1400, $0x38;
	[tilespmem:$0x6800] =	vst v63  }
0xe: {  	_ =	swait.ge [sflag:s8], $0x1400  }
0xf: {  	[sflag:s8] =	ssyncset.done $0x0  }
0x10: {  	[sflag:s8] =	ssyncadd.s32 $0xFFFFEC00  }
0x11: {  	[tilespmem:s9], [sflag:$0x3] =	stream.linear.gather [hbm4b:s6+s2], $0x1400, $0x38;
	[tilespmem:$0x6800] =	vst v63  }
0x12: {  	_ =	swait.ge [sflag:s8], $0x1400  }
0x13: {  	[sflag:s8] =	ssyncset.done $0x0  }
0x14: {  	s22 =	simm.s32 $0x0;
	[sflag:s8] =	ssyncadd.s32 $0xFFFFEC00  }
0x15: {  	[tilespmem:s11], [sflag:$0x1] =	stream.indirect.gather [hbm4b:s3+s10], $0x10, s22, s10, $0xb8;
	[tilespmem:$0x6800] =	vst v63  }
0x16: {  	s24 =	simm.s32 $0x80  }
0x17: {  	[tilespmem:s12], [sflag:$0x1] =	stream.indirect.gather [hbm4b:s3+s10], $0x10, s24, s10, $0xb8;
	[tilespmem:$0x6800] =	vst v63  }
0x18: {  	s25 =	simm.s32 $0x100  }
0x19: {  	[tilespmem:s13], [sflag:$0x1] =	stream.indirect.gather [hbm4b:s3+s10], $0x10, s25, s10, $0xb8;
	[tilespmem:$0x6800] =	vst v63  }
0x1a: {  	s26 =	simm.s32 $0x180  }
0x1b: {  	[tilespmem:s14], [sflag:$0x1] =	stream.indirect.gather [hbm4b:s3+s10], $0x10, s26, s10, $0xb8;
	[tilespmem:$0x6800] =	vst v63  }
0x1c: {  	s28 =	simm.s32 $0x200  }
0x1d: {  	[tilespmem:s15], [sflag:$0x1] =	stream.indirect.gather [hbm4b:s3+s10], $0x10, s28, s10, $0xb8;
	[tilespmem:$0x6800] =	vst v63  }
0x1e: {  	s29 =	simm.s32 $0x280  }
0x1f: {  	[tilespmem:s16], [sflag:$0x1] =	stream.indirect.gather [hbm4b:s3+s10], $0x10, s29, s10, $0xb8;
	[tilespmem:$0x6800] =	vst v63  }
0x20: {  	s30 =	simm.s32 $0x300  }
0x21: {  	[tilespmem:s17], [sflag:$0x1] =	stream.indirect.gather [hbm4b:s3+s10], $0x10, s30, s10, $0xb8;
	[tilespmem:$0x6800] =	vst v63  }
0x22: {  	s31 =	simm.s32 $0x380  }
0x23: {  	[tilespmem:s18], [sflag:$0x1] =	stream.indirect.gather [hbm4b:s3+s10], $0x10, s31, s10, $0xb8;
	[tilespmem:$0x6800] =	vst v63  }
0x24: {  	_ =	swait.ge [sflag:s19], $0x800  }
0x25: {  	[sflag:s19] =	ssyncset.done $0x0  }
0x26: {  	s23 =	simm.s32 $0x1400;
	[sflag:s19] =	ssyncadd.s32 $0xFFFFF800  }
0x27: {  	[hbm4b:s4+s10] =	stream.indirect.scatter [tilespmem:s11], [sflag:$0x2], $0x10, s23, s10, $0xb8;
	[tilespmem:$0x6800] =	vst v63  }
0x28: {  	_ =	swait.ge [sflag:s19], $0x800  }
0x29: {  	[sflag:s19] =	ssyncset.done $0x0  }
0x2a: {  	s24 =	simm.s32 $0x1480;
	[sflag:s19] =	ssyncadd.s32 $0xFFFFF800  }
0x2b: {  	[hbm4b:s4+s10] =	stream.indirect.scatter [tilespmem:s12], [sflag:$0x2], $0x10, s24, s10, $0xb8;
	[tilespmem:$0x6800] =	vst v63  }
0x2c: {  	_ =	swait.ge [sflag:s19], $0x800  }
0x2d: {  	[sflag:s19] =	ssyncset.done $0x0  }
0x2e: {  	s25 =	simm.s32 $0x1500;
	[sflag:s19] =	ssyncadd.s32 $0xFFFFF800  }
0x2f: {  	[hbm4b:s4+s10] =	stream.indirect.scatter [tilespmem:s13], [sflag:$0x2], $0x10, s25, s10, $0xb8;
	[tilespmem:$0x6800] =	vst v63  }
0x30: {  	_ =	swait.ge [sflag:s19], $0x800  }
0x31: {  	[sflag:s19] =	ssyncset.done $0x0  }
0x32: {  	s26 =	simm.s32 $0x1580;
	[sflag:s19] =	ssyncadd.s32 $0xFFFFF800  }
0x33: {  	[hbm4b:s4+s10] =	stream.indirect.scatter [tilespmem:s14], [sflag:$0x2], $0x10, s26, s10, $0xb8;
	[tilespmem:$0x6800] =	vst v63  }
0x34: {  	_ =	swait.ge [sflag:s19], $0x800  }
0x35: {  	[sflag:s19] =	ssyncset.done $0x0  }
0x36: {  	s28 =	simm.s32 $0x1600;
	[sflag:s19] =	ssyncadd.s32 $0xFFFFF800  }
0x37: {  	[hbm4b:s4+s10] =	stream.indirect.scatter [tilespmem:s15], [sflag:$0x2], $0x10, s28, s10, $0xb8;
	[tilespmem:$0x6800] =	vst v63  }
0x38: {  	_ =	swait.ge [sflag:s19], $0x800  }
0x39: {  	[sflag:s19] =	ssyncset.done $0x0  }
0x3a: {  	s29 =	simm.s32 $0x1680;
	[sflag:s19] =	ssyncadd.s32 $0xFFFFF800  }
0x3b: {  	[hbm4b:s4+s10] =	stream.indirect.scatter [tilespmem:s16], [sflag:$0x2], $0x10, s29, s10, $0xb8;
	[tilespmem:$0x6800] =	vst v63  }
0x3c: {  	_ =	swait.ge [sflag:s19], $0x800  }
0x3d: {  	[sflag:s19] =	ssyncset.done $0x0  }
0x3e: {  	s30 =	simm.s32 $0x1700;
	[sflag:s19] =	ssyncadd.s32 $0xFFFFF800  }
0x3f: {  	[hbm4b:s4+s10] =	stream.indirect.scatter [tilespmem:s17], [sflag:$0x2], $0x10, s30, s10, $0xb8;
	[tilespmem:$0x6800] =	vst v63  }
0x40: {  	_ =	swait.ge [sflag:s19], $0x800  }
0x41: {  	[sflag:s19] =	ssyncset.done $0x0  }
0x42: {  	s31 =	simm.s32 $0x1780;
	[sflag:s19] =	ssyncadd.s32 $0xFFFFF800  }
0x43: {  	[hbm4b:s4+s10] =	stream.indirect.scatter [tilespmem:s18], [sflag:$0x2], $0x10, s31, s10, $0xb8;
	[tilespmem:$0x6800] =	vst v63  }
0x44: {  	_ =	swait.ge [sflag:s20], $0x800  }
0x45: {  	[sflag:s20] =	ssyncset.done $0x0  }
0x46: {  	[sflag:s20] =	ssyncadd.s32 $0xFFFFF800  }
0x47: {  	_ =	swait.ge [sflag:s20], $0x800  }
0x48: {  	[sflag:s20] =	ssyncset.done $0x0  }
0x49: {  	[sflag:s20] =	ssyncadd.s32 $0xFFFFF800  }
0x4a: {  	_ =	swait.ge [sflag:s20], $0x800  }
0x4b: {  	[sflag:s20] =	ssyncset.done $0x0  }
0x4c: {  	[sflag:s20] =	ssyncadd.s32 $0xFFFFF800  }
0x4d: {  	_ =	swait.ge [sflag:s20], $0x800  }
0x4e: {  	[sflag:s20] =	ssyncset.done $0x0  }
0x4f: {  	[sflag:s20] =	ssyncadd.s32 $0xFFFFF800  }
0x50: {  	_ =	swait.ge [sflag:s20], $0x800  }
0x51: {  	[sflag:s20] =	ssyncset.done $0x0  }
0x52: {  	[sflag:s20] =	ssyncadd.s32 $0xFFFFF800  }
0x53: {  	_ =	swait.ge [sflag:s20], $0x800  }
0x54: {  	[sflag:s20] =	ssyncset.done $0x0  }
0x55: {  	[sflag:s20] =	ssyncadd.s32 $0xFFFFF800  }
0x56: {  	_ =	swait.ge [sflag:s20], $0x800  }
0x57: {  	[sflag:s20] =	ssyncset.done $0x0  }
0x58: {  	[sflag:s20] =	ssyncadd.s32 $0xFFFFF800  }
0x59: {  	_ =	swait.ge [sflag:s20], $0x800  }
0x5a: {  	s22 =	simm.s32 $0x1000;
	s25 =	simm.s32 $0x2000;
	[sflag:s20] =	ssyncset.done $0x0  }
.LBB2_2:
0x5b: {  	s24 =	sshra.s32 s22, $0x2  }
0x5c: {  	[sflag:s20] =	ssyncadd.s32 $0xFFFFF800;
	s22 =	smov.u32 s25;
	s23 =	sadd.s32 $0x1000, s25  }
0x5d: {  	[tilespmem:s11], [sflag:$0x1] =	stream.indirect.gather [hbm4b:s3+s10], $0x10, s24, s10, $0xb8;
	[tilespmem:$0x6800] =	vst v63  }
0x5e: {  	p0 =	sne.s32 s25, $0x4000;
	s25 =	sadd.s32 $0x80, s24  }
0x5f: {  	[tilespmem:s12], [sflag:$0x1] =	stream.indirect.gather [hbm4b:s3+s10], $0x10, s25, s10, $0xb8;
	[tilespmem:$0x6800] =	vst v63  }
0x60: {  	s25 =	sadd.s32 $0x100, s24  }
0x61: {  	[tilespmem:s13], [sflag:$0x1] =	stream.indirect.gather [hbm4b:s3+s10], $0x10, s25, s10, $0xb8;
	[tilespmem:$0x6800] =	vst v63  }
0x62: {  	s25 =	sadd.s32 $0x180, s24  }
0x63: {  	[tilespmem:s14], [sflag:$0x1] =	stream.indirect.gather [hbm4b:s3+s10], $0x10, s25, s10, $0xb8;
	[tilespmem:$0x6800] =	vst v63  }
0x64: {  	s25 =	sadd.s32 $0x200, s24  }
0x65: {  	[tilespmem:s15], [sflag:$0x1] =	stream.indirect.gather [hbm4b:s3+s10], $0x10, s25, s10, $0xb8;
	[tilespmem:$0x6800] =	vst v63  }
0x66: {  	s25 =	sadd.s32 $0x280, s24  }
0x67: {  	[tilespmem:s16], [sflag:$0x1] =	stream.indirect.gather [hbm4b:s3+s10], $0x10, s25, s10, $0xb8;
	[tilespmem:$0x6800] =	vst v63  }
0x68: {  	s25 =	sadd.s32 $0x300, s24  }
0x69: {  	[tilespmem:s17], [sflag:$0x1] =	stream.indirect.gather [hbm4b:s3+s10], $0x10, s25, s10, $0xb8;
	[tilespmem:$0x6800] =	vst v63  }
0x6a: {  	s25 =	sadd.s32 $0x380, s24  }
0x6b: {  	[tilespmem:s18], [sflag:$0x1] =	stream.indirect.gather [hbm4b:s3+s10], $0x10, s25, s10, $0xb8;
	[tilespmem:$0x6800] =	vst v63  }
0x6c: {  	_ =	swait.ge [sflag:s19], $0x800  }
0x6d: {  	[sflag:s19] =	ssyncset.done $0x0  }
0x6e: {  	s25 =	sadd.s32 $0x1400, s24;
	[sflag:s19] =	ssyncadd.s32 $0xFFFFF800  }
0x6f: {  	[hbm4b:s4+s10] =	stream.indirect.scatter [tilespmem:s11], [sflag:$0x2], $0x10, s25, s10, $0xb8;
	[tilespmem:$0x6800] =	vst v63  }
0x70: {  	_ =	swait.ge [sflag:s19], $0x800  }
0x71: {  	[sflag:s19] =	ssyncset.done $0x0  }
0x72: {  	s25 =	sadd.s32 $0x1480, s24;
	[sflag:s19] =	ssyncadd.s32 $0xFFFFF800  }
0x73: {  	[hbm4b:s4+s10] =	stream.indirect.scatter [tilespmem:s12], [sflag:$0x2], $0x10, s25, s10, $0xb8;
	[tilespmem:$0x6800] =	vst v63  }
0x74: {  	_ =	swait.ge [sflag:s19], $0x800  }
0x75: {  	[sflag:s19] =	ssyncset.done $0x0  }
0x76: {  	s25 =	sadd.s32 $0x1500, s24;
	[sflag:s19] =	ssyncadd.s32 $0xFFFFF800  }
0x77: {  	[hbm4b:s4+s10] =	stream.indirect.scatter [tilespmem:s13], [sflag:$0x2], $0x10, s25, s10, $0xb8;
	[tilespmem:$0x6800] =	vst v63  }
0x78: {  	_ =	swait.ge [sflag:s19], $0x800  }
0x79: {  	[sflag:s19] =	ssyncset.done $0x0  }
0x7a: {  	s25 =	sadd.s32 $0x1580, s24;
	[sflag:s19] =	ssyncadd.s32 $0xFFFFF800  }
0x7b: {  	[hbm4b:s4+s10] =	stream.indirect.scatter [tilespmem:s14], [sflag:$0x2], $0x10, s25, s10, $0xb8;
	[tilespmem:$0x6800] =	vst v63  }
0x7c: {  	_ =	swait.ge [sflag:s19], $0x800  }
0x7d: {  	[sflag:s19] =	ssyncset.done $0x0  }
0x7e: {  	s25 =	sadd.s32 $0x1600, s24;
	[sflag:s19] =	ssyncadd.s32 $0xFFFFF800  }
0x7f: {  	[hbm4b:s4+s10] =	stream.indirect.scatter [tilespmem:s15], [sflag:$0x2], $0x10, s25, s10, $0xb8;
	[tilespmem:$0x6800] =	vst v63  }
0x80: {  	_ =	swait.ge [sflag:s19], $0x800  }
0x81: {  	[sflag:s19] =	ssyncset.done $0x0  }
0x82: {  	s25 =	sadd.s32 $0x1680, s24;
	[sflag:s19] =	ssyncadd.s32 $0xFFFFF800  }
0x83: {  	[hbm4b:s4+s10] =	stream.indirect.scatter [tilespmem:s16], [sflag:$0x2], $0x10, s25, s10, $0xb8;
	[tilespmem:$0x6800] =	vst v63  }
0x84: {  	_ =	swait.ge [sflag:s19], $0x800  }
0x85: {  	[sflag:s19] =	ssyncset.done $0x0  }
0x86: {  	s25 =	sadd.s32 $0x1700, s24;
	[sflag:s19] =	ssyncadd.s32 $0xFFFFF800  }
0x87: {  	[hbm4b:s4+s10] =	stream.indirect.scatter [tilespmem:s17], [sflag:$0x2], $0x10, s25, s10, $0xb8;
	[tilespmem:$0x6800] =	vst v63  }
0x88: {  	_ =	swait.ge [sflag:s19], $0x800  }
0x89: {  	[sflag:s19] =	ssyncset.done $0x0  }
0x8a: {  	s24 =	sadd.s32 $0x1780, s24;
	[sflag:s19] =	ssyncadd.s32 $0xFFFFF800  }
0x8b: {  	[hbm4b:s4+s10] =	stream.indirect.scatter [tilespmem:s18], [sflag:$0x2], $0x10, s24, s10, $0xb8;
	[tilespmem:$0x6800] =	vst v63  }
0x8c: {  	_ =	swait.ge [sflag:s20], $0x800  }
0x8d: {  	[sflag:s20] =	ssyncset.done $0x0  }
0x8e: {  	[sflag:s20] =	ssyncadd.s32 $0xFFFFF800  }
0x8f: {  	_ =	swait.ge [sflag:s20], $0x800  }
0x90: {  	[sflag:s20] =	ssyncset.done $0x0  }
0x91: {  	[sflag:s20] =	ssyncadd.s32 $0xFFFFF800  }
0x92: {  	_ =	swait.ge [sflag:s20], $0x800  }
0x93: {  	[sflag:s20] =	ssyncset.done $0x0  }
0x94: {  	[sflag:s20] =	ssyncadd.s32 $0xFFFFF800  }
0x95: {  	_ =	swait.ge [sflag:s20], $0x800  }
0x96: {  	[sflag:s20] =	ssyncset.done $0x0  }
0x97: {  	[sflag:s20] =	ssyncadd.s32 $0xFFFFF800  }
0x98: {  	_ =	swait.ge [sflag:s20], $0x800  }
0x99: {  	[sflag:s20] =	ssyncset.done $0x0  }
0x9a: {  	[sflag:s20] =	ssyncadd.s32 $0xFFFFF800  }
0x9b: {  	_ =	swait.ge [sflag:s20], $0x800  }
0x9c: {  	[sflag:s20] =	ssyncset.done $0x0  }
0x9d: {  	[sflag:s20] =	ssyncadd.s32 $0xFFFFF800  }
.Ltmp0:
0x9e: {  	_ =	swait.ge [sflag:s20], $0x800;
	(pc) =	sbr.rel @p0 .LBB2_2-.Ltmp0, $4  }
0x9f: {  	[sflag:s20] =	ssyncset.done $0x0  }
0xa0: {  	[sflag:s20] =	ssyncadd.s32 $0xFFFFF800  }
0xa1: {  	_ =	swait.ge [sflag:s20], $0x800  }
0xa2: {  	s25 =	smov.u32 s23;
	[sflag:s20] =	ssyncset.done $0x0  }
0xa3: {  	s22 =	sshra.s32 s22, $0x2;
	[sflag:s20] =	ssyncadd.s32 $0xFFFFF800  }
0xa4: {  	[tilespmem:s11], [sflag:$0x1] =	stream.indirect.gather [hbm4b:s3+s10], $0x10, s22, s10, $0xb8;
	[tilespmem:$0x6800] =	vst v63  }
0xa5: {  	s23 =	sadd.s32 $0x80, s22  }
0xa6: {  	[tilespmem:s12], [sflag:$0x1] =	stream.indirect.gather [hbm4b:s3+s10], $0x10, s23, s10, $0xb8;
	[tilespmem:$0x6800] =	vst v63  }
0xa7: {  	s25 =	sadd.s32 $0x100, s22  }
0xa8: {  	[tilespmem:s13], [sflag:$0x1] =	stream.indirect.gather [hbm4b:s3+s10], $0x10, s25, s10, $0xb8;
	[tilespmem:$0x6800] =	vst v63  }
0xa9: {  	s26 =	sadd.s32 $0x180, s22  }
0xaa: {  	[tilespmem:s14], [sflag:$0x1] =	stream.indirect.gather [hbm4b:s3+s10], $0x10, s26, s10, $0xb8;
	[tilespmem:$0x6800] =	vst v63  }
0xab: {  	s28 =	sadd.s32 $0x200, s22  }
0xac: {  	[tilespmem:s15], [sflag:$0x1] =	stream.indirect.gather [hbm4b:s3+s10], $0x10, s28, s10, $0xb8;
	[tilespmem:$0x6800] =	vst v63  }
0xad: {  	s29 =	sadd.s32 $0x280, s22  }
0xae: {  	[tilespmem:s16], [sflag:$0x1] =	stream.indirect.gather [hbm4b:s3+s10], $0x10, s29, s10, $0xb8;
	[tilespmem:$0x6800] =	vst v63  }
0xaf: {  	s30 =	sadd.s32 $0x300, s22  }
0xb0: {  	[tilespmem:s17], [sflag:$0x1] =	stream.indirect.gather [hbm4b:s3+s10], $0x10, s30, s10, $0xb8;
	[tilespmem:$0x6800] =	vst v63  }
0xb1: {  	s31 =	sadd.s32 $0x380, s22  }
0xb2: {  	[tilespmem:s18], [sflag:$0x1] =	stream.indirect.gather [hbm4b:s3+s10], $0x10, s31, s10, $0xb8;
	[tilespmem:$0x6800] =	vst v63  }
0xb3: {  	_ =	swait.ge [sflag:s19], $0x800  }
0xb4: {  	[sflag:s19] =	ssyncset.done $0x0  }
0xb5: {  	s24 =	sadd.s32 $0x1400, s22;
	[sflag:s19] =	ssyncadd.s32 $0xFFFFF800  }
0xb6: {  	[hbm4b:s4+s10] =	stream.indirect.scatter [tilespmem:s11], [sflag:$0x2], $0x10, s24, s10, $0xb8;
	[tilespmem:$0x6800] =	vst v63  }
0xb7: {  	_ =	swait.ge [sflag:s19], $0x800  }
0xb8: {  	[sflag:s19] =	ssyncset.done $0x0  }
0xb9: {  	s25 =	sadd.s32 $0x1480, s22;
	[sflag:s19] =	ssyncadd.s32 $0xFFFFF800  }
0xba: {  	[hbm4b:s4+s10] =	stream.indirect.scatter [tilespmem:s12], [sflag:$0x2], $0x10, s25, s10, $0xb8;
	[tilespmem:$0x6800] =	vst v63  }
0xbb: {  	_ =	swait.ge [sflag:s19], $0x800  }
0xbc: {  	[sflag:s19] =	ssyncset.done $0x0  }
0xbd: {  	s26 =	sadd.s32 $0x1500, s22;
	[sflag:s19] =	ssyncadd.s32 $0xFFFFF800  }
0xbe: {  	[hbm4b:s4+s10] =	stream.indirect.scatter [tilespmem:s13], [sflag:$0x2], $0x10, s26, s10, $0xb8;
	[tilespmem:$0x6800] =	vst v63  }
0xbf: {  	_ =	swait.ge [sflag:s19], $0x800  }
0xc0: {  	[sflag:s19] =	ssyncset.done $0x0  }
0xc1: {  	s28 =	sadd.s32 $0x1580, s22;
	[sflag:s19] =	ssyncadd.s32 $0xFFFFF800  }
0xc2: {  	[hbm4b:s4+s10] =	stream.indirect.scatter [tilespmem:s14], [sflag:$0x2], $0x10, s28, s10, $0xb8;
	[tilespmem:$0x6800] =	vst v63  }
0xc3: {  	_ =	swait.ge [sflag:s19], $0x800  }
0xc4: {  	[sflag:s19] =	ssyncset.done $0x0  }
0xc5: {  	s29 =	sadd.s32 $0x1600, s22;
	[sflag:s19] =	ssyncadd.s32 $0xFFFFF800  }
0xc6: {  	[hbm4b:s4+s10] =	stream.indirect.scatter [tilespmem:s15], [sflag:$0x2], $0x10, s29, s10, $0xb8;
	[tilespmem:$0x6800] =	vst v63  }
0xc7: {  	_ =	swait.ge [sflag:s19], $0x800  }
0xc8: {  	[sflag:s19] =	ssyncset.done $0x0  }
0xc9: {  	s30 =	sadd.s32 $0x1680, s22;
	[sflag:s19] =	ssyncadd.s32 $0xFFFFF800  }
0xca: {  	[hbm4b:s4+s10] =	stream.indirect.scatter [tilespmem:s16], [sflag:$0x2], $0x10, s30, s10, $0xb8;
	[tilespmem:$0x6800] =	vst v63  }
0xcb: {  	_ =	swait.ge [sflag:s19], $0x800  }
0xcc: {  	[sflag:s19] =	ssyncset.done $0x0  }
0xcd: {  	s31 =	sadd.s32 $0x1700, s22;
	[sflag:s19] =	ssyncadd.s32 $0xFFFFF800  }
0xce: {  	[hbm4b:s4+s10] =	stream.indirect.scatter [tilespmem:s17], [sflag:$0x2], $0x10, s31, s10, $0xb8;
	[tilespmem:$0x6800] =	vst v63  }
0xcf: {  	_ =	swait.ge [sflag:s19], $0x800  }
0xd0: {  	[sflag:s19] =	ssyncset.done $0x0  }
0xd1: {  	s22 =	sadd.s32 $0x1780, s22;
	[sflag:s19] =	ssyncadd.s32 $0xFFFFF800  }
0xd2: {  	[hbm4b:s4+s10] =	stream.indirect.scatter [tilespmem:s18], [sflag:$0x2], $0x10, s22, s10, $0xb8;
	[tilespmem:$0x6800] =	vst v63  }
0xd3: {  	_ =	swait.ge [sflag:s20], $0x800  }
0xd4: {  	[sflag:s20] =	ssyncset.done $0x0  }
0xd5: {  	[sflag:s20] =	ssyncadd.s32 $0xFFFFF800  }
0xd6: {  	_ =	swait.ge [sflag:s20], $0x800  }
0xd7: {  	[sflag:s20] =	ssyncset.done $0x0  }
0xd8: {  	[sflag:s20] =	ssyncadd.s32 $0xFFFFF800  }
0xd9: {  	_ =	swait.ge [sflag:s20], $0x800  }
0xda: {  	[sflag:s20] =	ssyncset.done $0x0  }
0xdb: {  	[sflag:s20] =	ssyncadd.s32 $0xFFFFF800  }
0xdc: {  	_ =	swait.ge [sflag:s20], $0x800  }
0xdd: {  	[sflag:s20] =	ssyncset.done $0x0  }
0xde: {  	[sflag:s20] =	ssyncadd.s32 $0xFFFFF800  }
0xdf: {  	_ =	swait.ge [sflag:s20], $0x800  }
0xe0: {  	[sflag:s20] =	ssyncset.done $0x0  }
0xe1: {  	[sflag:s20] =	ssyncadd.s32 $0xFFFFF800  }
0xe2: {  	_ =	swait.ge [sflag:s20], $0x800  }
0xe3: {  	[sflag:s20] =	ssyncset.done $0x0  }
0xe4: {  	s21 =	sadd.s32 $0x1, s21;
	[sflag:s20] =	ssyncadd.s32 $0xFFFFF800  }
0xe5: {  	p0 =	sne.s32 s21, s7;
	_ =	swait.ge [sflag:s20], $0x800  }
.Ltmp1:
0xe6: {  	[sflag:s20] =	ssyncset.done $0x0;
	(pc) =	sbr.rel @p0 .LBB2_1-.Ltmp1, $4  }
0xe7: {  	[sflag:s20] =	ssyncadd.s32 $0xFFFFF800  }
0xe8: {  	_ =	swait.ge [sflag:s20], $0x800  }
0xe9: {  	[sflag:s20] =	ssyncset.done $0x0  }
0xea: {  	[sflag:s20] =	ssyncadd.s32 $0xFFFFF800  }
0xeb: {  	_ =	sfence.sel $0x180000  }
0xec: {  	[bflag:$0x0] =	sbarrier.arrive $0xFFFF  }
0xed: {  	p0 =	sne.s32 s0, $0x0;
	_ =	strace $0x9000004A  }
0xee: {  	s0 =	sadd.s32 @!p0 $0x100000, s1;
	[bflag:$0x2] =	sbarrier.arrive $0xFFFF  }
0xef: {  	[sflag:s0] =	ssyncadd.tile.s32 @!p0 $0x1;
	_ =	shalt  }
.Lfunc_end2:
_tile_overlayer_lowered:
.L_overlay_start_2:
0xf0: {  	(tag) =	ssettag $0x2  }
0xf1: {  	s0 =	rddreg [dreg:$0x0];
	s2 =	stileid.u32  }
0xf2: {  	s1 =	rddreg [dreg:$0x1];
	p0 =	sne.s32 s2, $0x0  }
0xf3: {  	s3 =	rddreg [dreg:$0x2];
	[bflag:$0x3] =	sbarrier.arrive $0xFFFF;
	s2 =	simm.s32 @!p0 $0x1C03  }
0xf4: {  	[timem:s3], [sflag:s2] =	dma.local @!p0 [hbm:s0], s1  }
0xf5: {  	s0 =	simm.s32 @!p0 $0x3  }
0xf6: {  	_ =	swait.ge @!p0 [sflag:s0], s1  }
0xf7: {  	s1 =	ssub.s32 @!p0 $0x0, s1;
	[sflag:s0] =	ssyncset.done @!p0 $0x0  }
0xf8: {  	[sflag:s0] =	ssyncadd.s32 @!p0 s1  }
0xf9: {  	[bflag:$0x3] =	sbarrier.arrive $0xFFFF  }
0xfa: {  	_ =	shalt  }

// kernel: kernel.8.cloned.1.call-start
scs
__scs_entry_jumppad:
0x0: {  	(pc) =	sbr.rel $0x88, $3  }
0x1: {  	(tag) =	ssettag $0x0;
	lr =	simm.s32 $0x1  }
0x2: {  	[smem:$0x3F96] =	sst lr;
	_ =	strace $0xD0000000  }
0x3: {  	_ = 	snop  }
0x4: {  	_ = 	snop  }
0x5: {  	_ = 	snop  }
0x6: {  	_ = 	snop  }
0x7: {  	_ = 	snop  }
__scs_overlays_trampoline_lowered:
0x8: {  	[smem:$0x3FA5] =	sst s0  }
0x9: {  	[smem:$0x3FA6] =	sst s1  }
0xa: {  	[smem:$0x3FA7] =	sst s2  }
0xb: {  	[smem:$0x3FA8] =	sst s3  }
0xc: {  	[smem:$0x3FA9] =	sst s4  }
0xd: {  	[smem:$0x3FAA] =	sst s5  }
0xe: {  	[smem:$0x3FAB] =	sst s6  }
0xf: {  	[smem:$0x3FAC] =	sst s7  }
0x10: {  	[smem:$0x3FAD] =	sst s8  }
0x11: {  	[smem:$0x3FAE] =	sst s9;
	s0 =	simm.s32 @!p0 $0x0  }
0x12: {  	s1 =	sld [smem:$0x3F94];
	s0 =	simm.s32 @p0 $0x1  }
0x13: {  	[smem:$0x3FAF] =	sst s0;
	s0 =	simm.s32 @!p1 $0x0  }
0x14: {  	s2 =	sld [smem:$0x3F93];
	s0 =	simm.s32 @p1 $0x1  }
0x15: {  	[smem:$0x3FB0] =	sst s0;
	s0 =	simm.s32 @!p2 $0x0  }
0x16: {  	s3 =	sld [smem:$0x3FDB];
	s0 =	simm.s32 @p2 $0x1  }
0x17: {  	s4 =	simm.s32 $0x1BF5;
	[smem:$0x3FB2] =	sst s0  }
0x18: {  	s0 =	sld [smem:$0x3F95];
	_ =	swait.ge [sflag:s4], $0x0  }
0x19: {  	s7 =	sld [smem:$0x3F96]  }
0x1a: {  	s8 =	sadd.s32 $0xFFFFE003, lr  }
0x1b: {  	s9 =	sadd.s32 $0xFFFFFEF7, lr;
	s5 =	simm.s32 $0xFFFFFFFF;
	p2 =	slt.u32 s8, $0xFFFFF086  }
0x1c: {  	p1 =	slt.u32 s9, $0xF7A;
	s5 =	simm.s32 @!p2 $0x0  }
0x1d: {  	s5 =	simm.s32 @p1 $0x1;
	p0 =	seq.s32 s7, s2  }
0x1e: {  	s7 =	smul.u32 @!p0 $0xF7A, s2;
	p2 =	seq.s32 @!p0 s5, $0x0  }
0x1f: {  	s9 =	smul.u32 $0xF7A, s1;
	s8 =	simm.s32 @!p0 $0x1BF5;
	p2 =	por !p2, p0  }
0x20: {  	[sflag:s8] =	ssyncset.s32 @!p0 $0xFFFFF086;
	s6 =	sadd.s32 @!p0 s3, s7;
	s7 =	simm.s32 @!p0 $0x108  }
0x21: {  	s3 =	sadd.s32 s3, s9;
	s6 =	sadd.s32 @!p0 $0x88, s6;
	s7 =	simm.s32 @p2 $0x1082  }
0x22: {  	[simem:s7], [sflag:s8] =	dma.local @!p0 [hbm:s6], $0xF7A  }
0x23: {  	s9 =	sor.u32 $0xD0000000, s2;
	s6 =	simm.s32 $0x108;
	_ =	swait.ge @!p0 [sflag:s8], $0x0  }
0x24: {  	s3 =	sadd.s32 $0x88, s3;
	s6 =	simm.s32 @!p1 $0x1082;
	[sflag:s4] =	ssyncset.s32 $0xFFFFF086  }
0x25: {  	[simem:s6], [sflag:s4] =	dma.local [hbm:s3], $0xF7A  }
0x26: {  	[smem:$0x3F96] =	sst s1;
	(tag) =	ssettag s2;
	_ =	strace s9  }
0x27: {  	s1 =	sld [smem:$0x3FA6]  }
0x28: {  	s2 =	sld [smem:$0x3FA7]  }
0x29: {  	s4 =	sld [smem:$0x3FA9]  }
0x2a: {  	p0 =	seq.s32 s5, $0x0;
	s5 =	sld [smem:$0x3FAA]  }
0x2b: {  	s6 =	sld [smem:$0x3FAB]  }
0x2c: {  	s7 =	sld [smem:$0x3FAC]  }
0x2d: {  	s3 =	simm.s32 $0x108;
	s8 =	sld [smem:$0x3FAD]  }
0x2e: {  	s3 =	simm.s32 @!p0 $0x1082;
	s9 =	sld [smem:$0x3FAE]  }
0x2f: {  	lr =	sadd.s32 s0, s3;
	s0 =	sld [smem:$0x3FA5]  }
0x30: {  	s3 =	sld [smem:$0x3FA8]  }
0x31: {  	[smem:$0x3FB1] =	sst s10  }
0x32: {  	s10 =	sld [smem:$0x3FAF];
	_ =	sdelay $0x3  }
0x33: {  	p0 =	seq.s32 s10, $0x1;
	s10 =	sld [smem:$0x3FB1];
	_ =	sdelay $0x3  }
0x34: {  	[smem:$0x3FB1] =	sst s10  }
0x35: {  	s10 =	sld [smem:$0x3FB0];
	_ =	sdelay $0x3  }
0x36: {  	p1 =	seq.s32 s10, $0x1;
	s10 =	sld [smem:$0x3FB1];
	_ =	sdelay $0x3  }
0x37: {  	[smem:$0x3FB1] =	sst s10  }
0x38: {  	s10 =	sld [smem:$0x3FB2]  }
0x39: {  	_ = 	snop;
	(pc) =	sbr.ind lr, $3  }
0x3a: {  	_ = 	snop  }
0x3b: {  	_ = 	snop  }
0x3c: {  	p2 =	seq.s32 s10, $0x1;
	s10 =	sld [smem:$0x3FB1]  }
0x3d: {  	_ =	shalt  }
0x3e: {  	_ =	shalt  }
0x3f: {  	_ =	shalt  }
0x40: {  	_ =	shalt  }
0x41: {  	_ =	shalt  }
0x42: {  	_ =	shalt  }
0x43: {  	_ =	shalt  }
0x44: {  	_ =	shalt  }
0x45: {  	_ =	shalt  }
0x46: {  	_ =	shalt  }
0x47: {  	_ =	shalt  }
0x48: {  	_ =	shalt  }
0x49: {  	_ =	shalt  }
0x4a: {  	_ =	shalt  }
0x4b: {  	_ =	shalt  }
0x4c: {  	_ =	shalt  }
0x4d: {  	_ =	shalt  }
0x4e: {  	_ =	shalt  }
0x4f: {  	_ =	shalt  }
0x50: {  	_ =	shalt  }
0x51: {  	_ =	shalt  }
0x52: {  	_ =	shalt  }
0x53: {  	_ =	shalt  }
0x54: {  	_ =	shalt  }
0x55: {  	_ =	shalt  }
0x56: {  	_ =	shalt  }
0x57: {  	_ =	shalt  }
0x58: {  	_ =	shalt  }
0x59: {  	_ =	shalt  }
0x5a: {  	_ =	shalt  }
0x5b: {  	_ =	shalt  }
0x5c: {  	_ =	shalt  }
0x5d: {  	_ =	shalt  }
0x5e: {  	_ =	shalt  }
0x5f: {  	_ =	shalt  }
0x60: {  	_ =	shalt  }
0x61: {  	_ =	shalt  }
0x62: {  	_ =	shalt  }
0x63: {  	_ =	shalt  }
0x64: {  	_ =	shalt  }
0x65: {  	_ =	shalt  }
0x66: {  	_ =	shalt  }
0x67: {  	_ =	shalt  }
0x68: {  	_ =	shalt  }
0x69: {  	_ =	shalt  }
0x6a: {  	_ =	shalt  }
0x6b: {  	_ =	shalt  }
0x6c: {  	_ =	shalt  }
0x6d: {  	_ =	shalt  }
0x6e: {  	_ =	shalt  }
0x6f: {  	_ =	shalt  }
0x70: {  	_ =	shalt  }
0x71: {  	_ =	shalt  }
0x72: {  	_ =	shalt  }
0x73: {  	_ =	shalt  }
0x74: {  	_ =	shalt  }
0x75: {  	_ =	shalt  }
0x76: {  	_ =	shalt  }
0x77: {  	_ =	shalt  }
0x78: {  	_ =	shalt  }
0x79: {  	_ =	shalt  }
0x7a: {  	_ =	shalt  }
0x7b: {  	_ =	shalt  }
0x7c: {  	_ =	shalt  }
0x7d: {  	_ =	shalt  }
0x7e: {  	_ =	shalt  }
0x7f: {  	_ =	shalt  }
0x80: {  	_ =	shalt  }
0x81: {  	_ =	shalt  }
0x82: {  	_ =	shalt  }
0x83: {  	_ =	shalt  }
0x84: {  	_ =	shalt  }
0x85: {  	_ =	shalt  }
0x86: {  	_ =	shalt  }
0x87: {  	_ =	shalt  }
.Lfunc_end0:
.L_simem_size_0:
called_computation_lowered:
.L_overlay_start_0:
0x88: {  	s2 =	sld [smem:$0x3FD9]  }
0x89: {  	s3 =	sld [smem:$0x3FFE];
	_ =	sdelay $0x1  }
0x8a: {  	s1 =	srdreg.scid  }
0x8b: {  	s0 =	sand.u32 $0x1, s1  }
0x8c: {  	s17 =	sshll.u32 s0, $0xA;
	s2 =	sadd.s32 s3, s2  }
0x8d: {  	s2 =	sadd.s32 s2, s17  }
0x8e: {  	[smem:$0x3FBD] =	sst s2  }
0x8f: {  	_ = 	snop  }
0x90: {  	s2 =	sld [smem:$0x3FD0];
	(tm) =	ssettm $0x1  }
0x91: {  	s18 =	sld [smem:$0x3FFB];
	_ =	sdelay $0x3  }
0x92: {  	_ =	strace s18  }
0x93: {  	s3 =	sld [smem:$0x3FFC];
	_ =	sdelay $0x3  }
0x94: {  	_ =	strace s3  }
0x95: {  	s3 =	sld [smem:$0x3FFD];
	_ =	sdelay $0x3  }
0x96: {  	_ =	strace s3  }
0x97: {  	_ =	strace $0x8FFFFFFF  }
0x98: {  	s19 =	sld [smem:$0x3FDB];
	_ =	sdelay $0x1  }
0x99: {  	s4 =	simm.s32 $_scs_section_size  }
0x9a: {  	s5 =	simm.s32 $_size__tile_overlayer_lowered;
	s6 =	simm.s32 $_tile_overlayer_lowered  }
0x9b: {  	s22 =	simm.s32 $0x1BFF;
	s21 =	sshll.u32 s6, $0x1;
	s3 =	sadd.s32 s4, s19  }
0x9c: {  	s7 =	simm.s32 $0x0;
	s20 =	sshll.u32 s5, $0x1;
	s5 =	sadd.s32 s21, s3  }
0x9d: {  	[timem:s7], [sflag:s22] =	dma.local [hbm:s5], s20  }
0x9e: {  	_ =	swait.ge [sflag:s22], s20  }
0x9f: {  	s4 =	ssub.s32 $0x0, s20;
	[sflag:s22] =	ssyncset.done $0x0  }
0xa0: {  	[sflag:s22] =	ssyncadd.s32 s4;
	_ =	sdelay $0x1  }
0xa1: {  	s23 =	simm.s32 $0x1B8B  }
0xa2: {  	_ =	swait.ge [sflag:s23], $0x1  }
0xa3: {  	[sflag:s23] =	ssyncset.done $0x0  }
0xa4: {  	s25 =	simm.s32 $0x1B8E;
	s24 =	sld [smem:$0x3FFE];
	[sflag:s23] =	ssyncadd.s32 $0xFFFFFFFF  }
0xa5: {  	s26 =	simm.s32 $execute0_lowered;
	[smem:$0x3FD2] =	sst s25  }
0xa6: {  	s5 =	sshll.u32 s26, $0x1;
	_ =	strace $0x80000046;
	[dreg:$0x1] =	wrdreg $0xFFFFFFFF  }
0xa7: {  	s28 =	simm.s32 $_size_execute0_lowered;
	s3 =	sadd.s32 s3, s5;
	[dreg:$0x0] =	wrdreg $0x0  }
0xa8: {  	s5 =	sshll.u32 s28, $0x1;
	[dreg:$0x2] =	wrdreg s3  }
0xa9: {  	[dreg:$0x3] =	wrdreg s5  }
0xaa: {  	[dreg:$0x4] =	wrdreg $0xC0  }
0xab: {  	_ =	task [dreg:s7], $0x5FFFF  }
0xac: {  	[dreg:$0x1] =	wrdreg $0xFFFFFFFF  }
0xad: {  	[dreg:$0x0] =	wrdreg $0x60  }
0xae: {  	[dreg:$0x2] =	wrdreg s24  }
0xaf: {  	[dreg:$0x3] =	wrdreg s2  }
0xb0: {  	[dreg:$0x4] =	wrdreg $0x9  }
0xb1: {  	_ =	task.clear_ibuf [dreg:s7], $0x5FFFF;
	_ =	strace $0x90000046  }
0xb2: {  	s29 =	simm.s32 $0x9;
	_ =	strace $0x80000048  }
0xb3: {  	_ =	swait.ge [sflag:s29], $0x1  }
0xb4: {  	[sflag:s29] =	ssyncadd.s32 $0xFFFFFFFF  }
0xb5: {  	_ =	strace $0x90000048  }
0xb6: {  	_ =	sfence  }
0xb7: {  	s30 =	sld [smem:$0x0];
	_ =	sdelay $0x2  }
0xb8: {  	s31 =	sshll.u32 s1, $0xD;
	s1 =	sshrl.u32 s1, $0x2  }
0xb9: {  	s3 =	sand.u32 $0x4000, s31;
	s1 =	sadd.s32 s1, s30  }
0xba: {  	s0 =	sor.u32 s3, s0;
	s1 =	sshll.u32 s1, $0x11  }
0xbb: {  	s0 =	sor.u32 s1, s0  }
0xbc: {  	s0 =	sadd.s32 $0x8F2B, s0  }
0xbd: {  	[sflag:s0] =	ssyncadd.remote.s32 $0x1  }
0xbe: {  	_ =	sfence.sel $0xFFFF  }
0xbf: {  	[dreg:$0x0] =	wrdreg $0xFFFFFFFF;
	(pc) =	sbr.abs _section_cstart, $3  }
0xc0: {  	[dreg:$0x1] =	wrdreg $0xFFFFFFFF  }
0xc1: {  	_ =	task.clear_ibuf [dreg:s7], $0x2FFFF;
	_ =	strace $0x9FFFFFFF  }
0xc2: {  	(tm) =	ssettm $0x7FFFFFFF  }
0xc3: {  	_ =	shalt  }
tec
execute0_lowered:
.L_overlay_start_1:
0x0: {  	(tag) =	ssettag $0x1  }
0x1: {  	s0 =	rddreg [dreg:$0x0];
	s1 =	srdreg.scid  }
0x2: {  	s3 =	stileid.u32;
	s2 =	rddreg [dreg:$0x1];
	s10 =	simm.s32 $0x0  }
0x3: {  	s14 =	simm.s32 $0x80;
	s12 =	simm.s32 $0x7400;
	s16 =	simm.s32 $0x7C00  }
0x4: {  	s17 =	simm.s32 $0x8400;
	s18 =	simm.s32 $0x8C00;
	s19 =	simm.s32 $0x9400  }
0x5: {  	s20 =	simm.s32 $0x9C00;
	s26 =	simm.s32 $0xF400;
	s28 =	simm.s32 $0xD400  }
0x6: {  	s29 =	simm.s32 $0xDC00;
	s30 =	simm.s32 $0xE400;
	s31 =	simm.s32 $0xEC00  }
0x7: {  	s13 =	simm.s32 $0xF480;
	s11 =	simm.s32 $0xF500;
	s15 =	simm.s32 $0xF600  }
0x8: {  	s1 =	sand.u32 $0x1, s1;
	s3 =	sshll.u32 s3, $0x1;
	[smem:$0x7FF] =	sst s10  }
0x9: {  	s5 =	sadd.s32 $0x38D000, s0;
	s6 =	sor.u32 s1, s3;
	_ =	strace $0x80000047  }
0xa: {  	s1 =	ssub.s32 $0x2, s1;
	[dreg:$0x3] =	wrdreg s26;
	s26 =	simm.s32 $0xCC00  }
0xb: {  	s3 =	sshll.u32 s6, $0xA;
	s4 =	smul.u32 $0x680, s6;
	s9 =	sshrl.u32 s1, $0x1  }
0xc: {  	s24 =	sshll.u32 s6, $0x6;
	s6 =	simm.s32 $0xF580;
	s7 =	sadd.s32 s3, s0  }
0xd: {  	s3 =	sadd.s32 $0x28200, s0;
	s21 =	ssub.s32 s1, s9;
	s1 =	sadd.s32 s2, s24  }
0xe: {  	s24 =	simm.s32 $0xBC00;
	s9 =	simm.s32 $0x0;
	s8 =	sadd.s32 s4, s0  }
0xf: {  	s4 =	sadd.s32 $0x335600, s0;
	s22 =	sadd.s32 $0x13200, s7;
	[dreg:$0x7] =	wrdreg s1  }
0x10: {  	s23 =	sadd.s32 $0x385000, s7;
	s0 =	smax.u32 s21, $0x1;
	[dreg:$0x4] =	wrdreg s22  }
0x11: {  	s21 =	simm.s32 $0xA400;
	s1 =	simm.s32 $0x1;
	[dreg:$0x5] =	wrdreg s23  }
0x12: {  	s7 =	simm.s32 $0x2;
	s25 =	sadd.s32 $0x1B200, s8;
	[dreg:$0x8] =	wrdreg s0  }
0x13: {  	s8 =	simm.s32 $0x4;
	s22 =	simm.s32 $0xAC00;
	s23 =	simm.s32 $0xB400  }
0x14: {  	s0 =	simm.s32 $0x3;
	[dreg:$0x6] =	wrdreg s25;
	s25 =	simm.s32 $0xC400  }
.LBB2_1:
0x15: {  	[dreg:$0x9] =	wrdreg s9  }
0x16: {  	s2 =	rddreg [dreg:$0x4]  }
0x17: {  	[tilespmem:s10], [sflag:$0x4] =	stream.linear.gather [hbm4b:s2+s10], $0x2000, $0x38;
	[tilespmem:$0xFC80] =	vst v63  }
0x18: {  	_ =	swait.ge [sflag:s8], $0x2000  }
0x19: {  	[sflag:s8] =	ssyncset.done $0x0  }
0x1a: {  	s9 =	simm.s32 $0x2000;
	s2 =	rddreg [dreg:$0x5];
	[sflag:s8] =	ssyncadd.s32 $0xFFFFE000  }
0x1b: {  	[tilespmem:s9], [sflag:$0x4] =	stream.linear.gather [hbm4b:s2+s10], $0x2000, $0x38;
	[tilespmem:$0xFC80] =	vst v63  }
0x1c: {  	_ =	swait.ge [sflag:s8], $0x2000  }
0x1d: {  	[sflag:s8] =	ssyncset.done $0x0  }
0x1e: {  	s9 =	simm.s32 $0x4000;
	s2 =	rddreg [dreg:$0x6];
	[sflag:s8] =	ssyncadd.s32 $0xFFFFE000  }
0x1f: {  	[tilespmem:s9], [sflag:$0x4] =	stream.linear.gather [hbm4b:s2+s10], $0x3400, $0x38;
	[tilespmem:$0xFC80] =	vst v63  }
0x20: {  	_ =	swait.ge [sflag:s8], $0x3400  }
0x21: {  	[sflag:s8] =	ssyncset.done $0x0  }
0x22: {  	s9 =	simm.s32 $0x0;
	[sflag:s8] =	ssyncadd.s32 $0xFFFFCC00  }
0x23: {  	[tilespmem:s12], [sflag:$0x1] =	stream.indirect.gather [hbm4b:s3+s14], $0x10, s9, s14, $0xb8;
	[tilespmem:$0xFC80] =	vst v63  }
0x24: {  	s10 =	simm.s32 $0x80  }
0x25: {  	[tilespmem:s16], [sflag:$0x1] =	stream.indirect.gather [hbm4b:s3+s14], $0x10, s10, s14, $0xb8;
	[tilespmem:$0xFC80] =	vst v63  }
0x26: {  	s8 =	simm.s32 $0x100  }
0x27: {  	[tilespmem:s17], [sflag:$0x1] =	stream.indirect.gather [hbm4b:s3+s14], $0x10, s8, s14, $0xb8;
	[tilespmem:$0xFC80] =	vst v63  }
0x28: {  	s9 =	simm.s32 $0x180  }
0x29: {  	[tilespmem:s18], [sflag:$0x1] =	stream.indirect.gather [hbm4b:s3+s14], $0x10, s9, s14, $0xb8;
	[tilespmem:$0xFC80] =	vst v63  }
0x2a: {  	s10 =	simm.s32 $0x200  }
0x2b: {  	[tilespmem:s19], [sflag:$0x1] =	stream.indirect.gather [hbm4b:s3+s14], $0x10, s10, s14, $0xb8;
	[tilespmem:$0xFC80] =	vst v63  }
0x2c: {  	s8 =	simm.s32 $0x280  }
0x2d: {  	[tilespmem:s20], [sflag:$0x1] =	stream.indirect.gather [hbm4b:s3+s14], $0x10, s8, s14, $0xb8;
	[tilespmem:$0xFC80] =	vst v63  }
0x2e: {  	s9 =	simm.s32 $0x300  }
0x2f: {  	[tilespmem:s21], [sflag:$0x1] =	stream.indirect.gather [hbm4b:s3+s14], $0x10, s9, s14, $0xb8;
	[tilespmem:$0xFC80] =	vst v63  }
0x30: {  	s10 =	simm.s32 $0x380  }
0x31: {  	[tilespmem:s22], [sflag:$0x1] =	stream.indirect.gather [hbm4b:s3+s14], $0x10, s10, s14, $0xb8;
	[tilespmem:$0xFC80] =	vst v63  }
0x32: {  	s8 =	simm.s32 $0x400  }
0x33: {  	[tilespmem:s23], [sflag:$0x1] =	stream.indirect.gather [hbm4b:s3+s14], $0x10, s8, s14, $0xb8;
	[tilespmem:$0xFC80] =	vst v63  }
0x34: {  	s9 =	simm.s32 $0x480  }
0x35: {  	[tilespmem:s24], [sflag:$0x1] =	stream.indirect.gather [hbm4b:s3+s14], $0x10, s9, s14, $0xb8;
	[tilespmem:$0xFC80] =	vst v63  }
0x36: {  	s10 =	simm.s32 $0x500  }
0x37: {  	[tilespmem:s25], [sflag:$0x1] =	stream.indirect.gather [hbm4b:s3+s14], $0x10, s10, s14, $0xb8;
	[tilespmem:$0xFC80] =	vst v63  }
0x38: {  	s8 =	simm.s32 $0x580  }
0x39: {  	[tilespmem:s26], [sflag:$0x1] =	stream.indirect.gather [hbm4b:s3+s14], $0x10, s8, s14, $0xb8;
	[tilespmem:$0xFC80] =	vst v63  }
0x3a: {  	s9 =	simm.s32 $0x600  }
0x3b: {  	[tilespmem:s28], [sflag:$0x1] =	stream.indirect.gather [hbm4b:s3+s14], $0x10, s9, s14, $0xb8;
	[tilespmem:$0xFC80] =	vst v63  }
0x3c: {  	s10 =	simm.s32 $0x680  }
0x3d: {  	[tilespmem:s29], [sflag:$0x1] =	stream.indirect.gather [hbm4b:s3+s14], $0x10, s10, s14, $0xb8;
	[tilespmem:$0xFC80] =	vst v63  }
0x3e: {  	s8 =	simm.s32 $0x700  }
0x3f: {  	[tilespmem:s30], [sflag:$0x1] =	stream.indirect.gather [hbm4b:s3+s14], $0x10, s8, s14, $0xb8;
	[tilespmem:$0xFC80] =	vst v63  }
0x40: {  	s9 =	simm.s32 $0x780  }
0x41: {  	[tilespmem:s31], [sflag:$0x1] =	stream.indirect.gather [hbm4b:s3+s14], $0x10, s9, s14, $0xb8;
	[tilespmem:$0xFC80] =	vst v63  }
0x42: {  	_ =	swait.ge [sflag:s1], $0x800  }
0x43: {  	[sflag:s1] =	ssyncset.done $0x0  }
0x44: {  	s10 =	simm.s32 $0x2000;
	[sflag:s1] =	ssyncadd.s32 $0xFFFFF800  }
0x45: {  	[hbm4b:s5+s14] =	stream.indirect.scatter [tilespmem:s12], [sflag:$0x3], $0x10, s10, s14, $0xb8;
	[tilespmem:$0xFC80] =	vst v63  }
0x46: {  	_ =	swait.ge [sflag:s1], $0x800  }
0x47: {  	[sflag:s1] =	ssyncset.done $0x0  }
0x48: {  	s8 =	simm.s32 $0x2080;
	[sflag:s1] =	ssyncadd.s32 $0xFFFFF800  }
0x49: {  	[hbm4b:s5+s14] =	stream.indirect.scatter [tilespmem:s16], [sflag:$0x3], $0x10, s8, s14, $0xb8;
	[tilespmem:$0xFC80] =	vst v63  }
0x4a: {  	_ =	swait.ge [sflag:s1], $0x800  }
0x4b: {  	[sflag:s1] =	ssyncset.done $0x0  }
0x4c: {  	s9 =	simm.s32 $0x2100;
	[sflag:s1] =	ssyncadd.s32 $0xFFFFF800  }
0x4d: {  	[hbm4b:s5+s14] =	stream.indirect.scatter [tilespmem:s17], [sflag:$0x3], $0x10, s9, s14, $0xb8;
	[tilespmem:$0xFC80] =	vst v63  }
0x4e: {  	_ =	swait.ge [sflag:s1], $0x800  }
0x4f: {  	[sflag:s1] =	ssyncset.done $0x0  }
0x50: {  	s10 =	simm.s32 $0x2180;
	[sflag:s1] =	ssyncadd.s32 $0xFFFFF800  }
0x51: {  	[hbm4b:s5+s14] =	stream.indirect.scatter [tilespmem:s18], [sflag:$0x3], $0x10, s10, s14, $0xb8;
	[tilespmem:$0xFC80] =	vst v63  }
0x52: {  	_ =	swait.ge [sflag:s1], $0x800  }
0x53: {  	[sflag:s1] =	ssyncset.done $0x0  }
0x54: {  	s8 =	simm.s32 $0x2200;
	[sflag:s1] =	ssyncadd.s32 $0xFFFFF800  }
0x55: {  	[hbm4b:s5+s14] =	stream.indirect.scatter [tilespmem:s19], [sflag:$0x3], $0x10, s8, s14, $0xb8;
	[tilespmem:$0xFC80] =	vst v63  }
0x56: {  	_ =	swait.ge [sflag:s1], $0x800  }
0x57: {  	[sflag:s1] =	ssyncset.done $0x0  }
0x58: {  	s9 =	simm.s32 $0x2280;
	[sflag:s1] =	ssyncadd.s32 $0xFFFFF800  }
0x59: {  	[hbm4b:s5+s14] =	stream.indirect.scatter [tilespmem:s20], [sflag:$0x3], $0x10, s9, s14, $0xb8;
	[tilespmem:$0xFC80] =	vst v63  }
0x5a: {  	_ =	swait.ge [sflag:s1], $0x800  }
0x5b: {  	[sflag:s1] =	ssyncset.done $0x0  }
0x5c: {  	s10 =	simm.s32 $0x2300;
	[sflag:s1] =	ssyncadd.s32 $0xFFFFF800  }
0x5d: {  	[hbm4b:s5+s14] =	stream.indirect.scatter [tilespmem:s21], [sflag:$0x3], $0x10, s10, s14, $0xb8;
	[tilespmem:$0xFC80] =	vst v63  }
0x5e: {  	_ =	swait.ge [sflag:s1], $0x800  }
0x5f: {  	[sflag:s1] =	ssyncset.done $0x0  }
0x60: {  	s8 =	simm.s32 $0x2380;
	[sflag:s1] =	ssyncadd.s32 $0xFFFFF800  }
0x61: {  	[hbm4b:s5+s14] =	stream.indirect.scatter [tilespmem:s22], [sflag:$0x3], $0x10, s8, s14, $0xb8;
	[tilespmem:$0xFC80] =	vst v63  }
0x62: {  	_ =	swait.ge [sflag:s1], $0x800  }
0x63: {  	[sflag:s1] =	ssyncset.done $0x0  }
0x64: {  	s9 =	simm.s32 $0x2400;
	[sflag:s1] =	ssyncadd.s32 $0xFFFFF800  }
0x65: {  	[hbm4b:s5+s14] =	stream.indirect.scatter [tilespmem:s23], [sflag:$0x3], $0x10, s9, s14, $0xb8;
	[tilespmem:$0xFC80] =	vst v63  }
0x66: {  	_ =	swait.ge [sflag:s1], $0x800  }
0x67: {  	[sflag:s1] =	ssyncset.done $0x0  }
0x68: {  	s10 =	simm.s32 $0x2480;
	[sflag:s1] =	ssyncadd.s32 $0xFFFFF800  }
0x69: {  	[hbm4b:s5+s14] =	stream.indirect.scatter [tilespmem:s24], [sflag:$0x3], $0x10, s10, s14, $0xb8;
	[tilespmem:$0xFC80] =	vst v63  }
0x6a: {  	_ =	swait.ge [sflag:s1], $0x800  }
0x6b: {  	[sflag:s1] =	ssyncset.done $0x0  }
0x6c: {  	s8 =	simm.s32 $0x2500;
	[sflag:s1] =	ssyncadd.s32 $0xFFFFF800  }
0x6d: {  	[hbm4b:s5+s14] =	stream.indirect.scatter [tilespmem:s25], [sflag:$0x3], $0x10, s8, s14, $0xb8;
	[tilespmem:$0xFC80] =	vst v63  }
0x6e: {  	_ =	swait.ge [sflag:s1], $0x800  }
0x6f: {  	[sflag:s1] =	ssyncset.done $0x0  }
0x70: {  	s9 =	simm.s32 $0x2580;
	[sflag:s1] =	ssyncadd.s32 $0xFFFFF800  }
0x71: {  	[hbm4b:s5+s14] =	stream.indirect.scatter [tilespmem:s26], [sflag:$0x3], $0x10, s9, s14, $0xb8;
	[tilespmem:$0xFC80] =	vst v63  }
0x72: {  	_ =	swait.ge [sflag:s1], $0x800  }
0x73: {  	[sflag:s1] =	ssyncset.done $0x0  }
0x74: {  	s10 =	simm.s32 $0x2600;
	[sflag:s1] =	ssyncadd.s32 $0xFFFFF800  }
0x75: {  	[hbm4b:s5+s14] =	stream.indirect.scatter [tilespmem:s28], [sflag:$0x3], $0x10, s10, s14, $0xb8;
	[tilespmem:$0xFC80] =	vst v63  }
0x76: {  	_ =	swait.ge [sflag:s1], $0x800  }
0x77: {  	[sflag:s1] =	ssyncset.done $0x0  }
0x78: {  	s8 =	simm.s32 $0x2680;
	[sflag:s1] =	ssyncadd.s32 $0xFFFFF800  }
0x79: {  	[hbm4b:s5+s14] =	stream.indirect.scatter [tilespmem:s29], [sflag:$0x3], $0x10, s8, s14, $0xb8;
	[tilespmem:$0xFC80] =	vst v63  }
0x7a: {  	_ =	swait.ge [sflag:s1], $0x800  }
0x7b: {  	[sflag:s1] =	ssyncset.done $0x0  }
0x7c: {  	s9 =	simm.s32 $0x2700;
	[sflag:s1] =	ssyncadd.s32 $0xFFFFF800  }
0x7d: {  	[hbm4b:s5+s14] =	stream.indirect.scatter [tilespmem:s30], [sflag:$0x3], $0x10, s9, s14, $0xb8;
	[tilespmem:$0xFC80] =	vst v63  }
0x7e: {  	_ =	swait.ge [sflag:s1], $0x800  }
0x7f: {  	[sflag:s1] =	ssyncset.done $0x0  }
0x80: {  	s10 =	simm.s32 $0x2780;
	[sflag:s1] =	ssyncadd.s32 $0xFFFFF800  }
0x81: {  	[hbm4b:s5+s14] =	stream.indirect.scatter [tilespmem:s31], [sflag:$0x3], $0x10, s10, s14, $0xb8;
	[tilespmem:$0xFC80] =	vst v63  }
0x82: {  	_ =	swait.ge [sflag:s0], $0x800  }
0x83: {  	[sflag:s0] =	ssyncset.done $0x0  }
0x84: {  	[sflag:s0] =	ssyncadd.s32 $0xFFFFF800  }
0x85: {  	_ =	swait.ge [sflag:s0], $0x800  }
0x86: {  	[sflag:s0] =	ssyncset.done $0x0  }
0x87: {  	[sflag:s0] =	ssyncadd.s32 $0xFFFFF800  }
0x88: {  	_ =	swait.ge [sflag:s0], $0x800  }
0x89: {  	[sflag:s0] =	ssyncset.done $0x0  }
0x8a: {  	[sflag:s0] =	ssyncadd.s32 $0xFFFFF800  }
0x8b: {  	_ =	swait.ge [sflag:s0], $0x800  }
0x8c: {  	[sflag:s0] =	ssyncset.done $0x0  }
0x8d: {  	[sflag:s0] =	ssyncadd.s32 $0xFFFFF800  }
0x8e: {  	_ =	swait.ge [sflag:s0], $0x800  }
0x8f: {  	[sflag:s0] =	ssyncset.done $0x0  }
0x90: {  	[sflag:s0] =	ssyncadd.s32 $0xFFFFF800  }
0x91: {  	_ =	swait.ge [sflag:s0], $0x800  }
0x92: {  	[sflag:s0] =	ssyncset.done $0x0  }
0x93: {  	[sflag:s0] =	ssyncadd.s32 $0xFFFFF800  }
0x94: {  	_ =	swait.ge [sflag:s0], $0x800  }
0x95: {  	[sflag:s0] =	ssyncset.done $0x0  }
0x96: {  	[sflag:s0] =	ssyncadd.s32 $0xFFFFF800  }
0x97: {  	_ =	swait.ge [sflag:s0], $0x800  }
0x98: {  	[sflag:s0] =	ssyncset.done $0x0  }
0x99: {  	[sflag:s0] =	ssyncadd.s32 $0xFFFFF800  }
0x9a: {  	_ =	swait.ge [sflag:s0], $0x800  }
0x9b: {  	[sflag:s0] =	ssyncset.done $0x0  }
0x9c: {  	[sflag:s0] =	ssyncadd.s32 $0xFFFFF800  }
0x9d: {  	_ =	swait.ge [sflag:s0], $0x800  }
0x9e: {  	[sflag:s0] =	ssyncset.done $0x0  }
0x9f: {  	[sflag:s0] =	ssyncadd.s32 $0xFFFFF800  }
0xa0: {  	_ =	swait.ge [sflag:s0], $0x800  }
0xa1: {  	[sflag:s0] =	ssyncset.done $0x0  }
0xa2: {  	[sflag:s0] =	ssyncadd.s32 $0xFFFFF800  }
0xa3: {  	_ =	swait.ge [sflag:s0], $0x800  }
0xa4: {  	[sflag:s0] =	ssyncset.done $0x0  }
0xa5: {  	[sflag:s0] =	ssyncadd.s32 $0xFFFFF800  }
0xa6: {  	_ =	swait.ge [sflag:s0], $0x800  }
0xa7: {  	[sflag:s0] =	ssyncset.done $0x0  }
0xa8: {  	[sflag:s0] =	ssyncadd.s32 $0xFFFFF800  }
0xa9: {  	_ =	swait.ge [sflag:s0], $0x800  }
0xaa: {  	[sflag:s0] =	ssyncset.done $0x0  }
0xab: {  	[sflag:s0] =	ssyncadd.s32 $0xFFFFF800  }
0xac: {  	_ =	swait.ge [sflag:s0], $0x800  }
0xad: {  	[sflag:s0] =	ssyncset.done $0x0  }
0xae: {  	[sflag:s0] =	ssyncadd.s32 $0xFFFFF800  }
0xaf: {  	_ =	swait.ge [sflag:s0], $0x800  }
0xb0: {  	s2 =	simm.s32 $0x4000;
	s8 =	simm.s32 $0x2000;
	[sflag:s0] =	ssyncset.done $0x0  }
.LBB2_2:
0xb1: {  	s10 =	sshra.s32 s8, $0x2  }
0xb2: {  	[sflag:s0] =	ssyncadd.s32 $0xFFFFF800;
	s8 =	smov.u32 s2;
	s9 =	sadd.s32 $0x2000, s2  }
0xb3: {  	[tilespmem:s12], [sflag:$0x1] =	stream.indirect.gather [hbm4b:s3+s14], $0x10, s10, s14, $0xb8;
	[tilespmem:$0xFC80] =	vst v63  }
0xb4: {  	p0 =	sne.s32 s2, $0x6000;
	s2 =	sadd.s32 $0x80, s10  }
0xb5: {  	[tilespmem:s16], [sflag:$0x1] =	stream.indirect.gather [hbm4b:s3+s14], $0x10, s2, s14, $0xb8;
	[tilespmem:$0xFC80] =	vst v63  }
0xb6: {  	s2 =	sadd.s32 $0x100, s10  }
0xb7: {  	[tilespmem:s17], [sflag:$0x1] =	stream.indirect.gather [hbm4b:s3+s14], $0x10, s2, s14, $0xb8;
	[tilespmem:$0xFC80] =	vst v63  }
0xb8: {  	s2 =	sadd.s32 $0x180, s10  }
0xb9: {  	[tilespmem:s18], [sflag:$0x1] =	stream.indirect.gather [hbm4b:s3+s14], $0x10, s2, s14, $0xb8;
	[tilespmem:$0xFC80] =	vst v63  }
0xba: {  	s2 =	sadd.s32 $0x200, s10  }
0xbb: {  	[tilespmem:s19], [sflag:$0x1] =	stream.indirect.gather [hbm4b:s3+s14], $0x10, s2, s14, $0xb8;
	[tilespmem:$0xFC80] =	vst v63  }
0xbc: {  	s2 =	sadd.s32 $0x280, s10  }
0xbd: {  	[tilespmem:s20], [sflag:$0x1] =	stream.indirect.gather [hbm4b:s3+s14], $0x10, s2, s14, $0xb8;
	[tilespmem:$0xFC80] =	vst v63  }
0xbe: {  	s2 =	sadd.s32 $0x300, s10  }
0xbf: {  	[tilespmem:s21], [sflag:$0x1] =	stream.indirect.gather [hbm4b:s3+s14], $0x10, s2, s14, $0xb8;
	[tilespmem:$0xFC80] =	vst v63  }
0xc0: {  	s2 =	sadd.s32 $0x380, s10  }
0xc1: {  	[tilespmem:s22], [sflag:$0x1] =	stream.indirect.gather [hbm4b:s3+s14], $0x10, s2, s14, $0xb8;
	[tilespmem:$0xFC80] =	vst v63  }
0xc2: {  	s2 =	sadd.s32 $0x400, s10  }
0xc3: {  	[tilespmem:s23], [sflag:$0x1] =	stream.indirect.gather [hbm4b:s3+s14], $0x10, s2, s14, $0xb8;
	[tilespmem:$0xFC80] =	vst v63  }
0xc4: {  	s2 =	sadd.s32 $0x480, s10  }
0xc5: {  	[tilespmem:s24], [sflag:$0x1] =	stream.indirect.gather [hbm4b:s3+s14], $0x10, s2, s14, $0xb8;
	[tilespmem:$0xFC80] =	vst v63  }
0xc6: {  	s2 =	sadd.s32 $0x500, s10  }
0xc7: {  	[tilespmem:s25], [sflag:$0x1] =	stream.indirect.gather [hbm4b:s3+s14], $0x10, s2, s14, $0xb8;
	[tilespmem:$0xFC80] =	vst v63  }
0xc8: {  	s2 =	sadd.s32 $0x580, s10  }
0xc9: {  	[tilespmem:s26], [sflag:$0x1] =	stream.indirect.gather [hbm4b:s3+s14], $0x10, s2, s14, $0xb8;
	[tilespmem:$0xFC80] =	vst v63  }
0xca: {  	s2 =	sadd.s32 $0x600, s10  }
0xcb: {  	[tilespmem:s28], [sflag:$0x1] =	stream.indirect.gather [hbm4b:s3+s14], $0x10, s2, s14, $0xb8;
	[tilespmem:$0xFC80] =	vst v63  }
0xcc: {  	s2 =	sadd.s32 $0x680, s10  }
0xcd: {  	[tilespmem:s29], [sflag:$0x1] =	stream.indirect.gather [hbm4b:s3+s14], $0x10, s2, s14, $0xb8;
	[tilespmem:$0xFC80] =	vst v63  }
0xce: {  	s2 =	sadd.s32 $0x700, s10  }
0xcf: {  	[tilespmem:s30], [sflag:$0x1] =	stream.indirect.gather [hbm4b:s3+s14], $0x10, s2, s14, $0xb8;
	[tilespmem:$0xFC80] =	vst v63  }
0xd0: {  	s2 =	sadd.s32 $0x780, s10  }
0xd1: {  	[tilespmem:s31], [sflag:$0x1] =	stream.indirect.gather [hbm4b:s3+s14], $0x10, s2, s14, $0xb8;
	[tilespmem:$0xFC80] =	vst v63  }
0xd2: {  	_ =	swait.ge [sflag:s1], $0x800  }
0xd3: {  	[sflag:s1] =	ssyncset.done $0x0  }
0xd4: {  	s2 =	sadd.s32 $0x2000, s10;
	[sflag:s1] =	ssyncadd.s32 $0xFFFFF800  }
0xd5: {  	[hbm4b:s5+s14] =	stream.indirect.scatter [tilespmem:s12], [sflag:$0x3], $0x10, s2, s14, $0xb8;
	[tilespmem:$0xFC80] =	vst v63  }
0xd6: {  	_ =	swait.ge [sflag:s1], $0x800  }
0xd7: {  	[sflag:s1] =	ssyncset.done $0x0  }
0xd8: {  	s2 =	sadd.s32 $0x2080, s10;
	[sflag:s1] =	ssyncadd.s32 $0xFFFFF800  }
0xd9: {  	[hbm4b:s5+s14] =	stream.indirect.scatter [tilespmem:s16], [sflag:$0x3], $0x10, s2, s14, $0xb8;
	[tilespmem:$0xFC80] =	vst v63  }
0xda: {  	_ =	swait.ge [sflag:s1], $0x800  }
0xdb: {  	[sflag:s1] =	ssyncset.done $0x0  }
0xdc: {  	s2 =	sadd.s32 $0x2100, s10;
	[sflag:s1] =	ssyncadd.s32 $0xFFFFF800  }
0xdd: {  	[hbm4b:s5+s14] =	stream.indirect.scatter [tilespmem:s17], [sflag:$0x3], $0x10, s2, s14, $0xb8;
	[tilespmem:$0xFC80] =	vst v63  }
0xde: {  	_ =	swait.ge [sflag:s1], $0x800  }
0xdf: {  	[sflag:s1] =	ssyncset.done $0x0  }
0xe0: {  	s2 =	sadd.s32 $0x2180, s10;
	[sflag:s1] =	ssyncadd.s32 $0xFFFFF800  }
0xe1: {  	[hbm4b:s5+s14] =	stream.indirect.scatter [tilespmem:s18], [sflag:$0x3], $0x10, s2, s14, $0xb8;
	[tilespmem:$0xFC80] =	vst v63  }
0xe2: {  	_ =	swait.ge [sflag:s1], $0x800  }
0xe3: {  	[sflag:s1] =	ssyncset.done $0x0  }
0xe4: {  	s2 =	sadd.s32 $0x2200, s10;
	[sflag:s1] =	ssyncadd.s32 $0xFFFFF800  }
0xe5: {  	[hbm4b:s5+s14] =	stream.indirect.scatter [tilespmem:s19], [sflag:$0x3], $0x10, s2, s14, $0xb8;
	[tilespmem:$0xFC80] =	vst v63  }
0xe6: {  	_ =	swait.ge [sflag:s1], $0x800  }
0xe7: {  	[sflag:s1] =	ssyncset.done $0x0  }
0xe8: {  	s2 =	sadd.s32 $0x2280, s10;
	[sflag:s1] =	ssyncadd.s32 $0xFFFFF800  }
0xe9: {  	[hbm4b:s5+s14] =	stream.indirect.scatter [tilespmem:s20], [sflag:$0x3], $0x10, s2, s14, $0xb8;
	[tilespmem:$0xFC80] =	vst v63  }
0xea: {  	_ =	swait.ge [sflag:s1], $0x800  }
0xeb: {  	[sflag:s1] =	ssyncset.done $0x0  }
0xec: {  	s2 =	sadd.s32 $0x2300, s10;
	[sflag:s1] =	ssyncadd.s32 $0xFFFFF800  }
0xed: {  	[hbm4b:s5+s14] =	stream.indirect.scatter [tilespmem:s21], [sflag:$0x3], $0x10, s2, s14, $0xb8;
	[tilespmem:$0xFC80] =	vst v63  }
0xee: {  	_ =	swait.ge [sflag:s1], $0x800  }
0xef: {  	[sflag:s1] =	ssyncset.done $0x0  }
0xf0: {  	s2 =	sadd.s32 $0x2380, s10;
	[sflag:s1] =	ssyncadd.s32 $0xFFFFF800  }
0xf1: {  	[hbm4b:s5+s14] =	stream.indirect.scatter [tilespmem:s22], [sflag:$0x3], $0x10, s2, s14, $0xb8;
	[tilespmem:$0xFC80] =	vst v63  }
0xf2: {  	_ =	swait.ge [sflag:s1], $0x800  }
0xf3: {  	[sflag:s1] =	ssyncset.done $0x0  }
0xf4: {  	s2 =	sadd.s32 $0x2400, s10;
	[sflag:s1] =	ssyncadd.s32 $0xFFFFF800  }
0xf5: {  	[hbm4b:s5+s14] =	stream.indirect.scatter [tilespmem:s23], [sflag:$0x3], $0x10, s2, s14, $0xb8;
	[tilespmem:$0xFC80] =	vst v63  }
0xf6: {  	_ =	swait.ge [sflag:s1], $0x800  }
0xf7: {  	[sflag:s1] =	ssyncset.done $0x0  }
0xf8: {  	s2 =	sadd.s32 $0x2480, s10;
	[sflag:s1] =	ssyncadd.s32 $0xFFFFF800  }
0xf9: {  	[hbm4b:s5+s14] =	stream.indirect.scatter [tilespmem:s24], [sflag:$0x3], $0x10, s2, s14, $0xb8;
	[tilespmem:$0xFC80] =	vst v63  }
0xfa: {  	_ =	swait.ge [sflag:s1], $0x800  }
0xfb: {  	[sflag:s1] =	ssyncset.done $0x0  }
0xfc: {  	s2 =	sadd.s32 $0x2500, s10;
	[sflag:s1] =	ssyncadd.s32 $0xFFFFF800  }
0xfd: {  	[hbm4b:s5+s14] =	stream.indirect.scatter [tilespmem:s25], [sflag:$0x3], $0x10, s2, s14, $0xb8;
	[tilespmem:$0xFC80] =	vst v63  }
0xfe: {  	_ =	swait.ge [sflag:s1], $0x800  }
0xff: {  	[sflag:s1] =	ssyncset.done $0x0  }
0x100: {  	s2 =	sadd.s32 $0x2580, s10;
	[sflag:s1] =	ssyncadd.s32 $0xFFFFF800  }
0x101: {  	[hbm4b:s5+s14] =	stream.indirect.scatter [tilespmem:s26], [sflag:$0x3], $0x10, s2, s14, $0xb8;
	[tilespmem:$0xFC80] =	vst v63  }
0x102: {  	_ =	swait.ge [sflag:s1], $0x800  }
0x103: {  	[sflag:s1] =	ssyncset.done $0x0  }
0x104: {  	s2 =	sadd.s32 $0x2600, s10;
	[sflag:s1] =	ssyncadd.s32 $0xFFFFF800  }
0x105: {  	[hbm4b:s5+s14] =	stream.indirect.scatter [tilespmem:s28], [sflag:$0x3], $0x10, s2, s14, $0xb8;
	[tilespmem:$0xFC80] =	vst v63  }
0x106: {  	_ =	swait.ge [sflag:s1], $0x800  }
0x107: {  	[sflag:s1] =	ssyncset.done $0x0  }
0x108: {  	s2 =	sadd.s32 $0x2680, s10;
	[sflag:s1] =	ssyncadd.s32 $0xFFFFF800  }
0x109: {  	[hbm4b:s5+s14] =	stream.indirect.scatter [tilespmem:s29], [sflag:$0x3], $0x10, s2, s14, $0xb8;
	[tilespmem:$0xFC80] =	vst v63  }
0x10a: {  	_ =	swait.ge [sflag:s1], $0x800  }
0x10b: {  	[sflag:s1] =	ssyncset.done $0x0  }
0x10c: {  	s2 =	sadd.s32 $0x2700, s10;
	[sflag:s1] =	ssyncadd.s32 $0xFFFFF800  }
0x10d: {  	[hbm4b:s5+s14] =	stream.indirect.scatter [tilespmem:s30], [sflag:$0x3], $0x10, s2, s14, $0xb8;
	[tilespmem:$0xFC80] =	vst v63  }
0x10e: {  	_ =	swait.ge [sflag:s1], $0x800  }
0x10f: {  	[sflag:s1] =	ssyncset.done $0x0  }
0x110: {  	s2 =	sadd.s32 $0x2780, s10;
	[sflag:s1] =	ssyncadd.s32 $0xFFFFF800  }
0x111: {  	[hbm4b:s5+s14] =	stream.indirect.scatter [tilespmem:s31], [sflag:$0x3], $0x10, s2, s14, $0xb8;
	[tilespmem:$0xFC80] =	vst v63  }
0x112: {  	_ =	swait.ge [sflag:s0], $0x800  }
0x113: {  	[sflag:s0] =	ssyncset.done $0x0  }
0x114: {  	[sflag:s0] =	ssyncadd.s32 $0xFFFFF800  }
0x115: {  	_ =	swait.ge [sflag:s0], $0x800  }
0x116: {  	[sflag:s0] =	ssyncset.done $0x0  }
0x117: {  	[sflag:s0] =	ssyncadd.s32 $0xFFFFF800  }
0x118: {  	_ =	swait.ge [sflag:s0], $0x800  }
0x119: {  	[sflag:s0] =	ssyncset.done $0x0  }
0x11a: {  	[sflag:s0] =	ssyncadd.s32 $0xFFFFF800  }
0x11b: {  	_ =	swait.ge [sflag:s0], $0x800  }
0x11c: {  	[sflag:s0] =	ssyncset.done $0x0  }
0x11d: {  	[sflag:s0] =	ssyncadd.s32 $0xFFFFF800  }
0x11e: {  	_ =	swait.ge [sflag:s0], $0x800  }
0x11f: {  	[sflag:s0] =	ssyncset.done $0x0  }
0x120: {  	[sflag:s0] =	ssyncadd.s32 $0xFFFFF800  }
0x121: {  	_ =	swait.ge [sflag:s0], $0x800  }
0x122: {  	[sflag:s0] =	ssyncset.done $0x0  }
0x123: {  	[sflag:s0] =	ssyncadd.s32 $0xFFFFF800  }
0x124: {  	_ =	swait.ge [sflag:s0], $0x800  }
0x125: {  	[sflag:s0] =	ssyncset.done $0x0  }
0x126: {  	[sflag:s0] =	ssyncadd.s32 $0xFFFFF800  }
0x127: {  	_ =	swait.ge [sflag:s0], $0x800  }
0x128: {  	[sflag:s0] =	ssyncset.done $0x0  }
0x129: {  	[sflag:s0] =	ssyncadd.s32 $0xFFFFF800  }
0x12a: {  	_ =	swait.ge [sflag:s0], $0x800  }
0x12b: {  	[sflag:s0] =	ssyncset.done $0x0  }
0x12c: {  	[sflag:s0] =	ssyncadd.s32 $0xFFFFF800  }
0x12d: {  	_ =	swait.ge [sflag:s0], $0x800  }
0x12e: {  	[sflag:s0] =	ssyncset.done $0x0  }
0x12f: {  	[sflag:s0] =	ssyncadd.s32 $0xFFFFF800  }
0x130: {  	_ =	swait.ge [sflag:s0], $0x800  }
0x131: {  	[sflag:s0] =	ssyncset.done $0x0  }
0x132: {  	[sflag:s0] =	ssyncadd.s32 $0xFFFFF800  }
0x133: {  	_ =	swait.ge [sflag:s0], $0x800  }
0x134: {  	[sflag:s0] =	ssyncset.done $0x0  }
0x135: {  	[sflag:s0] =	ssyncadd.s32 $0xFFFFF800  }
0x136: {  	_ =	swait.ge [sflag:s0], $0x800  }
0x137: {  	[sflag:s0] =	ssyncset.done $0x0  }
0x138: {  	[sflag:s0] =	ssyncadd.s32 $0xFFFFF800  }
0x139: {  	_ =	swait.ge [sflag:s0], $0x800  }
0x13a: {  	[sflag:s0] =	ssyncset.done $0x0  }
0x13b: {  	[sflag:s0] =	ssyncadd.s32 $0xFFFFF800  }
.Ltmp0:
0x13c: {  	_ =	swait.ge [sflag:s0], $0x800;
	(pc) =	sbr.rel @p0 .LBB2_2-.Ltmp0, $4  }
0x13d: {  	[sflag:s0] =	ssyncset.done $0x0  }
0x13e: {  	[sflag:s0] =	ssyncadd.s32 $0xFFFFF800  }
0x13f: {  	_ =	swait.ge [sflag:s0], $0x800  }
0x140: {  	s2 =	smov.u32 s9;
	[sflag:s0] =	ssyncset.done $0x0  }
0x141: {  	s8 =	sshra.s32 s8, $0x2;
	[sflag:s0] =	ssyncadd.s32 $0xFFFFF800  }
0x142: {  	[tilespmem:s12], [sflag:$0x1] =	stream.indirect.gather [hbm4b:s3+s14], $0x10, s8, s14, $0xb8;
	[tilespmem:$0xFC80] =	vst v63  }
0x143: {  	s2 =	sadd.s32 $0x80, s8  }
0x144: {  	[tilespmem:s16], [sflag:$0x1] =	stream.indirect.gather [hbm4b:s3+s14], $0x10, s2, s14, $0xb8;
	[tilespmem:$0xFC80] =	vst v63  }
0x145: {  	s10 =	sadd.s32 $0x100, s8  }
0x146: {  	[tilespmem:s17], [sflag:$0x1] =	stream.indirect.gather [hbm4b:s3+s14], $0x10, s10, s14, $0xb8;
	[tilespmem:$0xFC80] =	vst v63  }
0x147: {  	s9 =	sadd.s32 $0x180, s8  }
0x148: {  	[tilespmem:s18], [sflag:$0x1] =	stream.indirect.gather [hbm4b:s3+s14], $0x10, s9, s14, $0xb8;
	[tilespmem:$0xFC80] =	vst v63  }
0x149: {  	s10 =	sadd.s32 $0x200, s8  }
0x14a: {  	[tilespmem:s19], [sflag:$0x1] =	stream.indirect.gather [hbm4b:s3+s14], $0x10, s10, s14, $0xb8;
	[tilespmem:$0xFC80] =	vst v63  }
0x14b: {  	s9 =	sadd.s32 $0x280, s8  }
0x14c: {  	[tilespmem:s20], [sflag:$0x1] =	stream.indirect.gather [hbm4b:s3+s14], $0x10, s9, s14, $0xb8;
	[tilespmem:$0xFC80] =	vst v63  }
0x14d: {  	s10 =	sadd.s32 $0x300, s8  }
0x14e: {  	[tilespmem:s21], [sflag:$0x1] =	stream.indirect.gather [hbm4b:s3+s14], $0x10, s10, s14, $0xb8;
	[tilespmem:$0xFC80] =	vst v63  }
0x14f: {  	s9 =	sadd.s32 $0x380, s8  }
0x150: {  	[tilespmem:s22], [sflag:$0x1] =	stream.indirect.gather [hbm4b:s3+s14], $0x10, s9, s14, $0xb8;
	[tilespmem:$0xFC80] =	vst v63  }
0x151: {  	s10 =	sadd.s32 $0x400, s8  }
0x152: {  	[tilespmem:s23], [sflag:$0x1] =	stream.indirect.gather [hbm4b:s3+s14], $0x10, s10, s14, $0xb8;
	[tilespmem:$0xFC80] =	vst v63  }
0x153: {  	s9 =	sadd.s32 $0x480, s8  }
0x154: {  	[tilespmem:s24], [sflag:$0x1] =	stream.indirect.gather [hbm4b:s3+s14], $0x10, s9, s14, $0xb8;
	[tilespmem:$0xFC80] =	vst v63  }
0x155: {  	s10 =	sadd.s32 $0x500, s8  }
0x156: {  	[tilespmem:s25], [sflag:$0x1] =	stream.indirect.gather [hbm4b:s3+s14], $0x10, s10, s14, $0xb8;
	[tilespmem:$0xFC80] =	vst v63  }
0x157: {  	s9 =	sadd.s32 $0x580, s8  }
0x158: {  	[tilespmem:s26], [sflag:$0x1] =	stream.indirect.gather [hbm4b:s3+s14], $0x10, s9, s14, $0xb8;
	[tilespmem:$0xFC80] =	vst v63  }
0x159: {  	s10 =	sadd.s32 $0x600, s8  }
0x15a: {  	[tilespmem:s28], [sflag:$0x1] =	stream.indirect.gather [hbm4b:s3+s14], $0x10, s10, s14, $0xb8;
	[tilespmem:$0xFC80] =	vst v63  }
0x15b: {  	s9 =	sadd.s32 $0x680, s8  }
0x15c: {  	[tilespmem:s29], [sflag:$0x1] =	stream.indirect.gather [hbm4b:s3+s14], $0x10, s9, s14, $0xb8;
	[tilespmem:$0xFC80] =	vst v63  }
0x15d: {  	s10 =	sadd.s32 $0x700, s8  }
0x15e: {  	[tilespmem:s30], [sflag:$0x1] =	stream.indirect.gather [hbm4b:s3+s14], $0x10, s10, s14, $0xb8;
	[tilespmem:$0xFC80] =	vst v63  }
0x15f: {  	s9 =	sadd.s32 $0x780, s8  }
0x160: {  	[tilespmem:s31], [sflag:$0x1] =	stream.indirect.gather [hbm4b:s3+s14], $0x10, s9, s14, $0xb8;
	[tilespmem:$0xFC80] =	vst v63  }
0x161: {  	_ =	swait.ge [sflag:s1], $0x800  }
0x162: {  	[sflag:s1] =	ssyncset.done $0x0  }
0x163: {  	s10 =	sadd.s32 $0x2000, s8;
	[sflag:s1] =	ssyncadd.s32 $0xFFFFF800  }
0x164: {  	[hbm4b:s5+s14] =	stream.indirect.scatter [tilespmem:s12], [sflag:$0x3], $0x10, s10, s14, $0xb8;
	[tilespmem:$0xFC80] =	vst v63  }
0x165: {  	_ =	swait.ge [sflag:s1], $0x800  }
0x166: {  	[sflag:s1] =	ssyncset.done $0x0  }
0x167: {  	s12 =	sadd.s32 $0x2080, s8;
	[sflag:s1] =	ssyncadd.s32 $0xFFFFF800  }
0x168: {  	[hbm4b:s5+s14] =	stream.indirect.scatter [tilespmem:s16], [sflag:$0x3], $0x10, s12, s14, $0xb8;
	[tilespmem:$0xFC80] =	vst v63  }
0x169: {  	_ =	swait.ge [sflag:s1], $0x800  }
0x16a: {  	[sflag:s1] =	ssyncset.done $0x0  }
0x16b: {  	s16 =	sadd.s32 $0x2100, s8;
	[sflag:s1] =	ssyncadd.s32 $0xFFFFF800  }
0x16c: {  	[hbm4b:s5+s14] =	stream.indirect.scatter [tilespmem:s17], [sflag:$0x3], $0x10, s16, s14, $0xb8;
	[tilespmem:$0xFC80] =	vst v63  }
0x16d: {  	_ =	swait.ge [sflag:s1], $0x800  }
0x16e: {  	[sflag:s1] =	ssyncset.done $0x0  }
0x16f: {  	s17 =	sadd.s32 $0x2180, s8;
	[sflag:s1] =	ssyncadd.s32 $0xFFFFF800  }
0x170: {  	[hbm4b:s5+s14] =	stream.indirect.scatter [tilespmem:s18], [sflag:$0x3], $0x10, s17, s14, $0xb8;
	[tilespmem:$0xFC80] =	vst v63  }
0x171: {  	_ =	swait.ge [sflag:s1], $0x800  }
0x172: {  	[sflag:s1] =	ssyncset.done $0x0  }
0x173: {  	s18 =	sadd.s32 $0x2200, s8;
	[sflag:s1] =	ssyncadd.s32 $0xFFFFF800  }
0x174: {  	[hbm4b:s5+s14] =	stream.indirect.scatter [tilespmem:s19], [sflag:$0x3], $0x10, s18, s14, $0xb8;
	[tilespmem:$0xFC80] =	vst v63  }
0x175: {  	_ =	swait.ge [sflag:s1], $0x800  }
0x176: {  	[sflag:s1] =	ssyncset.done $0x0  }
0x177: {  	s19 =	sadd.s32 $0x2280, s8;
	[sflag:s1] =	ssyncadd.s32 $0xFFFFF800  }
0x178: {  	[hbm4b:s5+s14] =	stream.indirect.scatter [tilespmem:s20], [sflag:$0x3], $0x10, s19, s14, $0xb8;
	[tilespmem:$0xFC80] =	vst v63  }
0x179: {  	_ =	swait.ge [sflag:s1], $0x800  }
0x17a: {  	[sflag:s1] =	ssyncset.done $0x0  }
0x17b: {  	s20 =	sadd.s32 $0x2300, s8;
	[sflag:s1] =	ssyncadd.s32 $0xFFFFF800  }
0x17c: {  	[hbm4b:s5+s14] =	stream.indirect.scatter [tilespmem:s21], [sflag:$0x3], $0x10, s20, s14, $0xb8;
	[tilespmem:$0xFC80] =	vst v63  }
0x17d: {  	_ =	swait.ge [sflag:s1], $0x800  }
0x17e: {  	[sflag:s1] =	ssyncset.done $0x0  }
0x17f: {  	s21 =	sadd.s32 $0x2380, s8;
	[sflag:s1] =	ssyncadd.s32 $0xFFFFF800  }
0x180: {  	[hbm4b:s5+s14] =	stream.indirect.scatter [tilespmem:s22], [sflag:$0x3], $0x10, s21, s14, $0xb8;
	[tilespmem:$0xFC80] =	vst v63  }
0x181: {  	_ =	swait.ge [sflag:s1], $0x800  }
0x182: {  	[sflag:s1] =	ssyncset.done $0x0  }
0x183: {  	s22 =	sadd.s32 $0x2400, s8;
	[sflag:s1] =	ssyncadd.s32 $0xFFFFF800  }
0x184: {  	[hbm4b:s5+s14] =	stream.indirect.scatter [tilespmem:s23], [sflag:$0x3], $0x10, s22, s14, $0xb8;
	[tilespmem:$0xFC80] =	vst v63  }
0x185: {  	_ =	swait.ge [sflag:s1], $0x800  }
0x186: {  	[sflag:s1] =	ssyncset.done $0x0  }
0x187: {  	s9 =	sadd.s32 $0x2480, s8;
	[sflag:s1] =	ssyncadd.s32 $0xFFFFF800  }
0x188: {  	[hbm4b:s5+s14] =	stream.indirect.scatter [tilespmem:s24], [sflag:$0x3], $0x10, s9, s14, $0xb8;
	[tilespmem:$0xFC80] =	vst v63  }
0x189: {  	_ =	swait.ge [sflag:s1], $0x800  }
0x18a: {  	[sflag:s1] =	ssyncset.done $0x0  }
0x18b: {  	s10 =	sadd.s32 $0x2500, s8;
	[sflag:s1] =	ssyncadd.s32 $0xFFFFF800  }
0x18c: {  	[hbm4b:s5+s14] =	stream.indirect.scatter [tilespmem:s25], [sflag:$0x3], $0x10, s10, s14, $0xb8;
	[tilespmem:$0xFC80] =	vst v63  }
0x18d: {  	_ =	swait.ge [sflag:s1], $0x800  }
0x18e: {  	[sflag:s1] =	ssyncset.done $0x0  }
0x18f: {  	s12 =	sadd.s32 $0x2580, s8;
	[sflag:s1] =	ssyncadd.s32 $0xFFFFF800  }
0x190: {  	[hbm4b:s5+s14] =	stream.indirect.scatter [tilespmem:s26], [sflag:$0x3], $0x10, s12, s14, $0xb8;
	[tilespmem:$0xFC80] =	vst v63  }
0x191: {  	_ =	swait.ge [sflag:s1], $0x800  }
0x192: {  	[sflag:s1] =	ssyncset.done $0x0  }
0x193: {  	s16 =	sadd.s32 $0x2600, s8;
	[sflag:s1] =	ssyncadd.s32 $0xFFFFF800  }
0x194: {  	[hbm4b:s5+s14] =	stream.indirect.scatter [tilespmem:s28], [sflag:$0x3], $0x10, s16, s14, $0xb8;
	[tilespmem:$0xFC80] =	vst v63  }
0x195: {  	_ =	swait.ge [sflag:s1], $0x800  }
0x196: {  	[sflag:s1] =	ssyncset.done $0x0  }
0x197: {  	s17 =	sadd.s32 $0x2680, s8;
	[sflag:s1] =	ssyncadd.s32 $0xFFFFF800  }
0x198: {  	[hbm4b:s5+s14] =	stream.indirect.scatter [tilespmem:s29], [sflag:$0x3], $0x10, s17, s14, $0xb8;
	[tilespmem:$0xFC80] =	vst v63  }
0x199: {  	_ =	swait.ge [sflag:s1], $0x800  }
0x19a: {  	[sflag:s1] =	ssyncset.done $0x0  }
0x19b: {  	s18 =	sadd.s32 $0x2700, s8;
	[sflag:s1] =	ssyncadd.s32 $0xFFFFF800  }
0x19c: {  	[hbm4b:s5+s14] =	stream.indirect.scatter [tilespmem:s30], [sflag:$0x3], $0x10, s18, s14, $0xb8;
	[tilespmem:$0xFC80] =	vst v63  }
0x19d: {  	_ =	swait.ge [sflag:s1], $0x800  }
0x19e: {  	[sflag:s1] =	ssyncset.done $0x0  }
0x19f: {  	s19 =	sadd.s32 $0x2780, s8;
	[sflag:s1] =	ssyncadd.s32 $0xFFFFF800  }
0x1a0: {  	[hbm4b:s5+s14] =	stream.indirect.scatter [tilespmem:s31], [sflag:$0x3], $0x10, s19, s14, $0xb8;
	[tilespmem:$0xFC80] =	vst v63  }
0x1a1: {  	_ =	swait.ge [sflag:s0], $0x800  }
0x1a2: {  	[sflag:s0] =	ssyncset.done $0x0  }
0x1a3: {  	[sflag:s0] =	ssyncadd.s32 $0xFFFFF800  }
0x1a4: {  	_ =	swait.ge [sflag:s0], $0x800  }
0x1a5: {  	[sflag:s0] =	ssyncset.done $0x0  }
0x1a6: {  	[sflag:s0] =	ssyncadd.s32 $0xFFFFF800  }
0x1a7: {  	_ =	swait.ge [sflag:s0], $0x800  }
0x1a8: {  	[sflag:s0] =	ssyncset.done $0x0  }
0x1a9: {  	[sflag:s0] =	ssyncadd.s32 $0xFFFFF800  }
0x1aa: {  	_ =	swait.ge [sflag:s0], $0x800  }
0x1ab: {  	[sflag:s0] =	ssyncset.done $0x0  }
0x1ac: {  	[sflag:s0] =	ssyncadd.s32 $0xFFFFF800  }
0x1ad: {  	_ =	swait.ge [sflag:s0], $0x800  }
0x1ae: {  	[sflag:s0] =	ssyncset.done $0x0  }
0x1af: {  	[sflag:s0] =	ssyncadd.s32 $0xFFFFF800  }
0x1b0: {  	_ =	swait.ge [sflag:s0], $0x800  }
0x1b1: {  	[sflag:s0] =	ssyncset.done $0x0  }
0x1b2: {  	[sflag:s0] =	ssyncadd.s32 $0xFFFFF800  }
0x1b3: {  	_ =	swait.ge [sflag:s0], $0x800  }
0x1b4: {  	[sflag:s0] =	ssyncset.done $0x0  }
0x1b5: {  	[sflag:s0] =	ssyncadd.s32 $0xFFFFF800  }
0x1b6: {  	_ =	swait.ge [sflag:s0], $0x800  }
0x1b7: {  	[sflag:s0] =	ssyncset.done $0x0  }
0x1b8: {  	[sflag:s0] =	ssyncadd.s32 $0xFFFFF800  }
0x1b9: {  	_ =	swait.ge [sflag:s0], $0x800  }
0x1ba: {  	[sflag:s0] =	ssyncset.done $0x0  }
0x1bb: {  	[sflag:s0] =	ssyncadd.s32 $0xFFFFF800  }
0x1bc: {  	_ =	swait.ge [sflag:s0], $0x800  }
0x1bd: {  	[sflag:s0] =	ssyncset.done $0x0  }
0x1be: {  	[sflag:s0] =	ssyncadd.s32 $0xFFFFF800  }
0x1bf: {  	_ =	swait.ge [sflag:s0], $0x800  }
0x1c0: {  	[sflag:s0] =	ssyncset.done $0x0  }
0x1c1: {  	[sflag:s0] =	ssyncadd.s32 $0xFFFFF800  }
0x1c2: {  	_ =	swait.ge [sflag:s0], $0x800  }
0x1c3: {  	[sflag:s0] =	ssyncset.done $0x0  }
0x1c4: {  	[sflag:s0] =	ssyncadd.s32 $0xFFFFF800  }
0x1c5: {  	_ =	swait.ge [sflag:s0], $0x800  }
0x1c6: {  	[sflag:s0] =	ssyncset.done $0x0  }
0x1c7: {  	[sflag:s0] =	ssyncadd.s32 $0xFFFFF800  }
0x1c8: {  	_ =	swait.ge [sflag:s0], $0x800  }
0x1c9: {  	[sflag:s0] =	ssyncset.done $0x0  }
0x1ca: {  	[sflag:s0] =	ssyncadd.s32 $0xFFFFF800  }
0x1cb: {  	_ =	swait.ge [sflag:s0], $0x800  }
0x1cc: {  	[sflag:s0] =	ssyncset.done $0x0  }
0x1cd: {  	[sflag:s0] =	ssyncadd.s32 $0xFFFFF800  }
0x1ce: {  	_ =	swait.ge [sflag:s0], $0x800  }
0x1cf: {  	[sflag:s0] =	ssyncset.done $0x0  }
0x1d0: {  	s21 =	simm.s32 $0x4000;
	s20 =	rddreg [dreg:$0x3];
	[sflag:s0] =	ssyncadd.s32 $0xFFFFF800  }
0x1d1: {  	[tilespmem:s20], [sflag:$0x2] =	stream.indirect.gather [hbm4b:s4+s14], $0x1, s21, s14, $0xb8;
	[tilespmem:$0xFC80] =	vst v63  }
0x1d2: {  	s22 =	simm.s32 $0x4080  }
0x1d3: {  	[tilespmem:s13], [sflag:$0x2] =	stream.indirect.gather [hbm4b:s4+s14], $0x1, s22, s14, $0xb8;
	[tilespmem:$0xFC80] =	vst v63  }
0x1d4: {  	s23 =	simm.s32 $0x4100  }
0x1d5: {  	[tilespmem:s11], [sflag:$0x2] =	stream.indirect.gather [hbm4b:s4+s14], $0x1, s23, s14, $0xb8;
	[tilespmem:$0xFC80] =	vst v63  }
0x1d6: {  	s24 =	simm.s32 $0x4180  }
0x1d7: {  	[tilespmem:s6], [sflag:$0x2] =	stream.indirect.gather [hbm4b:s4+s14], $0x1, s24, s14, $0xb8;
	[tilespmem:$0xFC80] =	vst v63  }
0x1d8: {  	s6 =	simm.s32 $0x4200  }
0x1d9: {  	[tilespmem:s15], [sflag:$0x2] =	stream.indirect.gather [hbm4b:s4+s14], $0x1, s6, s14, $0xb8;
	[tilespmem:$0xFC80] =	vst v63  }
0x1da: {  	s8 =	simm.s32 $0x4280;
	s17 =	simm.s32 $0xF680  }
0x1db: {  	[tilespmem:s17], [sflag:$0x2] =	stream.indirect.gather [hbm4b:s4+s14], $0x1, s8, s14, $0xb8;
	[tilespmem:$0xFC80] =	vst v63  }
0x1dc: {  	s9 =	simm.s32 $0x4300;
	s18 =	simm.s32 $0xF700  }
0x1dd: {  	[tilespmem:s18], [sflag:$0x2] =	stream.indirect.gather [hbm4b:s4+s14], $0x1, s9, s14, $0xb8;
	[tilespmem:$0xFC80] =	vst v63  }
0x1de: {  	s10 =	simm.s32 $0x4380;
	s19 =	simm.s32 $0xF780  }
0x1df: {  	[tilespmem:s19], [sflag:$0x2] =	stream.indirect.gather [hbm4b:s4+s14], $0x1, s10, s14, $0xb8;
	[tilespmem:$0xFC80] =	vst v63  }
0x1e0: {  	s20 =	simm.s32 $0xF800;
	s11 =	simm.s32 $0x4400  }
0x1e1: {  	[tilespmem:s20], [sflag:$0x2] =	stream.indirect.gather [hbm4b:s4+s14], $0x1, s11, s14, $0xb8;
	[tilespmem:$0xFC80] =	vst v63  }
0x1e2: {  	s12 =	simm.s32 $0x4480;
	s21 =	simm.s32 $0xF880  }
0x1e3: {  	[tilespmem:s21], [sflag:$0x2] =	stream.indirect.gather [hbm4b:s4+s14], $0x1, s12, s14, $0xb8;
	[tilespmem:$0xFC80] =	vst v63  }
0x1e4: {  	s13 =	simm.s32 $0x4500;
	s22 =	simm.s32 $0xF900  }
0x1e5: {  	[tilespmem:s22], [sflag:$0x2] =	stream.indirect.gather [hbm4b:s4+s14], $0x1, s13, s14, $0xb8;
	[tilespmem:$0xFC80] =	vst v63  }
0x1e6: {  	s23 =	simm.s32 $0xF980;
	s15 =	simm.s32 $0x4580  }
0x1e7: {  	[tilespmem:s23], [sflag:$0x2] =	stream.indirect.gather [hbm4b:s4+s14], $0x1, s15, s14, $0xb8;
	[tilespmem:$0xFC80] =	vst v63  }
0x1e8: {  	s16 =	simm.s32 $0x4600;
	s24 =	simm.s32 $0xFA00  }
0x1e9: {  	[tilespmem:s24], [sflag:$0x2] =	stream.indirect.gather [hbm4b:s4+s14], $0x1, s16, s14, $0xb8;
	[tilespmem:$0xFC80] =	vst v63  }
0x1ea: {  	_ =	swait.ge [sflag:s7], $0x80  }
0x1eb: {  	[sflag:s7] =	ssyncset.done $0x0  }
0x1ec: {  	[sflag:s7] =	ssyncadd.s32 $0xFFFFFF80  }
0x1ed: {  	_ =	swait.ge [sflag:s7], $0x80  }
0x1ee: {  	[sflag:s7] =	ssyncset.done $0x0  }
0x1ef: {  	[sflag:s7] =	ssyncadd.s32 $0xFFFFFF80  }
0x1f0: {  	_ =	swait.ge [sflag:s7], $0x80  }
0x1f1: {  	[sflag:s7] =	ssyncset.done $0x0  }
0x1f2: {  	[sflag:s7] =	ssyncadd.s32 $0xFFFFFF80  }
0x1f3: {  	_ =	swait.ge [sflag:s7], $0x80  }
0x1f4: {  	[sflag:s7] =	ssyncset.done $0x0  }
0x1f5: {  	[sflag:s7] =	ssyncadd.s32 $0xFFFFFF80  }
0x1f6: {  	_ =	swait.ge [sflag:s7], $0x80  }
0x1f7: {  	[sflag:s7] =	ssyncset.done $0x0  }
0x1f8: {  	[sflag:s7] =	ssyncadd.s32 $0xFFFFFF80  }
0x1f9: {  	_ =	swait.ge [sflag:s7], $0x80  }
0x1fa: {  	[sflag:s7] =	ssyncset.done $0x0  }
0x1fb: {  	[sflag:s7] =	ssyncadd.s32 $0xFFFFFF80  }
0x1fc: {  	_ =	swait.ge [sflag:s7], $0x80  }
0x1fd: {  	[sflag:s7] =	ssyncset.done $0x0  }
0x1fe: {  	[sflag:s7] =	ssyncadd.s32 $0xFFFFFF80  }
0x1ff: {  	_ =	swait.ge [sflag:s7], $0x80  }
0x200: {  	[sflag:s7] =	ssyncset.done $0x0  }
0x201: {  	[sflag:s7] =	ssyncadd.s32 $0xFFFFFF80  }
0x202: {  	_ =	swait.ge [sflag:s7], $0x80  }
0x203: {  	[sflag:s7] =	ssyncset.done $0x0  }
0x204: {  	[sflag:s7] =	ssyncadd.s32 $0xFFFFFF80  }
0x205: {  	_ =	swait.ge [sflag:s7], $0x80  }
0x206: {  	[sflag:s7] =	ssyncset.done $0x0  }
0x207: {  	[sflag:s7] =	ssyncadd.s32 $0xFFFFFF80  }
0x208: {  	_ =	swait.ge [sflag:s7], $0x80  }
0x209: {  	[sflag:s7] =	ssyncset.done $0x0  }
0x20a: {  	[sflag:s7] =	ssyncadd.s32 $0xFFFFFF80  }
0x20b: {  	_ =	swait.ge [sflag:s7], $0x80  }
0x20c: {  	[sflag:s7] =	ssyncset.done $0x0  }
0x20d: {  	[sflag:s7] =	ssyncadd.s32 $0xFFFFFF80  }
0x20e: {  	_ =	swait.ge [sflag:s7], $0x80  }
0x20f: {  	[sflag:s7] =	ssyncset.done $0x0  }
0x210: {  	[sflag:s7] =	ssyncadd.s32 $0xFFFFFF80  }
0x211: {  	v0 =	vld [tilespmem:$0xF400];
	_ =	sdelay $0x1  }
0x212: {  	v1 =	vld [tilespmem:$0xF440];
	_ =	sdelay $0x1  }
0x213: {  	v2 =	vld [tilespmem:$0xF480]  }
0x214: {  	v0 =	vadd.f32 $0.0e+00, v0  }
0x215: {  	v3 =	vld [tilespmem:$0xF4C0]  }
0x216: {  	v0 =	vadd.f32 v1, v0  }
0x217: {  	v1 =	vld [tilespmem:$0xF500]  }
0x218: {  	v0 =	vadd.f32 v2, v0  }
0x219: {  	v2 =	vld [tilespmem:$0xF540]  }
0x21a: {  	v0 =	vadd.f32 v3, v0  }
0x21b: {  	v3 =	vld [tilespmem:$0xF580]  }
0x21c: {  	v0 =	vadd.f32 v1, v0  }
0x21d: {  	v1 =	vld [tilespmem:$0xF5C0]  }
0x21e: {  	v0 =	vadd.f32 v2, v0  }
0x21f: {  	v2 =	vld [tilespmem:$0xF600]  }
0x220: {  	v0 =	vadd.f32 v3, v0  }
0x221: {  	v3 =	vld [tilespmem:$0xF640]  }
0x222: {  	v0 =	vadd.f32 v1, v0  }
0x223: {  	v1 =	vld [tilespmem:$0xF680]  }
0x224: {  	v0 =	vadd.f32 v2, v0  }
0x225: {  	v2 =	vld [tilespmem:$0xF6C0]  }
0x226: {  	v0 =	vadd.f32 v3, v0  }
0x227: {  	v3 =	vld [tilespmem:$0xF700]  }
0x228: {  	v0 =	vadd.f32 v1, v0  }
0x229: {  	v1 =	vld [tilespmem:$0xF740]  }
0x22a: {  	v0 =	vadd.f32 v2, v0  }
0x22b: {  	v2 =	vld [tilespmem:$0xF780]  }
0x22c: {  	v0 =	vadd.f32 v3, v0  }
0x22d: {  	v3 =	vld [tilespmem:$0xF7C0]  }
0x22e: {  	v0 =	vadd.f32 v1, v0  }
0x22f: {  	v1 =	vld [tilespmem:$0xF800]  }
0x230: {  	v0 =	vadd.f32 v2, v0  }
0x231: {  	v2 =	vld [tilespmem:$0xF840]  }
0x232: {  	v0 =	vadd.f32 v3, v0  }
0x233: {  	v3 =	vld [tilespmem:$0xF880]  }
0x234: {  	v0 =	vadd.f32 v1, v0  }
0x235: {  	v1 =	vld [tilespmem:$0xF8C0]  }
0x236: {  	v0 =	vadd.f32 v2, v0  }
0x237: {  	v2 =	vld [tilespmem:$0xF900]  }
0x238: {  	v0 =	vadd.f32 v3, v0  }
0x239: {  	v3 =	vld [tilespmem:$0xF940]  }
0x23a: {  	v0 =	vadd.f32 v1, v0  }
0x23b: {  	v1 =	vld [tilespmem:$0xF980]  }
0x23c: {  	v0 =	vadd.f32 v2, v0  }
0x23d: {  	v2 =	vld [tilespmem:$0xF9C0]  }
0x23e: {  	v0 =	vadd.f32 v3, v0  }
0x23f: {  	v3 =	vld [tilespmem:$0xFA00]  }
0x240: {  	v0 =	vadd.f32 v1, v0  }
0x241: {  	v1 =	vld [tilespmem:$0xFA40]  }
0x242: {  	v0 =	vadd.f32 v2, v0;
	_ =	sdelay $0x1  }
0x243: {  	v0 =	vadd.f32 v3, v0;
	_ =	sdelay $0x1  }
0x244: {  	v0 =	vadd.f32 v1, v0  }
0x245: {  	s8 =	simm.s32 $0xFAA0  }
0x246: {  	[tilespmem:s8+$0xFFFFFFE0] =	vst v0  }
0x247: {  	v0 =	vld [tilespmem:$0xF410];
	_ =	sdelay $0x1  }
0x248: {  	v1 =	vld [tilespmem:$0xF450];
	_ =	sdelay $0x1  }
0x249: {  	v2 =	vld [tilespmem:$0xF490]  }
0x24a: {  	v0 =	vadd.f32 $0.0e+00, v0  }
0x24b: {  	v3 =	vld [tilespmem:$0xF4D0]  }
0x24c: {  	v0 =	vadd.f32 v1, v0  }
0x24d: {  	v1 =	vld [tilespmem:$0xF510]  }
0x24e: {  	v0 =	vadd.f32 v2, v0  }
0x24f: {  	v2 =	vld [tilespmem:$0xF550]  }
0x250: {  	v0 =	vadd.f32 v3, v0  }
0x251: {  	v3 =	vld [tilespmem:$0xF590]  }
0x252: {  	v0 =	vadd.f32 v1, v0  }
0x253: {  	v1 =	vld [tilespmem:$0xF5D0]  }
0x254: {  	v0 =	vadd.f32 v2, v0  }
0x255: {  	v2 =	vld [tilespmem:$0xF610]  }
0x256: {  	v0 =	vadd.f32 v3, v0  }
0x257: {  	v3 =	vld [tilespmem:$0xF650]  }
0x258: {  	v0 =	vadd.f32 v1, v0  }
0x259: {  	v1 =	vld [tilespmem:$0xF690]  }
0x25a: {  	v0 =	vadd.f32 v2, v0  }
0x25b: {  	v2 =	vld [tilespmem:$0xF6D0]  }
0x25c: {  	v0 =	vadd.f32 v3, v0  }
0x25d: {  	v3 =	vld [tilespmem:$0xF710]  }
0x25e: {  	v0 =	vadd.f32 v1, v0  }
0x25f: {  	v1 =	vld [tilespmem:$0xF750]  }
0x260: {  	v0 =	vadd.f32 v2, v0  }
0x261: {  	v2 =	vld [tilespmem:$0xF790]  }
0x262: {  	v0 =	vadd.f32 v3, v0  }
0x263: {  	v3 =	vld [tilespmem:$0xF7D0]  }
0x264: {  	v0 =	vadd.f32 v1, v0  }
0x265: {  	v1 =	vld [tilespmem:$0xF810]  }
0x266: {  	v0 =	vadd.f32 v2, v0  }
0x267: {  	v2 =	vld [tilespmem:$0xF850]  }
0x268: {  	v0 =	vadd.f32 v3, v0  }
0x269: {  	v3 =	vld [tilespmem:$0xF890]  }
0x26a: {  	v0 =	vadd.f32 v1, v0  }
0x26b: {  	v1 =	vld [tilespmem:$0xF8D0]  }
0x26c: {  	v0 =	vadd.f32 v2, v0  }
0x26d: {  	v2 =	vld [tilespmem:$0xF910]  }
0x26e: {  	v0 =	vadd.f32 v3, v0  }
0x26f: {  	v3 =	vld [tilespmem:$0xF950]  }
0x270: {  	v0 =	vadd.f32 v1, v0  }
0x271: {  	v1 =	vld [tilespmem:$0xF990]  }
0x272: {  	v0 =	vadd.f32 v2, v0  }
0x273: {  	v2 =	vld [tilespmem:$0xF9D0]  }
0x274: {  	v0 =	vadd.f32 v3, v0  }
0x275: {  	v3 =	vld [tilespmem:$0xFA10]  }
0x276: {  	v0 =	vadd.f32 v1, v0  }
0x277: {  	v1 =	vld [tilespmem:$0xFA50]  }
0x278: {  	v0 =	vadd.f32 v2, v0;
	_ =	sdelay $0x1  }
0x279: {  	v0 =	vadd.f32 v3, v0;
	_ =	sdelay $0x1  }
0x27a: {  	v0 =	vadd.f32 v1, v0;
	_ =	sdelay $0x1  }
0x27b: {  	[tilespmem:s8+$0xFFFFFFF0] =	vst v0  }
0x27c: {  	v0 =	vld [tilespmem:$0xF420];
	_ =	sdelay $0x1  }
0x27d: {  	v1 =	vld [tilespmem:$0xF460];
	_ =	sdelay $0x1  }
0x27e: {  	v2 =	vld [tilespmem:$0xF4A0]  }
0x27f: {  	v0 =	vadd.f32 $0.0e+00, v0  }
0x280: {  	v3 =	vld [tilespmem:$0xF4E0]  }
0x281: {  	v0 =	vadd.f32 v1, v0  }
0x282: {  	v1 =	vld [tilespmem:$0xF520]  }
0x283: {  	v0 =	vadd.f32 v2, v0  }
0x284: {  	v2 =	vld [tilespmem:$0xF560]  }
0x285: {  	v0 =	vadd.f32 v3, v0  }
0x286: {  	v3 =	vld [tilespmem:$0xF5A0]  }
0x287: {  	v0 =	vadd.f32 v1, v0  }
0x288: {  	v1 =	vld [tilespmem:$0xF5E0]  }
0x289: {  	v0 =	vadd.f32 v2, v0  }
0x28a: {  	v2 =	vld [tilespmem:$0xF620]  }
0x28b: {  	v0 =	vadd.f32 v3, v0  }
0x28c: {  	v3 =	vld [tilespmem:$0xF660]  }
0x28d: {  	v0 =	vadd.f32 v1, v0  }
0x28e: {  	v1 =	vld [tilespmem:$0xF6A0]  }
0x28f: {  	v0 =	vadd.f32 v2, v0  }
0x290: {  	v2 =	vld [tilespmem:$0xF6E0]  }
0x291: {  	v0 =	vadd.f32 v3, v0  }
0x292: {  	v3 =	vld [tilespmem:$0xF720]  }
0x293: {  	v0 =	vadd.f32 v1, v0  }
0x294: {  	v1 =	vld [tilespmem:$0xF760]  }
0x295: {  	v0 =	vadd.f32 v2, v0  }
0x296: {  	v2 =	vld [tilespmem:$0xF7A0]  }
0x297: {  	v0 =	vadd.f32 v3, v0  }
0x298: {  	v3 =	vld [tilespmem:$0xF7E0]  }
0x299: {  	v0 =	vadd.f32 v1, v0  }
0x29a: {  	v1 =	vld [tilespmem:$0xF820]  }
0x29b: {  	v0 =	vadd.f32 v2, v0  }
0x29c: {  	v2 =	vld [tilespmem:$0xF860]  }
0x29d: {  	v0 =	vadd.f32 v3, v0  }
0x29e: {  	v3 =	vld [tilespmem:$0xF8A0]  }
0x29f: {  	v0 =	vadd.f32 v1, v0  }
0x2a0: {  	v1 =	vld [tilespmem:$0xF8E0]  }
0x2a1: {  	v0 =	vadd.f32 v2, v0  }
0x2a2: {  	v2 =	vld [tilespmem:$0xF920]  }
0x2a3: {  	v0 =	vadd.f32 v3, v0  }
0x2a4: {  	v3 =	vld [tilespmem:$0xF960]  }
0x2a5: {  	v0 =	vadd.f32 v1, v0  }
0x2a6: {  	v1 =	vld [tilespmem:$0xF9A0]  }
0x2a7: {  	v0 =	vadd.f32 v2, v0  }
0x2a8: {  	v2 =	vld [tilespmem:$0xF9E0]  }
0x2a9: {  	v0 =	vadd.f32 v3, v0  }
0x2aa: {  	v3 =	vld [tilespmem:$0xFA20]  }
0x2ab: {  	v0 =	vadd.f32 v1, v0  }
0x2ac: {  	v1 =	vld [tilespmem:$0xFA60]  }
0x2ad: {  	v0 =	vadd.f32 v2, v0;
	_ =	sdelay $0x1  }
0x2ae: {  	v0 =	vadd.f32 v3, v0;
	_ =	sdelay $0x1  }
0x2af: {  	v0 =	vadd.f32 v1, v0;
	_ =	sdelay $0x1  }
0x2b0: {  	[tilespmem:s8+$0x0] =	vst v0  }
0x2b1: {  	v0 =	vld [tilespmem:$0xF430];
	_ =	sdelay $0x1  }
0x2b2: {  	v1 =	vld [tilespmem:$0xF470];
	_ =	sdelay $0x1  }
0x2b3: {  	v2 =	vld [tilespmem:$0xF4B0]  }
0x2b4: {  	v0 =	vadd.f32 $0.0e+00, v0  }
0x2b5: {  	v3 =	vld [tilespmem:$0xF4F0]  }
0x2b6: {  	v0 =	vadd.f32 v1, v0  }
0x2b7: {  	v1 =	vld [tilespmem:$0xF530]  }
0x2b8: {  	v0 =	vadd.f32 v2, v0  }
0x2b9: {  	v2 =	vld [tilespmem:$0xF570]  }
0x2ba: {  	v0 =	vadd.f32 v3, v0  }
0x2bb: {  	v3 =	vld [tilespmem:$0xF5B0]  }
0x2bc: {  	v0 =	vadd.f32 v1, v0  }
0x2bd: {  	v1 =	vld [tilespmem:$0xF5F0]  }
0x2be: {  	v0 =	vadd.f32 v2, v0  }
0x2bf: {  	v2 =	vld [tilespmem:$0xF630]  }
0x2c0: {  	v0 =	vadd.f32 v3, v0  }
0x2c1: {  	v3 =	vld [tilespmem:$0xF670]  }
0x2c2: {  	v0 =	vadd.f32 v1, v0  }
0x2c3: {  	v1 =	vld [tilespmem:$0xF6B0]  }
0x2c4: {  	v0 =	vadd.f32 v2, v0  }
0x2c5: {  	v2 =	vld [tilespmem:$0xF6F0]  }
0x2c6: {  	v0 =	vadd.f32 v3, v0  }
0x2c7: {  	v3 =	vld [tilespmem:$0xF730]  }
0x2c8: {  	v0 =	vadd.f32 v1, v0  }
0x2c9: {  	v1 =	vld [tilespmem:$0xF770]  }
0x2ca: {  	v0 =	vadd.f32 v2, v0  }
0x2cb: {  	v2 =	vld [tilespmem:$0xF7B0]  }
0x2cc: {  	v0 =	vadd.f32 v3, v0  }
0x2cd: {  	v3 =	vld [tilespmem:$0xF7F0]  }
0x2ce: {  	v0 =	vadd.f32 v1, v0  }
0x2cf: {  	v1 =	vld [tilespmem:$0xF830]  }
0x2d0: {  	v0 =	vadd.f32 v2, v0  }
0x2d1: {  	v2 =	vld [tilespmem:$0xF870]  }
0x2d2: {  	v0 =	vadd.f32 v3, v0  }
0x2d3: {  	v3 =	vld [tilespmem:$0xF8B0]  }
0x2d4: {  	v0 =	vadd.f32 v1, v0  }
0x2d5: {  	v1 =	vld [tilespmem:$0xF8F0]  }
0x2d6: {  	v0 =	vadd.f32 v2, v0  }
0x2d7: {  	v2 =	vld [tilespmem:$0xF930]  }
0x2d8: {  	v0 =	vadd.f32 v3, v0  }
0x2d9: {  	v3 =	vld [tilespmem:$0xF970]  }
0x2da: {  	v0 =	vadd.f32 v1, v0  }
0x2db: {  	v1 =	vld [tilespmem:$0xF9B0]  }
0x2dc: {  	v0 =	vadd.f32 v2, v0  }
0x2dd: {  	v2 =	vld [tilespmem:$0xF9F0]  }
0x2de: {  	v0 =	vadd.f32 v3, v0  }
0x2df: {  	v3 =	vld [tilespmem:$0xFA30]  }
0x2e0: {  	v0 =	vadd.f32 v1, v0  }
0x2e1: {  	v1 =	vld [tilespmem:$0xFA70]  }
0x2e2: {  	v0 =	vadd.f32 v2, v0;
	_ =	sdelay $0x1  }
0x2e3: {  	v0 =	vadd.f32 v3, v0  }
0x2e4: {  	s2 =	simm.s32 $0x680;
	s6 =	simm.s32 $0xF500;
	s10 =	simm.s32 $0x3400  }
0x2e5: {  	s15 =	simm.s32 $0xF580;
	s16 =	simm.s32 $0xF600;
	s11 =	rddreg [dreg:$0x3];
	v0 =	vadd.f32 v1, v0  }
.LBB2_4:
0x2e6: {  	_ = 	snop  }
0x2e7: {  	s13 =	sadd.s32 $0x4000, s2;
	[tilespmem:s8+$0x10] =	vst v0  }
0x2e8: {  	[tilespmem:s11], [sflag:$0x2] =	stream.indirect.gather [hbm4b:s4+s14], $0x1, s13, s14, $0xb8;
	[tilespmem:$0xFC80] =	vst v63  }
0x2e9: {  	s13 =	simm.s32 $0xF480;
	s11 =	sadd.s32 $0x4080, s2  }
0x2ea: {  	[tilespmem:s13], [sflag:$0x2] =	stream.indirect.gather [hbm4b:s4+s14], $0x1, s11, s14, $0xb8;
	[tilespmem:$0xFC80] =	vst v63  }
0x2eb: {  	s11 =	sadd.s32 $0x4100, s2  }
0x2ec: {  	[tilespmem:s6], [sflag:$0x2] =	stream.indirect.gather [hbm4b:s4+s14], $0x1, s11, s14, $0xb8;
	[tilespmem:$0xFC80] =	vst v63  }
0x2ed: {  	s11 =	sadd.s32 $0x4180, s2  }
0x2ee: {  	[tilespmem:s15], [sflag:$0x2] =	stream.indirect.gather [hbm4b:s4+s14], $0x1, s11, s14, $0xb8;
	[tilespmem:$0xFC80] =	vst v63  }
0x2ef: {  	s11 =	sadd.s32 $0x4200, s2  }
0x2f0: {  	[tilespmem:s16], [sflag:$0x2] =	stream.indirect.gather [hbm4b:s4+s14], $0x1, s11, s14, $0xb8;
	[tilespmem:$0xFC80] =	vst v63  }
0x2f1: {  	s11 =	sadd.s32 $0x4280, s2  }
0x2f2: {  	[tilespmem:s17], [sflag:$0x2] =	stream.indirect.gather [hbm4b:s4+s14], $0x1, s11, s14, $0xb8;
	[tilespmem:$0xFC80] =	vst v63  }
0x2f3: {  	s11 =	sadd.s32 $0x4300, s2  }
0x2f4: {  	[tilespmem:s18], [sflag:$0x2] =	stream.indirect.gather [hbm4b:s4+s14], $0x1, s11, s14, $0xb8;
	[tilespmem:$0xFC80] =	vst v63  }
0x2f5: {  	s11 =	sadd.s32 $0x4380, s2  }
0x2f6: {  	[tilespmem:s19], [sflag:$0x2] =	stream.indirect.gather [hbm4b:s4+s14], $0x1, s11, s14, $0xb8;
	[tilespmem:$0xFC80] =	vst v63  }
0x2f7: {  	s11 =	sadd.s32 $0x4400, s2  }
0x2f8: {  	[tilespmem:s20], [sflag:$0x2] =	stream.indirect.gather [hbm4b:s4+s14], $0x1, s11, s14, $0xb8;
	[tilespmem:$0xFC80] =	vst v63  }
0x2f9: {  	s11 =	sadd.s32 $0x4480, s2  }
0x2fa: {  	[tilespmem:s21], [sflag:$0x2] =	stream.indirect.gather [hbm4b:s4+s14], $0x1, s11, s14, $0xb8;
	[tilespmem:$0xFC80] =	vst v63  }
0x2fb: {  	s11 =	sadd.s32 $0x4500, s2  }
0x2fc: {  	[tilespmem:s22], [sflag:$0x2] =	stream.indirect.gather [hbm4b:s4+s14], $0x1, s11, s14, $0xb8;
	[tilespmem:$0xFC80] =	vst v63  }
0x2fd: {  	s11 =	sadd.s32 $0x4580, s2  }
0x2fe: {  	[tilespmem:s23], [sflag:$0x2] =	stream.indirect.gather [hbm4b:s4+s14], $0x1, s11, s14, $0xb8;
	[tilespmem:$0xFC80] =	vst v63  }
0x2ff: {  	s11 =	sadd.s32 $0x4600, s2  }
0x300: {  	[tilespmem:s24], [sflag:$0x2] =	stream.indirect.gather [hbm4b:s4+s14], $0x1, s11, s14, $0xb8;
	[tilespmem:$0xFC80] =	vst v63  }
0x301: {  	_ =	swait.ge [sflag:s7], $0x80  }
0x302: {  	[sflag:s7] =	ssyncset.done $0x0  }
0x303: {  	[sflag:s7] =	ssyncadd.s32 $0xFFFFFF80  }
0x304: {  	_ =	swait.ge [sflag:s7], $0x80  }
0x305: {  	[sflag:s7] =	ssyncset.done $0x0  }
0x306: {  	[sflag:s7] =	ssyncadd.s32 $0xFFFFFF80  }
0x307: {  	_ =	swait.ge [sflag:s7], $0x80  }
0x308: {  	[sflag:s7] =	ssyncset.done $0x0  }
0x309: {  	[sflag:s7] =	ssyncadd.s32 $0xFFFFFF80  }
0x30a: {  	_ =	swait.ge [sflag:s7], $0x80  }
0x30b: {  	[sflag:s7] =	ssyncset.done $0x0  }
0x30c: {  	[sflag:s7] =	ssyncadd.s32 $0xFFFFFF80  }
0x30d: {  	_ =	swait.ge [sflag:s7], $0x80  }
0x30e: {  	[sflag:s7] =	ssyncset.done $0x0  }
0x30f: {  	[sflag:s7] =	ssyncadd.s32 $0xFFFFFF80  }
0x310: {  	_ =	swait.ge [sflag:s7], $0x80  }
0x311: {  	[sflag:s7] =	ssyncset.done $0x0  }
0x312: {  	[sflag:s7] =	ssyncadd.s32 $0xFFFFFF80  }
0x313: {  	_ =	swait.ge [sflag:s7], $0x80  }
0x314: {  	[sflag:s7] =	ssyncset.done $0x0  }
0x315: {  	[sflag:s7] =	ssyncadd.s32 $0xFFFFFF80  }
0x316: {  	_ =	swait.ge [sflag:s7], $0x80  }
0x317: {  	[sflag:s7] =	ssyncset.done $0x0  }
0x318: {  	[sflag:s7] =	ssyncadd.s32 $0xFFFFFF80  }
0x319: {  	_ =	swait.ge [sflag:s7], $0x80  }
0x31a: {  	[sflag:s7] =	ssyncset.done $0x0  }
0x31b: {  	[sflag:s7] =	ssyncadd.s32 $0xFFFFFF80  }
0x31c: {  	_ =	swait.ge [sflag:s7], $0x80  }
0x31d: {  	[sflag:s7] =	ssyncset.done $0x0  }
0x31e: {  	[sflag:s7] =	ssyncadd.s32 $0xFFFFFF80  }
0x31f: {  	_ =	swait.ge [sflag:s7], $0x80  }
0x320: {  	[sflag:s7] =	ssyncset.done $0x0  }
0x321: {  	[sflag:s7] =	ssyncadd.s32 $0xFFFFFF80  }
0x322: {  	_ =	swait.ge [sflag:s7], $0x80  }
0x323: {  	[sflag:s7] =	ssyncset.done $0x0  }
0x324: {  	[sflag:s7] =	ssyncadd.s32 $0xFFFFFF80  }
0x325: {  	_ =	swait.ge [sflag:s7], $0x80  }
0x326: {  	[sflag:s7] =	ssyncset.done $0x0  }
0x327: {  	[sflag:s7] =	ssyncadd.s32 $0xFFFFFF80  }
0x328: {  	v0 =	vld [tilespmem:$0xF400];
	_ =	sdelay $0x1  }
0x329: {  	v1 =	vld [tilespmem:$0xF440];
	_ =	sdelay $0x1  }
0x32a: {  	v2 =	vld [tilespmem:$0xF480]  }
0x32b: {  	v0 =	vadd.f32 $0.0e+00, v0  }
0x32c: {  	v3 =	vld [tilespmem:$0xF4C0]  }
0x32d: {  	v0 =	vadd.f32 v1, v0  }
0x32e: {  	v1 =	vld [tilespmem:$0xF500]  }
0x32f: {  	v0 =	vadd.f32 v2, v0  }
0x330: {  	v2 =	vld [tilespmem:$0xF540]  }
0x331: {  	v0 =	vadd.f32 v3, v0  }
0x332: {  	v3 =	vld [tilespmem:$0xF580]  }
0x333: {  	v0 =	vadd.f32 v1, v0  }
0x334: {  	v1 =	vld [tilespmem:$0xF5C0]  }
0x335: {  	v0 =	vadd.f32 v2, v0  }
0x336: {  	v2 =	vld [tilespmem:$0xF600]  }
0x337: {  	v0 =	vadd.f32 v3, v0  }
0x338: {  	v3 =	vld [tilespmem:$0xF640]  }
0x339: {  	v0 =	vadd.f32 v1, v0  }
0x33a: {  	v1 =	vld [tilespmem:$0xF680]  }
0x33b: {  	v0 =	vadd.f32 v2, v0  }
0x33c: {  	v2 =	vld [tilespmem:$0xF6C0]  }
0x33d: {  	v0 =	vadd.f32 v3, v0  }
0x33e: {  	v3 =	vld [tilespmem:$0xF700]  }
0x33f: {  	v0 =	vadd.f32 v1, v0  }
0x340: {  	v1 =	vld [tilespmem:$0xF740]  }
0x341: {  	v0 =	vadd.f32 v2, v0  }
0x342: {  	v2 =	vld [tilespmem:$0xF780]  }
0x343: {  	v0 =	vadd.f32 v3, v0  }
0x344: {  	v3 =	vld [tilespmem:$0xF7C0]  }
0x345: {  	v0 =	vadd.f32 v1, v0  }
0x346: {  	v1 =	vld [tilespmem:$0xF800]  }
0x347: {  	v0 =	vadd.f32 v2, v0  }
0x348: {  	v2 =	vld [tilespmem:$0xF840]  }
0x349: {  	v0 =	vadd.f32 v3, v0  }
0x34a: {  	v3 =	vld [tilespmem:$0xF880]  }
0x34b: {  	v0 =	vadd.f32 v1, v0  }
0x34c: {  	v1 =	vld [tilespmem:$0xF8C0]  }
0x34d: {  	v0 =	vadd.f32 v2, v0  }
0x34e: {  	v2 =	vld [tilespmem:$0xF900]  }
0x34f: {  	v0 =	vadd.f32 v3, v0  }
0x350: {  	v3 =	vld [tilespmem:$0xF940]  }
0x351: {  	v0 =	vadd.f32 v1, v0  }
0x352: {  	v1 =	vld [tilespmem:$0xF980]  }
0x353: {  	v0 =	vadd.f32 v2, v0  }
0x354: {  	v2 =	vld [tilespmem:$0xF9C0]  }
0x355: {  	v0 =	vadd.f32 v3, v0  }
0x356: {  	v3 =	vld [tilespmem:$0xFA00]  }
0x357: {  	v0 =	vadd.f32 v1, v0  }
0x358: {  	v1 =	vld [tilespmem:$0xFA40]  }
0x359: {  	v0 =	vadd.f32 v2, v0;
	_ =	sdelay $0x1  }
0x35a: {  	v0 =	vadd.f32 v3, v0;
	_ =	sdelay $0x1  }
0x35b: {  	v0 =	vadd.f32 v1, v0  }
0x35c: {  	s8 =	sadd.s32 $0x40, s8  }
0x35d: {  	[tilespmem:s8+$0xFFFFFFE0] =	vst v0  }
0x35e: {  	v0 =	vld [tilespmem:$0xF410];
	_ =	sdelay $0x1  }
0x35f: {  	v1 =	vld [tilespmem:$0xF450];
	_ =	sdelay $0x1  }
0x360: {  	v2 =	vld [tilespmem:$0xF490]  }
0x361: {  	v0 =	vadd.f32 $0.0e+00, v0  }
0x362: {  	v3 =	vld [tilespmem:$0xF4D0]  }
0x363: {  	v0 =	vadd.f32 v1, v0  }
0x364: {  	v1 =	vld [tilespmem:$0xF510]  }
0x365: {  	v0 =	vadd.f32 v2, v0  }
0x366: {  	v2 =	vld [tilespmem:$0xF550]  }
0x367: {  	v0 =	vadd.f32 v3, v0  }
0x368: {  	v3 =	vld [tilespmem:$0xF590]  }
0x369: {  	v0 =	vadd.f32 v1, v0  }
0x36a: {  	v1 =	vld [tilespmem:$0xF5D0]  }
0x36b: {  	v0 =	vadd.f32 v2, v0  }
0x36c: {  	v2 =	vld [tilespmem:$0xF610]  }
0x36d: {  	v0 =	vadd.f32 v3, v0  }
0x36e: {  	v3 =	vld [tilespmem:$0xF650]  }
0x36f: {  	v0 =	vadd.f32 v1, v0  }
0x370: {  	v1 =	vld [tilespmem:$0xF690]  }
0x371: {  	v0 =	vadd.f32 v2, v0  }
0x372: {  	v2 =	vld [tilespmem:$0xF6D0]  }
0x373: {  	v0 =	vadd.f32 v3, v0  }
0x374: {  	v3 =	vld [tilespmem:$0xF710]  }
0x375: {  	v0 =	vadd.f32 v1, v0  }
0x376: {  	v1 =	vld [tilespmem:$0xF750]  }
0x377: {  	v0 =	vadd.f32 v2, v0  }
0x378: {  	v2 =	vld [tilespmem:$0xF790]  }
0x379: {  	v0 =	vadd.f32 v3, v0  }
0x37a: {  	v3 =	vld [tilespmem:$0xF7D0]  }
0x37b: {  	v0 =	vadd.f32 v1, v0  }
0x37c: {  	v1 =	vld [tilespmem:$0xF810]  }
0x37d: {  	v0 =	vadd.f32 v2, v0  }
0x37e: {  	v2 =	vld [tilespmem:$0xF850]  }
0x37f: {  	v0 =	vadd.f32 v3, v0  }
0x380: {  	v3 =	vld [tilespmem:$0xF890]  }
0x381: {  	v0 =	vadd.f32 v1, v0  }
0x382: {  	v1 =	vld [tilespmem:$0xF8D0]  }
0x383: {  	v0 =	vadd.f32 v2, v0  }
0x384: {  	v2 =	vld [tilespmem:$0xF910]  }
0x385: {  	v0 =	vadd.f32 v3, v0  }
0x386: {  	v3 =	vld [tilespmem:$0xF950]  }
0x387: {  	v0 =	vadd.f32 v1, v0  }
0x388: {  	v1 =	vld [tilespmem:$0xF990]  }
0x389: {  	v0 =	vadd.f32 v2, v0  }
0x38a: {  	v2 =	vld [tilespmem:$0xF9D0]  }
0x38b: {  	v0 =	vadd.f32 v3, v0  }
0x38c: {  	v3 =	vld [tilespmem:$0xFA10]  }
0x38d: {  	v0 =	vadd.f32 v1, v0  }
0x38e: {  	v1 =	vld [tilespmem:$0xFA50]  }
0x38f: {  	v0 =	vadd.f32 v2, v0;
	_ =	sdelay $0x1  }
0x390: {  	v0 =	vadd.f32 v3, v0;
	_ =	sdelay $0x1  }
0x391: {  	v0 =	vadd.f32 v1, v0;
	_ =	sdelay $0x1  }
0x392: {  	[tilespmem:s8+$0xFFFFFFF0] =	vst v0  }
0x393: {  	v0 =	vld [tilespmem:$0xF420];
	_ =	sdelay $0x1  }
0x394: {  	v1 =	vld [tilespmem:$0xF460];
	_ =	sdelay $0x1  }
0x395: {  	v2 =	vld [tilespmem:$0xF4A0]  }
0x396: {  	v0 =	vadd.f32 $0.0e+00, v0  }
0x397: {  	v3 =	vld [tilespmem:$0xF4E0]  }
0x398: {  	v0 =	vadd.f32 v1, v0  }
0x399: {  	v4 =	vld [tilespmem:$0xF520]  }
0x39a: {  	v0 =	vadd.f32 v2, v0  }
0x39b: {  	v5 =	vld [tilespmem:$0xF560]  }
0x39c: {  	v0 =	vadd.f32 v3, v0  }
0x39d: {  	v6 =	vld [tilespmem:$0xF5A0]  }
0x39e: {  	v0 =	vadd.f32 v4, v0  }
0x39f: {  	v1 =	vld [tilespmem:$0xF5E0]  }
0x3a0: {  	v0 =	vadd.f32 v5, v0  }
0x3a1: {  	v7 =	vld [tilespmem:$0xF620]  }
0x3a2: {  	v0 =	vadd.f32 v6, v0  }
0x3a3: {  	v2 =	vld [tilespmem:$0xF660]  }
0x3a4: {  	v0 =	vadd.f32 v1, v0  }
0x3a5: {  	v8 =	vld [tilespmem:$0xF6A0]  }
0x3a6: {  	v0 =	vadd.f32 v7, v0  }
0x3a7: {  	v3 =	vld [tilespmem:$0xF6E0]  }
0x3a8: {  	v0 =	vadd.f32 v2, v0  }
0x3a9: {  	v9 =	vld [tilespmem:$0xF720]  }
0x3aa: {  	v0 =	vadd.f32 v8, v0  }
0x3ab: {  	v42 =	vld [tilespmem:$0xF760]  }
0x3ac: {  	v0 =	vadd.f32 v3, v0  }
0x3ad: {  	v10 =	vld [tilespmem:$0xF7A0]  }
0x3ae: {  	v0 =	vadd.f32 v9, v0  }
0x3af: {  	v43 =	vld [tilespmem:$0xF7E0]  }
0x3b0: {  	v0 =	vadd.f32 v42, v0  }
0x3b1: {  	v11 =	vld [tilespmem:$0xF820]  }
0x3b2: {  	v0 =	vadd.f32 v10, v0  }
0x3b3: {  	v44 =	vld [tilespmem:$0xF860]  }
0x3b4: {  	v0 =	vadd.f32 v43, v0  }
0x3b5: {  	v12 =	vld [tilespmem:$0xF8A0]  }
0x3b6: {  	v0 =	vadd.f32 v11, v0  }
0x3b7: {  	v1 =	vld [tilespmem:$0xF8E0]  }
0x3b8: {  	v0 =	vadd.f32 v44, v0  }
0x3b9: {  	v13 =	vld [tilespmem:$0xF920]  }
0x3ba: {  	v0 =	vadd.f32 v12, v0  }
0x3bb: {  	v45 =	vld [tilespmem:$0xF960]  }
0x3bc: {  	v0 =	vadd.f32 v1, v0  }
0x3bd: {  	v14 =	vld [tilespmem:$0xF9A0]  }
0x3be: {  	v0 =	vadd.f32 v13, v0  }
0x3bf: {  	v2 =	vld [tilespmem:$0xF9E0]  }
0x3c0: {  	v0 =	vadd.f32 v45, v0  }
0x3c1: {  	v15 =	vld [tilespmem:$0xFA20]  }
0x3c2: {  	v0 =	vadd.f32 v14, v0  }
0x3c3: {  	v46 =	vld [tilespmem:$0xFA60]  }
0x3c4: {  	v0 =	vadd.f32 v2, v0;
	_ =	sdelay $0x1  }
0x3c5: {  	v0 =	vadd.f32 v15, v0;
	_ =	sdelay $0x1  }
0x3c6: {  	v0 =	vadd.f32 v46, v0;
	_ =	sdelay $0x1  }
0x3c7: {  	[tilespmem:s8+$0x0] =	vst v0  }
0x3c8: {  	v0 =	vld [tilespmem:$0xF430];
	_ =	sdelay $0x1  }
0x3c9: {  	v1 =	vld [tilespmem:$0xF470];
	_ =	sdelay $0x1  }
0x3ca: {  	v2 =	vld [tilespmem:$0xF4B0]  }
0x3cb: {  	v0 =	vadd.f32 $0.0e+00, v0  }
0x3cc: {  	v3 =	vld [tilespmem:$0xF4F0]  }
0x3cd: {  	v0 =	vadd.f32 v1, v0  }
0x3ce: {  	v47 =	vld [tilespmem:$0xF530]  }
0x3cf: {  	v0 =	vadd.f32 v2, v0  }
0x3d0: {  	v48 =	vld [tilespmem:$0xF570]  }
0x3d1: {  	v0 =	vadd.f32 v3, v0  }
0x3d2: {  	v49 =	vld [tilespmem:$0xF5B0]  }
0x3d3: {  	v0 =	vadd.f32 v47, v0  }
0x3d4: {  	v1 =	vld [tilespmem:$0xF5F0]  }
0x3d5: {  	v0 =	vadd.f32 v48, v0  }
0x3d6: {  	v50 =	vld [tilespmem:$0xF630]  }
0x3d7: {  	v0 =	vadd.f32 v49, v0  }
0x3d8: {  	v2 =	vld [tilespmem:$0xF670]  }
0x3d9: {  	v0 =	vadd.f32 v1, v0  }
0x3da: {  	v51 =	vld [tilespmem:$0xF6B0]  }
0x3db: {  	v0 =	vadd.f32 v50, v0  }
0x3dc: {  	v3 =	vld [tilespmem:$0xF6F0]  }
0x3dd: {  	v0 =	vadd.f32 v2, v0  }
0x3de: {  	v52 =	vld [tilespmem:$0xF730]  }
0x3df: {  	v0 =	vadd.f32 v51, v0  }
0x3e0: {  	v53 =	vld [tilespmem:$0xF770]  }
0x3e1: {  	v0 =	vadd.f32 v3, v0  }
0x3e2: {  	v54 =	vld [tilespmem:$0xF7B0]  }
0x3e3: {  	v0 =	vadd.f32 v52, v0  }
0x3e4: {  	v55 =	vld [tilespmem:$0xF7F0]  }
0x3e5: {  	v0 =	vadd.f32 v53, v0  }
0x3e6: {  	v56 =	vld [tilespmem:$0xF830]  }
0x3e7: {  	v0 =	vadd.f32 v54, v0  }
0x3e8: {  	v57 =	vld [tilespmem:$0xF870]  }
0x3e9: {  	v0 =	vadd.f32 v55, v0  }
0x3ea: {  	v58 =	vld [tilespmem:$0xF8B0]  }
0x3eb: {  	v0 =	vadd.f32 v56, v0  }
0x3ec: {  	v1 =	vld [tilespmem:$0xF8F0]  }
0x3ed: {  	v0 =	vadd.f32 v57, v0  }
0x3ee: {  	v59 =	vld [tilespmem:$0xF930]  }
0x3ef: {  	v0 =	vadd.f32 v58, v0  }
0x3f0: {  	v60 =	vld [tilespmem:$0xF970]  }
0x3f1: {  	v0 =	vadd.f32 v1, v0  }
0x3f2: {  	v61 =	vld [tilespmem:$0xF9B0]  }
0x3f3: {  	v0 =	vadd.f32 v59, v0  }
0x3f4: {  	v2 =	vld [tilespmem:$0xF9F0]  }
0x3f5: {  	v0 =	vadd.f32 v60, v0  }
0x3f6: {  	v62 =	vld [tilespmem:$0xFA30]  }
0x3f7: {  	v0 =	vadd.f32 v61, v0  }
0x3f8: {  	p0 =	sne.s32 s10, $0xB600;
	v63 =	vld [tilespmem:$0xFA70]  }
.Ltmp1:
0x3f9: {  	v0 =	vadd.f32 v2, v0;
	(pc) =	sbr.rel @p0 .LBB2_4-.Ltmp1, $4  }
0x3fa: {  	_ = 	snop  }
0x3fb: {  	v0 =	vadd.f32 v62, v0  }
0x3fc: {  	s9 =	smov.u32 s10;
	s12 =	sadd.s32 $0x1A00, s10  }
0x3fd: {  	s10 =	smov.u32 s12;
	s2 =	sshra.s32 s9, $0x2;
	s11 =	rddreg [dreg:$0x3];
	v0 =	vadd.f32 v63, v0  }
0x3fe: {  	_ = 	snop  }
0x3ff: {  	s9 =	sadd.s32 $0x4000, s2;
	[tilespmem:s8+$0x10] =	vst v0  }
0x400: {  	[tilespmem:s11], [sflag:$0x2] =	stream.indirect.gather [hbm4b:s4+s14], $0x1, s9, s14, $0xb8;
	[tilespmem:$0xFC80] =	vst v63  }
0x401: {  	s10 =	sadd.s32 $0x4080, s2  }
0x402: {  	[tilespmem:s13], [sflag:$0x2] =	stream.indirect.gather [hbm4b:s4+s14], $0x1, s10, s14, $0xb8;
	[tilespmem:$0xFC80] =	vst v63  }
0x403: {  	s11 =	sadd.s32 $0x4100, s2  }
0x404: {  	[tilespmem:s6], [sflag:$0x2] =	stream.indirect.gather [hbm4b:s4+s14], $0x1, s11, s14, $0xb8;
	[tilespmem:$0xFC80] =	vst v63  }
0x405: {  	s12 =	sadd.s32 $0x4180, s2  }
0x406: {  	[tilespmem:s15], [sflag:$0x2] =	stream.indirect.gather [hbm4b:s4+s14], $0x1, s12, s14, $0xb8;
	[tilespmem:$0xFC80] =	vst v63  }
0x407: {  	s6 =	sadd.s32 $0x4200, s2  }
0x408: {  	[tilespmem:s16], [sflag:$0x2] =	stream.indirect.gather [hbm4b:s4+s14], $0x1, s6, s14, $0xb8;
	[tilespmem:$0xFC80] =	vst v63  }
0x409: {  	s10 =	sadd.s32 $0x4280, s2  }
0x40a: {  	[tilespmem:s17], [sflag:$0x2] =	stream.indirect.gather [hbm4b:s4+s14], $0x1, s10, s14, $0xb8;
	[tilespmem:$0xFC80] =	vst v63  }
0x40b: {  	s11 =	sadd.s32 $0x4300, s2  }
0x40c: {  	[tilespmem:s18], [sflag:$0x2] =	stream.indirect.gather [hbm4b:s4+s14], $0x1, s11, s14, $0xb8;
	[tilespmem:$0xFC80] =	vst v63  }
0x40d: {  	s12 =	sadd.s32 $0x4380, s2  }
0x40e: {  	[tilespmem:s19], [sflag:$0x2] =	stream.indirect.gather [hbm4b:s4+s14], $0x1, s12, s14, $0xb8;
	[tilespmem:$0xFC80] =	vst v63  }
0x40f: {  	s15 =	sadd.s32 $0x4400, s2  }
0x410: {  	[tilespmem:s20], [sflag:$0x2] =	stream.indirect.gather [hbm4b:s4+s14], $0x1, s15, s14, $0xb8;
	[tilespmem:$0xFC80] =	vst v63  }
0x411: {  	s16 =	sadd.s32 $0x4480, s2  }
0x412: {  	[tilespmem:s21], [sflag:$0x2] =	stream.indirect.gather [hbm4b:s4+s14], $0x1, s16, s14, $0xb8;
	[tilespmem:$0xFC80] =	vst v63  }
0x413: {  	s17 =	sadd.s32 $0x4500, s2  }
0x414: {  	[tilespmem:s22], [sflag:$0x2] =	stream.indirect.gather [hbm4b:s4+s14], $0x1, s17, s14, $0xb8;
	[tilespmem:$0xFC80] =	vst v63  }
0x415: {  	s18 =	sadd.s32 $0x4580, s2  }
0x416: {  	[tilespmem:s23], [sflag:$0x2] =	stream.indirect.gather [hbm4b:s4+s14], $0x1, s18, s14, $0xb8;
	[tilespmem:$0xFC80] =	vst v63  }
0x417: {  	s19 =	sadd.s32 $0x4600, s2  }
0x418: {  	[tilespmem:s24], [sflag:$0x2] =	stream.indirect.gather [hbm4b:s4+s14], $0x1, s19, s14, $0xb8;
	[tilespmem:$0xFC80] =	vst v63  }
0x419: {  	_ =	swait.ge [sflag:s7], $0x80  }
0x41a: {  	[sflag:s7] =	ssyncset.done $0x0  }
0x41b: {  	[sflag:s7] =	ssyncadd.s32 $0xFFFFFF80  }
0x41c: {  	_ =	swait.ge [sflag:s7], $0x80  }
0x41d: {  	[sflag:s7] =	ssyncset.done $0x0  }
0x41e: {  	[sflag:s7] =	ssyncadd.s32 $0xFFFFFF80  }
0x41f: {  	_ =	swait.ge [sflag:s7], $0x80  }
0x420: {  	[sflag:s7] =	ssyncset.done $0x0  }
0x421: {  	[sflag:s7] =	ssyncadd.s32 $0xFFFFFF80  }
0x422: {  	_ =	swait.ge [sflag:s7], $0x80  }
0x423: {  	[sflag:s7] =	ssyncset.done $0x0  }
0x424: {  	[sflag:s7] =	ssyncadd.s32 $0xFFFFFF80  }
0x425: {  	_ =	swait.ge [sflag:s7], $0x80  }
0x426: {  	[sflag:s7] =	ssyncset.done $0x0  }
0x427: {  	[sflag:s7] =	ssyncadd.s32 $0xFFFFFF80  }
0x428: {  	_ =	swait.ge [sflag:s7], $0x80  }
0x429: {  	[sflag:s7] =	ssyncset.done $0x0  }
0x42a: {  	[sflag:s7] =	ssyncadd.s32 $0xFFFFFF80  }
0x42b: {  	_ =	swait.ge [sflag:s7], $0x80  }
0x42c: {  	[sflag:s7] =	ssyncset.done $0x0  }
0x42d: {  	[sflag:s7] =	ssyncadd.s32 $0xFFFFFF80  }
0x42e: {  	_ =	swait.ge [sflag:s7], $0x80  }
0x42f: {  	[sflag:s7] =	ssyncset.done $0x0  }
0x430: {  	[sflag:s7] =	ssyncadd.s32 $0xFFFFFF80  }
0x431: {  	_ =	swait.ge [sflag:s7], $0x80  }
0x432: {  	[sflag:s7] =	ssyncset.done $0x0  }
0x433: {  	[sflag:s7] =	ssyncadd.s32 $0xFFFFFF80  }
0x434: {  	_ =	swait.ge [sflag:s7], $0x80  }
0x435: {  	[sflag:s7] =	ssyncset.done $0x0  }
0x436: {  	[sflag:s7] =	ssyncadd.s32 $0xFFFFFF80  }
0x437: {  	_ =	swait.ge [sflag:s7], $0x80  }
0x438: {  	[sflag:s7] =	ssyncset.done $0x0  }
0x439: {  	[sflag:s7] =	ssyncadd.s32 $0xFFFFFF80  }
0x43a: {  	_ =	swait.ge [sflag:s7], $0x80  }
0x43b: {  	[sflag:s7] =	ssyncset.done $0x0  }
0x43c: {  	[sflag:s7] =	ssyncadd.s32 $0xFFFFFF80  }
0x43d: {  	_ =	swait.ge [sflag:s7], $0x80  }
0x43e: {  	[sflag:s7] =	ssyncset.done $0x0  }
0x43f: {  	[sflag:s7] =	ssyncadd.s32 $0xFFFFFF80  }
0x440: {  	v24 =	vld [tilespmem:$0xF400];
	_ =	sdelay $0x1  }
0x441: {  	v1 =	vld [tilespmem:$0xF440];
	_ =	sdelay $0x1  }
0x442: {  	v2 =	vld [tilespmem:$0xF480]  }
0x443: {  	v0 =	vadd.f32 $0.0e+00, v24  }
0x444: {  	v3 =	vld [tilespmem:$0xF4C0]  }
0x445: {  	v0 =	vadd.f32 v1, v0  }
0x446: {  	v25 =	vld [tilespmem:$0xF500]  }
0x447: {  	v0 =	vadd.f32 v2, v0  }
0x448: {  	v26 =	vld [tilespmem:$0xF540]  }
0x449: {  	v0 =	vadd.f32 v3, v0  }
0x44a: {  	v27 =	vld [tilespmem:$0xF580]  }
0x44b: {  	v0 =	vadd.f32 v25, v0  }
0x44c: {  	v28 =	vld [tilespmem:$0xF5C0]  }
0x44d: {  	v0 =	vadd.f32 v26, v0  }
0x44e: {  	v29 =	vld [tilespmem:$0xF600]  }
0x44f: {  	v0 =	vadd.f32 v27, v0  }
0x450: {  	v30 =	vld [tilespmem:$0xF640]  }
0x451: {  	v0 =	vadd.f32 v28, v0  }
0x452: {  	v31 =	vld [tilespmem:$0xF680]  }
0x453: {  	v0 =	vadd.f32 v29, v0  }
0x454: {  	v32 =	vld [tilespmem:$0xF6C0]  }
0x455: {  	v0 =	vadd.f32 v30, v0  }
0x456: {  	v33 =	vld [tilespmem:$0xF700]  }
0x457: {  	v0 =	vadd.f32 v31, v0  }
0x458: {  	v34 =	vld [tilespmem:$0xF740]  }
0x459: {  	v0 =	vadd.f32 v32, v0  }
0x45a: {  	v35 =	vld [tilespmem:$0xF780]  }
0x45b: {  	v0 =	vadd.f32 v33, v0  }
0x45c: {  	v36 =	vld [tilespmem:$0xF7C0]  }
0x45d: {  	v0 =	vadd.f32 v34, v0  }
0x45e: {  	v37 =	vld [tilespmem:$0xF800]  }
0x45f: {  	v0 =	vadd.f32 v35, v0  }
0x460: {  	v38 =	vld [tilespmem:$0xF840]  }
0x461: {  	v0 =	vadd.f32 v36, v0  }
0x462: {  	v39 =	vld [tilespmem:$0xF880]  }
0x463: {  	v0 =	vadd.f32 v37, v0  }
0x464: {  	v40 =	vld [tilespmem:$0xF8C0]  }
0x465: {  	v0 =	vadd.f32 v38, v0  }
0x466: {  	v41 =	vld [tilespmem:$0xF900]  }
0x467: {  	v0 =	vadd.f32 v39, v0  }
0x468: {  	v42 =	vld [tilespmem:$0xF940]  }
0x469: {  	v0 =	vadd.f32 v40, v0  }
0x46a: {  	v43 =	vld [tilespmem:$0xF980]  }
0x46b: {  	v0 =	vadd.f32 v41, v0  }
0x46c: {  	v44 =	vld [tilespmem:$0xF9C0]  }
0x46d: {  	v0 =	vadd.f32 v42, v0  }
0x46e: {  	v45 =	vld [tilespmem:$0xFA00]  }
0x46f: {  	v0 =	vadd.f32 v43, v0  }
0x470: {  	v46 =	vld [tilespmem:$0xFA40]  }
0x471: {  	v0 =	vadd.f32 v44, v0;
	_ =	sdelay $0x1  }
0x472: {  	v0 =	vadd.f32 v45, v0;
	_ =	sdelay $0x1  }
0x473: {  	v0 =	vadd.f32 v46, v0  }
0x474: {  	s20 =	sadd.s32 $0x40, s8  }
0x475: {  	[tilespmem:s20+$0xFFFFFFE0] =	vst v0  }
0x476: {  	v0 =	vld [tilespmem:$0xF410];
	_ =	sdelay $0x1  }
0x477: {  	v47 =	vld [tilespmem:$0xF450];
	_ =	sdelay $0x1  }
0x478: {  	v48 =	vld [tilespmem:$0xF490]  }
0x479: {  	v0 =	vadd.f32 $0.0e+00, v0  }
0x47a: {  	v49 =	vld [tilespmem:$0xF4D0]  }
0x47b: {  	v0 =	vadd.f32 v47, v0  }
0x47c: {  	v50 =	vld [tilespmem:$0xF510]  }
0x47d: {  	v0 =	vadd.f32 v48, v0  }
0x47e: {  	v51 =	vld [tilespmem:$0xF550]  }
0x47f: {  	v0 =	vadd.f32 v49, v0  }
0x480: {  	v52 =	vld [tilespmem:$0xF590]  }
0x481: {  	v0 =	vadd.f32 v50, v0  }
0x482: {  	v53 =	vld [tilespmem:$0xF5D0]  }
0x483: {  	v0 =	vadd.f32 v51, v0  }
0x484: {  	v54 =	vld [tilespmem:$0xF610]  }
0x485: {  	v0 =	vadd.f32 v52, v0  }
0x486: {  	v55 =	vld [tilespmem:$0xF650]  }
0x487: {  	v0 =	vadd.f32 v53, v0  }
0x488: {  	v56 =	vld [tilespmem:$0xF690]  }
0x489: {  	v0 =	vadd.f32 v54, v0  }
0x48a: {  	v57 =	vld [tilespmem:$0xF6D0]  }
0x48b: {  	v0 =	vadd.f32 v55, v0  }
0x48c: {  	v58 =	vld [tilespmem:$0xF710]  }
0x48d: {  	v0 =	vadd.f32 v56, v0  }
0x48e: {  	v59 =	vld [tilespmem:$0xF750]  }
0x48f: {  	v0 =	vadd.f32 v57, v0  }
0x490: {  	v60 =	vld [tilespmem:$0xF790]  }
0x491: {  	v0 =	vadd.f32 v58, v0  }
0x492: {  	v61 =	vld [tilespmem:$0xF7D0]  }
0x493: {  	v0 =	vadd.f32 v59, v0  }
0x494: {  	v62 =	vld [tilespmem:$0xF810]  }
0x495: {  	v0 =	vadd.f32 v60, v0  }
0x496: {  	v63 =	vld [tilespmem:$0xF850]  }
0x497: {  	v0 =	vadd.f32 v61, v0  }
0x498: {  	v6 =	vld [tilespmem:$0xF890]  }
0x499: {  	v0 =	vadd.f32 v62, v0  }
0x49a: {  	v7 =	vld [tilespmem:$0xF8D0]  }
0x49b: {  	v0 =	vadd.f32 v63, v0  }
0x49c: {  	v8 =	vld [tilespmem:$0xF910]  }
0x49d: {  	v0 =	vadd.f32 v6, v0  }
0x49e: {  	v9 =	vld [tilespmem:$0xF950]  }
0x49f: {  	v0 =	vadd.f32 v7, v0  }
0x4a0: {  	v10 =	vld [tilespmem:$0xF990]  }
0x4a1: {  	v0 =	vadd.f32 v8, v0  }
0x4a2: {  	v11 =	vld [tilespmem:$0xF9D0]  }
0x4a3: {  	v0 =	vadd.f32 v9, v0  }
0x4a4: {  	v12 =	vld [tilespmem:$0xFA10]  }
0x4a5: {  	v0 =	vadd.f32 v10, v0  }
0x4a6: {  	v13 =	vld [tilespmem:$0xFA50]  }
0x4a7: {  	v0 =	vadd.f32 v11, v0;
	_ =	sdelay $0x1  }
0x4a8: {  	v0 =	vadd.f32 v12, v0;
	_ =	sdelay $0x1  }
0x4a9: {  	v0 =	vadd.f32 v13, v0;
	_ =	sdelay $0x1  }
0x4aa: {  	[tilespmem:s20+$0xFFFFFFF0] =	vst v0  }
0x4ab: {  	v0 =	vld [tilespmem:$0xF420];
	_ =	sdelay $0x1  }
0x4ac: {  	v14 =	vld [tilespmem:$0xF460];
	_ =	sdelay $0x1  }
0x4ad: {  	v15 =	vld [tilespmem:$0xF4A0]  }
0x4ae: {  	v0 =	vadd.f32 $0.0e+00, v0  }
0x4af: {  	v16 =	vld [tilespmem:$0xF4E0]  }
0x4b0: {  	v0 =	vadd.f32 v14, v0  }
0x4b1: {  	v17 =	vld [tilespmem:$0xF520]  }
0x4b2: {  	v0 =	vadd.f32 v15, v0  }
0x4b3: {  	v18 =	vld [tilespmem:$0xF560]  }
0x4b4: {  	v0 =	vadd.f32 v16, v0  }
0x4b5: {  	v19 =	vld [tilespmem:$0xF5A0]  }
0x4b6: {  	v0 =	vadd.f32 v17, v0  }
0x4b7: {  	v20 =	vld [tilespmem:$0xF5E0]  }
0x4b8: {  	v0 =	vadd.f32 v18, v0  }
0x4b9: {  	v21 =	vld [tilespmem:$0xF620]  }
0x4ba: {  	v0 =	vadd.f32 v19, v0  }
0x4bb: {  	v22 =	vld [tilespmem:$0xF660]  }
0x4bc: {  	v0 =	vadd.f32 v20, v0  }
0x4bd: {  	v23 =	vld [tilespmem:$0xF6A0]  }
0x4be: {  	v0 =	vadd.f32 v21, v0  }
0x4bf: {  	v24 =	vld [tilespmem:$0xF6E0]  }
0x4c0: {  	v0 =	vadd.f32 v22, v0  }
0x4c1: {  	v25 =	vld [tilespmem:$0xF720]  }
0x4c2: {  	v0 =	vadd.f32 v23, v0  }
0x4c3: {  	v26 =	vld [tilespmem:$0xF760]  }
0x4c4: {  	v0 =	vadd.f32 v24, v0  }
0x4c5: {  	v27 =	vld [tilespmem:$0xF7A0]  }
0x4c6: {  	v0 =	vadd.f32 v25, v0  }
0x4c7: {  	v28 =	vld [tilespmem:$0xF7E0]  }
0x4c8: {  	v0 =	vadd.f32 v26, v0  }
0x4c9: {  	v29 =	vld [tilespmem:$0xF820]  }
0x4ca: {  	v0 =	vadd.f32 v27, v0  }
0x4cb: {  	v30 =	vld [tilespmem:$0xF860]  }
0x4cc: {  	v0 =	vadd.f32 v28, v0  }
0x4cd: {  	v31 =	vld [tilespmem:$0xF8A0]  }
0x4ce: {  	v0 =	vadd.f32 v29, v0  }
0x4cf: {  	v32 =	vld [tilespmem:$0xF8E0]  }
0x4d0: {  	v0 =	vadd.f32 v30, v0  }
0x4d1: {  	v33 =	vld [tilespmem:$0xF920]  }
0x4d2: {  	v0 =	vadd.f32 v31, v0  }
0x4d3: {  	v34 =	vld [tilespmem:$0xF960]  }
0x4d4: {  	v0 =	vadd.f32 v32, v0  }
0x4d5: {  	v35 =	vld [tilespmem:$0xF9A0]  }
0x4d6: {  	v0 =	vadd.f32 v33, v0  }
0x4d7: {  	v36 =	vld [tilespmem:$0xF9E0]  }
0x4d8: {  	v0 =	vadd.f32 v34, v0  }
0x4d9: {  	v37 =	vld [tilespmem:$0xFA20]  }
0x4da: {  	v0 =	vadd.f32 v35, v0  }
0x4db: {  	v38 =	vld [tilespmem:$0xFA60]  }
0x4dc: {  	v0 =	vadd.f32 v36, v0;
	_ =	sdelay $0x1  }
0x4dd: {  	v0 =	vadd.f32 v37, v0;
	_ =	sdelay $0x1  }
0x4de: {  	v0 =	vadd.f32 v38, v0;
	_ =	sdelay $0x1  }
0x4df: {  	[tilespmem:s20+$0x0] =	vst v0  }
0x4e0: {  	v0 =	vld [tilespmem:$0xF430];
	_ =	sdelay $0x1  }
0x4e1: {  	v39 =	vld [tilespmem:$0xF470];
	_ =	sdelay $0x1  }
0x4e2: {  	v40 =	vld [tilespmem:$0xF4B0]  }
0x4e3: {  	v0 =	vadd.f32 $0.0e+00, v0  }
0x4e4: {  	v41 =	vld [tilespmem:$0xF4F0]  }
0x4e5: {  	v0 =	vadd.f32 v39, v0  }
0x4e6: {  	v42 =	vld [tilespmem:$0xF530]  }
0x4e7: {  	v0 =	vadd.f32 v40, v0  }
0x4e8: {  	v43 =	vld [tilespmem:$0xF570]  }
0x4e9: {  	v0 =	vadd.f32 v41, v0  }
0x4ea: {  	v44 =	vld [tilespmem:$0xF5B0]  }
0x4eb: {  	v0 =	vadd.f32 v42, v0  }
0x4ec: {  	v45 =	vld [tilespmem:$0xF5F0]  }
0x4ed: {  	v0 =	vadd.f32 v43, v0  }
0x4ee: {  	v46 =	vld [tilespmem:$0xF630]  }
0x4ef: {  	v0 =	vadd.f32 v44, v0  }
0x4f0: {  	v47 =	vld [tilespmem:$0xF670]  }
0x4f1: {  	v0 =	vadd.f32 v45, v0  }
0x4f2: {  	v48 =	vld [tilespmem:$0xF6B0]  }
0x4f3: {  	v0 =	vadd.f32 v46, v0  }
0x4f4: {  	v49 =	vld [tilespmem:$0xF6F0]  }
0x4f5: {  	v0 =	vadd.f32 v47, v0  }
0x4f6: {  	v50 =	vld [tilespmem:$0xF730]  }
0x4f7: {  	v0 =	vadd.f32 v48, v0  }
0x4f8: {  	v51 =	vld [tilespmem:$0xF770]  }
0x4f9: {  	v0 =	vadd.f32 v49, v0  }
0x4fa: {  	v52 =	vld [tilespmem:$0xF7B0]  }
0x4fb: {  	v0 =	vadd.f32 v50, v0  }
0x4fc: {  	v53 =	vld [tilespmem:$0xF7F0]  }
0x4fd: {  	v0 =	vadd.f32 v51, v0  }
0x4fe: {  	v54 =	vld [tilespmem:$0xF830]  }
0x4ff: {  	v0 =	vadd.f32 v52, v0  }
0x500: {  	v55 =	vld [tilespmem:$0xF870]  }
0x501: {  	v0 =	vadd.f32 v53, v0  }
0x502: {  	v56 =	vld [tilespmem:$0xF8B0]  }
0x503: {  	v0 =	vadd.f32 v54, v0  }
0x504: {  	v57 =	vld [tilespmem:$0xF8F0]  }
0x505: {  	v0 =	vadd.f32 v55, v0  }
0x506: {  	v58 =	vld [tilespmem:$0xF930]  }
0x507: {  	v0 =	vadd.f32 v56, v0  }
0x508: {  	v59 =	vld [tilespmem:$0xF970]  }
0x509: {  	v0 =	vadd.f32 v57, v0  }
0x50a: {  	v60 =	vld [tilespmem:$0xF9B0]  }
0x50b: {  	v0 =	vadd.f32 v58, v0  }
0x50c: {  	v61 =	vld [tilespmem:$0xF9F0]  }
0x50d: {  	v0 =	vadd.f32 v59, v0  }
0x50e: {  	v62 =	vld [tilespmem:$0xFA30]  }
0x50f: {  	v0 =	vadd.f32 v60, v0  }
0x510: {  	v63 =	vld [tilespmem:$0xFA70]  }
0x511: {  	v0 =	vadd.f32 v61, v0;
	_ =	sdelay $0x1  }
0x512: {  	v0 =	vadd.f32 v62, v0;
	_ =	sdelay $0x1  }
0x513: {  	v0 =	vadd.f32 v63, v0  }
0x514: {  	s10 =	simm.s32 $0x0  }
0x515: {  	s8 =	simm.s32 $0x4;
	s22 =	simm.s32 $0xFA80;
	s21 =	rddreg [dreg:$0x7];
	[tilespmem:s20+$0x10] =	vst v0  }
0x516: {  	[hbm4b:s21+s10] =	stream.linear.scatter [tilespmem:s22], [sflag:$0x4], $0x200, $0x38;
	[tilespmem:$0xFC80] =	vst v63  }
0x517: {  	_ =	swait.ge [sflag:s8], $0x200  }
0x518: {  	s23 =	rddreg [dreg:$0x9]  }
0x519: {  	s24 =	rddreg [dreg:$0x8];
	s9 =	sadd.s32 $0x1, s23  }
0x51a: {  	s6 =	simm.s32 $0xF580;
	p0 =	sne.s32 s9, s24  }
.Ltmp2:
0x51b: {  	s11 =	simm.s32 $0xF500;
	s12 =	simm.s32 $0x7400;
	(pc) =	sbr.rel @p0 .LBB2_1-.Ltmp2, $4  }
0x51c: {  	s15 =	simm.s32 $0xF600;
	s16 =	simm.s32 $0x7C00;
	s17 =	simm.s32 $0x8400  }
0x51d: {  	s18 =	simm.s32 $0x8C00;
	s19 =	simm.s32 $0x9400;
	s20 =	simm.s32 $0x9C00  }
0x51e: {  	s21 =	simm.s32 $0xA400;
	s22 =	simm.s32 $0xAC00;
	[sflag:s8] =	ssyncset.done $0x0  }
0x51f: {  	[sflag:s8] =	ssyncadd.s32 $0xFFFFFE00;
	s23 =	simm.s32 $0xB400;
	s24 =	simm.s32 $0xBC00  }
0x520: {  	_ =	sfence.sel $0x180000  }
0x521: {  	[bflag:$0x0] =	sbarrier.arrive $0xFFFF  }
0x522: {  	_ =	strace $0x90000047  }
0x523: {  	s0 =	stileid.u32;
	[bflag:$0x2] =	sbarrier.arrive $0xFFFF  }
0x524: {  	p0 =	sne.s32 s0, $0x0;
	s0 =	rddreg [dreg:$0x2]  }
0x525: {  	s0 =	sadd.s32 @!p0 $0x100000, s0  }
0x526: {  	[sflag:s0] =	ssyncadd.tile.s32 @!p0 $0x1;
	_ =	shalt  }
.Lfunc_end2:
_tile_overlayer_lowered:
.L_overlay_start_2:
0x527: {  	(tag) =	ssettag $0x2  }
0x528: {  	s0 =	rddreg [dreg:$0x0];
	s2 =	stileid.u32  }
0x529: {  	s1 =	rddreg [dreg:$0x1];
	p0 =	sne.s32 s2, $0x0  }
0x52a: {  	s3 =	rddreg [dreg:$0x2];
	[bflag:$0x3] =	sbarrier.arrive $0xFFFF;
	s2 =	simm.s32 @!p0 $0x1C04  }
0x52b: {  	[timem:s3], [sflag:s2] =	dma.local @!p0 [hbm:s0], s1  }
0x52c: {  	s0 =	simm.s32 @!p0 $0x4  }
0x52d: {  	_ =	swait.ge @!p0 [sflag:s0], s1  }
0x52e: {  	s1 =	ssub.s32 @!p0 $0x0, s1;
	[sflag:s0] =	ssyncset.done @!p0 $0x0  }
0x52f: {  	[sflag:s0] =	ssyncadd.s32 @!p0 s1  }
0x530: {  	[bflag:$0x3] =	sbarrier.arrive $0xFFFF  }
0x531: {  	_ =	shalt  }

</sc_bundles>
